<compile_context>
chip_gen: v7x
topology: tpu7x:2x2x1
jax: 0.10.2.dev20260603
libtpu: 0.0.44.dev20260713+nightly
codegen_flags: <defaults>
</compile_context>

<pallas_src>
import functools

import jax
import jax.numpy as jnp
from jax import lax
from jax.experimental import pallas as pl
from jax.experimental.pallas import tpu as pltpu
from jax.experimental.pallas import tpu_sc as plsc

N = 10000
E = 160000
F = 128
H = 8
NC = 2
NS = 16
NW = NC * NS
EPW = E // NW
NP = 10240
SUB = NP // NS


def _silu(x):
    return x * jax.nn.sigmoid(x)



def _round16(x):
    u = jax.lax.bitcast_convert_type(x, jnp.uint32)
    return (u + 0x7FFF + ((u >> 16) & 1)) >> 16


def _node_body(s_ref, t_ref, wq, bq, wk, bk, wg1, bg1, wg2, bg2,
               wv1, bv1, wv2, bv2, q_ref, k_ref, xt_ref):
    s = s_ref[...]
    dot = functools.partial(jnp.dot, preferred_element_type=jnp.float32)
    q_ref[...] = dot(s, wq[...]) + bq[...]
    k_ref[...] = dot(s, wk[...]) + bk[...]
    x = dot(_silu(dot(s, wg1[...]) + bg1[...]), wg2[...]) + bg2[...]
    v = dot(_silu(dot(s, wv1[...]) + bv1[...]), wv2[...]) + bv2[...]
    xt_ref[...] = (_round16(t_ref[...]) << 16) | _round16(x * v)


def _tcol(row, ones11):
    return jax.lax.dot_general(row, ones11, (((0,), (0,)), ((), ())),
                               preferred_element_type=jnp.float32)


def _ra_body(r_ref, wra, bra, ra_ref):
    dot = functools.partial(jnp.dot, preferred_element_type=jnp.float32)
    ra_ref[...] = _silu(dot(r_ref[...], wra[...]) + bra[...])


def _ex_body(qd_ref, ks_ref, ra_ref, d_ref, ne_ref, hsum, exp16,
             ones11, id8, ex_ref, exw_ref):
    dot = functools.partial(jnp.dot, preferred_element_type=jnp.float32)
    logits = dot(qd_ref[...] * ks_ref[...] * ra_ref[...], hsum[...])
    elog = jnp.exp(logits)
    ex_ref[...] = dot(elog, exp16[...])
    d = d_ref[0]
    cut = 0.5 * (jnp.cos(d * (jnp.pi / 5.0)) + 1.0) * (d < 5.0).astype(d.dtype)
    w = cut * jnp.sqrt(jnp.maximum(ne_ref[0], 1.0))
    exw8 = elog * _tcol(w, ones11[...])
    dg_ = functools.partial(jax.lax.dot_general,
                            preferred_element_type=jnp.float32)
    exw_ref[0] = dg_(id8[...], exw8[:800], (((1,), (1,)), ((), ())))
    exw_ref[1] = dg_(id8[...], exw8[800:], (((1,), (1,)), ((), ())))


def _densum_body(p_ref, den_ref):
    den_ref[...] = p_ref[0] + p_ref[1]


def _msg_body(xts_ref, r_ref, exw_ref, dend_ref, dir0_ref, dir1_ref,
              dir2_ref, wre, bre, expand, sel8, ones11, id8, msg_ref):
    dot = functools.partial(jnp.dot, preferred_element_type=jnp.float32)
    rf = dot(r_ref[...], wre[...]) + bre[...]
    ewT = jax.lax.dot_general(exw_ref[0], id8[...], (((0,), (0,)), ((), ())),
                              preferred_element_type=jnp.float32)
    rd8 = dot(1.0 / (dend_ref[...] + 1e-16), sel8[...])
    attn8 = ewT * rd8
    packed = xts_ref[...]
    xvs = jax.lax.bitcast_convert_type(packed << 16, jnp.float32)
    ts = jax.lax.bitcast_convert_type(packed & jnp.uint32(0xFFFF0000),
                                      jnp.float32)
    p = xvs * rf * dot(attn8, expand[...])
    p_d = p[:, F:2 * F]
    p_t = p[:, 2 * F:]
    parts = [p[:, :F]]
    for dl_ref in (dir0_ref, dir1_ref, dir2_ref):
        dcol = _tcol(dl_ref[0], ones11[...])
        parts.append(p_d * dcol + p_t * ts[:, (len(parts) - 1) * F:len(parts) * F])
    msg_ref[...] = jnp.concatenate(parts, axis=-1)


def _final_body(s_ref, t_ref, a_ref, b_ref, os_ref, ot_ref):
    os_ref[...] = s_ref[...] + (a_ref[0] + b_ref[0])
    ot_ref[...] = t_ref[...] + jnp.concatenate(
        [a_ref[1] + b_ref[1], a_ref[2] + b_ref[2], a_ref[3] + b_ref[3]],
        axis=-1)



_MESH = plsc.VectorSubcoreMesh(core_axis_name="c", subcore_axis_name="s",
                               num_cores=NC, num_subcores=NS)


def _wid():
    return lax.axis_index("s") * NC + lax.axis_index("c")


def _qk_gather_body(q_hbm, k_hbm, dst_hbm, src_hbm, qd_hbm, ks_hbm,
                    idxd0, idxs0, idxd1, idxs1, qb0, kb0, qb1, kb1,
                    g0, g1, g2, g3, st0, st1, st2, st3):
    base = _wid() * EPW
    C = 200
    npair = EPW // C // 2

    @pl.loop(0, npair)
    def _(i):
        off0 = pl.multiple_of(base + (2 * i) * C, 8)
        off1 = pl.multiple_of(base + (2 * i + 1) * C, 8)
        pltpu.sync_copy(dst_hbm.at[pl.ds(off0, C)], idxd0)
        pltpu.sync_copy(src_hbm.at[pl.ds(off0, C)], idxs0)
        pltpu.sync_copy(dst_hbm.at[pl.ds(off1, C)], idxd1)
        pltpu.sync_copy(src_hbm.at[pl.ds(off1, C)], idxs1)
        cq0 = pltpu.async_copy(q_hbm.at[idxd0], qb0, g0)
        ck0 = pltpu.async_copy(k_hbm.at[idxs0], kb0, g1)
        cq1 = pltpu.async_copy(q_hbm.at[idxd1], qb1, g2)
        ck1 = pltpu.async_copy(k_hbm.at[idxs1], kb1, g3)
        cq0.wait()
        s0 = pltpu.async_copy(qb0, qd_hbm.at[pl.ds(off0, C)], st0)
        ck0.wait()
        s1 = pltpu.async_copy(kb0, ks_hbm.at[pl.ds(off0, C)], st1)
        cq1.wait()
        s2 = pltpu.async_copy(qb1, qd_hbm.at[pl.ds(off1, C)], st2)
        ck1.wait()
        s3 = pltpu.async_copy(kb1, ks_hbm.at[pl.ds(off1, C)], st3)
        s0.wait()
        s1.wait()
        s2.wait()
        s3.wait()

    offt = pl.multiple_of(base + 2 * npair * C, 8)
    pltpu.sync_copy(dst_hbm.at[pl.ds(offt, C)], idxd0)
    pltpu.sync_copy(src_hbm.at[pl.ds(offt, C)], idxs0)
    cq = pltpu.async_copy(q_hbm.at[idxd0], qb0, g0)
    ck = pltpu.async_copy(k_hbm.at[idxs0], kb0, g1)
    cq.wait()
    ck.wait()
    pltpu.sync_copy(qb0, qd_hbm.at[pl.ds(offt, C)])
    pltpu.sync_copy(kb0, ks_hbm.at[pl.ds(offt, C)])


def _xt_gather_body(xt_hbm, src_hbm, xts_hbm,
                    idx0, idx1, idx2, idx3, b0, b1, b2_, b3,
                    g0, g1, g2, g3, st0, st1, st2, st3):
    base = _wid() * EPW
    C = 40
    ngrp = EPW // C // 4

    @pl.loop(0, ngrp)
    def _(i):
        off0 = pl.multiple_of(base + (4 * i) * C, 8)
        off1 = pl.multiple_of(base + (4 * i + 1) * C, 8)
        off2 = pl.multiple_of(base + (4 * i + 2) * C, 8)
        off3 = pl.multiple_of(base + (4 * i + 3) * C, 8)
        pltpu.sync_copy(src_hbm.at[pl.ds(off0, C)], idx0)
        pltpu.sync_copy(src_hbm.at[pl.ds(off1, C)], idx1)
        pltpu.sync_copy(src_hbm.at[pl.ds(off2, C)], idx2)
        pltpu.sync_copy(src_hbm.at[pl.ds(off3, C)], idx3)
        c0 = pltpu.async_copy(xt_hbm.at[idx0], b0, g0)
        c1 = pltpu.async_copy(xt_hbm.at[idx1], b1, g1)
        c2 = pltpu.async_copy(xt_hbm.at[idx2], b2_, g2)
        c3 = pltpu.async_copy(xt_hbm.at[idx3], b3, g3)
        c0.wait()
        s0 = pltpu.async_copy(b0, xts_hbm.at[pl.ds(off0, C)], st0)
        c1.wait()
        s1 = pltpu.async_copy(b1, xts_hbm.at[pl.ds(off1, C)], st1)
        c2.wait()
        s2 = pltpu.async_copy(b2_, xts_hbm.at[pl.ds(off2, C)], st2)
        c3.wait()
        s3 = pltpu.async_copy(b3, xts_hbm.at[pl.ds(off3, C)], st3)
        s0.wait()
        s1.wait()
        s2.wait()
        s3.wait()

    offt = pl.multiple_of(base + 4 * ngrp * C, 8)
    pltpu.sync_copy(src_hbm.at[pl.ds(offt, C)], idx0)
    pltpu.sync_copy(xt_hbm.at[idx0], b0)
    pltpu.sync_copy(b0, xts_hbm.at[pl.ds(offt, C)])


def _den_scatter_body(ex_hbm, dst_hbm, z_hbm, den_hbm, idx0, upd0, den_sh):
    c = lax.axis_index("c")
    s = lax.axis_index("s")
    r0 = s * SUB
    pltpu.sync_copy(z_hbm.at[pl.ds(r0, SUB)], den_sh.at[pl.ds(r0, SUB)])
    plsc.subcore_barrier()
    base = _wid() * EPW
    C = 200

    @pl.loop(0, EPW // C)
    def _(i):
        off = pl.multiple_of(base + i * C, 8)
        pltpu.sync_copy(dst_hbm.at[pl.ds(off, C)], idx0)
        pltpu.sync_copy(ex_hbm.at[pl.ds(off, C)], upd0)
        pltpu.sync_copy(upd0, den_sh.at[idx0], add=True)

    plsc.subcore_barrier()
    pltpu.sync_copy(den_sh.at[pl.ds(r0, SUB)], den_hbm.at[c, pl.ds(r0, SUB)])


def _den_gather_body(den_hbm, dst_hbm, dend_hbm, idx0, idx1, b0, b1,
                     g0, g1, st0, st1):
    base = _wid() * EPW
    C = 200
    npair = EPW // C // 2

    @pl.loop(0, npair)
    def _(i):
        off0 = pl.multiple_of(base + (2 * i) * C, 8)
        off1 = pl.multiple_of(base + (2 * i + 1) * C, 8)
        pltpu.sync_copy(dst_hbm.at[pl.ds(off0, C)], idx0)
        pltpu.sync_copy(dst_hbm.at[pl.ds(off1, C)], idx1)
        c0 = pltpu.async_copy(den_hbm.at[idx0], b0, g0)
        c1 = pltpu.async_copy(den_hbm.at[idx1], b1, g1)
        c0.wait()
        s0 = pltpu.async_copy(b0, dend_hbm.at[pl.ds(off0, C)], st0)
        c1.wait()
        s1 = pltpu.async_copy(b1, dend_hbm.at[pl.ds(off1, C)], st1)
        s0.wait()
        s1.wait()

    offt = pl.multiple_of(base + 2 * npair * C, 8)
    pltpu.sync_copy(dst_hbm.at[pl.ds(offt, C)], idx0)
    pltpu.sync_copy(den_hbm.at[idx0], b0)
    pltpu.sync_copy(b0, dend_hbm.at[pl.ds(offt, C)])


def _msg_scatter_body(msg_hbm, dst_hbm, z_hbm, acc_hbm, idx0, upd0, acc_sh):
    c = lax.axis_index("c")
    s = lax.axis_index("s")
    r0 = s * SUB
    eph = E // 2 // NS
    C = 200
    for j in range(2):
        cc = c * 2 + j
        pltpu.sync_copy(z_hbm.at[pl.ds(r0, SUB)], acc_sh.at[pl.ds(r0, SUB)])
        plsc.subcore_barrier()

        @pl.loop(0, eph // C)
        def _(i):
            off = pl.multiple_of(s * eph + i * C, 8)
            pltpu.sync_copy(dst_hbm.at[pl.ds(off, C)], idx0)
            pltpu.sync_copy(msg_hbm.at[pl.ds(off, C), pl.ds(cc * F, F)], upd0)
            pltpu.sync_copy(upd0, acc_sh.at[idx0], add=True)

        plsc.subcore_barrier()
        pltpu.sync_copy(acc_sh.at[pl.ds(r0, SUB)],
                        acc_hbm.at[cc, pl.ds(r0, SUB)])
        plsc.subcore_barrier()



def kernel(edge_index, s, t, dir_ij, r_ij, d_ij, num_edges_expanded,
           Wq, bq, Wk, bk, Wg1, bg1, Wg2, bg2, Wv1, bv1, Wv2, bv2,
           Wra, bra, Wre, bre):
    f32 = jnp.float32
    src = edge_index[0]
    dst = edge_index[1]
    dst_a = dst[:E // 2]
    dst_b = dst[E // 2:]
    t2 = t.reshape(N, 3 * F)
    dg = d_ij.reshape(100, 1, 1600)
    neg = num_edges_expanded.reshape(100, 1, 1600)
    dir0 = dir_ij[:, 0].reshape(200, 1, 800)
    dir1 = dir_ij[:, 1].reshape(200, 1, 800)
    dir2 = dir_ij[:, 2].reshape(200, 1, 800)
    ones11 = jnp.ones((1, 1), jnp.float32)
    id8 = jnp.eye(H, dtype=jnp.float32)
    b2 = lambda b: b.reshape(1, -1)
    hsum = (jnp.arange(F)[:, None] // (F // H) == jnp.arange(H)[None, :]).astype(f32)
    exp16 = (jnp.arange(F)[None, :] // (F // H) == jnp.arange(H)[:, None]).astype(f32)
    sel8 = (jnp.arange(F)[:, None] == (F // H) * jnp.arange(H)[None, :]).astype(f32)
    expand = (jnp.arange(3 * F)[None, :] // (3 * F // H) == jnp.arange(H)[:, None]).astype(f32)
    zacc = jnp.zeros((NP, F), f32)

    full = lambda shape: pl.BlockSpec(shape, lambda i: tuple(0 for _ in shape))

    q, k, xt = pl.pallas_call(
        _node_body,
        out_shape=(jax.ShapeDtypeStruct((N, F), f32),
                   jax.ShapeDtypeStruct((N, F), f32),
                   jax.ShapeDtypeStruct((N, 3 * F), jnp.uint32)),
        grid=(25,),
        in_specs=[pl.BlockSpec((400, F), lambda i: (i, 0)),
                  pl.BlockSpec((400, 3 * F), lambda i: (i, 0))] +
                 [full(shp) for shp in
                  ((128, 128), (1, 128), (128, 128), (1, 128),
                   (128, 128), (1, 128), (128, 384), (1, 384),
                   (128, 128), (1, 128), (128, 384), (1, 384))],
        out_specs=(pl.BlockSpec((400, F), lambda i: (i, 0)),
                   pl.BlockSpec((400, F), lambda i: (i, 0)),
                   pl.BlockSpec((400, 3 * F), lambda i: (i, 0))),
    )(s, t2, Wq, b2(bq), Wk, b2(bk), Wg1, b2(bg1), Wg2, b2(bg2),
      Wv1, b2(bv1), Wv2, b2(bv2))

    qk_gather = pl.kernel(
        _qk_gather_body,
        out_type=(jax.ShapeDtypeStruct((E, F), f32),
                  jax.ShapeDtypeStruct((E, F), f32)),
        mesh=_MESH,
        scratch_types=[pltpu.VMEM((200,), jnp.int32),
                       pltpu.VMEM((200,), jnp.int32),
                       pltpu.VMEM((200,), jnp.int32),
                       pltpu.VMEM((200,), jnp.int32),
                       pltpu.VMEM((200, F), f32),
                       pltpu.VMEM((200, F), f32),
                       pltpu.VMEM((200, F), f32),
                       pltpu.VMEM((200, F), f32)] +
                      [pltpu.SemaphoreType.DMA] * 8,
    )
    qd, ks = qk_gather(q, k, dst, src)

    xt_gather = pl.kernel(
        _xt_gather_body,
        out_type=jax.ShapeDtypeStruct((E, 3 * F), jnp.uint32),
        mesh=_MESH,
        scratch_types=[pltpu.VMEM((40,), jnp.int32),
                       pltpu.VMEM((40,), jnp.int32),
                       pltpu.VMEM((40,), jnp.int32),
                       pltpu.VMEM((40,), jnp.int32),
                       pltpu.VMEM((40, 3 * F), jnp.uint32),
                       pltpu.VMEM((40, 3 * F), jnp.uint32),
                       pltpu.VMEM((40, 3 * F), jnp.uint32),
                       pltpu.VMEM((40, 3 * F), jnp.uint32)] +
                      [pltpu.SemaphoreType.DMA] * 8,
    )
    xts = xt_gather(xt, src)

    ra = pl.pallas_call(
        _ra_body,
        out_shape=jax.ShapeDtypeStruct((E, F), f32),
        grid=(100,),
        in_specs=[pl.BlockSpec((1600, F), lambda i: (i, 0)),
                  full((128, 128)), full((1, 128))],
        out_specs=pl.BlockSpec((1600, F), lambda i: (i, 0)),
    )(r_ij, Wra, b2(bra))

    ex, exw = pl.pallas_call(
        _ex_body,
        out_shape=(jax.ShapeDtypeStruct((E, F), f32),
                   jax.ShapeDtypeStruct((200, H, 800), f32)),
        grid=(100,),
        in_specs=[pl.BlockSpec((1600, F), lambda i: (i, 0)),
                  pl.BlockSpec((1600, F), lambda i: (i, 0)),
                  pl.BlockSpec((1600, F), lambda i: (i, 0)),
                  pl.BlockSpec((1, 1, 1600), lambda i: (i, 0, 0)),
                  pl.BlockSpec((1, 1, 1600), lambda i: (i, 0, 0)),
                  full((128, 8)), full((8, 128)), full((1, 1)),
                  full((8, 8))],
        out_specs=(pl.BlockSpec((1600, F), lambda i: (i, 0)),
                   pl.BlockSpec((2, H, 800), lambda i: (i, 0, 0))),
    )(qd, ks, ra, dg, neg, hsum, exp16, ones11, id8)

    den_scatter = pl.kernel(
        _den_scatter_body,
        out_type=jax.ShapeDtypeStruct((NC, NP, F), f32),
        mesh=_MESH,
        scratch_types=[pltpu.VMEM((200,), jnp.int32),
                       pltpu.VMEM((200, F), f32),
                       pltpu.VMEM_SHARED((NP, F), f32)],
    )
    den_parts = den_scatter(ex, dst, zacc)

    den = pl.pallas_call(
        _densum_body,
        out_shape=jax.ShapeDtypeStruct((NP, F), f32),
        grid=(20,),
        in_specs=[pl.BlockSpec((NC, 512, F), lambda i: (0, i, 0))],
        out_specs=pl.BlockSpec((512, F), lambda i: (i, 0)),
    )(den_parts)

    den_gather = pl.kernel(
        _den_gather_body,
        out_type=jax.ShapeDtypeStruct((E, F), f32),
        mesh=_MESH,
        scratch_types=[pltpu.VMEM((200,), jnp.int32),
                       pltpu.VMEM((200,), jnp.int32),
                       pltpu.VMEM((200, F), f32),
                       pltpu.VMEM((200, F), f32)] +
                      [pltpu.SemaphoreType.DMA] * 4,
    )
    dend = den_gather(den, dst)

    def g_call(o):
        return pl.pallas_call(
            _msg_body,
            out_shape=jax.ShapeDtypeStruct((E // 2, 4 * F), f32),
            grid=(100,),
            in_specs=[pl.BlockSpec((800, 3 * F), lambda i: (i + o, 0)),
                      pl.BlockSpec((800, F), lambda i: (i + o, 0)),
                      pl.BlockSpec((1, H, 800), lambda i: (i + o, 0, 0)),
                      pl.BlockSpec((800, F), lambda i: (i + o, 0)),
                      pl.BlockSpec((1, 1, 800), lambda i: (i + o, 0, 0)),
                      pl.BlockSpec((1, 1, 800), lambda i: (i + o, 0, 0)),
                      pl.BlockSpec((1, 1, 800), lambda i: (i + o, 0, 0)),
                      full((128, 384)), full((1, 384)), full((8, 384)),
                      full((128, 8)), full((1, 1)), full((8, 8))],
            out_specs=pl.BlockSpec((800, 4 * F), lambda i: (i, 0)),
        )(xts, r_ij, exw, dend, dir0, dir1, dir2, Wre, b2(bre), expand, sel8,
          ones11, id8)

    msg_scatter = pl.kernel(
        _msg_scatter_body,
        out_type=jax.ShapeDtypeStruct((4, NP, F), f32),
        mesh=_MESH,
        scratch_types=[pltpu.VMEM((200,), jnp.int32),
                       pltpu.VMEM((200, F), f32),
                       pltpu.VMEM_SHARED((NP, F), f32)],
    )
    msg_a = g_call(0)
    acc_a = msg_scatter(msg_a, dst_a, zacc)
    msg_b = g_call(100)
    acc_b = msg_scatter(msg_b, dst_b, zacc)

    out_s, out_t2 = pl.pallas_call(
        _final_body,
        out_shape=(jax.ShapeDtypeStruct((N, F), f32),
                   jax.ShapeDtypeStruct((N, 3 * F), f32)),
        grid=(25,),
        in_specs=[pl.BlockSpec((400, F), lambda i: (i, 0)),
                  pl.BlockSpec((400, 3 * F), lambda i: (i, 0)),
                  pl.BlockSpec((4, 400, F), lambda i: (0, i, 0)),
                  pl.BlockSpec((4, 400, F), lambda i: (0, i, 0))],
        out_specs=(pl.BlockSpec((400, F), lambda i: (i, 0)),
                   pl.BlockSpec((400, 3 * F), lambda i: (i, 0))),
    )(s, t2, acc_a, acc_b)

    return (out_s, out_t2.reshape(N, 3, F))

# --- scband reference (transcript-rebuilt; emitter-appended) ---
"""Pipeline reference for scband-goten-net-70901320122385 (READ-ONLY COPY).

The authoritative reference and input builder live on the scoring server;
editing this copy changes nothing except your own understanding.
"""

import jax, jax.numpy as jnp
import numpy as np

N = 10000
E = 160000
F = 128
H = 8
L = 3
CUTOFF = 5.0


def _dense(key, din, dout):
    s = np.sqrt(6.0 / (din + dout))
    return jax.random.uniform(key, (din, dout), jnp.float32, -s, s)


def _silu(x):
    return x * jax.nn.sigmoid(x)


def _cosine_cutoff(d):
    return 0.5 * (jnp.cos(d * np.pi / CUTOFF) + 1.0) * (d < CUTOFF).astype(d.dtype)


def _segment_softmax(logits, seg, n):
    m = jax.ops.segment_max(logits, seg, num_segments=n)
    m = jnp.where(jnp.isfinite(m), m, 0.0)
    ex = jnp.exp(logits - m[seg])
    den = jax.ops.segment_sum(ex, seg, num_segments=n)
    return ex / (den[seg] + 1e-16)


def setup_inputs(seed: int = 0):
    key = jax.random.key(seed)
    ks = jax.random.split(key, 16)
    edge_index = jax.random.randint(ks[0], (2, E), 0, N)
    s = jax.random.normal(ks[1], (N, F), jnp.float32)
    t = jax.random.normal(ks[2], (N, L, F), jnp.float32) * 0.1
    dir_ij = jax.random.normal(ks[3], (E, L), jnp.float32)
    dir_ij = dir_ij / (jnp.linalg.norm(dir_ij, axis=-1, keepdims=True) + 1e-9)
    r_ij = jax.random.normal(ks[4], (E, F), jnp.float32)
    d_ij = jax.random.uniform(ks[5], (E,), jnp.float32, 0.0, 6.0)
    deg = jnp.bincount(edge_index[1], length=N).astype(jnp.float32)
    num_edges_expanded = deg[edge_index[1]]
    return {
        "edge_index": edge_index, "s": s, "t": t, "dir_ij": dir_ij,
        "r_ij": r_ij, "d_ij": d_ij, "num_edges_expanded": num_edges_expanded,
        "Wq": _dense(ks[6], F, F), "bq": jnp.zeros((F,), jnp.float32),
        "Wk": _dense(ks[7], F, F), "bk": jnp.zeros((F,), jnp.float32),
        "Wg1": _dense(ks[8], F, F), "bg1": jnp.zeros((F,), jnp.float32),
        "Wg2": _dense(ks[9], F, 3 * F), "bg2": jnp.zeros((3 * F,), jnp.float32),
        "Wv1": _dense(ks[10], F, F), "bv1": jnp.zeros((F,), jnp.float32),
        "Wv2": _dense(ks[11], F, 3 * F), "bv2": jnp.zeros((3 * F,), jnp.float32),
        "Wra": _dense(ks[12], F, F), "bra": jnp.zeros((F,), jnp.float32),
        "Wre": _dense(ks[13], F, 3 * F), "bre": jnp.zeros((3 * F,), jnp.float32),
    }


def reference(edge_index, s, t, dir_ij, r_ij, d_ij, num_edges_expanded,
              Wq, bq, Wk, bk, Wg1, bg1, Wg2, bg2, Wv1, bv1, Wv2, bv2,
              Wra, bra, Wre, bre):
    src = edge_index[0]
    dst = edge_index[1]
    n = s.shape[0]
    Dh = F // H
    # node branch (GATA.forward): layernorm/tln are identity (layer_norm='', vector_norm='')
    q = (s @ Wq + bq).reshape(-1, H, Dh)
    k = (s @ Wk + bk).reshape(-1, H, Dh)
    x = _silu(s @ Wg1 + bg1) @ Wg2 + bg2          # gamma_s: [N, 3F]
    val = _silu(s @ Wv1 + bv1) @ Wv2 + bv2        # gamma_v: [N, 3F]
    r_attn = _silu(r_ij @ Wra + bra)              # phik_w_ra: [E, F]
    r_filt = r_ij @ Wre + bre                     # w_re: [E, 3F]
    # message: filter-modulated multi-head attention over incoming edges
    attn = (q[dst] * k[src] * r_attn.reshape(-1, H, Dh)).sum(-1)   # [E, H]
    attn = _segment_softmax(attn, dst, n)
    attn = attn * _cosine_cutoff(d_ij)[:, None]
    attn = attn * jnp.sqrt(jnp.maximum(num_edges_expanded, 1.0))[:, None]  # scale_edge
    xr = x[src] * r_filt                                            # [E, 3F]
    o_s, o_d, o_t = jnp.split(xr, 3, axis=-1)
    v = (val[src].reshape(-1, H, 3 * Dh) * attn[..., None]).reshape(-1, 3 * F)
    v_s, v_d, v_t = jnp.split(v, 3, axis=-1)
    msg_s = o_s * v_s                                               # [E, F]
    dmu = (o_d * v_d)[:, None, :] * dir_ij[:, :, None] + (o_t * v_t)[:, None, :] * t[src]  # [E, 3, F]
    su = jax.ops.segment_sum(msg_s, dst, num_segments=n)
    tu = jax.ops.segment_sum(dmu, dst, num_segments=n)
    return (s + su, t + tu)

if __name__ == "__main__":
    import jax
    _d = setup_inputs()
    print(jax.jit(kernel)(*tuple(_d.values())))

</pallas_src>

<mosaic_0001>
#map = affine_map<(d0, d1) -> (0, 0)>
#map1 = affine_map<(d0, d1) -> (0)>
module attributes {stable_mosaic.version = 14 : i64} {
  func.func @_den_gather_body(%arg0: i32, %arg1: i32, %arg2: memref<10240x128xf32, #tpu.memory_space<hbm>>, %arg3: memref<160000xi32, #tpu.memory_space<hbm>>, %arg4: memref<160000x128xf32, #tpu.memory_space<hbm>>, %arg5: memref<200xi32, #tpu.memory_space<vmem>>, %arg6: memref<200xi32, #tpu.memory_space<vmem>>, %arg7: memref<200x128xf32, #tpu.memory_space<vmem>>, %arg8: memref<200x128xf32, #tpu.memory_space<vmem>>, %arg9: memref<!tpu.dma_semaphore, #tpu.memory_space<semaphore_mem>>, %arg10: memref<!tpu.dma_semaphore, #tpu.memory_space<semaphore_mem>>, %arg11: memref<!tpu.dma_semaphore, #tpu.memory_space<semaphore_mem>>, %arg12: memref<!tpu.dma_semaphore, #tpu.memory_space<semaphore_mem>>) attributes {dimension_semantics = [#tpu.dimension_semantics<core_parallel>, #tpu.dimension_semantics<subcore_parallel>], iteration_bounds = array<i64: 2, 16>, scalar_prefetch = 0 : i64, scratch_operands = 8 : i64, tpu.core_type = #tpu.core_type<sc_vector_subcore>, window_params = [{transform_indices = #map}, {transform_indices = #map1}, {transform_indices = #map}]} {
    %mul3A = arith.constant 2 : i32
    %mul3A_0 = arith.muli %arg1, %mul3A : i32
    %add3A = arith.addi %mul3A_0, %arg0 : i32
    %mul3A_1 = arith.constant 5000 : i32
    %mul3A_2 = arith.muli %add3A, %mul3A_1 : i32
    %scan3A = arith.constant 0 : i32
    %scan3A_3 = arith.constant 12 : i32
    %scan3A_4 = arith.addi %scan3A, %scan3A_3 : i32
    %scan3A_5 = arith.constant 1 : i32
    scf.for %scan3A_9 = %scan3A to %scan3A_4 step %scan3A_5  : i32 {
      %mul3A_10 = arith.constant 1 : i32
      %mul3A_11 = arith.muli %scan3A_9, %mul3A_10 : i32
      %add3A_12 = arith.constant 0 : i32
      %add3A_13 = arith.addi %add3A_12, %mul3A_11 : i32
      %mul3A_14 = arith.constant 2 : i32
      %mul3A_15 = arith.muli %mul3A_14, %add3A_13 : i32
      %mul3A_16 = arith.constant 200 : i32
      %mul3A_17 = arith.muli %mul3A_15, %mul3A_16 : i32
      %add3A_18 = arith.addi %mul3A_2, %mul3A_17 : i32
      %multiple_of3A_19 = tpu.assume_multiple %add3A_18, 8 : i32
      %mul3A_20 = arith.constant 2 : i32
      %mul3A_21 = arith.muli %mul3A_20, %add3A_13 : i32
      %add3A_22 = arith.constant 1 : i32
      %add3A_23 = arith.addi %mul3A_21, %add3A_22 : i32
      %mul3A_24 = arith.constant 200 : i32
      %mul3A_25 = arith.muli %add3A_23, %mul3A_24 : i32
      %add3A_26 = arith.addi %mul3A_2, %mul3A_25 : i32
      %multiple_of3A_27 = tpu.assume_multiple %add3A_26, 8 : i32
      "tpu.region"() ({
        %run_scoped3A = tpu.sem_alloc : memref<!tpu.dma_semaphore, #tpu.memory_space<semaphore_mem>>
        %dma_start3A_54 = tpu.memref_slice %arg3[%multiple_of3A_19] : memref<160000xi32, #tpu.memory_space<hbm>> -> memref<200xi32, #tpu.memory_space<hbm>>
        %dma_start3A_55 = tpu.memref_slice %arg3[%multiple_of3A_19] : memref<160000xi32, #tpu.memory_space<hbm>> -> memref<200xi32, #tpu.memory_space<hbm>>
        tpu.enqueue_dma source(%dma_start3A_55 : memref<200xi32, #tpu.memory_space<hbm>>) target(%arg5 : memref<200xi32, #tpu.memory_space<vmem>>) target_semaphore(%run_scoped3A : memref<!tpu.dma_semaphore, #tpu.memory_space<semaphore_mem>>)
        %dma_wait3A_56 = tpu.memref_slice %arg3[%multiple_of3A_19] : memref<160000xi32, #tpu.memory_space<hbm>> -> memref<200xi32, #tpu.memory_space<hbm>>
        %dma_wait3A_57 = tpu.memref_slice %arg3[%multiple_of3A_19] : memref<160000xi32, #tpu.memory_space<hbm>> -> memref<200xi32, #tpu.memory_space<hbm>>
        tpu.wait_dma2 semaphore(%run_scoped3A : memref<!tpu.dma_semaphore, #tpu.memory_space<semaphore_mem>>) src(%dma_wait3A_57 : memref<200xi32, #tpu.memory_space<hbm>>) dst(%arg5 : memref<200xi32, #tpu.memory_space<vmem>>)
        tpu.yield
      }) : () -> ()
      "tpu.region"() ({
        %run_scoped3A = tpu.sem_alloc : memref<!tpu.dma_semaphore, #tpu.memory_space<semaphore_mem>>
        %dma_start3A_54 = tpu.memref_slice %arg3[%multiple_of3A_27] : memref<160000xi32, #tpu.memory_space<hbm>> -> memref<200xi32, #tpu.memory_space<hbm>>
        %dma_start3A_55 = tpu.memref_slice %arg3[%multiple_of3A_27] : memref<160000xi32, #tpu.memory_space<hbm>> -> memref<200xi32, #tpu.memory_space<hbm>>
        tpu.enqueue_dma source(%dma_start3A_55 : memref<200xi32, #tpu.memory_space<hbm>>) target(%arg6 : memref<200xi32, #tpu.memory_space<vmem>>) target_semaphore(%run_scoped3A : memref<!tpu.dma_semaphore, #tpu.memory_space<semaphore_mem>>)
        %dma_wait3A_56 = tpu.memref_slice %arg3[%multiple_of3A_27] : memref<160000xi32, #tpu.memory_space<hbm>> -> memref<200xi32, #tpu.memory_space<hbm>>
        %dma_wait3A_57 = tpu.memref_slice %arg3[%multiple_of3A_27] : memref<160000xi32, #tpu.memory_space<hbm>> -> memref<200xi32, #tpu.memory_space<hbm>>
        tpu.wait_dma2 semaphore(%run_scoped3A : memref<!tpu.dma_semaphore, #tpu.memory_space<semaphore_mem>>) src(%dma_wait3A_57 : memref<200xi32, #tpu.memory_space<hbm>>) dst(%arg6 : memref<200xi32, #tpu.memory_space<vmem>>)
        tpu.yield
      }) : () -> ()
      %dma_start3A = arith.constant 0 : i32
      %dma_start3A_28 = arith.constant 0 : i32
      %dma_start3A_29 = tpu.memref_slice %arg2[%dma_start3A, %dma_start3A_28] : memref<10240x128xf32, #tpu.memory_space<hbm>> -> memref<10240x128xf32, #tpu.memory_space<hbm>>
      tpu.enqueue_indirect_dma source(%dma_start3A_29 : memref<10240x128xf32, #tpu.memory_space<hbm>>) target(%arg7 : memref<200x128xf32, #tpu.memory_space<vmem>>) offsets(%arg5 : memref<200xi32, #tpu.memory_space<vmem>>) semaphore(%arg9 : memref<!tpu.dma_semaphore, #tpu.memory_space<semaphore_mem>>)
      %dma_start3A_30 = arith.constant 0 : i32
      %dma_start3A_31 = arith.constant 0 : i32
      %dma_start3A_32 = tpu.memref_slice %arg2[%dma_start3A_30, %dma_start3A_31] : memref<10240x128xf32, #tpu.memory_space<hbm>> -> memref<10240x128xf32, #tpu.memory_space<hbm>>
      tpu.enqueue_indirect_dma source(%dma_start3A_32 : memref<10240x128xf32, #tpu.memory_space<hbm>>) target(%arg8 : memref<200x128xf32, #tpu.memory_space<vmem>>) offsets(%arg6 : memref<200xi32, #tpu.memory_space<vmem>>) semaphore(%arg10 : memref<!tpu.dma_semaphore, #tpu.memory_space<semaphore_mem>>)
      %dma_wait3A = arith.constant 0 : i32
      %dma_wait3A_33 = arith.constant 0 : i32
      %dma_wait3A_34 = tpu.memref_slice %arg2[%dma_wait3A, %dma_wait3A_33] : memref<10240x128xf32, #tpu.memory_space<hbm>> -> memref<10240x128xf32, #tpu.memory_space<hbm>>
      tpu.wait_indirect_dma semaphore(%arg9 : memref<!tpu.dma_semaphore, #tpu.memory_space<semaphore_mem>>) src(%dma_wait3A_34 : memref<10240x128xf32, #tpu.memory_space<hbm>>) dst(%arg7 : memref<200x128xf32, #tpu.memory_space<vmem>>)
      %dma_start3A_35 = arith.constant 0 : i32
      %dma_start3A_36 = tpu.memref_slice %arg4[%multiple_of3A_19, %dma_start3A_35] : memref<160000x128xf32, #tpu.memory_space<hbm>> -> memref<200x128xf32, #tpu.memory_space<hbm>>
      %dma_start3A_37 = arith.constant 0 : i32
      %dma_start3A_38 = tpu.memref_slice %arg4[%multiple_of3A_19, %dma_start3A_37] : memref<160000x128xf32, #tpu.memory_space<hbm>> -> memref<200x128xf32, #tpu.memory_space<hbm>>
      tpu.enqueue_dma source(%arg7 : memref<200x128xf32, #tpu.memory_space<vmem>>) target(%dma_start3A_38 : memref<200x128xf32, #tpu.memory_space<hbm>>) target_semaphore(%arg11 : memref<!tpu.dma_semaphore, #tpu.memory_space<semaphore_mem>>)
      %dma_wait3A_39 = arith.constant 0 : i32
      %dma_wait3A_40 = arith.constant 0 : i32
      %dma_wait3A_41 = tpu.memref_slice %arg2[%dma_wait3A_39, %dma_wait3A_40] : memref<10240x128xf32, #tpu.memory_space<hbm>> -> memref<10240x128xf32, #tpu.memory_space<hbm>>
      tpu.wait_indirect_dma semaphore(%arg10 : memref<!tpu.dma_semaphore, #tpu.memory_space<semaphore_mem>>) src(%dma_wait3A_41 : memref<10240x128xf32, #tpu.memory_space<hbm>>) dst(%arg8 : memref<200x128xf32, #tpu.memory_space<vmem>>)
      %dma_start3A_42 = arith.constant 0 : i32
      %dma_start3A_43 = tpu.memref_slice %arg4[%multiple_of3A_27, %dma_start3A_42] : memref<160000x128xf32, #tpu.memory_space<hbm>> -> memref<200x128xf32, #tpu.memory_space<hbm>>
      %dma_start3A_44 = arith.constant 0 : i32
      %dma_start3A_45 = tpu.memref_slice %arg4[%multiple_of3A_27, %dma_start3A_44] : memref<160000x128xf32, #tpu.memory_space<hbm>> -> memref<200x128xf32, #tpu.memory_space<hbm>>
      tpu.enqueue_dma source(%arg8 : memref<200x128xf32, #tpu.memory_space<vmem>>) target(%dma_start3A_45 : memref<200x128xf32, #tpu.memory_space<hbm>>) target_semaphore(%arg12 : memref<!tpu.dma_semaphore, #tpu.memory_space<semaphore_mem>>)
      %dma_wait3A_46 = arith.constant 0 : i32
      %dma_wait3A_47 = tpu.memref_slice %arg4[%multiple_of3A_19, %dma_wait3A_46] : memref<160000x128xf32, #tpu.memory_space<hbm>> -> memref<200x128xf32, #tpu.memory_space<hbm>>
      %dma_wait3A_48 = arith.constant 0 : i32
      %dma_wait3A_49 = tpu.memref_slice %arg4[%multiple_of3A_19, %dma_wait3A_48] : memref<160000x128xf32, #tpu.memory_space<hbm>> -> memref<200x128xf32, #tpu.memory_space<hbm>>
      tpu.wait_dma2 semaphore(%arg11 : memref<!tpu.dma_semaphore, #tpu.memory_space<semaphore_mem>>) src(%arg7 : memref<200x128xf32, #tpu.memory_space<vmem>>) dst(%dma_wait3A_49 : memref<200x128xf32, #tpu.memory_space<hbm>>)
      %dma_wait3A_50 = arith.constant 0 : i32
      %dma_wait3A_51 = tpu.memref_slice %arg4[%multiple_of3A_27, %dma_wait3A_50] : memref<160000x128xf32, #tpu.memory_space<hbm>> -> memref<200x128xf32, #tpu.memory_space<hbm>>
      %dma_wait3A_52 = arith.constant 0 : i32
      %dma_wait3A_53 = tpu.memref_slice %arg4[%multiple_of3A_27, %dma_wait3A_52] : memref<160000x128xf32, #tpu.memory_space<hbm>> -> memref<200x128xf32, #tpu.memory_space<hbm>>
      tpu.wait_dma2 semaphore(%arg12 : memref<!tpu.dma_semaphore, #tpu.memory_space<semaphore_mem>>) src(%arg8 : memref<200x128xf32, #tpu.memory_space<vmem>>) dst(%dma_wait3A_53 : memref<200x128xf32, #tpu.memory_space<hbm>>)
    }
    %scan3A_6 = arith.constant 12 : i32
    %add3A_7 = arith.constant 4800 : i32
    %add3A_8 = arith.addi %mul3A_2, %add3A_7 : i32
    %multiple_of3A = tpu.assume_multiple %add3A_8, 8 : i32
    "tpu.region"() ({
      %run_scoped3A = tpu.sem_alloc : memref<!tpu.dma_semaphore, #tpu.memory_space<semaphore_mem>>
      %dma_start3A = tpu.memref_slice %arg3[%multiple_of3A] : memref<160000xi32, #tpu.memory_space<hbm>> -> memref<200xi32, #tpu.memory_space<hbm>>
      %dma_start3A_9 = tpu.memref_slice %arg3[%multiple_of3A] : memref<160000xi32, #tpu.memory_space<hbm>> -> memref<200xi32, #tpu.memory_space<hbm>>
      tpu.enqueue_dma source(%dma_start3A_9 : memref<200xi32, #tpu.memory_space<hbm>>) target(%arg5 : memref<200xi32, #tpu.memory_space<vmem>>) target_semaphore(%run_scoped3A : memref<!tpu.dma_semaphore, #tpu.memory_space<semaphore_mem>>)
      %dma_wait3A = tpu.memref_slice %arg3[%multiple_of3A] : memref<160000xi32, #tpu.memory_space<hbm>> -> memref<200xi32, #tpu.memory_space<hbm>>
      %dma_wait3A_10 = tpu.memref_slice %arg3[%multiple_of3A] : memref<160000xi32, #tpu.memory_space<hbm>> -> memref<200xi32, #tpu.memory_space<hbm>>
      tpu.wait_dma2 semaphore(%run_scoped3A : memref<!tpu.dma_semaphore, #tpu.memory_space<semaphore_mem>>) src(%dma_wait3A_10 : memref<200xi32, #tpu.memory_space<hbm>>) dst(%arg5 : memref<200xi32, #tpu.memory_space<vmem>>)
      tpu.yield
    }) : () -> ()
    "tpu.region"() ({
      %run_scoped3A = tpu.sem_alloc : memref<!tpu.dma_semaphore, #tpu.memory_space<semaphore_mem>>
      %dma_start3A = arith.constant 0 : i32
      %dma_start3A_9 = arith.constant 0 : i32
      %dma_start3A_10 = tpu.memref_slice %arg2[%dma_start3A, %dma_start3A_9] : memref<10240x128xf32, #tpu.memory_space<hbm>> -> memref<10240x128xf32, #tpu.memory_space<hbm>>
      tpu.enqueue_indirect_dma source(%dma_start3A_10 : memref<10240x128xf32, #tpu.memory_space<hbm>>) target(%arg7 : memref<200x128xf32, #tpu.memory_space<vmem>>) offsets(%arg5 : memref<200xi32, #tpu.memory_space<vmem>>) semaphore(%run_scoped3A : memref<!tpu.dma_semaphore, #tpu.memory_space<semaphore_mem>>)
      %dma_wait3A = arith.constant 0 : i32
      %dma_wait3A_11 = arith.constant 0 : i32
      %dma_wait3A_12 = tpu.memref_slice %arg2[%dma_wait3A, %dma_wait3A_11] : memref<10240x128xf32, #tpu.memory_space<hbm>> -> memref<10240x128xf32, #tpu.memory_space<hbm>>
      tpu.wait_indirect_dma semaphore(%run_scoped3A : memref<!tpu.dma_semaphore, #tpu.memory_space<semaphore_mem>>) src(%dma_wait3A_12 : memref<10240x128xf32, #tpu.memory_space<hbm>>) dst(%arg7 : memref<200x128xf32, #tpu.memory_space<vmem>>)
      tpu.yield
    }) : () -> ()
    "tpu.region"() ({
      %run_scoped3A = tpu.sem_alloc : memref<!tpu.dma_semaphore, #tpu.memory_space<semaphore_mem>>
      %dma_start3A = arith.constant 0 : i32
      %dma_start3A_9 = tpu.memref_slice %arg4[%multiple_of3A, %dma_start3A] : memref<160000x128xf32, #tpu.memory_space<hbm>> -> memref<200x128xf32, #tpu.memory_space<hbm>>
      %dma_start3A_10 = arith.constant 0 : i32
      %dma_start3A_11 = tpu.memref_slice %arg4[%multiple_of3A, %dma_start3A_10] : memref<160000x128xf32, #tpu.memory_space<hbm>> -> memref<200x128xf32, #tpu.memory_space<hbm>>
      tpu.enqueue_dma source(%arg7 : memref<200x128xf32, #tpu.memory_space<vmem>>) target(%dma_start3A_11 : memref<200x128xf32, #tpu.memory_space<hbm>>) target_semaphore(%run_scoped3A : memref<!tpu.dma_semaphore, #tpu.memory_space<semaphore_mem>>)
      %dma_wait3A = arith.constant 0 : i32
      %dma_wait3A_12 = tpu.memref_slice %arg4[%multiple_of3A, %dma_wait3A] : memref<160000x128xf32, #tpu.memory_space<hbm>> -> memref<200x128xf32, #tpu.memory_space<hbm>>
      %dma_wait3A_13 = arith.constant 0 : i32
      %dma_wait3A_14 = tpu.memref_slice %arg4[%multiple_of3A, %dma_wait3A_13] : memref<160000x128xf32, #tpu.memory_space<hbm>> -> memref<200x128xf32, #tpu.memory_space<hbm>>
      tpu.wait_dma2 semaphore(%run_scoped3A : memref<!tpu.dma_semaphore, #tpu.memory_space<semaphore_mem>>) src(%arg7 : memref<200x128xf32, #tpu.memory_space<vmem>>) dst(%dma_wait3A_14 : memref<200x128xf32, #tpu.memory_space<hbm>>)
      tpu.yield
    }) : () -> ()
    return
  }
}

#map = affine_map<(d0, d1) -> (0, 0)>
#map1 = affine_map<(d0, d1) -> (0)>
module attributes {stable_mosaic.version = 14 : i64} {
  func.func @_xt_gather_body(%arg0: i32, %arg1: i32, %arg2: memref<10000x384xi32, #tpu.memory_space<hbm>>, %arg3: memref<160000xi32, #tpu.memory_space<hbm>>, %arg4: memref<160000x384xi32, #tpu.memory_space<hbm>>, %arg5: memref<40xi32, #tpu.memory_space<vmem>>, %arg6: memref<40xi32, #tpu.memory_space<vmem>>, %arg7: memref<40xi32, #tpu.memory_space<vmem>>, %arg8: memref<40xi32, #tpu.memory_space<vmem>>, %arg9: memref<40x384xi32, #tpu.memory_space<vmem>>, %arg10: memref<40x384xi32, #tpu.memory_space<vmem>>, %arg11: memref<40x384xi32, #tpu.memory_space<vmem>>, %arg12: memref<40x384xi32, #tpu.memory_space<vmem>>, %arg13: memref<!tpu.dma_semaphore, #tpu.memory_space<semaphore_mem>>, %arg14: memref<!tpu.dma_semaphore, #tpu.memory_space<semaphore_mem>>, %arg15: memref<!tpu.dma_semaphore, #tpu.memory_space<semaphore_mem>>, %arg16: memref<!tpu.dma_semaphore, #tpu.memory_space<semaphore_mem>>, %arg17: memref<!tpu.dma_semaphore, #tpu.memory_space<semaphore_mem>>, %arg18: memref<!tpu.dma_semaphore, #tpu.memory_space<semaphore_mem>>, %arg19: memref<!tpu.dma_semaphore, #tpu.memory_space<semaphore_mem>>, %arg20: memref<!tpu.dma_semaphore, #tpu.memory_space<semaphore_mem>>) attributes {dimension_semantics = [#tpu.dimension_semantics<core_parallel>, #tpu.dimension_semantics<subcore_parallel>], iteration_bounds = array<i64: 2, 16>, scalar_prefetch = 0 : i64, scratch_operands = 16 : i64, tpu.core_type = #tpu.core_type<sc_vector_subcore>, window_params = [{transform_indices = #map}, {transform_indices = #map1}, {transform_indices = #map}]} {
    %mul3A = arith.constant 2 : i32
    %mul3A_0 = arith.muli %arg1, %mul3A : i32
    %add3A = arith.addi %mul3A_0, %arg0 : i32
    %mul3A_1 = arith.constant 5000 : i32
    %mul3A_2 = arith.muli %add3A, %mul3A_1 : i32
    %scan3A = arith.constant 0 : i32
    %scan3A_3 = arith.constant 31 : i32
    %scan3A_4 = arith.addi %scan3A, %scan3A_3 : i32
    %scan3A_5 = arith.constant 1 : i32
    scf.for %scan3A_9 = %scan3A to %scan3A_4 step %scan3A_5  : i32 {
      %mul3A_10 = arith.constant 1 : i32
      %mul3A_11 = arith.muli %scan3A_9, %mul3A_10 : i32
      %add3A_12 = arith.constant 0 : i32
      %add3A_13 = arith.addi %add3A_12, %mul3A_11 : i32
      %mul3A_14 = arith.constant 4 : i32
      %mul3A_15 = arith.muli %mul3A_14, %add3A_13 : i32
      %mul3A_16 = arith.constant 40 : i32
      %mul3A_17 = arith.muli %mul3A_15, %mul3A_16 : i32
      %add3A_18 = arith.addi %mul3A_2, %mul3A_17 : i32
      %multiple_of3A_19 = tpu.assume_multiple %add3A_18, 8 : i32
      %mul3A_20 = arith.constant 4 : i32
      %mul3A_21 = arith.muli %mul3A_20, %add3A_13 : i32
      %add3A_22 = arith.constant 1 : i32
      %add3A_23 = arith.addi %mul3A_21, %add3A_22 : i32
      %mul3A_24 = arith.constant 40 : i32
      %mul3A_25 = arith.muli %add3A_23, %mul3A_24 : i32
      %add3A_26 = arith.addi %mul3A_2, %mul3A_25 : i32
      %multiple_of3A_27 = tpu.assume_multiple %add3A_26, 8 : i32
      %mul3A_28 = arith.constant 4 : i32
      %mul3A_29 = arith.muli %mul3A_28, %add3A_13 : i32
      %add3A_30 = arith.constant 2 : i32
      %add3A_31 = arith.addi %mul3A_29, %add3A_30 : i32
      %mul3A_32 = arith.constant 40 : i32
      %mul3A_33 = arith.muli %add3A_31, %mul3A_32 : i32
      %add3A_34 = arith.addi %mul3A_2, %mul3A_33 : i32
      %multiple_of3A_35 = tpu.assume_multiple %add3A_34, 8 : i32
      %mul3A_36 = arith.constant 4 : i32
      %mul3A_37 = arith.muli %mul3A_36, %add3A_13 : i32
      %add3A_38 = arith.constant 3 : i32
      %add3A_39 = arith.addi %mul3A_37, %add3A_38 : i32
      %mul3A_40 = arith.constant 40 : i32
      %mul3A_41 = arith.muli %add3A_39, %mul3A_40 : i32
      %add3A_42 = arith.addi %mul3A_2, %mul3A_41 : i32
      %multiple_of3A_43 = tpu.assume_multiple %add3A_42, 8 : i32
      "tpu.region"() ({
        %run_scoped3A = tpu.sem_alloc : memref<!tpu.dma_semaphore, #tpu.memory_space<semaphore_mem>>
        %dma_start3A_98 = tpu.memref_slice %arg3[%multiple_of3A_19] : memref<160000xi32, #tpu.memory_space<hbm>> -> memref<40xi32, #tpu.memory_space<hbm>>
        %dma_start3A_99 = tpu.memref_slice %arg3[%multiple_of3A_19] : memref<160000xi32, #tpu.memory_space<hbm>> -> memref<40xi32, #tpu.memory_space<hbm>>
        tpu.enqueue_dma source(%dma_start3A_99 : memref<40xi32, #tpu.memory_space<hbm>>) target(%arg5 : memref<40xi32, #tpu.memory_space<vmem>>) target_semaphore(%run_scoped3A : memref<!tpu.dma_semaphore, #tpu.memory_space<semaphore_mem>>)
        %dma_wait3A_100 = tpu.memref_slice %arg3[%multiple_of3A_19] : memref<160000xi32, #tpu.memory_space<hbm>> -> memref<40xi32, #tpu.memory_space<hbm>>
        %dma_wait3A_101 = tpu.memref_slice %arg3[%multiple_of3A_19] : memref<160000xi32, #tpu.memory_space<hbm>> -> memref<40xi32, #tpu.memory_space<hbm>>
        tpu.wait_dma2 semaphore(%run_scoped3A : memref<!tpu.dma_semaphore, #tpu.memory_space<semaphore_mem>>) src(%dma_wait3A_101 : memref<40xi32, #tpu.memory_space<hbm>>) dst(%arg5 : memref<40xi32, #tpu.memory_space<vmem>>)
        tpu.yield
      }) : () -> ()
      "tpu.region"() ({
        %run_scoped3A = tpu.sem_alloc : memref<!tpu.dma_semaphore, #tpu.memory_space<semaphore_mem>>
        %dma_start3A_98 = tpu.memref_slice %arg3[%multiple_of3A_27] : memref<160000xi32, #tpu.memory_space<hbm>> -> memref<40xi32, #tpu.memory_space<hbm>>
        %dma_start3A_99 = tpu.memref_slice %arg3[%multiple_of3A_27] : memref<160000xi32, #tpu.memory_space<hbm>> -> memref<40xi32, #tpu.memory_space<hbm>>
        tpu.enqueue_dma source(%dma_start3A_99 : memref<40xi32, #tpu.memory_space<hbm>>) target(%arg6 : memref<40xi32, #tpu.memory_space<vmem>>) target_semaphore(%run_scoped3A : memref<!tpu.dma_semaphore, #tpu.memory_space<semaphore_mem>>)
        %dma_wait3A_100 = tpu.memref_slice %arg3[%multiple_of3A_27] : memref<160000xi32, #tpu.memory_space<hbm>> -> memref<40xi32, #tpu.memory_space<hbm>>
        %dma_wait3A_101 = tpu.memref_slice %arg3[%multiple_of3A_27] : memref<160000xi32, #tpu.memory_space<hbm>> -> memref<40xi32, #tpu.memory_space<hbm>>
        tpu.wait_dma2 semaphore(%run_scoped3A : memref<!tpu.dma_semaphore, #tpu.memory_space<semaphore_mem>>) src(%dma_wait3A_101 : memref<40xi32, #tpu.memory_space<hbm>>) dst(%arg6 : memref<40xi32, #tpu.memory_space<vmem>>)
        tpu.yield
      }) : () -> ()
      "tpu.region"() ({
        %run_scoped3A = tpu.sem_alloc : memref<!tpu.dma_semaphore, #tpu.memory_space<semaphore_mem>>
        %dma_start3A_98 = tpu.memref_slice %arg3[%multiple_of3A_35] : memref<160000xi32, #tpu.memory_space<hbm>> -> memref<40xi32, #tpu.memory_space<hbm>>
        %dma_start3A_99 = tpu.memref_slice %arg3[%multiple_of3A_35] : memref<160000xi32, #tpu.memory_space<hbm>> -> memref<40xi32, #tpu.memory_space<hbm>>
        tpu.enqueue_dma source(%dma_start3A_99 : memref<40xi32, #tpu.memory_space<hbm>>) target(%arg7 : memref<40xi32, #tpu.memory_space<vmem>>) target_semaphore(%run_scoped3A : memref<!tpu.dma_semaphore, #tpu.memory_space<semaphore_mem>>)
        %dma_wait3A_100 = tpu.memref_slice %arg3[%multiple_of3A_35] : memref<160000xi32, #tpu.memory_space<hbm>> -> memref<40xi32, #tpu.memory_space<hbm>>
        %dma_wait3A_101 = tpu.memref_slice %arg3[%multiple_of3A_35] : memref<160000xi32, #tpu.memory_space<hbm>> -> memref<40xi32, #tpu.memory_space<hbm>>
        tpu.wait_dma2 semaphore(%run_scoped3A : memref<!tpu.dma_semaphore, #tpu.memory_space<semaphore_mem>>) src(%dma_wait3A_101 : memref<40xi32, #tpu.memory_space<hbm>>) dst(%arg7 : memref<40xi32, #tpu.memory_space<vmem>>)
        tpu.yield
      }) : () -> ()
      "tpu.region"() ({
        %run_scoped3A = tpu.sem_alloc : memref<!tpu.dma_semaphore, #tpu.memory_space<semaphore_mem>>
        %dma_start3A_98 = tpu.memref_slice %arg3[%multiple_of3A_43] : memref<160000xi32, #tpu.memory_space<hbm>> -> memref<40xi32, #tpu.memory_space<hbm>>
        %dma_start3A_99 = tpu.memref_slice %arg3[%multiple_of3A_43] : memref<160000xi32, #tpu.memory_space<hbm>> -> memref<40xi32, #tpu.memory_space<hbm>>
        tpu.enqueue_dma source(%dma_start3A_99 : memref<40xi32, #tpu.memory_space<hbm>>) target(%arg8 : memref<40xi32, #tpu.memory_space<vmem>>) target_semaphore(%run_scoped3A : memref<!tpu.dma_semaphore, #tpu.memory_space<semaphore_mem>>)
        %dma_wait3A_100 = tpu.memref_slice %arg3[%multiple_of3A_43] : memref<160000xi32, #tpu.memory_space<hbm>> -> memref<40xi32, #tpu.memory_space<hbm>>
        %dma_wait3A_101 = tpu.memref_slice %arg3[%multiple_of3A_43] : memref<160000xi32, #tpu.memory_space<hbm>> -> memref<40xi32, #tpu.memory_space<hbm>>
        tpu.wait_dma2 semaphore(%run_scoped3A : memref<!tpu.dma_semaphore, #tpu.memory_space<semaphore_mem>>) src(%dma_wait3A_101 : memref<40xi32, #tpu.memory_space<hbm>>) dst(%arg8 : memref<40xi32, #tpu.memory_space<vmem>>)
        tpu.yield
      }) : () -> ()
      %dma_start3A = arith.constant 0 : i32
      %dma_start3A_44 = arith.constant 0 : i32
      %dma_start3A_45 = tpu.memref_slice %arg2[%dma_start3A, %dma_start3A_44] : memref<10000x384xi32, #tpu.memory_space<hbm>> -> memref<10000x384xi32, #tpu.memory_space<hbm>>
      tpu.enqueue_indirect_dma source(%dma_start3A_45 : memref<10000x384xi32, #tpu.memory_space<hbm>>) target(%arg9 : memref<40x384xi32, #tpu.memory_space<vmem>>) offsets(%arg5 : memref<40xi32, #tpu.memory_space<vmem>>) semaphore(%arg13 : memref<!tpu.dma_semaphore, #tpu.memory_space<semaphore_mem>>)
      %dma_start3A_46 = arith.constant 0 : i32
      %dma_start3A_47 = arith.constant 0 : i32
      %dma_start3A_48 = tpu.memref_slice %arg2[%dma_start3A_46, %dma_start3A_47] : memref<10000x384xi32, #tpu.memory_space<hbm>> -> memref<10000x384xi32, #tpu.memory_space<hbm>>
      tpu.enqueue_indirect_dma source(%dma_start3A_48 : memref<10000x384xi32, #tpu.memory_space<hbm>>) target(%arg10 : memref<40x384xi32, #tpu.memory_space<vmem>>) offsets(%arg6 : memref<40xi32, #tpu.memory_space<vmem>>) semaphore(%arg14 : memref<!tpu.dma_semaphore, #tpu.memory_space<semaphore_mem>>)
      %dma_start3A_49 = arith.constant 0 : i32
      %dma_start3A_50 = arith.constant 0 : i32
      %dma_start3A_51 = tpu.memref_slice %arg2[%dma_start3A_49, %dma_start3A_50] : memref<10000x384xi32, #tpu.memory_space<hbm>> -> memref<10000x384xi32, #tpu.memory_space<hbm>>
      tpu.enqueue_indirect_dma source(%dma_start3A_51 : memref<10000x384xi32, #tpu.memory_space<hbm>>) target(%arg11 : memref<40x384xi32, #tpu.memory_space<vmem>>) offsets(%arg7 : memref<40xi32, #tpu.memory_space<vmem>>) semaphore(%arg15 : memref<!tpu.dma_semaphore, #tpu.memory_space<semaphore_mem>>)
      %dma_start3A_52 = arith.constant 0 : i32
      %dma_start3A_53 = arith.constant 0 : i32
      %dma_start3A_54 = tpu.memref_slice %arg2[%dma_start3A_52, %dma_start3A_53] : memref<10000x384xi32, #tpu.memory_space<hbm>> -> memref<10000x384xi32, #tpu.memory_space<hbm>>
      tpu.enqueue_indirect_dma source(%dma_start3A_54 : memref<10000x384xi32, #tpu.memory_space<hbm>>) target(%arg12 : memref<40x384xi32, #tpu.memory_space<vmem>>) offsets(%arg8 : memref<40xi32, #tpu.memory_space<vmem>>) semaphore(%arg16 : memref<!tpu.dma_semaphore, #tpu.memory_space<semaphore_mem>>)
      %dma_wait3A = arith.constant 0 : i32
      %dma_wait3A_55 = arith.constant 0 : i32
      %dma_wait3A_56 = tpu.memref_slice %arg2[%dma_wait3A, %dma_wait3A_55] : memref<10000x384xi32, #tpu.memory_space<hbm>> -> memref<10000x384xi32, #tpu.memory_space<hbm>>
      tpu.wait_indirect_dma semaphore(%arg13 : memref<!tpu.dma_semaphore, #tpu.memory_space<semaphore_mem>>) src(%dma_wait3A_56 : memref<10000x384xi32, #tpu.memory_space<hbm>>) dst(%arg9 : memref<40x384xi32, #tpu.memory_space<vmem>>)
      %dma_start3A_57 = arith.constant 0 : i32
      %dma_start3A_58 = tpu.memref_slice %arg4[%multiple_of3A_19, %dma_start3A_57] : memref<160000x384xi32, #tpu.memory_space<hbm>> -> memref<40x384xi32, #tpu.memory_space<hbm>>
      %dma_start3A_59 = arith.constant 0 : i32
      %dma_start3A_60 = tpu.memref_slice %arg4[%multiple_of3A_19, %dma_start3A_59] : memref<160000x384xi32, #tpu.memory_space<hbm>> -> memref<40x384xi32, #tpu.memory_space<hbm>>
      tpu.enqueue_dma source(%arg9 : memref<40x384xi32, #tpu.memory_space<vmem>>) target(%dma_start3A_60 : memref<40x384xi32, #tpu.memory_space<hbm>>) target_semaphore(%arg17 : memref<!tpu.dma_semaphore, #tpu.memory_space<semaphore_mem>>)
      %dma_wait3A_61 = arith.constant 0 : i32
      %dma_wait3A_62 = arith.constant 0 : i32
      %dma_wait3A_63 = tpu.memref_slice %arg2[%dma_wait3A_61, %dma_wait3A_62] : memref<10000x384xi32, #tpu.memory_space<hbm>> -> memref<10000x384xi32, #tpu.memory_space<hbm>>
      tpu.wait_indirect_dma semaphore(%arg14 : memref<!tpu.dma_semaphore, #tpu.memory_space<semaphore_mem>>) src(%dma_wait3A_63 : memref<10000x384xi32, #tpu.memory_space<hbm>>) dst(%arg10 : memref<40x384xi32, #tpu.memory_space<vmem>>)
      %dma_start3A_64 = arith.constant 0 : i32
      %dma_start3A_65 = tpu.memref_slice %arg4[%multiple_of3A_27, %dma_start3A_64] : memref<160000x384xi32, #tpu.memory_space<hbm>> -> memref<40x384xi32, #tpu.memory_space<hbm>>
      %dma_start3A_66 = arith.constant 0 : i32
      %dma_start3A_67 = tpu.memref_slice %arg4[%multiple_of3A_27, %dma_start3A_66] : memref<160000x384xi32, #tpu.memory_space<hbm>> -> memref<40x384xi32, #tpu.memory_space<hbm>>
      tpu.enqueue_dma source(%arg10 : memref<40x384xi32, #tpu.memory_space<vmem>>) target(%dma_start3A_67 : memref<40x384xi32, #tpu.memory_space<hbm>>) target_semaphore(%arg18 : memref<!tpu.dma_semaphore, #tpu.memory_space<semaphore_mem>>)
      %dma_wait3A_68 = arith.constant 0 : i32
      %dma_wait3A_69 = arith.constant 0 : i32
      %dma_wait3A_70 = tpu.memref_slice %arg2[%dma_wait3A_68, %dma_wait3A_69] : memref<10000x384xi32, #tpu.memory_space<hbm>> -> memref<10000x384xi32, #tpu.memory_space<hbm>>
      tpu.wait_indirect_dma semaphore(%arg15 : memref<!tpu.dma_semaphore, #tpu.memory_space<semaphore_mem>>) src(%dma_wait3A_70 : memref<10000x384xi32, #tpu.memory_space<hbm>>) dst(%arg11 : memref<40x384xi32, #tpu.memory_space<vmem>>)
      %dma_start3A_71 = arith.constant 0 : i32
      %dma_start3A_72 = tpu.memref_slice %arg4[%multiple_of3A_35, %dma_start3A_71] : memref<160000x384xi32, #tpu.memory_space<hbm>> -> memref<40x384xi32, #tpu.memory_space<hbm>>
      %dma_start3A_73 = arith.constant 0 : i32
      %dma_start3A_74 = tpu.memref_slice %arg4[%multiple_of3A_35, %dma_start3A_73] : memref<160000x384xi32, #tpu.memory_space<hbm>> -> memref<40x384xi32, #tpu.memory_space<hbm>>
      tpu.enqueue_dma source(%arg11 : memref<40x384xi32, #tpu.memory_space<vmem>>) target(%dma_start3A_74 : memref<40x384xi32, #tpu.memory_space<hbm>>) target_semaphore(%arg19 : memref<!tpu.dma_semaphore, #tpu.memory_space<semaphore_mem>>)
      %dma_wait3A_75 = arith.constant 0 : i32
      %dma_wait3A_76 = arith.constant 0 : i32
      %dma_wait3A_77 = tpu.memref_slice %arg2[%dma_wait3A_75, %dma_wait3A_76] : memref<10000x384xi32, #tpu.memory_space<hbm>> -> memref<10000x384xi32, #tpu.memory_space<hbm>>
      tpu.wait_indirect_dma semaphore(%arg16 : memref<!tpu.dma_semaphore, #tpu.memory_space<semaphore_mem>>) src(%dma_wait3A_77 : memref<10000x384xi32, #tpu.memory_space<hbm>>) dst(%arg12 : memref<40x384xi32, #tpu.memory_space<vmem>>)
      %dma_start3A_78 = arith.constant 0 : i32
      %dma_start3A_79 = tpu.memref_slice %arg4[%multiple_of3A_43, %dma_start3A_78] : memref<160000x384xi32, #tpu.memory_space<hbm>> -> memref<40x384xi32, #tpu.memory_space<hbm>>
      %dma_start3A_80 = arith.constant 0 : i32
      %dma_start3A_81 = tpu.memref_slice %arg4[%multiple_of3A_43, %dma_start3A_80] : memref<160000x384xi32, #tpu.memory_space<hbm>> -> memref<40x384xi32, #tpu.memory_space<hbm>>
      tpu.enqueue_dma source(%arg12 : memref<40x384xi32, #tpu.memory_space<vmem>>) target(%dma_start3A_81 : memref<40x384xi32, #tpu.memory_space<hbm>>) target_semaphore(%arg20 : memref<!tpu.dma_semaphore, #tpu.memory_space<semaphore_mem>>)
      %dma_wait3A_82 = arith.constant 0 : i32
      %dma_wait3A_83 = tpu.memref_slice %arg4[%multiple_of3A_19, %dma_wait3A_82] : memref<160000x384xi32, #tpu.memory_space<hbm>> -> memref<40x384xi32, #tpu.memory_space<hbm>>
      %dma_wait3A_84 = arith.constant 0 : i32
      %dma_wait3A_85 = tpu.memref_slice %arg4[%multiple_of3A_19, %dma_wait3A_84] : memref<160000x384xi32, #tpu.memory_space<hbm>> -> memref<40x384xi32, #tpu.memory_space<hbm>>
      tpu.wait_dma2 semaphore(%arg17 : memref<!tpu.dma_semaphore, #tpu.memory_space<semaphore_mem>>) src(%arg9 : memref<40x384xi32, #tpu.memory_space<vmem>>) dst(%dma_wait3A_85 : memref<40x384xi32, #tpu.memory_space<hbm>>)
      %dma_wait3A_86 = arith.constant 0 : i32
      %dma_wait3A_87 = tpu.memref_slice %arg4[%multiple_of3A_27, %dma_wait3A_86] : memref<160000x384xi32, #tpu.memory_space<hbm>> -> memref<40x384xi32, #tpu.memory_space<hbm>>
      %dma_wait3A_88 = arith.constant 0 : i32
      %dma_wait3A_89 = tpu.memref_slice %arg4[%multiple_of3A_27, %dma_wait3A_88] : memref<160000x384xi32, #tpu.memory_space<hbm>> -> memref<40x384xi32, #tpu.memory_space<hbm>>
      tpu.wait_dma2 semaphore(%arg18 : memref<!tpu.dma_semaphore, #tpu.memory_space<semaphore_mem>>) src(%arg10 : memref<40x384xi32, #tpu.memory_space<vmem>>) dst(%dma_wait3A_89 : memref<40x384xi32, #tpu.memory_space<hbm>>)
      %dma_wait3A_90 = arith.constant 0 : i32
      %dma_wait3A_91 = tpu.memref_slice %arg4[%multiple_of3A_35, %dma_wait3A_90] : memref<160000x384xi32, #tpu.memory_space<hbm>> -> memref<40x384xi32, #tpu.memory_space<hbm>>
      %dma_wait3A_92 = arith.constant 0 : i32
      %dma_wait3A_93 = tpu.memref_slice %arg4[%multiple_of3A_35, %dma_wait3A_92] : memref<160000x384xi32, #tpu.memory_space<hbm>> -> memref<40x384xi32, #tpu.memory_space<hbm>>
      tpu.wait_dma2 semaphore(%arg19 : memref<!tpu.dma_semaphore, #tpu.memory_space<semaphore_mem>>) src(%arg11 : memref<40x384xi32, #tpu.memory_space<vmem>>) dst(%dma_wait3A_93 : memref<40x384xi32, #tpu.memory_space<hbm>>)
      %dma_wait3A_94 = arith.constant 0 : i32
      %dma_wait3A_95 = tpu.memref_slice %arg4[%multiple_of3A_43, %dma_wait3A_94] : memref<160000x384xi32, #tpu.memory_space<hbm>> -> memref<40x384xi32, #tpu.memory_space<hbm>>
      %dma_wait3A_96 = arith.constant 0 : i32
      %dma_wait3A_97 = tpu.memref_slice %arg4[%multiple_of3A_43, %dma_wait3A_96] : memref<160000x384xi32, #tpu.memory_space<hbm>> -> memref<40x384xi32, #tpu.memory_space<hbm>>
      tpu.wait_dma2 semaphore(%arg20 : memref<!tpu.dma_semaphore, #tpu.memory_space<semaphore_mem>>) src(%arg12 : memref<40x384xi32, #tpu.memory_space<vmem>>) dst(%dma_wait3A_97 : memref<40x384xi32, #tpu.memory_space<hbm>>)
    }
    %scan3A_6 = arith.constant 31 : i32
    %add3A_7 = arith.constant 4960 : i32
    %add3A_8 = arith.addi %mul3A_2, %add3A_7 : i32
    %multiple_of3A = tpu.assume_multiple %add3A_8, 8 : i32
    "tpu.region"() ({
      %run_scoped3A = tpu.sem_alloc : memref<!tpu.dma_semaphore, #tpu.memory_space<semaphore_mem>>
      %dma_start3A = tpu.memref_slice %arg3[%multiple_of3A] : memref<160000xi32, #tpu.memory_space<hbm>> -> memref<40xi32, #tpu.memory_space<hbm>>
      %dma_start3A_9 = tpu.memref_slice %arg3[%multiple_of3A] : memref<160000xi32, #tpu.memory_space<hbm>> -> memref<40xi32, #tpu.memory_space<hbm>>
      tpu.enqueue_dma source(%dma_start3A_9 : memref<40xi32, #tpu.memory_space<hbm>>) target(%arg5 : memref<40xi32, #tpu.memory_space<vmem>>) target_semaphore(%run_scoped3A : memref<!tpu.dma_semaphore, #tpu.memory_space<semaphore_mem>>)
      %dma_wait3A = tpu.memref_slice %arg3[%multiple_of3A] : memref<160000xi32, #tpu.memory_space<hbm>> -> memref<40xi32, #tpu.memory_space<hbm>>
      %dma_wait3A_10 = tpu.memref_slice %arg3[%multiple_of3A] : memref<160000xi32, #tpu.memory_space<hbm>> -> memref<40xi32, #tpu.memory_space<hbm>>
      tpu.wait_dma2 semaphore(%run_scoped3A : memref<!tpu.dma_semaphore, #tpu.memory_space<semaphore_mem>>) src(%dma_wait3A_10 : memref<40xi32, #tpu.memory_space<hbm>>) dst(%arg5 : memref<40xi32, #tpu.memory_space<vmem>>)
      tpu.yield
    }) : () -> ()
    "tpu.region"() ({
      %run_scoped3A = tpu.sem_alloc : memref<!tpu.dma_semaphore, #tpu.memory_space<semaphore_mem>>
      %dma_start3A = arith.constant 0 : i32
      %dma_start3A_9 = arith.constant 0 : i32
      %dma_start3A_10 = tpu.memref_slice %arg2[%dma_start3A, %dma_start3A_9] : memref<10000x384xi32, #tpu.memory_space<hbm>> -> memref<10000x384xi32, #tpu.memory_space<hbm>>
      tpu.enqueue_indirect_dma source(%dma_start3A_10 : memref<10000x384xi32, #tpu.memory_space<hbm>>) target(%arg9 : memref<40x384xi32, #tpu.memory_space<vmem>>) offsets(%arg5 : memref<40xi32, #tpu.memory_space<vmem>>) semaphore(%run_scoped3A : memref<!tpu.dma_semaphore, #tpu.memory_space<semaphore_mem>>)
      %dma_wait3A = arith.constant 0 : i32
      %dma_wait3A_11 = arith.constant 0 : i32
      %dma_wait3A_12 = tpu.memref_slice %arg2[%dma_wait3A, %dma_wait3A_11] : memref<10000x384xi32, #tpu.memory_space<hbm>> -> memref<10000x384xi32, #tpu.memory_space<hbm>>
      tpu.wait_indirect_dma semaphore(%run_scoped3A : memref<!tpu.dma_semaphore, #tpu.memory_space<semaphore_mem>>) src(%dma_wait3A_12 : memref<10000x384xi32, #tpu.memory_space<hbm>>) dst(%arg9 : memref<40x384xi32, #tpu.memory_space<vmem>>)
      tpu.yield
    }) : () -> ()
    "tpu.region"() ({
      %run_scoped3A = tpu.sem_alloc : memref<!tpu.dma_semaphore, #tpu.memory_space<semaphore_mem>>
      %dma_start3A = arith.constant 0 : i32
      %dma_start3A_9 = tpu.memref_slice %arg4[%multiple_of3A, %dma_start3A] : memref<160000x384xi32, #tpu.memory_space<hbm>> -> memref<40x384xi32, #tpu.memory_space<hbm>>
      %dma_start3A_10 = arith.constant 0 : i32
      %dma_start3A_11 = tpu.memref_slice %arg4[%multiple_of3A, %dma_start3A_10] : memref<160000x384xi32, #tpu.memory_space<hbm>> -> memref<40x384xi32, #tpu.memory_space<hbm>>
      tpu.enqueue_dma source(%arg9 : memref<40x384xi32, #tpu.memory_space<vmem>>) target(%dma_start3A_11 : memref<40x384xi32, #tpu.memory_space<hbm>>) target_semaphore(%run_scoped3A : memref<!tpu.dma_semaphore, #tpu.memory_space<semaphore_mem>>)
      %dma_wait3A = arith.constant 0 : i32
      %dma_wait3A_12 = tpu.memref_slice %arg4[%multiple_of3A, %dma_wait3A] : memref<160000x384xi32, #tpu.memory_space<hbm>> -> memref<40x384xi32, #tpu.memory_space<hbm>>
      %dma_wait3A_13 = arith.constant 0 : i32
      %dma_wait3A_14 = tpu.memref_slice %arg4[%multiple_of3A, %dma_wait3A_13] : memref<160000x384xi32, #tpu.memory_space<hbm>> -> memref<40x384xi32, #tpu.memory_space<hbm>>
      tpu.wait_dma2 semaphore(%run_scoped3A : memref<!tpu.dma_semaphore, #tpu.memory_space<semaphore_mem>>) src(%arg9 : memref<40x384xi32, #tpu.memory_space<vmem>>) dst(%dma_wait3A_14 : memref<40x384xi32, #tpu.memory_space<hbm>>)
      tpu.yield
    }) : () -> ()
    return
  }
}

#map = affine_map<(d0, d1) -> (0, 0)>
#map1 = affine_map<(d0, d1) -> (0)>
module attributes {stable_mosaic.version = 14 : i64} {
  func.func @_qk_gather_body(%arg0: i32, %arg1: i32, %arg2: memref<10000x128xf32, #tpu.memory_space<hbm>>, %arg3: memref<10000x128xf32, #tpu.memory_space<hbm>>, %arg4: memref<160000xi32, #tpu.memory_space<hbm>>, %arg5: memref<160000xi32, #tpu.memory_space<hbm>>, %arg6: memref<160000x128xf32, #tpu.memory_space<hbm>>, %arg7: memref<160000x128xf32, #tpu.memory_space<hbm>>, %arg8: memref<200xi32, #tpu.memory_space<vmem>>, %arg9: memref<200xi32, #tpu.memory_space<vmem>>, %arg10: memref<200xi32, #tpu.memory_space<vmem>>, %arg11: memref<200xi32, #tpu.memory_space<vmem>>, %arg12: memref<200x128xf32, #tpu.memory_space<vmem>>, %arg13: memref<200x128xf32, #tpu.memory_space<vmem>>, %arg14: memref<200x128xf32, #tpu.memory_space<vmem>>, %arg15: memref<200x128xf32, #tpu.memory_space<vmem>>, %arg16: memref<!tpu.dma_semaphore, #tpu.memory_space<semaphore_mem>>, %arg17: memref<!tpu.dma_semaphore, #tpu.memory_space<semaphore_mem>>, %arg18: memref<!tpu.dma_semaphore, #tpu.memory_space<semaphore_mem>>, %arg19: memref<!tpu.dma_semaphore, #tpu.memory_space<semaphore_mem>>, %arg20: memref<!tpu.dma_semaphore, #tpu.memory_space<semaphore_mem>>, %arg21: memref<!tpu.dma_semaphore, #tpu.memory_space<semaphore_mem>>, %arg22: memref<!tpu.dma_semaphore, #tpu.memory_space<semaphore_mem>>, %arg23: memref<!tpu.dma_semaphore, #tpu.memory_space<semaphore_mem>>) attributes {dimension_semantics = [#tpu.dimension_semantics<core_parallel>, #tpu.dimension_semantics<subcore_parallel>], iteration_bounds = array<i64: 2, 16>, scalar_prefetch = 0 : i64, scratch_operands = 16 : i64, tpu.core_type = #tpu.core_type<sc_vector_subcore>, window_params = [{transform_indices = #map}, {transform_indices = #map}, {transform_indices = #map1}, {transform_indices = #map1}, {transform_indices = #map}, {transform_indices = #map}]} {
    %mul3A = arith.constant 2 : i32
    %mul3A_0 = arith.muli %arg1, %mul3A : i32
    %add3A = arith.addi %mul3A_0, %arg0 : i32
    %mul3A_1 = arith.constant 5000 : i32
    %mul3A_2 = arith.muli %add3A, %mul3A_1 : i32
    %scan3A = arith.constant 0 : i32
    %scan3A_3 = arith.constant 12 : i32
    %scan3A_4 = arith.addi %scan3A, %scan3A_3 : i32
    %scan3A_5 = arith.constant 1 : i32
    scf.for %scan3A_19 = %scan3A to %scan3A_4 step %scan3A_5  : i32 {
      %mul3A_20 = arith.constant 1 : i32
      %mul3A_21 = arith.muli %scan3A_19, %mul3A_20 : i32
      %add3A_22 = arith.constant 0 : i32
      %add3A_23 = arith.addi %add3A_22, %mul3A_21 : i32
      %mul3A_24 = arith.constant 2 : i32
      %mul3A_25 = arith.muli %mul3A_24, %add3A_23 : i32
      %mul3A_26 = arith.constant 200 : i32
      %mul3A_27 = arith.muli %mul3A_25, %mul3A_26 : i32
      %add3A_28 = arith.addi %mul3A_2, %mul3A_27 : i32
      %multiple_of3A_29 = tpu.assume_multiple %add3A_28, 8 : i32
      %mul3A_30 = arith.constant 2 : i32
      %mul3A_31 = arith.muli %mul3A_30, %add3A_23 : i32
      %add3A_32 = arith.constant 1 : i32
      %add3A_33 = arith.addi %mul3A_31, %add3A_32 : i32
      %mul3A_34 = arith.constant 200 : i32
      %mul3A_35 = arith.muli %add3A_33, %mul3A_34 : i32
      %add3A_36 = arith.addi %mul3A_2, %mul3A_35 : i32
      %multiple_of3A_37 = tpu.assume_multiple %add3A_36, 8 : i32
      "tpu.region"() ({
        %run_scoped3A = tpu.sem_alloc : memref<!tpu.dma_semaphore, #tpu.memory_space<semaphore_mem>>
        %dma_start3A_94 = tpu.memref_slice %arg4[%multiple_of3A_29] : memref<160000xi32, #tpu.memory_space<hbm>> -> memref<200xi32, #tpu.memory_space<hbm>>
        %dma_start3A_95 = tpu.memref_slice %arg4[%multiple_of3A_29] : memref<160000xi32, #tpu.memory_space<hbm>> -> memref<200xi32, #tpu.memory_space<hbm>>
        tpu.enqueue_dma source(%dma_start3A_95 : memref<200xi32, #tpu.memory_space<hbm>>) target(%arg8 : memref<200xi32, #tpu.memory_space<vmem>>) target_semaphore(%run_scoped3A : memref<!tpu.dma_semaphore, #tpu.memory_space<semaphore_mem>>)
        %dma_wait3A_96 = tpu.memref_slice %arg4[%multiple_of3A_29] : memref<160000xi32, #tpu.memory_space<hbm>> -> memref<200xi32, #tpu.memory_space<hbm>>
        %dma_wait3A_97 = tpu.memref_slice %arg4[%multiple_of3A_29] : memref<160000xi32, #tpu.memory_space<hbm>> -> memref<200xi32, #tpu.memory_space<hbm>>
        tpu.wait_dma2 semaphore(%run_scoped3A : memref<!tpu.dma_semaphore, #tpu.memory_space<semaphore_mem>>) src(%dma_wait3A_97 : memref<200xi32, #tpu.memory_space<hbm>>) dst(%arg8 : memref<200xi32, #tpu.memory_space<vmem>>)
        tpu.yield
      }) : () -> ()
      "tpu.region"() ({
        %run_scoped3A = tpu.sem_alloc : memref<!tpu.dma_semaphore, #tpu.memory_space<semaphore_mem>>
        %dma_start3A_94 = tpu.memref_slice %arg5[%multiple_of3A_29] : memref<160000xi32, #tpu.memory_space<hbm>> -> memref<200xi32, #tpu.memory_space<hbm>>
        %dma_start3A_95 = tpu.memref_slice %arg5[%multiple_of3A_29] : memref<160000xi32, #tpu.memory_space<hbm>> -> memref<200xi32, #tpu.memory_space<hbm>>
        tpu.enqueue_dma source(%dma_start3A_95 : memref<200xi32, #tpu.memory_space<hbm>>) target(%arg9 : memref<200xi32, #tpu.memory_space<vmem>>) target_semaphore(%run_scoped3A : memref<!tpu.dma_semaphore, #tpu.memory_space<semaphore_mem>>)
        %dma_wait3A_96 = tpu.memref_slice %arg5[%multiple_of3A_29] : memref<160000xi32, #tpu.memory_space<hbm>> -> memref<200xi32, #tpu.memory_space<hbm>>
        %dma_wait3A_97 = tpu.memref_slice %arg5[%multiple_of3A_29] : memref<160000xi32, #tpu.memory_space<hbm>> -> memref<200xi32, #tpu.memory_space<hbm>>
        tpu.wait_dma2 semaphore(%run_scoped3A : memref<!tpu.dma_semaphore, #tpu.memory_space<semaphore_mem>>) src(%dma_wait3A_97 : memref<200xi32, #tpu.memory_space<hbm>>) dst(%arg9 : memref<200xi32, #tpu.memory_space<vmem>>)
        tpu.yield
      }) : () -> ()
      "tpu.region"() ({
        %run_scoped3A = tpu.sem_alloc : memref<!tpu.dma_semaphore, #tpu.memory_space<semaphore_mem>>
        %dma_start3A_94 = tpu.memref_slice %arg4[%multiple_of3A_37] : memref<160000xi32, #tpu.memory_space<hbm>> -> memref<200xi32, #tpu.memory_space<hbm>>
        %dma_start3A_95 = tpu.memref_slice %arg4[%multiple_of3A_37] : memref<160000xi32, #tpu.memory_space<hbm>> -> memref<200xi32, #tpu.memory_space<hbm>>
        tpu.enqueue_dma source(%dma_start3A_95 : memref<200xi32, #tpu.memory_space<hbm>>) target(%arg10 : memref<200xi32, #tpu.memory_space<vmem>>) target_semaphore(%run_scoped3A : memref<!tpu.dma_semaphore, #tpu.memory_space<semaphore_mem>>)
        %dma_wait3A_96 = tpu.memref_slice %arg4[%multiple_of3A_37] : memref<160000xi32, #tpu.memory_space<hbm>> -> memref<200xi32, #tpu.memory_space<hbm>>
        %dma_wait3A_97 = tpu.memref_slice %arg4[%multiple_of3A_37] : memref<160000xi32, #tpu.memory_space<hbm>> -> memref<200xi32, #tpu.memory_space<hbm>>
        tpu.wait_dma2 semaphore(%run_scoped3A : memref<!tpu.dma_semaphore, #tpu.memory_space<semaphore_mem>>) src(%dma_wait3A_97 : memref<200xi32, #tpu.memory_space<hbm>>) dst(%arg10 : memref<200xi32, #tpu.memory_space<vmem>>)
        tpu.yield
      }) : () -> ()
      "tpu.region"() ({
        %run_scoped3A = tpu.sem_alloc : memref<!tpu.dma_semaphore, #tpu.memory_space<semaphore_mem>>
        %dma_start3A_94 = tpu.memref_slice %arg5[%multiple_of3A_37] : memref<160000xi32, #tpu.memory_space<hbm>> -> memref<200xi32, #tpu.memory_space<hbm>>
        %dma_start3A_95 = tpu.memref_slice %arg5[%multiple_of3A_37] : memref<160000xi32, #tpu.memory_space<hbm>> -> memref<200xi32, #tpu.memory_space<hbm>>
        tpu.enqueue_dma source(%dma_start3A_95 : memref<200xi32, #tpu.memory_space<hbm>>) target(%arg11 : memref<200xi32, #tpu.memory_space<vmem>>) target_semaphore(%run_scoped3A : memref<!tpu.dma_semaphore, #tpu.memory_space<semaphore_mem>>)
        %dma_wait3A_96 = tpu.memref_slice %arg5[%multiple_of3A_37] : memref<160000xi32, #tpu.memory_space<hbm>> -> memref<200xi32, #tpu.memory_space<hbm>>
        %dma_wait3A_97 = tpu.memref_slice %arg5[%multiple_of3A_37] : memref<160000xi32, #tpu.memory_space<hbm>> -> memref<200xi32, #tpu.memory_space<hbm>>
        tpu.wait_dma2 semaphore(%run_scoped3A : memref<!tpu.dma_semaphore, #tpu.memory_space<semaphore_mem>>) src(%dma_wait3A_97 : memref<200xi32, #tpu.memory_space<hbm>>) dst(%arg11 : memref<200xi32, #tpu.memory_space<vmem>>)
        tpu.yield
      }) : () -> ()
      %dma_start3A_38 = arith.constant 0 : i32
      %dma_start3A_39 = arith.constant 0 : i32
      %dma_start3A_40 = tpu.memref_slice %arg2[%dma_start3A_38, %dma_start3A_39] : memref<10000x128xf32, #tpu.memory_space<hbm>> -> memref<10000x128xf32, #tpu.memory_space<hbm>>
      tpu.enqueue_indirect_dma source(%dma_start3A_40 : memref<10000x128xf32, #tpu.memory_space<hbm>>) target(%arg12 : memref<200x128xf32, #tpu.memory_space<vmem>>) offsets(%arg8 : memref<200xi32, #tpu.memory_space<vmem>>) semaphore(%arg16 : memref<!tpu.dma_semaphore, #tpu.memory_space<semaphore_mem>>)
      %dma_start3A_41 = arith.constant 0 : i32
      %dma_start3A_42 = arith.constant 0 : i32
      %dma_start3A_43 = tpu.memref_slice %arg3[%dma_start3A_41, %dma_start3A_42] : memref<10000x128xf32, #tpu.memory_space<hbm>> -> memref<10000x128xf32, #tpu.memory_space<hbm>>
      tpu.enqueue_indirect_dma source(%dma_start3A_43 : memref<10000x128xf32, #tpu.memory_space<hbm>>) target(%arg13 : memref<200x128xf32, #tpu.memory_space<vmem>>) offsets(%arg9 : memref<200xi32, #tpu.memory_space<vmem>>) semaphore(%arg17 : memref<!tpu.dma_semaphore, #tpu.memory_space<semaphore_mem>>)
      %dma_start3A_44 = arith.constant 0 : i32
      %dma_start3A_45 = arith.constant 0 : i32
      %dma_start3A_46 = tpu.memref_slice %arg2[%dma_start3A_44, %dma_start3A_45] : memref<10000x128xf32, #tpu.memory_space<hbm>> -> memref<10000x128xf32, #tpu.memory_space<hbm>>
      tpu.enqueue_indirect_dma source(%dma_start3A_46 : memref<10000x128xf32, #tpu.memory_space<hbm>>) target(%arg14 : memref<200x128xf32, #tpu.memory_space<vmem>>) offsets(%arg10 : memref<200xi32, #tpu.memory_space<vmem>>) semaphore(%arg18 : memref<!tpu.dma_semaphore, #tpu.memory_space<semaphore_mem>>)
      %dma_start3A_47 = arith.constant 0 : i32
      %dma_start3A_48 = arith.constant 0 : i32
      %dma_start3A_49 = tpu.memref_slice %arg3[%dma_start3A_47, %dma_start3A_48] : memref<10000x128xf32, #tpu.memory_space<hbm>> -> memref<10000x128xf32, #tpu.memory_space<hbm>>
      tpu.enqueue_indirect_dma source(%dma_start3A_49 : memref<10000x128xf32, #tpu.memory_space<hbm>>) target(%arg15 : memref<200x128xf32, #tpu.memory_space<vmem>>) offsets(%arg11 : memref<200xi32, #tpu.memory_space<vmem>>) semaphore(%arg19 : memref<!tpu.dma_semaphore, #tpu.memory_space<semaphore_mem>>)
      %dma_wait3A_50 = arith.constant 0 : i32
      %dma_wait3A_51 = arith.constant 0 : i32
      %dma_wait3A_52 = tpu.memref_slice %arg2[%dma_wait3A_50, %dma_wait3A_51] : memref<10000x128xf32, #tpu.memory_space<hbm>> -> memref<10000x128xf32, #tpu.memory_space<hbm>>
      tpu.wait_indirect_dma semaphore(%arg16 : memref<!tpu.dma_semaphore, #tpu.memory_space<semaphore_mem>>) src(%dma_wait3A_52 : memref<10000x128xf32, #tpu.memory_space<hbm>>) dst(%arg12 : memref<200x128xf32, #tpu.memory_space<vmem>>)
      %dma_start3A_53 = arith.constant 0 : i32
      %dma_start3A_54 = tpu.memref_slice %arg6[%multiple_of3A_29, %dma_start3A_53] : memref<160000x128xf32, #tpu.memory_space<hbm>> -> memref<200x128xf32, #tpu.memory_space<hbm>>
      %dma_start3A_55 = arith.constant 0 : i32
      %dma_start3A_56 = tpu.memref_slice %arg6[%multiple_of3A_29, %dma_start3A_55] : memref<160000x128xf32, #tpu.memory_space<hbm>> -> memref<200x128xf32, #tpu.memory_space<hbm>>
      tpu.enqueue_dma source(%arg12 : memref<200x128xf32, #tpu.memory_space<vmem>>) target(%dma_start3A_56 : memref<200x128xf32, #tpu.memory_space<hbm>>) target_semaphore(%arg20 : memref<!tpu.dma_semaphore, #tpu.memory_space<semaphore_mem>>)
      %dma_wait3A_57 = arith.constant 0 : i32
      %dma_wait3A_58 = arith.constant 0 : i32
      %dma_wait3A_59 = tpu.memref_slice %arg3[%dma_wait3A_57, %dma_wait3A_58] : memref<10000x128xf32, #tpu.memory_space<hbm>> -> memref<10000x128xf32, #tpu.memory_space<hbm>>
      tpu.wait_indirect_dma semaphore(%arg17 : memref<!tpu.dma_semaphore, #tpu.memory_space<semaphore_mem>>) src(%dma_wait3A_59 : memref<10000x128xf32, #tpu.memory_space<hbm>>) dst(%arg13 : memref<200x128xf32, #tpu.memory_space<vmem>>)
      %dma_start3A_60 = arith.constant 0 : i32
      %dma_start3A_61 = tpu.memref_slice %arg7[%multiple_of3A_29, %dma_start3A_60] : memref<160000x128xf32, #tpu.memory_space<hbm>> -> memref<200x128xf32, #tpu.memory_space<hbm>>
      %dma_start3A_62 = arith.constant 0 : i32
      %dma_start3A_63 = tpu.memref_slice %arg7[%multiple_of3A_29, %dma_start3A_62] : memref<160000x128xf32, #tpu.memory_space<hbm>> -> memref<200x128xf32, #tpu.memory_space<hbm>>
      tpu.enqueue_dma source(%arg13 : memref<200x128xf32, #tpu.memory_space<vmem>>) target(%dma_start3A_63 : memref<200x128xf32, #tpu.memory_space<hbm>>) target_semaphore(%arg21 : memref<!tpu.dma_semaphore, #tpu.memory_space<semaphore_mem>>)
      %dma_wait3A_64 = arith.constant 0 : i32
      %dma_wait3A_65 = arith.constant 0 : i32
      %dma_wait3A_66 = tpu.memref_slice %arg2[%dma_wait3A_64, %dma_wait3A_65] : memref<10000x128xf32, #tpu.memory_space<hbm>> -> memref<10000x128xf32, #tpu.memory_space<hbm>>
      tpu.wait_indirect_dma semaphore(%arg18 : memref<!tpu.dma_semaphore, #tpu.memory_space<semaphore_mem>>) src(%dma_wait3A_66 : memref<10000x128xf32, #tpu.memory_space<hbm>>) dst(%arg14 : memref<200x128xf32, #tpu.memory_space<vmem>>)
      %dma_start3A_67 = arith.constant 0 : i32
      %dma_start3A_68 = tpu.memref_slice %arg6[%multiple_of3A_37, %dma_start3A_67] : memref<160000x128xf32, #tpu.memory_space<hbm>> -> memref<200x128xf32, #tpu.memory_space<hbm>>
      %dma_start3A_69 = arith.constant 0 : i32
      %dma_start3A_70 = tpu.memref_slice %arg6[%multiple_of3A_37, %dma_start3A_69] : memref<160000x128xf32, #tpu.memory_space<hbm>> -> memref<200x128xf32, #tpu.memory_space<hbm>>
      tpu.enqueue_dma source(%arg14 : memref<200x128xf32, #tpu.memory_space<vmem>>) target(%dma_start3A_70 : memref<200x128xf32, #tpu.memory_space<hbm>>) target_semaphore(%arg22 : memref<!tpu.dma_semaphore, #tpu.memory_space<semaphore_mem>>)
      %dma_wait3A_71 = arith.constant 0 : i32
      %dma_wait3A_72 = arith.constant 0 : i32
      %dma_wait3A_73 = tpu.memref_slice %arg3[%dma_wait3A_71, %dma_wait3A_72] : memref<10000x128xf32, #tpu.memory_space<hbm>> -> memref<10000x128xf32, #tpu.memory_space<hbm>>
      tpu.wait_indirect_dma semaphore(%arg19 : memref<!tpu.dma_semaphore, #tpu.memory_space<semaphore_mem>>) src(%dma_wait3A_73 : memref<10000x128xf32, #tpu.memory_space<hbm>>) dst(%arg15 : memref<200x128xf32, #tpu.memory_space<vmem>>)
      %dma_start3A_74 = arith.constant 0 : i32
      %dma_start3A_75 = tpu.memref_slice %arg7[%multiple_of3A_37, %dma_start3A_74] : memref<160000x128xf32, #tpu.memory_space<hbm>> -> memref<200x128xf32, #tpu.memory_space<hbm>>
      %dma_start3A_76 = arith.constant 0 : i32
      %dma_start3A_77 = tpu.memref_slice %arg7[%multiple_of3A_37, %dma_start3A_76] : memref<160000x128xf32, #tpu.memory_space<hbm>> -> memref<200x128xf32, #tpu.memory_space<hbm>>
      tpu.enqueue_dma source(%arg15 : memref<200x128xf32, #tpu.memory_space<vmem>>) target(%dma_start3A_77 : memref<200x128xf32, #tpu.memory_space<hbm>>) target_semaphore(%arg23 : memref<!tpu.dma_semaphore, #tpu.memory_space<semaphore_mem>>)
      %dma_wait3A_78 = arith.constant 0 : i32
      %dma_wait3A_79 = tpu.memref_slice %arg6[%multiple_of3A_29, %dma_wait3A_78] : memref<160000x128xf32, #tpu.memory_space<hbm>> -> memref<200x128xf32, #tpu.memory_space<hbm>>
      %dma_wait3A_80 = arith.constant 0 : i32
      %dma_wait3A_81 = tpu.memref_slice %arg6[%multiple_of3A_29, %dma_wait3A_80] : memref<160000x128xf32, #tpu.memory_space<hbm>> -> memref<200x128xf32, #tpu.memory_space<hbm>>
      tpu.wait_dma2 semaphore(%arg20 : memref<!tpu.dma_semaphore, #tpu.memory_space<semaphore_mem>>) src(%arg12 : memref<200x128xf32, #tpu.memory_space<vmem>>) dst(%dma_wait3A_81 : memref<200x128xf32, #tpu.memory_space<hbm>>)
      %dma_wait3A_82 = arith.constant 0 : i32
      %dma_wait3A_83 = tpu.memref_slice %arg7[%multiple_of3A_29, %dma_wait3A_82] : memref<160000x128xf32, #tpu.memory_space<hbm>> -> memref<200x128xf32, #tpu.memory_space<hbm>>
      %dma_wait3A_84 = arith.constant 0 : i32
      %dma_wait3A_85 = tpu.memref_slice %arg7[%multiple_of3A_29, %dma_wait3A_84] : memref<160000x128xf32, #tpu.memory_space<hbm>> -> memref<200x128xf32, #tpu.memory_space<hbm>>
      tpu.wait_dma2 semaphore(%arg21 : memref<!tpu.dma_semaphore, #tpu.memory_space<semaphore_mem>>) src(%arg13 : memref<200x128xf32, #tpu.memory_space<vmem>>) dst(%dma_wait3A_85 : memref<200x128xf32, #tpu.memory_space<hbm>>)
      %dma_wait3A_86 = arith.constant 0 : i32
      %dma_wait3A_87 = tpu.memref_slice %arg6[%multiple_of3A_37, %dma_wait3A_86] : memref<160000x128xf32, #tpu.memory_space<hbm>> -> memref<200x128xf32, #tpu.memory_space<hbm>>
      %dma_wait3A_88 = arith.constant 0 : i32
      %dma_wait3A_89 = tpu.memref_slice %arg6[%multiple_of3A_37, %dma_wait3A_88] : memref<160000x128xf32, #tpu.memory_space<hbm>> -> memref<200x128xf32, #tpu.memory_space<hbm>>
      tpu.wait_dma2 semaphore(%arg22 : memref<!tpu.dma_semaphore, #tpu.memory_space<semaphore_mem>>) src(%arg14 : memref<200x128xf32, #tpu.memory_space<vmem>>) dst(%dma_wait3A_89 : memref<200x128xf32, #tpu.memory_space<hbm>>)
      %dma_wait3A_90 = arith.constant 0 : i32
      %dma_wait3A_91 = tpu.memref_slice %arg7[%multiple_of3A_37, %dma_wait3A_90] : memref<160000x128xf32, #tpu.memory_space<hbm>> -> memref<200x128xf32, #tpu.memory_space<hbm>>
      %dma_wait3A_92 = arith.constant 0 : i32
      %dma_wait3A_93 = tpu.memref_slice %arg7[%multiple_of3A_37, %dma_wait3A_92] : memref<160000x128xf32, #tpu.memory_space<hbm>> -> memref<200x128xf32, #tpu.memory_space<hbm>>
      tpu.wait_dma2 semaphore(%arg23 : memref<!tpu.dma_semaphore, #tpu.memory_space<semaphore_mem>>) src(%arg15 : memref<200x128xf32, #tpu.memory_space<vmem>>) dst(%dma_wait3A_93 : memref<200x128xf32, #tpu.memory_space<hbm>>)
    }
    %scan3A_6 = arith.constant 12 : i32
    %add3A_7 = arith.constant 4800 : i32
    %add3A_8 = arith.addi %mul3A_2, %add3A_7 : i32
    %multiple_of3A = tpu.assume_multiple %add3A_8, 8 : i32
    "tpu.region"() ({
      %run_scoped3A = tpu.sem_alloc : memref<!tpu.dma_semaphore, #tpu.memory_space<semaphore_mem>>
      %dma_start3A_19 = tpu.memref_slice %arg4[%multiple_of3A] : memref<160000xi32, #tpu.memory_space<hbm>> -> memref<200xi32, #tpu.memory_space<hbm>>
      %dma_start3A_20 = tpu.memref_slice %arg4[%multiple_of3A] : memref<160000xi32, #tpu.memory_space<hbm>> -> memref<200xi32, #tpu.memory_space<hbm>>
      tpu.enqueue_dma source(%dma_start3A_20 : memref<200xi32, #tpu.memory_space<hbm>>) target(%arg8 : memref<200xi32, #tpu.memory_space<vmem>>) target_semaphore(%run_scoped3A : memref<!tpu.dma_semaphore, #tpu.memory_space<semaphore_mem>>)
      %dma_wait3A_21 = tpu.memref_slice %arg4[%multiple_of3A] : memref<160000xi32, #tpu.memory_space<hbm>> -> memref<200xi32, #tpu.memory_space<hbm>>
      %dma_wait3A_22 = tpu.memref_slice %arg4[%multiple_of3A] : memref<160000xi32, #tpu.memory_space<hbm>> -> memref<200xi32, #tpu.memory_space<hbm>>
      tpu.wait_dma2 semaphore(%run_scoped3A : memref<!tpu.dma_semaphore, #tpu.memory_space<semaphore_mem>>) src(%dma_wait3A_22 : memref<200xi32, #tpu.memory_space<hbm>>) dst(%arg8 : memref<200xi32, #tpu.memory_space<vmem>>)
      tpu.yield
    }) : () -> ()
    "tpu.region"() ({
      %run_scoped3A = tpu.sem_alloc : memref<!tpu.dma_semaphore, #tpu.memory_space<semaphore_mem>>
      %dma_start3A_19 = tpu.memref_slice %arg5[%multiple_of3A] : memref<160000xi32, #tpu.memory_space<hbm>> -> memref<200xi32, #tpu.memory_space<hbm>>
      %dma_start3A_20 = tpu.memref_slice %arg5[%multiple_of3A] : memref<160000xi32, #tpu.memory_space<hbm>> -> memref<200xi32, #tpu.memory_space<hbm>>
      tpu.enqueue_dma source(%dma_start3A_20 : memref<200xi32, #tpu.memory_space<hbm>>) target(%arg9 : memref<200xi32, #tpu.memory_space<vmem>>) target_semaphore(%run_scoped3A : memref<!tpu.dma_semaphore, #tpu.memory_space<semaphore_mem>>)
      %dma_wait3A_21 = tpu.memref_slice %arg5[%multiple_of3A] : memref<160000xi32, #tpu.memory_space<hbm>> -> memref<200xi32, #tpu.memory_space<hbm>>
      %dma_wait3A_22 = tpu.memref_slice %arg5[%multiple_of3A] : memref<160000xi32, #tpu.memory_space<hbm>> -> memref<200xi32, #tpu.memory_space<hbm>>
      tpu.wait_dma2 semaphore(%run_scoped3A : memref<!tpu.dma_semaphore, #tpu.memory_space<semaphore_mem>>) src(%dma_wait3A_22 : memref<200xi32, #tpu.memory_space<hbm>>) dst(%arg9 : memref<200xi32, #tpu.memory_space<vmem>>)
      tpu.yield
    }) : () -> ()
    %dma_start3A = arith.constant 0 : i32
    %dma_start3A_9 = arith.constant 0 : i32
    %dma_start3A_10 = tpu.memref_slice %arg2[%dma_start3A, %dma_start3A_9] : memref<10000x128xf32, #tpu.memory_space<hbm>> -> memref<10000x128xf32, #tpu.memory_space<hbm>>
    tpu.enqueue_indirect_dma source(%dma_start3A_10 : memref<10000x128xf32, #tpu.memory_space<hbm>>) target(%arg12 : memref<200x128xf32, #tpu.memory_space<vmem>>) offsets(%arg8 : memref<200xi32, #tpu.memory_space<vmem>>) semaphore(%arg16 : memref<!tpu.dma_semaphore, #tpu.memory_space<semaphore_mem>>)
    %dma_start3A_11 = arith.constant 0 : i32
    %dma_start3A_12 = arith.constant 0 : i32
    %dma_start3A_13 = tpu.memref_slice %arg3[%dma_start3A_11, %dma_start3A_12] : memref<10000x128xf32, #tpu.memory_space<hbm>> -> memref<10000x128xf32, #tpu.memory_space<hbm>>
    tpu.enqueue_indirect_dma source(%dma_start3A_13 : memref<10000x128xf32, #tpu.memory_space<hbm>>) target(%arg13 : memref<200x128xf32, #tpu.memory_space<vmem>>) offsets(%arg9 : memref<200xi32, #tpu.memory_space<vmem>>) semaphore(%arg17 : memref<!tpu.dma_semaphore, #tpu.memory_space<semaphore_mem>>)
    %dma_wait3A = arith.constant 0 : i32
    %dma_wait3A_14 = arith.constant 0 : i32
    %dma_wait3A_15 = tpu.memref_slice %arg2[%dma_wait3A, %dma_wait3A_14] : memref<10000x128xf32, #tpu.memory_space<hbm>> -> memref<10000x128xf32, #tpu.memory_space<hbm>>
    tpu.wait_indirect_dma semaphore(%arg16 : memref<!tpu.dma_semaphore, #tpu.memory_space<semaphore_mem>>) src(%dma_wait3A_15 : memref<10000x128xf32, #tpu.memory_space<hbm>>) dst(%arg12 : memref<200x128xf32, #tpu.memory_space<vmem>>)
    %dma_wait3A_16 = arith.constant 0 : i32
    %dma_wait3A_17 = arith.constant 0 : i32
    %dma_wait3A_18 = tpu.memref_slice %arg3[%dma_wait3A_16, %dma_wait3A_17] : memref<10000x128xf32, #tpu.memory_space<hbm>> -> memref<10000x128xf32, #tpu.memory_space<hbm>>
    tpu.wait_indirect_dma semaphore(%arg17 : memref<!tpu.dma_semaphore, #tpu.memory_space<semaphore_mem>>) src(%dma_wait3A_18 : memref<10000x128xf32, #tpu.memory_space<hbm>>) dst(%arg13 : memref<200x128xf32, #tpu.memory_space<vmem>>)
    "tpu.region"() ({
      %run_scoped3A = tpu.sem_alloc : memref<!tpu.dma_semaphore, #tpu.memory_space<semaphore_mem>>
      %dma_start3A_19 = arith.constant 0 : i32
      %dma_start3A_20 = tpu.memref_slice %arg6[%multiple_of3A, %dma_start3A_19] : memref<160000x128xf32, #tpu.memory_space<hbm>> -> memref<200x128xf32, #tpu.memory_space<hbm>>
      %dma_start3A_21 = arith.constant 0 : i32
      %dma_start3A_22 = tpu.memref_slice %arg6[%multiple_of3A, %dma_start3A_21] : memref<160000x128xf32, #tpu.memory_space<hbm>> -> memref<200x128xf32, #tpu.memory_space<hbm>>
      tpu.enqueue_dma source(%arg12 : memref<200x128xf32, #tpu.memory_space<vmem>>) target(%dma_start3A_22 : memref<200x128xf32, #tpu.memory_space<hbm>>) target_semaphore(%run_scoped3A : memref<!tpu.dma_semaphore, #tpu.memory_space<semaphore_mem>>)
      %dma_wait3A_23 = arith.constant 0 : i32
      %dma_wait3A_24 = tpu.memref_slice %arg6[%multiple_of3A, %dma_wait3A_23] : memref<160000x128xf32, #tpu.memory_space<hbm>> -> memref<200x128xf32, #tpu.memory_space<hbm>>
      %dma_wait3A_25 = arith.constant 0 : i32
      %dma_wait3A_26 = tpu.memref_slice %arg6[%multiple_of3A, %dma_wait3A_25] : memref<160000x128xf32, #tpu.memory_space<hbm>> -> memref<200x128xf32, #tpu.memory_space<hbm>>
      tpu.wait_dma2 semaphore(%run_scoped3A : memref<!tpu.dma_semaphore, #tpu.memory_space<semaphore_mem>>) src(%arg12 : memref<200x128xf32, #tpu.memory_space<vmem>>) dst(%dma_wait3A_26 : memref<200x128xf32, #tpu.memory_space<hbm>>)
      tpu.yield
    }) : () -> ()
    "tpu.region"() ({
      %run_scoped3A = tpu.sem_alloc : memref<!tpu.dma_semaphore, #tpu.memory_space<semaphore_mem>>
      %dma_start3A_19 = arith.constant 0 : i32
      %dma_start3A_20 = tpu.memref_slice %arg7[%multiple_of3A, %dma_start3A_19] : memref<160000x128xf32, #tpu.memory_space<hbm>> -> memref<200x128xf32, #tpu.memory_space<hbm>>
      %dma_start3A_21 = arith.constant 0 : i32
      %dma_start3A_22 = tpu.memref_slice %arg7[%multiple_of3A, %dma_start3A_21] : memref<160000x128xf32, #tpu.memory_space<hbm>> -> memref<200x128xf32, #tpu.memory_space<hbm>>
      tpu.enqueue_dma source(%arg13 : memref<200x128xf32, #tpu.memory_space<vmem>>) target(%dma_start3A_22 : memref<200x128xf32, #tpu.memory_space<hbm>>) target_semaphore(%run_scoped3A : memref<!tpu.dma_semaphore, #tpu.memory_space<semaphore_mem>>)
      %dma_wait3A_23 = arith.constant 0 : i32
      %dma_wait3A_24 = tpu.memref_slice %arg7[%multiple_of3A, %dma_wait3A_23] : memref<160000x128xf32, #tpu.memory_space<hbm>> -> memref<200x128xf32, #tpu.memory_space<hbm>>
      %dma_wait3A_25 = arith.constant 0 : i32
      %dma_wait3A_26 = tpu.memref_slice %arg7[%multiple_of3A, %dma_wait3A_25] : memref<160000x128xf32, #tpu.memory_space<hbm>> -> memref<200x128xf32, #tpu.memory_space<hbm>>
      tpu.wait_dma2 semaphore(%run_scoped3A : memref<!tpu.dma_semaphore, #tpu.memory_space<semaphore_mem>>) src(%arg13 : memref<200x128xf32, #tpu.memory_space<vmem>>) dst(%dma_wait3A_26 : memref<200x128xf32, #tpu.memory_space<hbm>>)
      tpu.yield
    }) : () -> ()
    return
  }
}

#map = affine_map<(d0, d1) -> (0, 0)>
#map1 = affine_map<(d0, d1) -> (0)>
#map2 = affine_map<(d0, d1) -> (0, 0, 0)>
module attributes {stable_mosaic.version = 14 : i64} {
  func.func @_den_scatter_body(%arg0: i32, %arg1: i32, %arg2: memref<160000x128xf32, #tpu.memory_space<hbm>>, %arg3: memref<160000xi32, #tpu.memory_space<hbm>>, %arg4: memref<10240x128xf32, #tpu.memory_space<hbm>>, %arg5: memref<2x10240x128xf32, #tpu.memory_space<hbm>>, %arg6: memref<200xi32, #tpu.memory_space<vmem>>, %arg7: memref<200x128xf32, #tpu.memory_space<vmem>>, %arg8: memref<10240x128xf32, #tpu.memory_space<vmem_shared>>) attributes {dimension_semantics = [#tpu.dimension_semantics<core_parallel>, #tpu.dimension_semantics<subcore_parallel>], iteration_bounds = array<i64: 2, 16>, scalar_prefetch = 0 : i64, scratch_operands = 3 : i64, tpu.core_type = #tpu.core_type<sc_vector_subcore>, window_params = [{transform_indices = #map}, {transform_indices = #map1}, {transform_indices = #map}, {transform_indices = #map2}]} {
    %mul3A = arith.constant 640 : i32
    %mul3A_0 = arith.muli %arg1, %mul3A : i32
    "tpu.region"() ({
      %run_scoped3A = tpu.sem_alloc : memref<!tpu.dma_semaphore, #tpu.memory_space<semaphore_mem>>
      %dma_start3A = arith.constant 0 : i32
      %dma_start3A_10 = tpu.memref_slice %arg8[%mul3A_0, %dma_start3A] : memref<10240x128xf32, #tpu.memory_space<vmem_shared>> -> memref<640x128xf32, #tpu.memory_space<vmem_shared>>
      %dma_start3A_11 = arith.constant 0 : i32
      %dma_start3A_12 = tpu.memref_slice %arg4[%mul3A_0, %dma_start3A_11] : memref<10240x128xf32, #tpu.memory_space<hbm>> -> memref<640x128xf32, #tpu.memory_space<hbm>>
      tpu.enqueue_dma source(%dma_start3A_12 : memref<640x128xf32, #tpu.memory_space<hbm>>) target(%dma_start3A_10 : memref<640x128xf32, #tpu.memory_space<vmem_shared>>) target_semaphore(%run_scoped3A : memref<!tpu.dma_semaphore, #tpu.memory_space<semaphore_mem>>)
      %dma_wait3A = arith.constant 0 : i32
      %dma_wait3A_13 = tpu.memref_slice %arg8[%mul3A_0, %dma_wait3A] : memref<10240x128xf32, #tpu.memory_space<vmem_shared>> -> memref<640x128xf32, #tpu.memory_space<vmem_shared>>
      %dma_wait3A_14 = arith.constant 0 : i32
      %dma_wait3A_15 = tpu.memref_slice %arg4[%mul3A_0, %dma_wait3A_14] : memref<10240x128xf32, #tpu.memory_space<hbm>> -> memref<640x128xf32, #tpu.memory_space<hbm>>
      tpu.wait_dma2 semaphore(%run_scoped3A : memref<!tpu.dma_semaphore, #tpu.memory_space<semaphore_mem>>) src(%dma_wait3A_15 : memref<640x128xf32, #tpu.memory_space<hbm>>) dst(%dma_wait3A_13 : memref<640x128xf32, #tpu.memory_space<vmem_shared>>)
      tpu.yield
    }) : () -> ()
    %barrier3A = arith.constant 0 : index
    tpu.barrier barrier_id(%barrier3A)
    %mul3A_1 = arith.constant 2 : i32
    %mul3A_2 = arith.muli %arg1, %mul3A_1 : i32
    %add3A = arith.addi %mul3A_2, %arg0 : i32
    %mul3A_3 = arith.constant 5000 : i32
    %mul3A_4 = arith.muli %add3A, %mul3A_3 : i32
    %scan3A = arith.constant 0 : i32
    %scan3A_5 = arith.constant 25 : i32
    %scan3A_6 = arith.addi %scan3A, %scan3A_5 : i32
    %scan3A_7 = arith.constant 1 : i32
    scf.for %scan3A_10 = %scan3A to %scan3A_6 step %scan3A_7  : i32 {
      %mul3A_11 = arith.constant 1 : i32
      %mul3A_12 = arith.muli %scan3A_10, %mul3A_11 : i32
      %add3A_13 = arith.constant 0 : i32
      %add3A_14 = arith.addi %add3A_13, %mul3A_12 : i32
      %mul3A_15 = arith.constant 200 : i32
      %mul3A_16 = arith.muli %add3A_14, %mul3A_15 : i32
      %add3A_17 = arith.addi %mul3A_4, %mul3A_16 : i32
      %multiple_of3A = tpu.assume_multiple %add3A_17, 8 : i32
      "tpu.region"() ({
        %run_scoped3A = tpu.sem_alloc : memref<!tpu.dma_semaphore, #tpu.memory_space<semaphore_mem>>
        %dma_start3A = tpu.memref_slice %arg3[%multiple_of3A] : memref<160000xi32, #tpu.memory_space<hbm>> -> memref<200xi32, #tpu.memory_space<hbm>>
        %dma_start3A_18 = tpu.memref_slice %arg3[%multiple_of3A] : memref<160000xi32, #tpu.memory_space<hbm>> -> memref<200xi32, #tpu.memory_space<hbm>>
        tpu.enqueue_dma source(%dma_start3A_18 : memref<200xi32, #tpu.memory_space<hbm>>) target(%arg6 : memref<200xi32, #tpu.memory_space<vmem>>) target_semaphore(%run_scoped3A : memref<!tpu.dma_semaphore, #tpu.memory_space<semaphore_mem>>)
        %dma_wait3A = tpu.memref_slice %arg3[%multiple_of3A] : memref<160000xi32, #tpu.memory_space<hbm>> -> memref<200xi32, #tpu.memory_space<hbm>>
        %dma_wait3A_19 = tpu.memref_slice %arg3[%multiple_of3A] : memref<160000xi32, #tpu.memory_space<hbm>> -> memref<200xi32, #tpu.memory_space<hbm>>
        tpu.wait_dma2 semaphore(%run_scoped3A : memref<!tpu.dma_semaphore, #tpu.memory_space<semaphore_mem>>) src(%dma_wait3A_19 : memref<200xi32, #tpu.memory_space<hbm>>) dst(%arg6 : memref<200xi32, #tpu.memory_space<vmem>>)
        tpu.yield
      }) : () -> ()
      "tpu.region"() ({
        %run_scoped3A = tpu.sem_alloc : memref<!tpu.dma_semaphore, #tpu.memory_space<semaphore_mem>>
        %dma_start3A = arith.constant 0 : i32
        %dma_start3A_18 = tpu.memref_slice %arg2[%multiple_of3A, %dma_start3A] : memref<160000x128xf32, #tpu.memory_space<hbm>> -> memref<200x128xf32, #tpu.memory_space<hbm>>
        %dma_start3A_19 = arith.constant 0 : i32
        %dma_start3A_20 = tpu.memref_slice %arg2[%multiple_of3A, %dma_start3A_19] : memref<160000x128xf32, #tpu.memory_space<hbm>> -> memref<200x128xf32, #tpu.memory_space<hbm>>
        tpu.enqueue_dma source(%dma_start3A_20 : memref<200x128xf32, #tpu.memory_space<hbm>>) target(%arg7 : memref<200x128xf32, #tpu.memory_space<vmem>>) target_semaphore(%run_scoped3A : memref<!tpu.dma_semaphore, #tpu.memory_space<semaphore_mem>>)
        %dma_wait3A = arith.constant 0 : i32
        %dma_wait3A_21 = tpu.memref_slice %arg2[%multiple_of3A, %dma_wait3A] : memref<160000x128xf32, #tpu.memory_space<hbm>> -> memref<200x128xf32, #tpu.memory_space<hbm>>
        %dma_wait3A_22 = arith.constant 0 : i32
        %dma_wait3A_23 = tpu.memref_slice %arg2[%multiple_of3A, %dma_wait3A_22] : memref<160000x128xf32, #tpu.memory_space<hbm>> -> memref<200x128xf32, #tpu.memory_space<hbm>>
        tpu.wait_dma2 semaphore(%run_scoped3A : memref<!tpu.dma_semaphore, #tpu.memory_space<semaphore_mem>>) src(%dma_wait3A_23 : memref<200x128xf32, #tpu.memory_space<hbm>>) dst(%arg7 : memref<200x128xf32, #tpu.memory_space<vmem>>)
        tpu.yield
      }) : () -> ()
      "tpu.region"() ({
        %run_scoped3A = tpu.sem_alloc : memref<!tpu.dma_semaphore, #tpu.memory_space<semaphore_mem>>
        %dma_start3A = arith.constant 0 : i32
        %dma_start3A_18 = arith.constant 0 : i32
        %dma_start3A_19 = tpu.memref_slice %arg8[%dma_start3A, %dma_start3A_18] : memref<10240x128xf32, #tpu.memory_space<vmem_shared>> -> memref<10240x128xf32, #tpu.memory_space<vmem_shared>>
        tpu.enqueue_indirect_dma source(%arg7 : memref<200x128xf32, #tpu.memory_space<vmem>>) target(%dma_start3A_19 : memref<10240x128xf32, #tpu.memory_space<vmem_shared>>) offsets(%arg6 : memref<200xi32, #tpu.memory_space<vmem>>) semaphore(%run_scoped3A : memref<!tpu.dma_semaphore, #tpu.memory_space<semaphore_mem>>) {add = true}
        %dma_wait3A = arith.constant 0 : i32
        %dma_wait3A_20 = arith.constant 0 : i32
        %dma_wait3A_21 = tpu.memref_slice %arg8[%dma_wait3A, %dma_wait3A_20] : memref<10240x128xf32, #tpu.memory_space<vmem_shared>> -> memref<10240x128xf32, #tpu.memory_space<vmem_shared>>
        tpu.wait_indirect_dma semaphore(%run_scoped3A : memref<!tpu.dma_semaphore, #tpu.memory_space<semaphore_mem>>) src(%arg7 : memref<200x128xf32, #tpu.memory_space<vmem>>) dst(%dma_wait3A_21 : memref<10240x128xf32, #tpu.memory_space<vmem_shared>>)
        tpu.yield
      }) : () -> ()
    }
    %scan3A_8 = arith.constant 25 : i32
    %barrier3A_9 = arith.constant 0 : index
    tpu.barrier barrier_id(%barrier3A_9)
    "tpu.region"() ({
      %run_scoped3A = tpu.sem_alloc : memref<!tpu.dma_semaphore, #tpu.memory_space<semaphore_mem>>
      %dma_start3A = arith.constant 0 : i32
      %dma_start3A_10 = tpu.memref_slice %arg5[%arg0, %mul3A_0, %dma_start3A] : memref<2x10240x128xf32, #tpu.memory_space<hbm>> -> memref<1x640x128xf32, #tpu.memory_space<hbm>>
      %dma_start3A_11 = tpu.memref_squeeze %dma_start3A_10 : memref<1x640x128xf32, #tpu.memory_space<hbm>> -> memref<640x128xf32, #tpu.memory_space<hbm>>
      %dma_start3A_12 = arith.constant 0 : i32
      %dma_start3A_13 = tpu.memref_slice %arg8[%mul3A_0, %dma_start3A_12] : memref<10240x128xf32, #tpu.memory_space<vmem_shared>> -> memref<640x128xf32, #tpu.memory_space<vmem_shared>>
      tpu.enqueue_dma source(%dma_start3A_13 : memref<640x128xf32, #tpu.memory_space<vmem_shared>>) target(%dma_start3A_11 : memref<640x128xf32, #tpu.memory_space<hbm>>) target_semaphore(%run_scoped3A : memref<!tpu.dma_semaphore, #tpu.memory_space<semaphore_mem>>)
      %dma_wait3A = arith.constant 0 : i32
      %dma_wait3A_14 = tpu.memref_slice %arg5[%arg0, %mul3A_0, %dma_wait3A] : memref<2x10240x128xf32, #tpu.memory_space<hbm>> -> memref<1x640x128xf32, #tpu.memory_space<hbm>>
      %dma_wait3A_15 = tpu.memref_squeeze %dma_wait3A_14 : memref<1x640x128xf32, #tpu.memory_space<hbm>> -> memref<640x128xf32, #tpu.memory_space<hbm>>
      %dma_wait3A_16 = arith.constant 0 : i32
      %dma_wait3A_17 = tpu.memref_slice %arg8[%mul3A_0, %dma_wait3A_16] : memref<10240x128xf32, #tpu.memory_space<vmem_shared>> -> memref<640x128xf32, #tpu.memory_space<vmem_shared>>
      tpu.wait_dma2 semaphore(%run_scoped3A : memref<!tpu.dma_semaphore, #tpu.memory_space<semaphore_mem>>) src(%dma_wait3A_17 : memref<640x128xf32, #tpu.memory_space<vmem_shared>>) dst(%dma_wait3A_15 : memref<640x128xf32, #tpu.memory_space<hbm>>)
      tpu.yield
    }) : () -> ()
    return
  }
}

#map = affine_map<(d0, d1) -> (0, 0)>
#map1 = affine_map<(d0, d1) -> (0)>
#map2 = affine_map<(d0, d1) -> (0, 0, 0)>
module attributes {stable_mosaic.version = 14 : i64} {
  func.func @_msg_scatter_body(%arg0: i32, %arg1: i32, %arg2: memref<80000x512xf32, #tpu.memory_space<hbm>>, %arg3: memref<80000xi32, #tpu.memory_space<hbm>>, %arg4: memref<10240x128xf32, #tpu.memory_space<hbm>>, %arg5: memref<4x10240x128xf32, #tpu.memory_space<hbm>>, %arg6: memref<200xi32, #tpu.memory_space<vmem>>, %arg7: memref<200x128xf32, #tpu.memory_space<vmem>>, %arg8: memref<10240x128xf32, #tpu.memory_space<vmem_shared>>) attributes {dimension_semantics = [#tpu.dimension_semantics<core_parallel>, #tpu.dimension_semantics<subcore_parallel>], iteration_bounds = array<i64: 2, 16>, scalar_prefetch = 0 : i64, scratch_operands = 3 : i64, tpu.core_type = #tpu.core_type<sc_vector_subcore>, window_params = [{transform_indices = #map}, {transform_indices = #map1}, {transform_indices = #map}, {transform_indices = #map2}]} {
    %mul3A = arith.constant 640 : i32
    %mul3A_0 = arith.muli %arg1, %mul3A : i32
    %mul3A_1 = arith.constant 2 : i32
    %mul3A_2 = arith.muli %arg0, %mul3A_1 : i32
    %add3A = arith.constant 0 : i32
    %add3A_3 = arith.addi %mul3A_2, %add3A : i32
    "tpu.region"() ({
      %run_scoped3A = tpu.sem_alloc : memref<!tpu.dma_semaphore, #tpu.memory_space<semaphore_mem>>
      %dma_start3A = arith.constant 0 : i32
      %dma_start3A_22 = tpu.memref_slice %arg8[%mul3A_0, %dma_start3A] : memref<10240x128xf32, #tpu.memory_space<vmem_shared>> -> memref<640x128xf32, #tpu.memory_space<vmem_shared>>
      %dma_start3A_23 = arith.constant 0 : i32
      %dma_start3A_24 = tpu.memref_slice %arg4[%mul3A_0, %dma_start3A_23] : memref<10240x128xf32, #tpu.memory_space<hbm>> -> memref<640x128xf32, #tpu.memory_space<hbm>>
      tpu.enqueue_dma source(%dma_start3A_24 : memref<640x128xf32, #tpu.memory_space<hbm>>) target(%dma_start3A_22 : memref<640x128xf32, #tpu.memory_space<vmem_shared>>) target_semaphore(%run_scoped3A : memref<!tpu.dma_semaphore, #tpu.memory_space<semaphore_mem>>)
      %dma_wait3A = arith.constant 0 : i32
      %dma_wait3A_25 = tpu.memref_slice %arg8[%mul3A_0, %dma_wait3A] : memref<10240x128xf32, #tpu.memory_space<vmem_shared>> -> memref<640x128xf32, #tpu.memory_space<vmem_shared>>
      %dma_wait3A_26 = arith.constant 0 : i32
      %dma_wait3A_27 = tpu.memref_slice %arg4[%mul3A_0, %dma_wait3A_26] : memref<10240x128xf32, #tpu.memory_space<hbm>> -> memref<640x128xf32, #tpu.memory_space<hbm>>
      tpu.wait_dma2 semaphore(%run_scoped3A : memref<!tpu.dma_semaphore, #tpu.memory_space<semaphore_mem>>) src(%dma_wait3A_27 : memref<640x128xf32, #tpu.memory_space<hbm>>) dst(%dma_wait3A_25 : memref<640x128xf32, #tpu.memory_space<vmem_shared>>)
      tpu.yield
    }) : () -> ()
    %barrier3A = arith.constant 0 : index
    tpu.barrier barrier_id(%barrier3A)
    %scan3A = arith.constant 0 : i32
    %scan3A_4 = arith.constant 25 : i32
    %scan3A_5 = arith.addi %scan3A, %scan3A_4 : i32
    %scan3A_6 = arith.constant 1 : i32
    scf.for %scan3A_22 = %scan3A to %scan3A_5 step %scan3A_6  : i32 {
      %mul3A_23 = arith.constant 1 : i32
      %mul3A_24 = arith.muli %scan3A_22, %mul3A_23 : i32
      %add3A_25 = arith.constant 0 : i32
      %add3A_26 = arith.addi %add3A_25, %mul3A_24 : i32
      %mul3A_27 = arith.constant 5000 : i32
      %mul3A_28 = arith.muli %arg1, %mul3A_27 : i32
      %mul3A_29 = arith.constant 200 : i32
      %mul3A_30 = arith.muli %add3A_26, %mul3A_29 : i32
      %add3A_31 = arith.addi %mul3A_28, %mul3A_30 : i32
      %multiple_of3A = tpu.assume_multiple %add3A_31, 8 : i32
      "tpu.region"() ({
        %run_scoped3A = tpu.sem_alloc : memref<!tpu.dma_semaphore, #tpu.memory_space<semaphore_mem>>
        %dma_start3A = tpu.memref_slice %arg3[%multiple_of3A] : memref<80000xi32, #tpu.memory_space<hbm>> -> memref<200xi32, #tpu.memory_space<hbm>>
        %dma_start3A_34 = tpu.memref_slice %arg3[%multiple_of3A] : memref<80000xi32, #tpu.memory_space<hbm>> -> memref<200xi32, #tpu.memory_space<hbm>>
        tpu.enqueue_dma source(%dma_start3A_34 : memref<200xi32, #tpu.memory_space<hbm>>) target(%arg6 : memref<200xi32, #tpu.memory_space<vmem>>) target_semaphore(%run_scoped3A : memref<!tpu.dma_semaphore, #tpu.memory_space<semaphore_mem>>)
        %dma_wait3A = tpu.memref_slice %arg3[%multiple_of3A] : memref<80000xi32, #tpu.memory_space<hbm>> -> memref<200xi32, #tpu.memory_space<hbm>>
        %dma_wait3A_35 = tpu.memref_slice %arg3[%multiple_of3A] : memref<80000xi32, #tpu.memory_space<hbm>> -> memref<200xi32, #tpu.memory_space<hbm>>
        tpu.wait_dma2 semaphore(%run_scoped3A : memref<!tpu.dma_semaphore, #tpu.memory_space<semaphore_mem>>) src(%dma_wait3A_35 : memref<200xi32, #tpu.memory_space<hbm>>) dst(%arg6 : memref<200xi32, #tpu.memory_space<vmem>>)
        tpu.yield
      }) : () -> ()
      %mul3A_32 = arith.constant 128 : i32
      %mul3A_33 = arith.muli %add3A_3, %mul3A_32 : i32
      "tpu.region"() ({
        %run_scoped3A = tpu.sem_alloc : memref<!tpu.dma_semaphore, #tpu.memory_space<semaphore_mem>>
        %dma_start3A = tpu.memref_slice %arg2[%multiple_of3A, %mul3A_33] : memref<80000x512xf32, #tpu.memory_space<hbm>> -> memref<200x128xf32, #tpu.memory_space<hbm>>
        %dma_start3A_34 = tpu.memref_slice %arg2[%multiple_of3A, %mul3A_33] : memref<80000x512xf32, #tpu.memory_space<hbm>> -> memref<200x128xf32, #tpu.memory_space<hbm>>
        tpu.enqueue_dma source(%dma_start3A_34 : memref<200x128xf32, #tpu.memory_space<hbm>>) target(%arg7 : memref<200x128xf32, #tpu.memory_space<vmem>>) target_semaphore(%run_scoped3A : memref<!tpu.dma_semaphore, #tpu.memory_space<semaphore_mem>>)
        %dma_wait3A = tpu.memref_slice %arg2[%multiple_of3A, %mul3A_33] : memref<80000x512xf32, #tpu.memory_space<hbm>> -> memref<200x128xf32, #tpu.memory_space<hbm>>
        %dma_wait3A_35 = tpu.memref_slice %arg2[%multiple_of3A, %mul3A_33] : memref<80000x512xf32, #tpu.memory_space<hbm>> -> memref<200x128xf32, #tpu.memory_space<hbm>>
        tpu.wait_dma2 semaphore(%run_scoped3A : memref<!tpu.dma_semaphore, #tpu.memory_space<semaphore_mem>>) src(%dma_wait3A_35 : memref<200x128xf32, #tpu.memory_space<hbm>>) dst(%arg7 : memref<200x128xf32, #tpu.memory_space<vmem>>)
        tpu.yield
      }) : () -> ()
      "tpu.region"() ({
        %run_scoped3A = tpu.sem_alloc : memref<!tpu.dma_semaphore, #tpu.memory_space<semaphore_mem>>
        %dma_start3A = arith.constant 0 : i32
        %dma_start3A_34 = arith.constant 0 : i32
        %dma_start3A_35 = tpu.memref_slice %arg8[%dma_start3A, %dma_start3A_34] : memref<10240x128xf32, #tpu.memory_space<vmem_shared>> -> memref<10240x128xf32, #tpu.memory_space<vmem_shared>>
        tpu.enqueue_indirect_dma source(%arg7 : memref<200x128xf32, #tpu.memory_space<vmem>>) target(%dma_start3A_35 : memref<10240x128xf32, #tpu.memory_space<vmem_shared>>) offsets(%arg6 : memref<200xi32, #tpu.memory_space<vmem>>) semaphore(%run_scoped3A : memref<!tpu.dma_semaphore, #tpu.memory_space<semaphore_mem>>) {add = true}
        %dma_wait3A = arith.constant 0 : i32
        %dma_wait3A_36 = arith.constant 0 : i32
        %dma_wait3A_37 = tpu.memref_slice %arg8[%dma_wait3A, %dma_wait3A_36] : memref<10240x128xf32, #tpu.memory_space<vmem_shared>> -> memref<10240x128xf32, #tpu.memory_space<vmem_shared>>
        tpu.wait_indirect_dma semaphore(%run_scoped3A : memref<!tpu.dma_semaphore, #tpu.memory_space<semaphore_mem>>) src(%arg7 : memref<200x128xf32, #tpu.memory_space<vmem>>) dst(%dma_wait3A_37 : memref<10240x128xf32, #tpu.memory_space<vmem_shared>>)
        tpu.yield
      }) : () -> ()
    }
    %scan3A_7 = arith.constant 25 : i32
    %barrier3A_8 = arith.constant 0 : index
    tpu.barrier barrier_id(%barrier3A_8)
    "tpu.region"() ({
      %run_scoped3A = tpu.sem_alloc : memref<!tpu.dma_semaphore, #tpu.memory_space<semaphore_mem>>
      %dma_start3A = arith.constant 0 : i32
      %dma_start3A_22 = tpu.memref_slice %arg5[%add3A_3, %mul3A_0, %dma_start3A] : memref<4x10240x128xf32, #tpu.memory_space<hbm>> -> memref<1x640x128xf32, #tpu.memory_space<hbm>>
      %dma_start3A_23 = tpu.memref_squeeze %dma_start3A_22 : memref<1x640x128xf32, #tpu.memory_space<hbm>> -> memref<640x128xf32, #tpu.memory_space<hbm>>
      %dma_start3A_24 = arith.constant 0 : i32
      %dma_start3A_25 = tpu.memref_slice %arg8[%mul3A_0, %dma_start3A_24] : memref<10240x128xf32, #tpu.memory_space<vmem_shared>> -> memref<640x128xf32, #tpu.memory_space<vmem_shared>>
      tpu.enqueue_dma source(%dma_start3A_25 : memref<640x128xf32, #tpu.memory_space<vmem_shared>>) target(%dma_start3A_23 : memref<640x128xf32, #tpu.memory_space<hbm>>) target_semaphore(%run_scoped3A : memref<!tpu.dma_semaphore, #tpu.memory_space<semaphore_mem>>)
      %dma_wait3A = arith.constant 0 : i32
      %dma_wait3A_26 = tpu.memref_slice %arg5[%add3A_3, %mul3A_0, %dma_wait3A] : memref<4x10240x128xf32, #tpu.memory_space<hbm>> -> memref<1x640x128xf32, #tpu.memory_space<hbm>>
      %dma_wait3A_27 = tpu.memref_squeeze %dma_wait3A_26 : memref<1x640x128xf32, #tpu.memory_space<hbm>> -> memref<640x128xf32, #tpu.memory_space<hbm>>
      %dma_wait3A_28 = arith.constant 0 : i32
      %dma_wait3A_29 = tpu.memref_slice %arg8[%mul3A_0, %dma_wait3A_28] : memref<10240x128xf32, #tpu.memory_space<vmem_shared>> -> memref<640x128xf32, #tpu.memory_space<vmem_shared>>
      tpu.wait_dma2 semaphore(%run_scoped3A : memref<!tpu.dma_semaphore, #tpu.memory_space<semaphore_mem>>) src(%dma_wait3A_29 : memref<640x128xf32, #tpu.memory_space<vmem_shared>>) dst(%dma_wait3A_27 : memref<640x128xf32, #tpu.memory_space<hbm>>)
      tpu.yield
    }) : () -> ()
    %barrier3A_9 = arith.constant 0 : index
    tpu.barrier barrier_id(%barrier3A_9)
    %mul3A_10 = arith.constant 2 : i32
    %mul3A_11 = arith.muli %arg0, %mul3A_10 : i32
    %add3A_12 = arith.constant 1 : i32
    %add3A_13 = arith.addi %mul3A_11, %add3A_12 : i32
    "tpu.region"() ({
      %run_scoped3A = tpu.sem_alloc : memref<!tpu.dma_semaphore, #tpu.memory_space<semaphore_mem>>
      %dma_start3A = arith.constant 0 : i32
      %dma_start3A_22 = tpu.memref_slice %arg8[%mul3A_0, %dma_start3A] : memref<10240x128xf32, #tpu.memory_space<vmem_shared>> -> memref<640x128xf32, #tpu.memory_space<vmem_shared>>
      %dma_start3A_23 = arith.constant 0 : i32
      %dma_start3A_24 = tpu.memref_slice %arg4[%mul3A_0, %dma_start3A_23] : memref<10240x128xf32, #tpu.memory_space<hbm>> -> memref<640x128xf32, #tpu.memory_space<hbm>>
      tpu.enqueue_dma source(%dma_start3A_24 : memref<640x128xf32, #tpu.memory_space<hbm>>) target(%dma_start3A_22 : memref<640x128xf32, #tpu.memory_space<vmem_shared>>) target_semaphore(%run_scoped3A : memref<!tpu.dma_semaphore, #tpu.memory_space<semaphore_mem>>)
      %dma_wait3A = arith.constant 0 : i32
      %dma_wait3A_25 = tpu.memref_slice %arg8[%mul3A_0, %dma_wait3A] : memref<10240x128xf32, #tpu.memory_space<vmem_shared>> -> memref<640x128xf32, #tpu.memory_space<vmem_shared>>
      %dma_wait3A_26 = arith.constant 0 : i32
      %dma_wait3A_27 = tpu.memref_slice %arg4[%mul3A_0, %dma_wait3A_26] : memref<10240x128xf32, #tpu.memory_space<hbm>> -> memref<640x128xf32, #tpu.memory_space<hbm>>
      tpu.wait_dma2 semaphore(%run_scoped3A : memref<!tpu.dma_semaphore, #tpu.memory_space<semaphore_mem>>) src(%dma_wait3A_27 : memref<640x128xf32, #tpu.memory_space<hbm>>) dst(%dma_wait3A_25 : memref<640x128xf32, #tpu.memory_space<vmem_shared>>)
      tpu.yield
    }) : () -> ()
    %barrier3A_14 = arith.constant 0 : index
    tpu.barrier barrier_id(%barrier3A_14)
    %scan3A_15 = arith.constant 0 : i32
    %scan3A_16 = arith.constant 25 : i32
    %scan3A_17 = arith.addi %scan3A_15, %scan3A_16 : i32
    %scan3A_18 = arith.constant 1 : i32
    scf.for %scan3A_22 = %scan3A_15 to %scan3A_17 step %scan3A_18  : i32 {
      %mul3A_23 = arith.constant 1 : i32
      %mul3A_24 = arith.muli %scan3A_22, %mul3A_23 : i32
      %add3A_25 = arith.constant 0 : i32
      %add3A_26 = arith.addi %add3A_25, %mul3A_24 : i32
      %mul3A_27 = arith.constant 5000 : i32
      %mul3A_28 = arith.muli %arg1, %mul3A_27 : i32
      %mul3A_29 = arith.constant 200 : i32
      %mul3A_30 = arith.muli %add3A_26, %mul3A_29 : i32
      %add3A_31 = arith.addi %mul3A_28, %mul3A_30 : i32
      %multiple_of3A = tpu.assume_multiple %add3A_31, 8 : i32
      "tpu.region"() ({
        %run_scoped3A = tpu.sem_alloc : memref<!tpu.dma_semaphore, #tpu.memory_space<semaphore_mem>>
        %dma_start3A = tpu.memref_slice %arg3[%multiple_of3A] : memref<80000xi32, #tpu.memory_space<hbm>> -> memref<200xi32, #tpu.memory_space<hbm>>
        %dma_start3A_34 = tpu.memref_slice %arg3[%multiple_of3A] : memref<80000xi32, #tpu.memory_space<hbm>> -> memref<200xi32, #tpu.memory_space<hbm>>
        tpu.enqueue_dma source(%dma_start3A_34 : memref<200xi32, #tpu.memory_space<hbm>>) target(%arg6 : memref<200xi32, #tpu.memory_space<vmem>>) target_semaphore(%run_scoped3A : memref<!tpu.dma_semaphore, #tpu.memory_space<semaphore_mem>>)
        %dma_wait3A = tpu.memref_slice %arg3[%multiple_of3A] : memref<80000xi32, #tpu.memory_space<hbm>> -> memref<200xi32, #tpu.memory_space<hbm>>
        %dma_wait3A_35 = tpu.memref_slice %arg3[%multiple_of3A] : memref<80000xi32, #tpu.memory_space<hbm>> -> memref<200xi32, #tpu.memory_space<hbm>>
        tpu.wait_dma2 semaphore(%run_scoped3A : memref<!tpu.dma_semaphore, #tpu.memory_space<semaphore_mem>>) src(%dma_wait3A_35 : memref<200xi32, #tpu.memory_space<hbm>>) dst(%arg6 : memref<200xi32, #tpu.memory_space<vmem>>)
        tpu.yield
      }) : () -> ()
      %mul3A_32 = arith.constant 128 : i32
      %mul3A_33 = arith.muli %add3A_13, %mul3A_32 : i32
      "tpu.region"() ({
        %run_scoped3A = tpu.sem_alloc : memref<!tpu.dma_semaphore, #tpu.memory_space<semaphore_mem>>
        %dma_start3A = tpu.memref_slice %arg2[%multiple_of3A, %mul3A_33] : memref<80000x512xf32, #tpu.memory_space<hbm>> -> memref<200x128xf32, #tpu.memory_space<hbm>>
        %dma_start3A_34 = tpu.memref_slice %arg2[%multiple_of3A, %mul3A_33] : memref<80000x512xf32, #tpu.memory_space<hbm>> -> memref<200x128xf32, #tpu.memory_space<hbm>>
        tpu.enqueue_dma source(%dma_start3A_34 : memref<200x128xf32, #tpu.memory_space<hbm>>) target(%arg7 : memref<200x128xf32, #tpu.memory_space<vmem>>) target_semaphore(%run_scoped3A : memref<!tpu.dma_semaphore, #tpu.memory_space<semaphore_mem>>)
        %dma_wait3A = tpu.memref_slice %arg2[%multiple_of3A, %mul3A_33] : memref<80000x512xf32, #tpu.memory_space<hbm>> -> memref<200x128xf32, #tpu.memory_space<hbm>>
        %dma_wait3A_35 = tpu.memref_slice %arg2[%multiple_of3A, %mul3A_33] : memref<80000x512xf32, #tpu.memory_space<hbm>> -> memref<200x128xf32, #tpu.memory_space<hbm>>
        tpu.wait_dma2 semaphore(%run_scoped3A : memref<!tpu.dma_semaphore, #tpu.memory_space<semaphore_mem>>) src(%dma_wait3A_35 : memref<200x128xf32, #tpu.memory_space<hbm>>) dst(%arg7 : memref<200x128xf32, #tpu.memory_space<vmem>>)
        tpu.yield
      }) : () -> ()
      "tpu.region"() ({
        %run_scoped3A = tpu.sem_alloc : memref<!tpu.dma_semaphore, #tpu.memory_space<semaphore_mem>>
        %dma_start3A = arith.constant 0 : i32
        %dma_start3A_34 = arith.constant 0 : i32
        %dma_start3A_35 = tpu.memref_slice %arg8[%dma_start3A, %dma_start3A_34] : memref<10240x128xf32, #tpu.memory_space<vmem_shared>> -> memref<10240x128xf32, #tpu.memory_space<vmem_shared>>
        tpu.enqueue_indirect_dma source(%arg7 : memref<200x128xf32, #tpu.memory_space<vmem>>) target(%dma_start3A_35 : memref<10240x128xf32, #tpu.memory_space<vmem_shared>>) offsets(%arg6 : memref<200xi32, #tpu.memory_space<vmem>>) semaphore(%run_scoped3A : memref<!tpu.dma_semaphore, #tpu.memory_space<semaphore_mem>>) {add = true}
        %dma_wait3A = arith.constant 0 : i32
        %dma_wait3A_36 = arith.constant 0 : i32
        %dma_wait3A_37 = tpu.memref_slice %arg8[%dma_wait3A, %dma_wait3A_36] : memref<10240x128xf32, #tpu.memory_space<vmem_shared>> -> memref<10240x128xf32, #tpu.memory_space<vmem_shared>>
        tpu.wait_indirect_dma semaphore(%run_scoped3A : memref<!tpu.dma_semaphore, #tpu.memory_space<semaphore_mem>>) src(%arg7 : memref<200x128xf32, #tpu.memory_space<vmem>>) dst(%dma_wait3A_37 : memref<10240x128xf32, #tpu.memory_space<vmem_shared>>)
        tpu.yield
      }) : () -> ()
    }
    %scan3A_19 = arith.constant 25 : i32
    %barrier3A_20 = arith.constant 0 : index
    tpu.barrier barrier_id(%barrier3A_20)
    "tpu.region"() ({
      %run_scoped3A = tpu.sem_alloc : memref<!tpu.dma_semaphore, #tpu.memory_space<semaphore_mem>>
      %dma_start3A = arith.constant 0 : i32
      %dma_start3A_22 = tpu.memref_slice %arg5[%add3A_13, %mul3A_0, %dma_start3A] : memref<4x10240x128xf32, #tpu.memory_space<hbm>> -> memref<1x640x128xf32, #tpu.memory_space<hbm>>
      %dma_start3A_23 = tpu.memref_squeeze %dma_start3A_22 : memref<1x640x128xf32, #tpu.memory_space<hbm>> -> memref<640x128xf32, #tpu.memory_space<hbm>>
      %dma_start3A_24 = arith.constant 0 : i32
      %dma_start3A_25 = tpu.memref_slice %arg8[%mul3A_0, %dma_start3A_24] : memref<10240x128xf32, #tpu.memory_space<vmem_shared>> -> memref<640x128xf32, #tpu.memory_space<vmem_shared>>
      tpu.enqueue_dma source(%dma_start3A_25 : memref<640x128xf32, #tpu.memory_space<vmem_shared>>) target(%dma_start3A_23 : memref<640x128xf32, #tpu.memory_space<hbm>>) target_semaphore(%run_scoped3A : memref<!tpu.dma_semaphore, #tpu.memory_space<semaphore_mem>>)
      %dma_wait3A = arith.constant 0 : i32
      %dma_wait3A_26 = tpu.memref_slice %arg5[%add3A_13, %mul3A_0, %dma_wait3A] : memref<4x10240x128xf32, #tpu.memory_space<hbm>> -> memref<1x640x128xf32, #tpu.memory_space<hbm>>
      %dma_wait3A_27 = tpu.memref_squeeze %dma_wait3A_26 : memref<1x640x128xf32, #tpu.memory_space<hbm>> -> memref<640x128xf32, #tpu.memory_space<hbm>>
      %dma_wait3A_28 = arith.constant 0 : i32
      %dma_wait3A_29 = tpu.memref_slice %arg8[%mul3A_0, %dma_wait3A_28] : memref<10240x128xf32, #tpu.memory_space<vmem_shared>> -> memref<640x128xf32, #tpu.memory_space<vmem_shared>>
      tpu.wait_dma2 semaphore(%run_scoped3A : memref<!tpu.dma_semaphore, #tpu.memory_space<semaphore_mem>>) src(%dma_wait3A_29 : memref<640x128xf32, #tpu.memory_space<vmem_shared>>) dst(%dma_wait3A_27 : memref<640x128xf32, #tpu.memory_space<hbm>>)
      tpu.yield
    }) : () -> ()
    %barrier3A_21 = arith.constant 0 : index
    tpu.barrier barrier_id(%barrier3A_21)
    return
  }
}

#map = affine_map<(d0, d1) -> (0, 0)>
#map1 = affine_map<(d0, d1) -> (0)>
#map2 = affine_map<(d0, d1) -> (0, 0, 0)>
module attributes {stable_mosaic.version = 14 : i64} {
  func.func @_msg_scatter_body(%arg0: i32, %arg1: i32, %arg2: memref<80000x512xf32, #tpu.memory_space<hbm>>, %arg3: memref<80000xi32, #tpu.memory_space<hbm>>, %arg4: memref<10240x128xf32, #tpu.memory_space<hbm>>, %arg5: memref<4x10240x128xf32, #tpu.memory_space<hbm>>, %arg6: memref<200xi32, #tpu.memory_space<vmem>>, %arg7: memref<200x128xf32, #tpu.memory_space<vmem>>, %arg8: memref<10240x128xf32, #tpu.memory_space<vmem_shared>>) attributes {dimension_semantics = [#tpu.dimension_semantics<core_parallel>, #tpu.dimension_semantics<subcore_parallel>], iteration_bounds = array<i64: 2, 16>, scalar_prefetch = 0 : i64, scratch_operands = 3 : i64, tpu.core_type = #tpu.core_type<sc_vector_subcore>, window_params = [{transform_indices = #map}, {transform_indices = #map1}, {transform_indices = #map}, {transform_indices = #map2}]} {
    %mul3A = arith.constant 640 : i32
    %mul3A_0 = arith.muli %arg1, %mul3A : i32
    %mul3A_1 = arith.constant 2 : i32
    %mul3A_2 = arith.muli %arg0, %mul3A_1 : i32
    %add3A = arith.constant 0 : i32
    %add3A_3 = arith.addi %mul3A_2, %add3A : i32
    "tpu.region"() ({
      %run_scoped3A = tpu.sem_alloc : memref<!tpu.dma_semaphore, #tpu.memory_space<semaphore_mem>>
      %dma_start3A = arith.constant 0 : i32
      %dma_start3A_22 = tpu.memref_slice %arg8[%mul3A_0, %dma_start3A] : memref<10240x128xf32, #tpu.memory_space<vmem_shared>> -> memref<640x128xf32, #tpu.memory_space<vmem_shared>>
      %dma_start3A_23 = arith.constant 0 : i32
      %dma_start3A_24 = tpu.memref_slice %arg4[%mul3A_0, %dma_start3A_23] : memref<10240x128xf32, #tpu.memory_space<hbm>> -> memref<640x128xf32, #tpu.memory_space<hbm>>
      tpu.enqueue_dma source(%dma_start3A_24 : memref<640x128xf32, #tpu.memory_space<hbm>>) target(%dma_start3A_22 : memref<640x128xf32, #tpu.memory_space<vmem_shared>>) target_semaphore(%run_scoped3A : memref<!tpu.dma_semaphore, #tpu.memory_space<semaphore_mem>>)
      %dma_wait3A = arith.constant 0 : i32
      %dma_wait3A_25 = tpu.memref_slice %arg8[%mul3A_0, %dma_wait3A] : memref<10240x128xf32, #tpu.memory_space<vmem_shared>> -> memref<640x128xf32, #tpu.memory_space<vmem_shared>>
      %dma_wait3A_26 = arith.constant 0 : i32
      %dma_wait3A_27 = tpu.memref_slice %arg4[%mul3A_0, %dma_wait3A_26] : memref<10240x128xf32, #tpu.memory_space<hbm>> -> memref<640x128xf32, #tpu.memory_space<hbm>>
      tpu.wait_dma2 semaphore(%run_scoped3A : memref<!tpu.dma_semaphore, #tpu.memory_space<semaphore_mem>>) src(%dma_wait3A_27 : memref<640x128xf32, #tpu.memory_space<hbm>>) dst(%dma_wait3A_25 : memref<640x128xf32, #tpu.memory_space<vmem_shared>>)
      tpu.yield
    }) : () -> ()
    %barrier3A = arith.constant 0 : index
    tpu.barrier barrier_id(%barrier3A)
    %scan3A = arith.constant 0 : i32
    %scan3A_4 = arith.constant 25 : i32
    %scan3A_5 = arith.addi %scan3A, %scan3A_4 : i32
    %scan3A_6 = arith.constant 1 : i32
    scf.for %scan3A_22 = %scan3A to %scan3A_5 step %scan3A_6  : i32 {
      %mul3A_23 = arith.constant 1 : i32
      %mul3A_24 = arith.muli %scan3A_22, %mul3A_23 : i32
      %add3A_25 = arith.constant 0 : i32
      %add3A_26 = arith.addi %add3A_25, %mul3A_24 : i32
      %mul3A_27 = arith.constant 5000 : i32
      %mul3A_28 = arith.muli %arg1, %mul3A_27 : i32
      %mul3A_29 = arith.constant 200 : i32
      %mul3A_30 = arith.muli %add3A_26, %mul3A_29 : i32
      %add3A_31 = arith.addi %mul3A_28, %mul3A_30 : i32
      %multiple_of3A = tpu.assume_multiple %add3A_31, 8 : i32
      "tpu.region"() ({
        %run_scoped3A = tpu.sem_alloc : memref<!tpu.dma_semaphore, #tpu.memory_space<semaphore_mem>>
        %dma_start3A = tpu.memref_slice %arg3[%multiple_of3A] : memref<80000xi32, #tpu.memory_space<hbm>> -> memref<200xi32, #tpu.memory_space<hbm>>
        %dma_start3A_34 = tpu.memref_slice %arg3[%multiple_of3A] : memref<80000xi32, #tpu.memory_space<hbm>> -> memref<200xi32, #tpu.memory_space<hbm>>
        tpu.enqueue_dma source(%dma_start3A_34 : memref<200xi32, #tpu.memory_space<hbm>>) target(%arg6 : memref<200xi32, #tpu.memory_space<vmem>>) target_semaphore(%run_scoped3A : memref<!tpu.dma_semaphore, #tpu.memory_space<semaphore_mem>>)
        %dma_wait3A = tpu.memref_slice %arg3[%multiple_of3A] : memref<80000xi32, #tpu.memory_space<hbm>> -> memref<200xi32, #tpu.memory_space<hbm>>
        %dma_wait3A_35 = tpu.memref_slice %arg3[%multiple_of3A] : memref<80000xi32, #tpu.memory_space<hbm>> -> memref<200xi32, #tpu.memory_space<hbm>>
        tpu.wait_dma2 semaphore(%run_scoped3A : memref<!tpu.dma_semaphore, #tpu.memory_space<semaphore_mem>>) src(%dma_wait3A_35 : memref<200xi32, #tpu.memory_space<hbm>>) dst(%arg6 : memref<200xi32, #tpu.memory_space<vmem>>)
        tpu.yield
      }) : () -> ()
      %mul3A_32 = arith.constant 128 : i32
      %mul3A_33 = arith.muli %add3A_3, %mul3A_32 : i32
      "tpu.region"() ({
        %run_scoped3A = tpu.sem_alloc : memref<!tpu.dma_semaphore, #tpu.memory_space<semaphore_mem>>
        %dma_start3A = tpu.memref_slice %arg2[%multiple_of3A, %mul3A_33] : memref<80000x512xf32, #tpu.memory_space<hbm>> -> memref<200x128xf32, #tpu.memory_space<hbm>>
        %dma_start3A_34 = tpu.memref_slice %arg2[%multiple_of3A, %mul3A_33] : memref<80000x512xf32, #tpu.memory_space<hbm>> -> memref<200x128xf32, #tpu.memory_space<hbm>>
        tpu.enqueue_dma source(%dma_start3A_34 : memref<200x128xf32, #tpu.memory_space<hbm>>) target(%arg7 : memref<200x128xf32, #tpu.memory_space<vmem>>) target_semaphore(%run_scoped3A : memref<!tpu.dma_semaphore, #tpu.memory_space<semaphore_mem>>)
        %dma_wait3A = tpu.memref_slice %arg2[%multiple_of3A, %mul3A_33] : memref<80000x512xf32, #tpu.memory_space<hbm>> -> memref<200x128xf32, #tpu.memory_space<hbm>>
        %dma_wait3A_35 = tpu.memref_slice %arg2[%multiple_of3A, %mul3A_33] : memref<80000x512xf32, #tpu.memory_space<hbm>> -> memref<200x128xf32, #tpu.memory_space<hbm>>
        tpu.wait_dma2 semaphore(%run_scoped3A : memref<!tpu.dma_semaphore, #tpu.memory_space<semaphore_mem>>) src(%dma_wait3A_35 : memref<200x128xf32, #tpu.memory_space<hbm>>) dst(%arg7 : memref<200x128xf32, #tpu.memory_space<vmem>>)
        tpu.yield
      }) : () -> ()
      "tpu.region"() ({
        %run_scoped3A = tpu.sem_alloc : memref<!tpu.dma_semaphore, #tpu.memory_space<semaphore_mem>>
        %dma_start3A = arith.constant 0 : i32
        %dma_start3A_34 = arith.constant 0 : i32
        %dma_start3A_35 = tpu.memref_slice %arg8[%dma_start3A, %dma_start3A_34] : memref<10240x128xf32, #tpu.memory_space<vmem_shared>> -> memref<10240x128xf32, #tpu.memory_space<vmem_shared>>
        tpu.enqueue_indirect_dma source(%arg7 : memref<200x128xf32, #tpu.memory_space<vmem>>) target(%dma_start3A_35 : memref<10240x128xf32, #tpu.memory_space<vmem_shared>>) offsets(%arg6 : memref<200xi32, #tpu.memory_space<vmem>>) semaphore(%run_scoped3A : memref<!tpu.dma_semaphore, #tpu.memory_space<semaphore_mem>>) {add = true}
        %dma_wait3A = arith.constant 0 : i32
        %dma_wait3A_36 = arith.constant 0 : i32
        %dma_wait3A_37 = tpu.memref_slice %arg8[%dma_wait3A, %dma_wait3A_36] : memref<10240x128xf32, #tpu.memory_space<vmem_shared>> -> memref<10240x128xf32, #tpu.memory_space<vmem_shared>>
        tpu.wait_indirect_dma semaphore(%run_scoped3A : memref<!tpu.dma_semaphore, #tpu.memory_space<semaphore_mem>>) src(%arg7 : memref<200x128xf32, #tpu.memory_space<vmem>>) dst(%dma_wait3A_37 : memref<10240x128xf32, #tpu.memory_space<vmem_shared>>)
        tpu.yield
      }) : () -> ()
    }
    %scan3A_7 = arith.constant 25 : i32
    %barrier3A_8 = arith.constant 0 : index
    tpu.barrier barrier_id(%barrier3A_8)
    "tpu.region"() ({
      %run_scoped3A = tpu.sem_alloc : memref<!tpu.dma_semaphore, #tpu.memory_space<semaphore_mem>>
      %dma_start3A = arith.constant 0 : i32
      %dma_start3A_22 = tpu.memref_slice %arg5[%add3A_3, %mul3A_0, %dma_start3A] : memref<4x10240x128xf32, #tpu.memory_space<hbm>> -> memref<1x640x128xf32, #tpu.memory_space<hbm>>
      %dma_start3A_23 = tpu.memref_squeeze %dma_start3A_22 : memref<1x640x128xf32, #tpu.memory_space<hbm>> -> memref<640x128xf32, #tpu.memory_space<hbm>>
      %dma_start3A_24 = arith.constant 0 : i32
      %dma_start3A_25 = tpu.memref_slice %arg8[%mul3A_0, %dma_start3A_24] : memref<10240x128xf32, #tpu.memory_space<vmem_shared>> -> memref<640x128xf32, #tpu.memory_space<vmem_shared>>
      tpu.enqueue_dma source(%dma_start3A_25 : memref<640x128xf32, #tpu.memory_space<vmem_shared>>) target(%dma_start3A_23 : memref<640x128xf32, #tpu.memory_space<hbm>>) target_semaphore(%run_scoped3A : memref<!tpu.dma_semaphore, #tpu.memory_space<semaphore_mem>>)
      %dma_wait3A = arith.constant 0 : i32
      %dma_wait3A_26 = tpu.memref_slice %arg5[%add3A_3, %mul3A_0, %dma_wait3A] : memref<4x10240x128xf32, #tpu.memory_space<hbm>> -> memref<1x640x128xf32, #tpu.memory_space<hbm>>
      %dma_wait3A_27 = tpu.memref_squeeze %dma_wait3A_26 : memref<1x640x128xf32, #tpu.memory_space<hbm>> -> memref<640x128xf32, #tpu.memory_space<hbm>>
      %dma_wait3A_28 = arith.constant 0 : i32
      %dma_wait3A_29 = tpu.memref_slice %arg8[%mul3A_0, %dma_wait3A_28] : memref<10240x128xf32, #tpu.memory_space<vmem_shared>> -> memref<640x128xf32, #tpu.memory_space<vmem_shared>>
      tpu.wait_dma2 semaphore(%run_scoped3A : memref<!tpu.dma_semaphore, #tpu.memory_space<semaphore_mem>>) src(%dma_wait3A_29 : memref<640x128xf32, #tpu.memory_space<vmem_shared>>) dst(%dma_wait3A_27 : memref<640x128xf32, #tpu.memory_space<hbm>>)
      tpu.yield
    }) : () -> ()
    %barrier3A_9 = arith.constant 0 : index
    tpu.barrier barrier_id(%barrier3A_9)
    %mul3A_10 = arith.constant 2 : i32
    %mul3A_11 = arith.muli %arg0, %mul3A_10 : i32
    %add3A_12 = arith.constant 1 : i32
    %add3A_13 = arith.addi %mul3A_11, %add3A_12 : i32
    "tpu.region"() ({
      %run_scoped3A = tpu.sem_alloc : memref<!tpu.dma_semaphore, #tpu.memory_space<semaphore_mem>>
      %dma_start3A = arith.constant 0 : i32
      %dma_start3A_22 = tpu.memref_slice %arg8[%mul3A_0, %dma_start3A] : memref<10240x128xf32, #tpu.memory_space<vmem_shared>> -> memref<640x128xf32, #tpu.memory_space<vmem_shared>>
      %dma_start3A_23 = arith.constant 0 : i32
      %dma_start3A_24 = tpu.memref_slice %arg4[%mul3A_0, %dma_start3A_23] : memref<10240x128xf32, #tpu.memory_space<hbm>> -> memref<640x128xf32, #tpu.memory_space<hbm>>
      tpu.enqueue_dma source(%dma_start3A_24 : memref<640x128xf32, #tpu.memory_space<hbm>>) target(%dma_start3A_22 : memref<640x128xf32, #tpu.memory_space<vmem_shared>>) target_semaphore(%run_scoped3A : memref<!tpu.dma_semaphore, #tpu.memory_space<semaphore_mem>>)
      %dma_wait3A = arith.constant 0 : i32
      %dma_wait3A_25 = tpu.memref_slice %arg8[%mul3A_0, %dma_wait3A] : memref<10240x128xf32, #tpu.memory_space<vmem_shared>> -> memref<640x128xf32, #tpu.memory_space<vmem_shared>>
      %dma_wait3A_26 = arith.constant 0 : i32
      %dma_wait3A_27 = tpu.memref_slice %arg4[%mul3A_0, %dma_wait3A_26] : memref<10240x128xf32, #tpu.memory_space<hbm>> -> memref<640x128xf32, #tpu.memory_space<hbm>>
      tpu.wait_dma2 semaphore(%run_scoped3A : memref<!tpu.dma_semaphore, #tpu.memory_space<semaphore_mem>>) src(%dma_wait3A_27 : memref<640x128xf32, #tpu.memory_space<hbm>>) dst(%dma_wait3A_25 : memref<640x128xf32, #tpu.memory_space<vmem_shared>>)
      tpu.yield
    }) : () -> ()
    %barrier3A_14 = arith.constant 0 : index
    tpu.barrier barrier_id(%barrier3A_14)
    %scan3A_15 = arith.constant 0 : i32
    %scan3A_16 = arith.constant 25 : i32
    %scan3A_17 = arith.addi %scan3A_15, %scan3A_16 : i32
    %scan3A_18 = arith.constant 1 : i32
    scf.for %scan3A_22 = %scan3A_15 to %scan3A_17 step %scan3A_18  : i32 {
      %mul3A_23 = arith.constant 1 : i32
      %mul3A_24 = arith.muli %scan3A_22, %mul3A_23 : i32
      %add3A_25 = arith.constant 0 : i32
      %add3A_26 = arith.addi %add3A_25, %mul3A_24 : i32
      %mul3A_27 = arith.constant 5000 : i32
      %mul3A_28 = arith.muli %arg1, %mul3A_27 : i32
      %mul3A_29 = arith.constant 200 : i32
      %mul3A_30 = arith.muli %add3A_26, %mul3A_29 : i32
      %add3A_31 = arith.addi %mul3A_28, %mul3A_30 : i32
      %multiple_of3A = tpu.assume_multiple %add3A_31, 8 : i32
      "tpu.region"() ({
        %run_scoped3A = tpu.sem_alloc : memref<!tpu.dma_semaphore, #tpu.memory_space<semaphore_mem>>
        %dma_start3A = tpu.memref_slice %arg3[%multiple_of3A] : memref<80000xi32, #tpu.memory_space<hbm>> -> memref<200xi32, #tpu.memory_space<hbm>>
        %dma_start3A_34 = tpu.memref_slice %arg3[%multiple_of3A] : memref<80000xi32, #tpu.memory_space<hbm>> -> memref<200xi32, #tpu.memory_space<hbm>>
        tpu.enqueue_dma source(%dma_start3A_34 : memref<200xi32, #tpu.memory_space<hbm>>) target(%arg6 : memref<200xi32, #tpu.memory_space<vmem>>) target_semaphore(%run_scoped3A : memref<!tpu.dma_semaphore, #tpu.memory_space<semaphore_mem>>)
        %dma_wait3A = tpu.memref_slice %arg3[%multiple_of3A] : memref<80000xi32, #tpu.memory_space<hbm>> -> memref<200xi32, #tpu.memory_space<hbm>>
        %dma_wait3A_35 = tpu.memref_slice %arg3[%multiple_of3A] : memref<80000xi32, #tpu.memory_space<hbm>> -> memref<200xi32, #tpu.memory_space<hbm>>
        tpu.wait_dma2 semaphore(%run_scoped3A : memref<!tpu.dma_semaphore, #tpu.memory_space<semaphore_mem>>) src(%dma_wait3A_35 : memref<200xi32, #tpu.memory_space<hbm>>) dst(%arg6 : memref<200xi32, #tpu.memory_space<vmem>>)
        tpu.yield
      }) : () -> ()
      %mul3A_32 = arith.constant 128 : i32
      %mul3A_33 = arith.muli %add3A_13, %mul3A_32 : i32
      "tpu.region"() ({
        %run_scoped3A = tpu.sem_alloc : memref<!tpu.dma_semaphore, #tpu.memory_space<semaphore_mem>>
        %dma_start3A = tpu.memref_slice %arg2[%multiple_of3A, %mul3A_33] : memref<80000x512xf32, #tpu.memory_space<hbm>> -> memref<200x128xf32, #tpu.memory_space<hbm>>
        %dma_start3A_34 = tpu.memref_slice %arg2[%multiple_of3A, %mul3A_33] : memref<80000x512xf32, #tpu.memory_space<hbm>> -> memref<200x128xf32, #tpu.memory_space<hbm>>
        tpu.enqueue_dma source(%dma_start3A_34 : memref<200x128xf32, #tpu.memory_space<hbm>>) target(%arg7 : memref<200x128xf32, #tpu.memory_space<vmem>>) target_semaphore(%run_scoped3A : memref<!tpu.dma_semaphore, #tpu.memory_space<semaphore_mem>>)
        %dma_wait3A = tpu.memref_slice %arg2[%multiple_of3A, %mul3A_33] : memref<80000x512xf32, #tpu.memory_space<hbm>> -> memref<200x128xf32, #tpu.memory_space<hbm>>
        %dma_wait3A_35 = tpu.memref_slice %arg2[%multiple_of3A, %mul3A_33] : memref<80000x512xf32, #tpu.memory_space<hbm>> -> memref<200x128xf32, #tpu.memory_space<hbm>>
        tpu.wait_dma2 semaphore(%run_scoped3A : memref<!tpu.dma_semaphore, #tpu.memory_space<semaphore_mem>>) src(%dma_wait3A_35 : memref<200x128xf32, #tpu.memory_space<hbm>>) dst(%arg7 : memref<200x128xf32, #tpu.memory_space<vmem>>)
        tpu.yield
      }) : () -> ()
      "tpu.region"() ({
        %run_scoped3A = tpu.sem_alloc : memref<!tpu.dma_semaphore, #tpu.memory_space<semaphore_mem>>
        %dma_start3A = arith.constant 0 : i32
        %dma_start3A_34 = arith.constant 0 : i32
        %dma_start3A_35 = tpu.memref_slice %arg8[%dma_start3A, %dma_start3A_34] : memref<10240x128xf32, #tpu.memory_space<vmem_shared>> -> memref<10240x128xf32, #tpu.memory_space<vmem_shared>>
        tpu.enqueue_indirect_dma source(%arg7 : memref<200x128xf32, #tpu.memory_space<vmem>>) target(%dma_start3A_35 : memref<10240x128xf32, #tpu.memory_space<vmem_shared>>) offsets(%arg6 : memref<200xi32, #tpu.memory_space<vmem>>) semaphore(%run_scoped3A : memref<!tpu.dma_semaphore, #tpu.memory_space<semaphore_mem>>) {add = true}
        %dma_wait3A = arith.constant 0 : i32
        %dma_wait3A_36 = arith.constant 0 : i32
        %dma_wait3A_37 = tpu.memref_slice %arg8[%dma_wait3A, %dma_wait3A_36] : memref<10240x128xf32, #tpu.memory_space<vmem_shared>> -> memref<10240x128xf32, #tpu.memory_space<vmem_shared>>
        tpu.wait_indirect_dma semaphore(%run_scoped3A : memref<!tpu.dma_semaphore, #tpu.memory_space<semaphore_mem>>) src(%arg7 : memref<200x128xf32, #tpu.memory_space<vmem>>) dst(%dma_wait3A_37 : memref<10240x128xf32, #tpu.memory_space<vmem_shared>>)
        tpu.yield
      }) : () -> ()
    }
    %scan3A_19 = arith.constant 25 : i32
    %barrier3A_20 = arith.constant 0 : index
    tpu.barrier barrier_id(%barrier3A_20)
    "tpu.region"() ({
      %run_scoped3A = tpu.sem_alloc : memref<!tpu.dma_semaphore, #tpu.memory_space<semaphore_mem>>
      %dma_start3A = arith.constant 0 : i32
      %dma_start3A_22 = tpu.memref_slice %arg5[%add3A_13, %mul3A_0, %dma_start3A] : memref<4x10240x128xf32, #tpu.memory_space<hbm>> -> memref<1x640x128xf32, #tpu.memory_space<hbm>>
      %dma_start3A_23 = tpu.memref_squeeze %dma_start3A_22 : memref<1x640x128xf32, #tpu.memory_space<hbm>> -> memref<640x128xf32, #tpu.memory_space<hbm>>
      %dma_start3A_24 = arith.constant 0 : i32
      %dma_start3A_25 = tpu.memref_slice %arg8[%mul3A_0, %dma_start3A_24] : memref<10240x128xf32, #tpu.memory_space<vmem_shared>> -> memref<640x128xf32, #tpu.memory_space<vmem_shared>>
      tpu.enqueue_dma source(%dma_start3A_25 : memref<640x128xf32, #tpu.memory_space<vmem_shared>>) target(%dma_start3A_23 : memref<640x128xf32, #tpu.memory_space<hbm>>) target_semaphore(%run_scoped3A : memref<!tpu.dma_semaphore, #tpu.memory_space<semaphore_mem>>)
      %dma_wait3A = arith.constant 0 : i32
      %dma_wait3A_26 = tpu.memref_slice %arg5[%add3A_13, %mul3A_0, %dma_wait3A] : memref<4x10240x128xf32, #tpu.memory_space<hbm>> -> memref<1x640x128xf32, #tpu.memory_space<hbm>>
      %dma_wait3A_27 = tpu.memref_squeeze %dma_wait3A_26 : memref<1x640x128xf32, #tpu.memory_space<hbm>> -> memref<640x128xf32, #tpu.memory_space<hbm>>
      %dma_wait3A_28 = arith.constant 0 : i32
      %dma_wait3A_29 = tpu.memref_slice %arg8[%mul3A_0, %dma_wait3A_28] : memref<10240x128xf32, #tpu.memory_space<vmem_shared>> -> memref<640x128xf32, #tpu.memory_space<vmem_shared>>
      tpu.wait_dma2 semaphore(%run_scoped3A : memref<!tpu.dma_semaphore, #tpu.memory_space<semaphore_mem>>) src(%dma_wait3A_29 : memref<640x128xf32, #tpu.memory_space<vmem_shared>>) dst(%dma_wait3A_27 : memref<640x128xf32, #tpu.memory_space<hbm>>)
      tpu.yield
    }) : () -> ()
    %barrier3A_21 = arith.constant 0 : index
    tpu.barrier barrier_id(%barrier3A_21)
    return
  }
}

module attributes {stable_mosaic.version = 14 : i64} {
  func.func @_node_body(%arg0: i32, %arg1: memref<400x128xf32, #tpu.memory_space<vmem>>, %arg2: memref<400x384xf32, #tpu.memory_space<vmem>>, %arg3: memref<128x128xf32, #tpu.memory_space<vmem>>, %arg4: memref<1x128xf32, #tpu.memory_space<vmem>>, %arg5: memref<128x128xf32, #tpu.memory_space<vmem>>, %arg6: memref<1x128xf32, #tpu.memory_space<vmem>>, %arg7: memref<128x128xf32, #tpu.memory_space<vmem>>, %arg8: memref<1x128xf32, #tpu.memory_space<vmem>>, %arg9: memref<128x384xf32, #tpu.memory_space<vmem>>, %arg10: memref<1x384xf32, #tpu.memory_space<vmem>>, %arg11: memref<128x128xf32, #tpu.memory_space<vmem>>, %arg12: memref<1x128xf32, #tpu.memory_space<vmem>>, %arg13: memref<128x384xf32, #tpu.memory_space<vmem>>, %arg14: memref<1x384xf32, #tpu.memory_space<vmem>>, %arg15: memref<400x128xf32, #tpu.memory_space<vmem>>, %arg16: memref<400x128xf32, #tpu.memory_space<vmem>>, %arg17: memref<400x384xi32, #tpu.memory_space<vmem>>) attributes {dimension_semantics = [#tpu.dimension_semantics<arbitrary>], iteration_bounds = array<i64: 25>, scalar_prefetch = 0 : i64, scratch_operands = 0 : i64, tpu.core_type = #tpu.core_type<tc>, window_params = [{transform_indices = @transform_0, window_bounds = array<i64: 400, 128>}, {transform_indices = @transform_1, window_bounds = array<i64: 400, 384>}, {pipeline_mode = #tpu.pipeline_mode<synchronous>, transform_indices = @transform_2, window_bounds = array<i64: 128, 128>}, {pipeline_mode = #tpu.pipeline_mode<synchronous>, transform_indices = @transform_3, window_bounds = array<i64: 1, 128>}, {pipeline_mode = #tpu.pipeline_mode<synchronous>, transform_indices = @transform_4, window_bounds = array<i64: 128, 128>}, {pipeline_mode = #tpu.pipeline_mode<synchronous>, transform_indices = @transform_5, window_bounds = array<i64: 1, 128>}, {pipeline_mode = #tpu.pipeline_mode<synchronous>, transform_indices = @transform_6, window_bounds = array<i64: 128, 128>}, {pipeline_mode = #tpu.pipeline_mode<synchronous>, transform_indices = @transform_7, window_bounds = array<i64: 1, 128>}, {pipeline_mode = #tpu.pipeline_mode<synchronous>, transform_indices = @transform_8, window_bounds = array<i64: 128, 384>}, {pipeline_mode = #tpu.pipeline_mode<synchronous>, transform_indices = @transform_9, window_bounds = array<i64: 1, 384>}, {pipeline_mode = #tpu.pipeline_mode<synchronous>, transform_indices = @transform_10, window_bounds = array<i64: 128, 128>}, {pipeline_mode = #tpu.pipeline_mode<synchronous>, transform_indices = @transform_11, window_bounds = array<i64: 1, 128>}, {pipeline_mode = #tpu.pipeline_mode<synchronous>, transform_indices = @transform_12, window_bounds = array<i64: 128, 384>}, {pipeline_mode = #tpu.pipeline_mode<synchronous>, transform_indices = @transform_13, window_bounds = array<i64: 1, 384>}, {transform_indices = @transform_14, window_bounds = array<i64: 400, 128>}, {transform_indices = @transform_15, window_bounds = array<i64: 400, 128>}, {transform_indices = @transform_16, window_bounds = array<i64: 400, 384>}]} {
    %get3A = arith.constant 0 : index
    %get3A_0 = arith.constant 0 : index
    %get3A_1 = vector.load %arg1[%get3A, %get3A_0] : memref<400x128xf32, #tpu.memory_space<vmem>>, vector<400x128xf32>
    %get3A_2 = arith.constant 0 : index
    %get3A_3 = arith.constant 0 : index
    %get3A_4 = vector.load %arg3[%get3A_2, %get3A_3] : memref<128x128xf32, #tpu.memory_space<vmem>>, vector<128x128xf32>
    %dot_general3A = arith.constant dense<0.000000e+00> : vector<400x128xf32>
    %dot_general3A_5 = tpu.matmul %get3A_1, %get3A_4, %dot_general3A {dimension_numbers = #tpu.dot_dimension_numbers<[1], [0], [0], [1], [0, 0, 1, 1], [], []>, transpose_lhs_hint = false} : vector<400x128xf32>, vector<128x128xf32>, vector<400x128xf32> -> vector<400x128xf32>
    %get3A_6 = arith.constant 0 : index
    %get3A_7 = arith.constant 0 : index
    %get3A_8 = vector.load %arg4[%get3A_6, %get3A_7] : memref<1x128xf32, #tpu.memory_space<vmem>>, vector<1x128xf32>
    %add3A = vector.broadcast %get3A_8 : vector<1x128xf32> to vector<400x128xf32>
    %add3A_9 = arith.addf %dot_general3A_5, %add3A : vector<400x128xf32>
    %swap3A = arith.constant 0 : index
    %swap3A_10 = arith.constant 0 : index
    %swap3A_11 = vector.load %arg15[%swap3A, %swap3A_10] : memref<400x128xf32, #tpu.memory_space<vmem>>, vector<400x128xf32>
    tpu.vector_store %arg15[%swap3A, %swap3A_10], %add3A_9 {strides = array<i32>} : memref<400x128xf32, #tpu.memory_space<vmem>>, vector<400x128xf32>,
    %get3A_12 = arith.constant 0 : index
    %get3A_13 = arith.constant 0 : index
    %get3A_14 = vector.load %arg5[%get3A_12, %get3A_13] : memref<128x128xf32, #tpu.memory_space<vmem>>, vector<128x128xf32>
    %dot_general3A_15 = arith.constant dense<0.000000e+00> : vector<400x128xf32>
    %dot_general3A_16 = tpu.matmul %get3A_1, %get3A_14, %dot_general3A_15 {dimension_numbers = #tpu.dot_dimension_numbers<[1], [0], [0], [1], [0, 0, 1, 1], [], []>, transpose_lhs_hint = false} : vector<400x128xf32>, vector<128x128xf32>, vector<400x128xf32> -> vector<400x128xf32>
    %get3A_17 = arith.constant 0 : index
    %get3A_18 = arith.constant 0 : index
    %get3A_19 = vector.load %arg6[%get3A_17, %get3A_18] : memref<1x128xf32, #tpu.memory_space<vmem>>, vector<1x128xf32>
    %add3A_20 = vector.broadcast %get3A_19 : vector<1x128xf32> to vector<400x128xf32>
    %add3A_21 = arith.addf %dot_general3A_16, %add3A_20 : vector<400x128xf32>
    %swap3A_22 = arith.constant 0 : index
    %swap3A_23 = arith.constant 0 : index
    %swap3A_24 = vector.load %arg16[%swap3A_22, %swap3A_23] : memref<400x128xf32, #tpu.memory_space<vmem>>, vector<400x128xf32>
    tpu.vector_store %arg16[%swap3A_22, %swap3A_23], %add3A_21 {strides = array<i32>} : memref<400x128xf32, #tpu.memory_space<vmem>>, vector<400x128xf32>,
    %get3A_25 = arith.constant 0 : index
    %get3A_26 = arith.constant 0 : index
    %get3A_27 = vector.load %arg7[%get3A_25, %get3A_26] : memref<128x128xf32, #tpu.memory_space<vmem>>, vector<128x128xf32>
    %dot_general3A_28 = arith.constant dense<0.000000e+00> : vector<400x128xf32>
    %dot_general3A_29 = tpu.matmul %get3A_1, %get3A_27, %dot_general3A_28 {dimension_numbers = #tpu.dot_dimension_numbers<[1], [0], [0], [1], [0, 0, 1, 1], [], []>, transpose_lhs_hint = false} : vector<400x128xf32>, vector<128x128xf32>, vector<400x128xf32> -> vector<400x128xf32>
    %get3A_30 = arith.constant 0 : index
    %get3A_31 = arith.constant 0 : index
    %get3A_32 = vector.load %arg8[%get3A_30, %get3A_31] : memref<1x128xf32, #tpu.memory_space<vmem>>, vector<1x128xf32>
    %add3A_33 = vector.broadcast %get3A_32 : vector<1x128xf32> to vector<400x128xf32>
    %add3A_34 = arith.addf %dot_general3A_29, %add3A_33 : vector<400x128xf32>
    %logistic3A = arith.negf %add3A_34 : vector<400x128xf32>
    %logistic3A_35 = math.exp %logistic3A : vector<400x128xf32>
    %logistic3A_36 = arith.constant 1.000000e+00 : f32
    %logistic3A_37 = vector.broadcast %logistic3A_36 : f32 to vector<400x128xf32>
    %logistic3A_38 = arith.addf %logistic3A_37, %logistic3A_35 : vector<400x128xf32>
    %logistic3A_39 = arith.divf %logistic3A_37, %logistic3A_38 : vector<400x128xf32>
    %mul3A = arith.mulf %add3A_34, %logistic3A_39 : vector<400x128xf32>
    %get3A_40 = arith.constant 0 : index
    %get3A_41 = arith.constant 0 : index
    %get3A_42 = vector.load %arg9[%get3A_40, %get3A_41] : memref<128x384xf32, #tpu.memory_space<vmem>>, vector<128x384xf32>
    %dot_general3A_43 = arith.constant dense<0.000000e+00> : vector<400x384xf32>
    %dot_general3A_44 = tpu.matmul %mul3A, %get3A_42, %dot_general3A_43 {dimension_numbers = #tpu.dot_dimension_numbers<[1], [0], [0], [1], [0, 0, 1, 1], [], []>, transpose_lhs_hint = false} : vector<400x128xf32>, vector<128x384xf32>, vector<400x384xf32> -> vector<400x384xf32>
    %get3A_45 = arith.constant 0 : index
    %get3A_46 = arith.constant 0 : index
    %get3A_47 = vector.load %arg10[%get3A_45, %get3A_46] : memref<1x384xf32, #tpu.memory_space<vmem>>, vector<1x384xf32>
    %add3A_48 = vector.broadcast %get3A_47 : vector<1x384xf32> to vector<400x384xf32>
    %add3A_49 = arith.addf %dot_general3A_44, %add3A_48 : vector<400x384xf32>
    %get3A_50 = arith.constant 0 : index
    %get3A_51 = arith.constant 0 : index
    %get3A_52 = vector.load %arg11[%get3A_50, %get3A_51] : memref<128x128xf32, #tpu.memory_space<vmem>>, vector<128x128xf32>
    %dot_general3A_53 = arith.constant dense<0.000000e+00> : vector<400x128xf32>
    %dot_general3A_54 = tpu.matmul %get3A_1, %get3A_52, %dot_general3A_53 {dimension_numbers = #tpu.dot_dimension_numbers<[1], [0], [0], [1], [0, 0, 1, 1], [], []>, transpose_lhs_hint = false} : vector<400x128xf32>, vector<128x128xf32>, vector<400x128xf32> -> vector<400x128xf32>
    %get3A_55 = arith.constant 0 : index
    %get3A_56 = arith.constant 0 : index
    %get3A_57 = vector.load %arg12[%get3A_55, %get3A_56] : memref<1x128xf32, #tpu.memory_space<vmem>>, vector<1x128xf32>
    %add3A_58 = vector.broadcast %get3A_57 : vector<1x128xf32> to vector<400x128xf32>
    %add3A_59 = arith.addf %dot_general3A_54, %add3A_58 : vector<400x128xf32>
    %logistic3A_60 = arith.negf %add3A_59 : vector<400x128xf32>
    %logistic3A_61 = math.exp %logistic3A_60 : vector<400x128xf32>
    %logistic3A_62 = arith.constant 1.000000e+00 : f32
    %logistic3A_63 = vector.broadcast %logistic3A_62 : f32 to vector<400x128xf32>
    %logistic3A_64 = arith.addf %logistic3A_63, %logistic3A_61 : vector<400x128xf32>
    %logistic3A_65 = arith.divf %logistic3A_63, %logistic3A_64 : vector<400x128xf32>
    %mul3A_66 = arith.mulf %add3A_59, %logistic3A_65 : vector<400x128xf32>
    %get3A_67 = arith.constant 0 : index
    %get3A_68 = arith.constant 0 : index
    %get3A_69 = vector.load %arg13[%get3A_67, %get3A_68] : memref<128x384xf32, #tpu.memory_space<vmem>>, vector<128x384xf32>
    %dot_general3A_70 = arith.constant dense<0.000000e+00> : vector<400x384xf32>
    %dot_general3A_71 = tpu.matmul %mul3A_66, %get3A_69, %dot_general3A_70 {dimension_numbers = #tpu.dot_dimension_numbers<[1], [0], [0], [1], [0, 0, 1, 1], [], []>, transpose_lhs_hint = false} : vector<400x128xf32>, vector<128x384xf32>, vector<400x384xf32> -> vector<400x384xf32>
    %get3A_72 = arith.constant 0 : index
    %get3A_73 = arith.constant 0 : index
    %get3A_74 = vector.load %arg14[%get3A_72, %get3A_73] : memref<1x384xf32, #tpu.memory_space<vmem>>, vector<1x384xf32>
    %add3A_75 = vector.broadcast %get3A_74 : vector<1x384xf32> to vector<400x384xf32>
    %add3A_76 = arith.addf %dot_general3A_71, %add3A_75 : vector<400x384xf32>
    %get3A_77 = arith.constant 0 : index
    %get3A_78 = arith.constant 0 : index
    %get3A_79 = vector.load %arg2[%get3A_77, %get3A_78] : memref<400x384xf32, #tpu.memory_space<vmem>>, vector<400x384xf32>
    %bitcast_convert_type3A = tpu.bitcast %get3A_79 : vector<400x384xf32> -> vector<400x384xi32>
    %add3A_80 = arith.constant 32767 : i32
    %add3A_81 = vector.broadcast %add3A_80 : i32 to vector<400x384xi32>
    %add3A_82 = arith.addi %bitcast_convert_type3A, %add3A_81 : vector<400x384xi32>
    %shift_right_logical3A = arith.constant 16 : i32
    %shift_right_logical3A_83 = vector.broadcast %shift_right_logical3A : i32 to vector<400x384xi32>
    %shift_right_logical3A_84 = arith.shrui %bitcast_convert_type3A, %shift_right_logical3A_83 : vector<400x384xi32>
    %and3A = arith.constant 1 : i32
    %and3A_85 = vector.broadcast %and3A : i32 to vector<400x384xi32>
    %and3A_86 = arith.andi %shift_right_logical3A_84, %and3A_85 : vector<400x384xi32>
    %add3A_87 = arith.addi %add3A_82, %and3A_86 : vector<400x384xi32>
    %shift_right_logical3A_88 = arith.constant 16 : i32
    %shift_right_logical3A_89 = vector.broadcast %shift_right_logical3A_88 : i32 to vector<400x384xi32>
    %shift_right_logical3A_90 = arith.shrui %add3A_87, %shift_right_logical3A_89 : vector<400x384xi32>
    %shift_left3A = arith.constant 16 : i32
    %shift_left3A_91 = vector.broadcast %shift_left3A : i32 to vector<400x384xi32>
    %shift_left3A_92 = arith.shli %shift_right_logical3A_90, %shift_left3A_91 : vector<400x384xi32>
    %mul3A_93 = arith.mulf %add3A_49, %add3A_76 : vector<400x384xf32>
    %bitcast_convert_type3A_94 = tpu.bitcast %mul3A_93 : vector<400x384xf32> -> vector<400x384xi32>
    %add3A_95 = arith.constant 32767 : i32
    %add3A_96 = vector.broadcast %add3A_95 : i32 to vector<400x384xi32>
    %add3A_97 = arith.addi %bitcast_convert_type3A_94, %add3A_96 : vector<400x384xi32>
    %shift_right_logical3A_98 = arith.constant 16 : i32
    %shift_right_logical3A_99 = vector.broadcast %shift_right_logical3A_98 : i32 to vector<400x384xi32>
    %shift_right_logical3A_100 = arith.shrui %bitcast_convert_type3A_94, %shift_right_logical3A_99 : vector<400x384xi32>
    %and3A_101 = arith.constant 1 : i32
    %and3A_102 = vector.broadcast %and3A_101 : i32 to vector<400x384xi32>
    %and3A_103 = arith.andi %shift_right_logical3A_100, %and3A_102 : vector<400x384xi32>
    %add3A_104 = arith.addi %add3A_97, %and3A_103 : vector<400x384xi32>
    %shift_right_logical3A_105 = arith.constant 16 : i32
    %shift_right_logical3A_106 = vector.broadcast %shift_right_logical3A_105 : i32 to vector<400x384xi32>
    %shift_right_logical3A_107 = arith.shrui %add3A_104, %shift_right_logical3A_106 : vector<400x384xi32>
    %or3A = arith.ori %shift_left3A_92, %shift_right_logical3A_107 : vector<400x384xi32>
    %swap3A_108 = arith.constant 0 : index
    %swap3A_109 = arith.constant 0 : index
    %swap3A_110 = vector.load %arg17[%swap3A_108, %swap3A_109] : memref<400x384xi32, #tpu.memory_space<vmem>>, vector<400x384xi32>
    tpu.vector_store %arg17[%swap3A_108, %swap3A_109], %or3A {strides = array<i32>} : memref<400x384xi32, #tpu.memory_space<vmem>>, vector<400x384xi32>,
    return
  }
  func.func @transform_0(%arg0: i32) -> (i32, i32) {
    %c0_i32 = arith.constant 0 : i32
    %c0_i32_0 = arith.constant 0 : i32
    return %arg0, %c0_i32 : i32, i32
  }
  func.func @transform_1(%arg0: i32) -> (i32, i32) {
    %c0_i32 = arith.constant 0 : i32
    %c0_i32_0 = arith.constant 0 : i32
    return %arg0, %c0_i32 : i32, i32
  }
  func.func @transform_2(%arg0: i32) -> (i32, i32) {
    %c0_i32 = arith.constant 0 : i32
    %c0_i32_0 = arith.constant 0 : i32
    %c0_i32_1 = arith.constant 0 : i32
    return %c0_i32, %c0_i32_0 : i32, i32
  }
  func.func @transform_3(%arg0: i32) -> (i32, i32) {
    %c0_i32 = arith.constant 0 : i32
    %c0_i32_0 = arith.constant 0 : i32
    %c0_i32_1 = arith.constant 0 : i32
    return %c0_i32, %c0_i32_0 : i32, i32
  }
  func.func @transform_4(%arg0: i32) -> (i32, i32) {
    %c0_i32 = arith.constant 0 : i32
    %c0_i32_0 = arith.constant 0 : i32
    %c0_i32_1 = arith.constant 0 : i32
    return %c0_i32, %c0_i32_0 : i32, i32
  }
  func.func @transform_5(%arg0: i32) -> (i32, i32) {
    %c0_i32 = arith.constant 0 : i32
    %c0_i32_0 = arith.constant 0 : i32
    %c0_i32_1 = arith.constant 0 : i32
    return %c0_i32, %c0_i32_0 : i32, i32
  }
  func.func @transform_6(%arg0: i32) -> (i32, i32) {
    %c0_i32 = arith.constant 0 : i32
    %c0_i32_0 = arith.constant 0 : i32
    %c0_i32_1 = arith.constant 0 : i32
    return %c0_i32, %c0_i32_0 : i32, i32
  }
  func.func @transform_7(%arg0: i32) -> (i32, i32) {
    %c0_i32 = arith.constant 0 : i32
    %c0_i32_0 = arith.constant 0 : i32
    %c0_i32_1 = arith.constant 0 : i32
    return %c0_i32, %c0_i32_0 : i32, i32
  }
  func.func @transform_8(%arg0: i32) -> (i32, i32) {
    %c0_i32 = arith.constant 0 : i32
    %c0_i32_0 = arith.constant 0 : i32
    %c0_i32_1 = arith.constant 0 : i32
    return %c0_i32, %c0_i32_0 : i32, i32
  }
  func.func @transform_9(%arg0: i32) -> (i32, i32) {
    %c0_i32 = arith.constant 0 : i32
    %c0_i32_0 = arith.constant 0 : i32
    %c0_i32_1 = arith.constant 0 : i32
    return %c0_i32, %c0_i32_0 : i32, i32
  }
  func.func @transform_10(%arg0: i32) -> (i32, i32) {
    %c0_i32 = arith.constant 0 : i32
    %c0_i32_0 = arith.constant 0 : i32
    %c0_i32_1 = arith.constant 0 : i32
    return %c0_i32, %c0_i32_0 : i32, i32
  }
  func.func @transform_11(%arg0: i32) -> (i32, i32) {
    %c0_i32 = arith.constant 0 : i32
    %c0_i32_0 = arith.constant 0 : i32
    %c0_i32_1 = arith.constant 0 : i32
    return %c0_i32, %c0_i32_0 : i32, i32
  }
  func.func @transform_12(%arg0: i32) -> (i32, i32) {
    %c0_i32 = arith.constant 0 : i32
    %c0_i32_0 = arith.constant 0 : i32
    %c0_i32_1 = arith.constant 0 : i32
    return %c0_i32, %c0_i32_0 : i32, i32
  }
  func.func @transform_13(%arg0: i32) -> (i32, i32) {
    %c0_i32 = arith.constant 0 : i32
    %c0_i32_0 = arith.constant 0 : i32
    %c0_i32_1 = arith.constant 0 : i32
    return %c0_i32, %c0_i32_0 : i32, i32
  }
  func.func @transform_14(%arg0: i32) -> (i32, i32) {
    %c0_i32 = arith.constant 0 : i32
    %c0_i32_0 = arith.constant 0 : i32
    return %arg0, %c0_i32 : i32, i32
  }
  func.func @transform_15(%arg0: i32) -> (i32, i32) {
    %c0_i32 = arith.constant 0 : i32
    %c0_i32_0 = arith.constant 0 : i32
    return %arg0, %c0_i32 : i32, i32
  }
  func.func @transform_16(%arg0: i32) -> (i32, i32) {
    %c0_i32 = arith.constant 0 : i32
    %c0_i32_0 = arith.constant 0 : i32
    return %arg0, %c0_i32 : i32, i32
  }
}

module attributes {stable_mosaic.version = 14 : i64} {
  func.func @_ra_body(%arg0: i32, %arg1: memref<1600x128xf32, #tpu.memory_space<vmem>>, %arg2: memref<128x128xf32, #tpu.memory_space<vmem>>, %arg3: memref<1x128xf32, #tpu.memory_space<vmem>>, %arg4: memref<1600x128xf32, #tpu.memory_space<vmem>>) attributes {dimension_semantics = [#tpu.dimension_semantics<arbitrary>], iteration_bounds = array<i64: 100>, scalar_prefetch = 0 : i64, scratch_operands = 0 : i64, tpu.core_type = #tpu.core_type<tc>, window_params = [{transform_indices = @transform_0, window_bounds = array<i64: 1600, 128>}, {pipeline_mode = #tpu.pipeline_mode<synchronous>, transform_indices = @transform_1, window_bounds = array<i64: 128, 128>}, {pipeline_mode = #tpu.pipeline_mode<synchronous>, transform_indices = @transform_2, window_bounds = array<i64: 1, 128>}, {transform_indices = @transform_3, window_bounds = array<i64: 1600, 128>}]} {
    %get3A = arith.constant 0 : index
    %get3A_0 = arith.constant 0 : index
    %get3A_1 = vector.load %arg1[%get3A, %get3A_0] : memref<1600x128xf32, #tpu.memory_space<vmem>>, vector<1600x128xf32>
    %get3A_2 = arith.constant 0 : index
    %get3A_3 = arith.constant 0 : index
    %get3A_4 = vector.load %arg2[%get3A_2, %get3A_3] : memref<128x128xf32, #tpu.memory_space<vmem>>, vector<128x128xf32>
    %dot_general3A = arith.constant dense<0.000000e+00> : vector<1600x128xf32>
    %dot_general3A_5 = tpu.matmul %get3A_1, %get3A_4, %dot_general3A {dimension_numbers = #tpu.dot_dimension_numbers<[1], [0], [0], [1], [0, 0, 1, 1], [], []>, transpose_lhs_hint = false} : vector<1600x128xf32>, vector<128x128xf32>, vector<1600x128xf32> -> vector<1600x128xf32>
    %get3A_6 = arith.constant 0 : index
    %get3A_7 = arith.constant 0 : index
    %get3A_8 = vector.load %arg3[%get3A_6, %get3A_7] : memref<1x128xf32, #tpu.memory_space<vmem>>, vector<1x128xf32>
    %add3A = vector.broadcast %get3A_8 : vector<1x128xf32> to vector<1600x128xf32>
    %add3A_9 = arith.addf %dot_general3A_5, %add3A : vector<1600x128xf32>
    %logistic3A = arith.negf %add3A_9 : vector<1600x128xf32>
    %logistic3A_10 = math.exp %logistic3A : vector<1600x128xf32>
    %logistic3A_11 = arith.constant 1.000000e+00 : f32
    %logistic3A_12 = vector.broadcast %logistic3A_11 : f32 to vector<1600x128xf32>
    %logistic3A_13 = arith.addf %logistic3A_12, %logistic3A_10 : vector<1600x128xf32>
    %logistic3A_14 = arith.divf %logistic3A_12, %logistic3A_13 : vector<1600x128xf32>
    %mul3A = arith.mulf %add3A_9, %logistic3A_14 : vector<1600x128xf32>
    %swap3A = arith.constant 0 : index
    %swap3A_15 = arith.constant 0 : index
    %swap3A_16 = vector.load %arg4[%swap3A, %swap3A_15] : memref<1600x128xf32, #tpu.memory_space<vmem>>, vector<1600x128xf32>
    tpu.vector_store %arg4[%swap3A, %swap3A_15], %mul3A {strides = array<i32>} : memref<1600x128xf32, #tpu.memory_space<vmem>>, vector<1600x128xf32>,
    return
  }
  func.func @transform_0(%arg0: i32) -> (i32, i32) {
    %c0_i32 = arith.constant 0 : i32
    %c0_i32_0 = arith.constant 0 : i32
    return %arg0, %c0_i32 : i32, i32
  }
  func.func @transform_1(%arg0: i32) -> (i32, i32) {
    %c0_i32 = arith.constant 0 : i32
    %c0_i32_0 = arith.constant 0 : i32
    %c0_i32_1 = arith.constant 0 : i32
    return %c0_i32, %c0_i32_0 : i32, i32
  }
  func.func @transform_2(%arg0: i32) -> (i32, i32) {
    %c0_i32 = arith.constant 0 : i32
    %c0_i32_0 = arith.constant 0 : i32
    %c0_i32_1 = arith.constant 0 : i32
    return %c0_i32, %c0_i32_0 : i32, i32
  }
  func.func @transform_3(%arg0: i32) -> (i32, i32) {
    %c0_i32 = arith.constant 0 : i32
    %c0_i32_0 = arith.constant 0 : i32
    return %arg0, %c0_i32 : i32, i32
  }
}

module attributes {stable_mosaic.version = 14 : i64} {
  func.func @_ex_body(%arg0: i32, %arg1: memref<1600x128xf32, #tpu.memory_space<vmem>>, %arg2: memref<1600x128xf32, #tpu.memory_space<vmem>>, %arg3: memref<1600x128xf32, #tpu.memory_space<vmem>>, %arg4: memref<1x1x1600xf32, #tpu.memory_space<vmem>>, %arg5: memref<1x1x1600xf32, #tpu.memory_space<vmem>>, %arg6: memref<128x8xf32, #tpu.memory_space<vmem>>, %arg7: memref<8x128xf32, #tpu.memory_space<vmem>>, %arg8: memref<1x1xf32, #tpu.memory_space<vmem>>, %arg9: memref<8x8xf32, #tpu.memory_space<vmem>>, %arg10: memref<1600x128xf32, #tpu.memory_space<vmem>>, %arg11: memref<2x8x800xf32, #tpu.memory_space<vmem>>) attributes {dimension_semantics = [#tpu.dimension_semantics<arbitrary>], iteration_bounds = array<i64: 100>, scalar_prefetch = 0 : i64, scratch_operands = 0 : i64, tpu.core_type = #tpu.core_type<tc>, window_params = [{transform_indices = @transform_0, window_bounds = array<i64: 1600, 128>}, {transform_indices = @transform_1, window_bounds = array<i64: 1600, 128>}, {transform_indices = @transform_2, window_bounds = array<i64: 1600, 128>}, {transform_indices = @transform_3, window_bounds = array<i64: 1, 1, 1600>}, {transform_indices = @transform_4, window_bounds = array<i64: 1, 1, 1600>}, {pipeline_mode = #tpu.pipeline_mode<synchronous>, transform_indices = @transform_5, window_bounds = array<i64: 128, 8>}, {pipeline_mode = #tpu.pipeline_mode<synchronous>, transform_indices = @transform_6, window_bounds = array<i64: 8, 128>}, {pipeline_mode = #tpu.pipeline_mode<synchronous>, transform_indices = @transform_7, window_bounds = array<i64: 1, 1>}, {pipeline_mode = #tpu.pipeline_mode<synchronous>, transform_indices = @transform_8, window_bounds = array<i64: 8, 8>}, {transform_indices = @transform_9, window_bounds = array<i64: 1600, 128>}, {transform_indices = @transform_10, window_bounds = array<i64: 2, 8, 800>}]} {
    %get3A = arith.constant 0 : index
    %get3A_0 = arith.constant 0 : index
    %get3A_1 = vector.load %arg1[%get3A, %get3A_0] : memref<1600x128xf32, #tpu.memory_space<vmem>>, vector<1600x128xf32>
    %get3A_2 = arith.constant 0 : index
    %get3A_3 = arith.constant 0 : index
    %get3A_4 = vector.load %arg2[%get3A_2, %get3A_3] : memref<1600x128xf32, #tpu.memory_space<vmem>>, vector<1600x128xf32>
    %mul3A = arith.mulf %get3A_1, %get3A_4 : vector<1600x128xf32>
    %get3A_5 = arith.constant 0 : index
    %get3A_6 = arith.constant 0 : index
    %get3A_7 = vector.load %arg3[%get3A_5, %get3A_6] : memref<1600x128xf32, #tpu.memory_space<vmem>>, vector<1600x128xf32>
    %mul3A_8 = arith.mulf %mul3A, %get3A_7 : vector<1600x128xf32>
    %get3A_9 = arith.constant 0 : index
    %get3A_10 = arith.constant 0 : index
    %get3A_11 = vector.load %arg6[%get3A_9, %get3A_10] : memref<128x8xf32, #tpu.memory_space<vmem>>, vector<128x8xf32>
    %dot_general3A = arith.constant dense<0.000000e+00> : vector<1600x8xf32>
    %dot_general3A_12 = tpu.matmul %mul3A_8, %get3A_11, %dot_general3A {dimension_numbers = #tpu.dot_dimension_numbers<[1], [0], [0], [1], [0, 0, 1, 1], [], []>, transpose_lhs_hint = false} : vector<1600x128xf32>, vector<128x8xf32>, vector<1600x8xf32> -> vector<1600x8xf32>
    %exp3A = math.exp %dot_general3A_12 : vector<1600x8xf32>
    %get3A_13 = arith.constant 0 : index
    %get3A_14 = arith.constant 0 : index
    %get3A_15 = vector.load %arg7[%get3A_13, %get3A_14] : memref<8x128xf32, #tpu.memory_space<vmem>>, vector<8x128xf32>
    %dot_general3A_16 = arith.constant dense<0.000000e+00> : vector<1600x128xf32>
    %dot_general3A_17 = tpu.matmul %exp3A, %get3A_15, %dot_general3A_16 {dimension_numbers = #tpu.dot_dimension_numbers<[1], [0], [0], [1], [0, 0, 1, 1], [], []>, transpose_lhs_hint = false} : vector<1600x8xf32>, vector<8x128xf32>, vector<1600x128xf32> -> vector<1600x128xf32>
    %swap3A = arith.constant 0 : index
    %swap3A_18 = arith.constant 0 : index
    %swap3A_19 = vector.load %arg10[%swap3A, %swap3A_18] : memref<1600x128xf32, #tpu.memory_space<vmem>>, vector<1600x128xf32>
    tpu.vector_store %arg10[%swap3A, %swap3A_18], %dot_general3A_17 {strides = array<i32>} : memref<1600x128xf32, #tpu.memory_space<vmem>>, vector<1600x128xf32>,
    %get3A_20 = arith.constant 0 : index
    %get3A_21 = arith.constant 0 : index
    %get3A_22 = arith.constant 0 : index
    %get3A_23 = vector.load %arg4[%get3A_20, %get3A_21, %get3A_22] : memref<1x1x1600xf32, #tpu.memory_space<vmem>>, vector<1x1x1600xf32>
    %get3A_24 = vector.shape_cast %get3A_23 : vector<1x1x1600xf32> to vector<1x1600xf32>
    %mul3A_25 = arith.constant 0.628318548 : f32
    %mul3A_26 = vector.broadcast %mul3A_25 : f32 to vector<1x1600xf32>
    %mul3A_27 = arith.mulf %get3A_24, %mul3A_26 : vector<1x1600xf32>
    %cos3A = math.cos %mul3A_27 : vector<1x1600xf32>
    %add3A = arith.constant 1.000000e+00 : f32
    %add3A_28 = vector.broadcast %add3A : f32 to vector<1x1600xf32>
    %add3A_29 = arith.addf %cos3A, %add3A_28 : vector<1x1600xf32>
    %mul3A_30 = arith.constant 5.000000e-01 : f32
    %mul3A_31 = vector.broadcast %mul3A_30 : f32 to vector<1x1600xf32>
    %mul3A_32 = arith.mulf %mul3A_31, %add3A_29 : vector<1x1600xf32>
    %lt3A = arith.constant 5.000000e+00 : f32
    %lt3A_33 = vector.broadcast %lt3A : f32 to vector<1x1600xf32>
    %lt3A_34 = arith.cmpf olt, %get3A_24, %lt3A_33 : vector<1x1600xf32>
    %convert_element_type3A = arith.extui %lt3A_34 : vector<1x1600xi1> to vector<1x1600xi32>
    %convert_element_type3A_35 = arith.sitofp %convert_element_type3A : vector<1x1600xi32> to vector<1x1600xf32>
    %mul3A_36 = arith.mulf %mul3A_32, %convert_element_type3A_35 : vector<1x1600xf32>
    %get3A_37 = arith.constant 0 : index
    %get3A_38 = arith.constant 0 : index
    %get3A_39 = arith.constant 0 : index
    %get3A_40 = vector.load %arg5[%get3A_37, %get3A_38, %get3A_39] : memref<1x1x1600xf32, #tpu.memory_space<vmem>>, vector<1x1x1600xf32>
    %get3A_41 = vector.shape_cast %get3A_40 : vector<1x1x1600xf32> to vector<1x1600xf32>
    %max3A = arith.constant 1.000000e+00 : f32
    %max3A_42 = vector.broadcast %max3A : f32 to vector<1x1600xf32>
    %max3A_43 = arith.maximumf %get3A_41, %max3A_42 : vector<1x1600xf32>
    %sqrt3A = math.sqrt %max3A_43 : vector<1x1600xf32>
    %mul3A_44 = arith.mulf %mul3A_36, %sqrt3A : vector<1x1600xf32>
    %get3A_45 = arith.constant 0 : index
    %get3A_46 = arith.constant 0 : index
    %get3A_47 = vector.load %arg8[%get3A_45, %get3A_46] : memref<1x1xf32, #tpu.memory_space<vmem>>, vector<1x1xf32>
    %dot_general3A_48 = arith.constant dense<0.000000e+00> : vector<1600x1xf32>
    %dot_general3A_49 = tpu.matmul %mul3A_44, %get3A_47, %dot_general3A_48 {dimension_numbers = #tpu.dot_dimension_numbers<[0], [0], [1], [1], [0, 1, 1, 1], [], []>, transpose_lhs_hint = false} : vector<1x1600xf32>, vector<1x1xf32>, vector<1600x1xf32> -> vector<1600x1xf32>
    %mul3A_50 = vector.broadcast %dot_general3A_49 : vector<1600x1xf32> to vector<1600x8xf32>
    %mul3A_51 = arith.mulf %exp3A, %mul3A_50 : vector<1600x8xf32>
    %get3A_52 = arith.constant 0 : index
    %get3A_53 = arith.constant 0 : index
    %get3A_54 = vector.load %arg9[%get3A_52, %get3A_53] : memref<8x8xf32, #tpu.memory_space<vmem>>, vector<8x8xf32>
    %slice3A = vector.extract_strided_slice %mul3A_51 {offsets = [0, 0], sizes = [800, 8], strides = [1, 1]} : vector<1600x8xf32> to vector<800x8xf32>
    %dot_general3A_55 = arith.constant dense<0.000000e+00> : vector<8x800xf32>
    %dot_general3A_56 = tpu.matmul %get3A_54, %slice3A, %dot_general3A_55 {dimension_numbers = #tpu.dot_dimension_numbers<[1], [1], [0], [0], [0, 0, 1, 0], [], []>, transpose_lhs_hint = false} : vector<8x8xf32>, vector<800x8xf32>, vector<8x800xf32> -> vector<8x800xf32>
    %swap3A_57 = arith.constant 0 : index
    %swap3A_58 = arith.constant 0 : index
    %swap3A_59 = arith.constant 0 : index
    %swap3A_60 = vector.load %arg11[%swap3A_57, %swap3A_58, %swap3A_59] : memref<2x8x800xf32, #tpu.memory_space<vmem>>, vector<1x8x800xf32>
    %swap3A_61 = vector.shape_cast %swap3A_60 : vector<1x8x800xf32> to vector<8x800xf32>
    %swap3A_62 = vector.shape_cast %dot_general3A_56 : vector<8x800xf32> to vector<1x8x800xf32>
    tpu.vector_store %arg11[%swap3A_57, %swap3A_58, %swap3A_59], %swap3A_62 {strides = array<i32>} : memref<2x8x800xf32, #tpu.memory_space<vmem>>, vector<1x8x800xf32>,
    %get3A_63 = arith.constant 0 : index
    %get3A_64 = arith.constant 0 : index
    %get3A_65 = vector.load %arg9[%get3A_63, %get3A_64] : memref<8x8xf32, #tpu.memory_space<vmem>>, vector<8x8xf32>
    %slice3A_66 = vector.extract_strided_slice %mul3A_51 {offsets = [800, 0], sizes = [800, 8], strides = [1, 1]} : vector<1600x8xf32> to vector<800x8xf32>
    %dot_general3A_67 = arith.constant dense<0.000000e+00> : vector<8x800xf32>
    %dot_general3A_68 = tpu.matmul %get3A_65, %slice3A_66, %dot_general3A_67 {dimension_numbers = #tpu.dot_dimension_numbers<[1], [1], [0], [0], [0, 0, 1, 0], [], []>, transpose_lhs_hint = false} : vector<8x8xf32>, vector<800x8xf32>, vector<8x800xf32> -> vector<8x800xf32>
    %swap3A_69 = arith.constant 1 : index
    %swap3A_70 = arith.constant 0 : index
    %swap3A_71 = arith.constant 0 : index
    %swap3A_72 = vector.load %arg11[%swap3A_69, %swap3A_70, %swap3A_71] : memref<2x8x800xf32, #tpu.memory_space<vmem>>, vector<1x8x800xf32>
    %swap3A_73 = vector.shape_cast %swap3A_72 : vector<1x8x800xf32> to vector<8x800xf32>
    %swap3A_74 = vector.shape_cast %dot_general3A_68 : vector<8x800xf32> to vector<1x8x800xf32>
    tpu.vector_store %arg11[%swap3A_69, %swap3A_70, %swap3A_71], %swap3A_74 {strides = array<i32>} : memref<2x8x800xf32, #tpu.memory_space<vmem>>, vector<1x8x800xf32>,
    return
  }
  func.func @transform_0(%arg0: i32) -> (i32, i32) {
    %c0_i32 = arith.constant 0 : i32
    %c0_i32_0 = arith.constant 0 : i32
    return %arg0, %c0_i32 : i32, i32
  }
  func.func @transform_1(%arg0: i32) -> (i32, i32) {
    %c0_i32 = arith.constant 0 : i32
    %c0_i32_0 = arith.constant 0 : i32
    return %arg0, %c0_i32 : i32, i32
  }
  func.func @transform_2(%arg0: i32) -> (i32, i32) {
    %c0_i32 = arith.constant 0 : i32
    %c0_i32_0 = arith.constant 0 : i32
    return %arg0, %c0_i32 : i32, i32
  }
  func.func @transform_3(%arg0: i32) -> (i32, i32, i32) {
    %c0_i32 = arith.constant 0 : i32
    %c0_i32_0 = arith.constant 0 : i32
    %c0_i32_1 = arith.constant 0 : i32
    return %arg0, %c0_i32, %c0_i32_0 : i32, i32, i32
  }
  func.func @transform_4(%arg0: i32) -> (i32, i32, i32) {
    %c0_i32 = arith.constant 0 : i32
    %c0_i32_0 = arith.constant 0 : i32
    %c0_i32_1 = arith.constant 0 : i32
    return %arg0, %c0_i32, %c0_i32_0 : i32, i32, i32
  }
  func.func @transform_5(%arg0: i32) -> (i32, i32) {
    %c0_i32 = arith.constant 0 : i32
    %c0_i32_0 = arith.constant 0 : i32
    %c0_i32_1 = arith.constant 0 : i32
    return %c0_i32, %c0_i32_0 : i32, i32
  }
  func.func @transform_6(%arg0: i32) -> (i32, i32) {
    %c0_i32 = arith.constant 0 : i32
    %c0_i32_0 = arith.constant 0 : i32
    %c0_i32_1 = arith.constant 0 : i32
    return %c0_i32, %c0_i32_0 : i32, i32
  }
  func.func @transform_7(%arg0: i32) -> (i32, i32) {
    %c0_i32 = arith.constant 0 : i32
    %c0_i32_0 = arith.constant 0 : i32
    %c0_i32_1 = arith.constant 0 : i32
    return %c0_i32, %c0_i32_0 : i32, i32
  }
  func.func @transform_8(%arg0: i32) -> (i32, i32) {
    %c0_i32 = arith.constant 0 : i32
    %c0_i32_0 = arith.constant 0 : i32
    %c0_i32_1 = arith.constant 0 : i32
    return %c0_i32, %c0_i32_0 : i32, i32
  }
  func.func @transform_9(%arg0: i32) -> (i32, i32) {
    %c0_i32 = arith.constant 0 : i32
    %c0_i32_0 = arith.constant 0 : i32
    return %arg0, %c0_i32 : i32, i32
  }
  func.func @transform_10(%arg0: i32) -> (i32, i32, i32) {
    %c0_i32 = arith.constant 0 : i32
    %c0_i32_0 = arith.constant 0 : i32
    %c0_i32_1 = arith.constant 0 : i32
    return %arg0, %c0_i32, %c0_i32_0 : i32, i32, i32
  }
}

module attributes {stable_mosaic.version = 14 : i64} {
  func.func @_densum_body(%arg0: i32, %arg1: memref<2x512x128xf32, #tpu.memory_space<vmem>>, %arg2: memref<512x128xf32, #tpu.memory_space<vmem>>) attributes {dimension_semantics = [#tpu.dimension_semantics<arbitrary>], iteration_bounds = array<i64: 20>, scalar_prefetch = 0 : i64, scratch_operands = 0 : i64, tpu.core_type = #tpu.core_type<tc>, window_params = [{transform_indices = @transform_0, window_bounds = array<i64: 2, 512, 128>}, {transform_indices = @transform_1, window_bounds = array<i64: 512, 128>}]} {
    %get3A = arith.constant 0 : index
    %get3A_0 = arith.constant 0 : index
    %get3A_1 = arith.constant 0 : index
    %get3A_2 = vector.load %arg1[%get3A, %get3A_0, %get3A_1] : memref<2x512x128xf32, #tpu.memory_space<vmem>>, vector<1x512x128xf32>
    %get3A_3 = vector.shape_cast %get3A_2 : vector<1x512x128xf32> to vector<512x128xf32>
    %get3A_4 = arith.constant 1 : index
    %get3A_5 = arith.constant 0 : index
    %get3A_6 = arith.constant 0 : index
    %get3A_7 = vector.load %arg1[%get3A_4, %get3A_5, %get3A_6] : memref<2x512x128xf32, #tpu.memory_space<vmem>>, vector<1x512x128xf32>
    %get3A_8 = vector.shape_cast %get3A_7 : vector<1x512x128xf32> to vector<512x128xf32>
    %add3A = arith.addf %get3A_3, %get3A_8 : vector<512x128xf32>
    %swap3A = arith.constant 0 : index
    %swap3A_9 = arith.constant 0 : index
    %swap3A_10 = vector.load %arg2[%swap3A, %swap3A_9] : memref<512x128xf32, #tpu.memory_space<vmem>>, vector<512x128xf32>
    tpu.vector_store %arg2[%swap3A, %swap3A_9], %add3A {strides = array<i32>} : memref<512x128xf32, #tpu.memory_space<vmem>>, vector<512x128xf32>,
    return
  }
  func.func @transform_0(%arg0: i32) -> (i32, i32, i32) {
    %c0_i32 = arith.constant 0 : i32
    %c0_i32_0 = arith.constant 0 : i32
    %c0_i32_1 = arith.constant 0 : i32
    return %c0_i32, %arg0, %c0_i32_0 : i32, i32, i32
  }
  func.func @transform_1(%arg0: i32) -> (i32, i32) {
    %c0_i32 = arith.constant 0 : i32
    %c0_i32_0 = arith.constant 0 : i32
    return %arg0, %c0_i32 : i32, i32
  }
}

module attributes {stable_mosaic.version = 14 : i64} {
  func.func @_msg_body(%arg0: i32, %arg1: memref<800x384xi32, #tpu.memory_space<vmem>>, %arg2: memref<800x128xf32, #tpu.memory_space<vmem>>, %arg3: memref<1x8x800xf32, #tpu.memory_space<vmem>>, %arg4: memref<800x128xf32, #tpu.memory_space<vmem>>, %arg5: memref<1x1x800xf32, #tpu.memory_space<vmem>>, %arg6: memref<1x1x800xf32, #tpu.memory_space<vmem>>, %arg7: memref<1x1x800xf32, #tpu.memory_space<vmem>>, %arg8: memref<128x384xf32, #tpu.memory_space<vmem>>, %arg9: memref<1x384xf32, #tpu.memory_space<vmem>>, %arg10: memref<8x384xf32, #tpu.memory_space<vmem>>, %arg11: memref<128x8xf32, #tpu.memory_space<vmem>>, %arg12: memref<1x1xf32, #tpu.memory_space<vmem>>, %arg13: memref<8x8xf32, #tpu.memory_space<vmem>>, %arg14: memref<800x512xf32, #tpu.memory_space<vmem>>) attributes {dimension_semantics = [#tpu.dimension_semantics<arbitrary>], iteration_bounds = array<i64: 100>, scalar_prefetch = 0 : i64, scratch_operands = 0 : i64, tpu.core_type = #tpu.core_type<tc>, window_params = [{transform_indices = @transform_0, window_bounds = array<i64: 800, 384>}, {transform_indices = @transform_1, window_bounds = array<i64: 800, 128>}, {transform_indices = @transform_2, window_bounds = array<i64: 1, 8, 800>}, {transform_indices = @transform_3, window_bounds = array<i64: 800, 128>}, {transform_indices = @transform_4, window_bounds = array<i64: 1, 1, 800>}, {transform_indices = @transform_5, window_bounds = array<i64: 1, 1, 800>}, {transform_indices = @transform_6, window_bounds = array<i64: 1, 1, 800>}, {pipeline_mode = #tpu.pipeline_mode<synchronous>, transform_indices = @transform_7, window_bounds = array<i64: 128, 384>}, {pipeline_mode = #tpu.pipeline_mode<synchronous>, transform_indices = @transform_8, window_bounds = array<i64: 1, 384>}, {pipeline_mode = #tpu.pipeline_mode<synchronous>, transform_indices = @transform_9, window_bounds = array<i64: 8, 384>}, {pipeline_mode = #tpu.pipeline_mode<synchronous>, transform_indices = @transform_10, window_bounds = array<i64: 128, 8>}, {pipeline_mode = #tpu.pipeline_mode<synchronous>, transform_indices = @transform_11, window_bounds = array<i64: 1, 1>}, {pipeline_mode = #tpu.pipeline_mode<synchronous>, transform_indices = @transform_12, window_bounds = array<i64: 8, 8>}, {transform_indices = @transform_13, window_bounds = array<i64: 800, 512>}]} {
    %get3A = arith.constant 0 : index
    %get3A_0 = arith.constant 0 : index
    %get3A_1 = vector.load %arg2[%get3A, %get3A_0] : memref<800x128xf32, #tpu.memory_space<vmem>>, vector<800x128xf32>
    %get3A_2 = arith.constant 0 : index
    %get3A_3 = arith.constant 0 : index
    %get3A_4 = vector.load %arg8[%get3A_2, %get3A_3] : memref<128x384xf32, #tpu.memory_space<vmem>>, vector<128x384xf32>
    %dot_general3A = arith.constant dense<0.000000e+00> : vector<800x384xf32>
    %dot_general3A_5 = tpu.matmul %get3A_1, %get3A_4, %dot_general3A {dimension_numbers = #tpu.dot_dimension_numbers<[1], [0], [0], [1], [0, 0, 1, 1], [], []>, transpose_lhs_hint = false} : vector<800x128xf32>, vector<128x384xf32>, vector<800x384xf32> -> vector<800x384xf32>
    %get3A_6 = arith.constant 0 : index
    %get3A_7 = arith.constant 0 : index
    %get3A_8 = vector.load %arg9[%get3A_6, %get3A_7] : memref<1x384xf32, #tpu.memory_space<vmem>>, vector<1x384xf32>
    %add3A = vector.broadcast %get3A_8 : vector<1x384xf32> to vector<800x384xf32>
    %add3A_9 = arith.addf %dot_general3A_5, %add3A : vector<800x384xf32>
    %get3A_10 = arith.constant 0 : index
    %get3A_11 = arith.constant 0 : index
    %get3A_12 = arith.constant 0 : index
    %get3A_13 = vector.load %arg3[%get3A_10, %get3A_11, %get3A_12] : memref<1x8x800xf32, #tpu.memory_space<vmem>>, vector<1x8x800xf32>
    %get3A_14 = vector.shape_cast %get3A_13 : vector<1x8x800xf32> to vector<8x800xf32>
    %get3A_15 = arith.constant 0 : index
    %get3A_16 = arith.constant 0 : index
    %get3A_17 = vector.load %arg13[%get3A_15, %get3A_16] : memref<8x8xf32, #tpu.memory_space<vmem>>, vector<8x8xf32>
    %dot_general3A_18 = arith.constant dense<0.000000e+00> : vector<800x8xf32>
    %dot_general3A_19 = tpu.matmul %get3A_14, %get3A_17, %dot_general3A_18 {dimension_numbers = #tpu.dot_dimension_numbers<[0], [0], [1], [1], [0, 1, 1, 1], [], []>, transpose_lhs_hint = false} : vector<8x800xf32>, vector<8x8xf32>, vector<800x8xf32> -> vector<800x8xf32>
    %get3A_20 = arith.constant 0 : index
    %get3A_21 = arith.constant 0 : index
    %get3A_22 = vector.load %arg4[%get3A_20, %get3A_21] : memref<800x128xf32, #tpu.memory_space<vmem>>, vector<800x128xf32>
    %add3A_23 = arith.constant 1.000000e-16 : f32
    %add3A_24 = vector.broadcast %add3A_23 : f32 to vector<800x128xf32>
    %add3A_25 = arith.addf %get3A_22, %add3A_24 : vector<800x128xf32>
    %div3A = arith.constant 1.000000e+00 : f32
    %div3A_26 = vector.broadcast %div3A : f32 to vector<800x128xf32>
    %div3A_27 = arith.divf %div3A_26, %add3A_25 : vector<800x128xf32>
    %get3A_28 = arith.constant 0 : index
    %get3A_29 = arith.constant 0 : index
    %get3A_30 = vector.load %arg11[%get3A_28, %get3A_29] : memref<128x8xf32, #tpu.memory_space<vmem>>, vector<128x8xf32>
    %dot_general3A_31 = arith.constant dense<0.000000e+00> : vector<800x8xf32>
    %dot_general3A_32 = tpu.matmul %div3A_27, %get3A_30, %dot_general3A_31 {dimension_numbers = #tpu.dot_dimension_numbers<[1], [0], [0], [1], [0, 0, 1, 1], [], []>, transpose_lhs_hint = false} : vector<800x128xf32>, vector<128x8xf32>, vector<800x8xf32> -> vector<800x8xf32>
    %mul3A = arith.mulf %dot_general3A_19, %dot_general3A_32 : vector<800x8xf32>
    %get3A_33 = arith.constant 0 : index
    %get3A_34 = arith.constant 0 : index
    %get3A_35 = vector.load %arg1[%get3A_33, %get3A_34] : memref<800x384xi32, #tpu.memory_space<vmem>>, vector<800x384xi32>
    %shift_left3A = arith.constant 16 : i32
    %shift_left3A_36 = vector.broadcast %shift_left3A : i32 to vector<800x384xi32>
    %shift_left3A_37 = arith.shli %get3A_35, %shift_left3A_36 : vector<800x384xi32>
    %bitcast_convert_type3A = tpu.bitcast %shift_left3A_37 : vector<800x384xi32> -> vector<800x384xf32>
    %and3A = arith.constant -65536 : i32
    %and3A_38 = vector.broadcast %and3A : i32 to vector<800x384xi32>
    %and3A_39 = arith.andi %get3A_35, %and3A_38 : vector<800x384xi32>
    %bitcast_convert_type3A_40 = tpu.bitcast %and3A_39 : vector<800x384xi32> -> vector<800x384xf32>
    %mul3A_41 = arith.mulf %bitcast_convert_type3A, %add3A_9 : vector<800x384xf32>
    %get3A_42 = arith.constant 0 : index
    %get3A_43 = arith.constant 0 : index
    %get3A_44 = vector.load %arg10[%get3A_42, %get3A_43] : memref<8x384xf32, #tpu.memory_space<vmem>>, vector<8x384xf32>
    %dot_general3A_45 = arith.constant dense<0.000000e+00> : vector<800x384xf32>
    %dot_general3A_46 = tpu.matmul %mul3A, %get3A_44, %dot_general3A_45 {dimension_numbers = #tpu.dot_dimension_numbers<[1], [0], [0], [1], [0, 0, 1, 1], [], []>, transpose_lhs_hint = false} : vector<800x8xf32>, vector<8x384xf32>, vector<800x384xf32> -> vector<800x384xf32>
    %mul3A_47 = arith.mulf %mul3A_41, %dot_general3A_46 : vector<800x384xf32>
    %slice3A = vector.extract_strided_slice %mul3A_47 {offsets = [0, 128], sizes = [800, 128], strides = [1, 1]} : vector<800x384xf32> to vector<800x128xf32>
    %slice3A_48 = vector.extract_strided_slice %mul3A_47 {offsets = [0, 256], sizes = [800, 128], strides = [1, 1]} : vector<800x384xf32> to vector<800x128xf32>
    %slice3A_49 = vector.extract_strided_slice %mul3A_47 {offsets = [0, 0], sizes = [800, 128], strides = [1, 1]} : vector<800x384xf32> to vector<800x128xf32>
    %get3A_50 = arith.constant 0 : index
    %get3A_51 = arith.constant 0 : index
    %get3A_52 = arith.constant 0 : index
    %get3A_53 = vector.load %arg5[%get3A_50, %get3A_51, %get3A_52] : memref<1x1x800xf32, #tpu.memory_space<vmem>>, vector<1x1x800xf32>
    %get3A_54 = vector.shape_cast %get3A_53 : vector<1x1x800xf32> to vector<1x800xf32>
    %get3A_55 = arith.constant 0 : index
    %get3A_56 = arith.constant 0 : index
    %get3A_57 = vector.load %arg12[%get3A_55, %get3A_56] : memref<1x1xf32, #tpu.memory_space<vmem>>, vector<1x1xf32>
    %dot_general3A_58 = arith.constant dense<0.000000e+00> : vector<800x1xf32>
    %dot_general3A_59 = tpu.matmul %get3A_54, %get3A_57, %dot_general3A_58 {dimension_numbers = #tpu.dot_dimension_numbers<[0], [0], [1], [1], [0, 1, 1, 1], [], []>, transpose_lhs_hint = false} : vector<1x800xf32>, vector<1x1xf32>, vector<800x1xf32> -> vector<800x1xf32>
    %mul3A_60 = vector.broadcast %dot_general3A_59 : vector<800x1xf32> to vector<800x128xf32>
    %mul3A_61 = arith.mulf %slice3A, %mul3A_60 : vector<800x128xf32>
    %slice3A_62 = vector.extract_strided_slice %bitcast_convert_type3A_40 {offsets = [0, 0], sizes = [800, 128], strides = [1, 1]} : vector<800x384xf32> to vector<800x128xf32>
    %mul3A_63 = arith.mulf %slice3A_48, %slice3A_62 : vector<800x128xf32>
    %add3A_64 = arith.addf %mul3A_61, %mul3A_63 : vector<800x128xf32>
    %get3A_65 = arith.constant 0 : index
    %get3A_66 = arith.constant 0 : index
    %get3A_67 = arith.constant 0 : index
    %get3A_68 = vector.load %arg6[%get3A_65, %get3A_66, %get3A_67] : memref<1x1x800xf32, #tpu.memory_space<vmem>>, vector<1x1x800xf32>
    %get3A_69 = vector.shape_cast %get3A_68 : vector<1x1x800xf32> to vector<1x800xf32>
    %get3A_70 = arith.constant 0 : index
    %get3A_71 = arith.constant 0 : index
    %get3A_72 = vector.load %arg12[%get3A_70, %get3A_71] : memref<1x1xf32, #tpu.memory_space<vmem>>, vector<1x1xf32>
    %dot_general3A_73 = arith.constant dense<0.000000e+00> : vector<800x1xf32>
    %dot_general3A_74 = tpu.matmul %get3A_69, %get3A_72, %dot_general3A_73 {dimension_numbers = #tpu.dot_dimension_numbers<[0], [0], [1], [1], [0, 1, 1, 1], [], []>, transpose_lhs_hint = false} : vector<1x800xf32>, vector<1x1xf32>, vector<800x1xf32> -> vector<800x1xf32>
    %mul3A_75 = vector.broadcast %dot_general3A_74 : vector<800x1xf32> to vector<800x128xf32>
    %mul3A_76 = arith.mulf %slice3A, %mul3A_75 : vector<800x128xf32>
    %slice3A_77 = vector.extract_strided_slice %bitcast_convert_type3A_40 {offsets = [0, 128], sizes = [800, 128], strides = [1, 1]} : vector<800x384xf32> to vector<800x128xf32>
    %mul3A_78 = arith.mulf %slice3A_48, %slice3A_77 : vector<800x128xf32>
    %add3A_79 = arith.addf %mul3A_76, %mul3A_78 : vector<800x128xf32>
    %get3A_80 = arith.constant 0 : index
    %get3A_81 = arith.constant 0 : index
    %get3A_82 = arith.constant 0 : index
    %get3A_83 = vector.load %arg7[%get3A_80, %get3A_81, %get3A_82] : memref<1x1x800xf32, #tpu.memory_space<vmem>>, vector<1x1x800xf32>
    %get3A_84 = vector.shape_cast %get3A_83 : vector<1x1x800xf32> to vector<1x800xf32>
    %get3A_85 = arith.constant 0 : index
    %get3A_86 = arith.constant 0 : index
    %get3A_87 = vector.load %arg12[%get3A_85, %get3A_86] : memref<1x1xf32, #tpu.memory_space<vmem>>, vector<1x1xf32>
    %dot_general3A_88 = arith.constant dense<0.000000e+00> : vector<800x1xf32>
    %dot_general3A_89 = tpu.matmul %get3A_84, %get3A_87, %dot_general3A_88 {dimension_numbers = #tpu.dot_dimension_numbers<[0], [0], [1], [1], [0, 1, 1, 1], [], []>, transpose_lhs_hint = false} : vector<1x800xf32>, vector<1x1xf32>, vector<800x1xf32> -> vector<800x1xf32>
    %mul3A_90 = vector.broadcast %dot_general3A_89 : vector<800x1xf32> to vector<800x128xf32>
    %mul3A_91 = arith.mulf %slice3A, %mul3A_90 : vector<800x128xf32>
    %slice3A_92 = vector.extract_strided_slice %bitcast_convert_type3A_40 {offsets = [0, 256], sizes = [800, 128], strides = [1, 1]} : vector<800x384xf32> to vector<800x128xf32>
    %mul3A_93 = arith.mulf %slice3A_48, %slice3A_92 : vector<800x128xf32>
    %add3A_94 = arith.addf %mul3A_91, %mul3A_93 : vector<800x128xf32>
    %concatenate3A = tpu.concatenate %slice3A_49, %add3A_64, %add3A_79, %add3A_94 in 1 : vector<800x128xf32>, vector<800x128xf32>, vector<800x128xf32>, vector<800x128xf32> -> vector<800x512xf32>
    %swap3A = arith.constant 0 : index
    %swap3A_95 = arith.constant 0 : index
    %swap3A_96 = vector.load %arg14[%swap3A, %swap3A_95] : memref<800x512xf32, #tpu.memory_space<vmem>>, vector<800x512xf32>
    tpu.vector_store %arg14[%swap3A, %swap3A_95], %concatenate3A {strides = array<i32>} : memref<800x512xf32, #tpu.memory_space<vmem>>, vector<800x512xf32>,
    return
  }
  func.func @transform_0(%arg0: i32) -> (i32, i32) {
    %add3A = arith.constant 100 : i32
    %add3A_0 = arith.addi %arg0, %add3A : i32
    %c0_i32 = arith.constant 0 : i32
    %c0_i32_1 = arith.constant 0 : i32
    return %add3A_0, %c0_i32 : i32, i32
  }
  func.func @transform_1(%arg0: i32) -> (i32, i32) {
    %add3A = arith.constant 100 : i32
    %add3A_0 = arith.addi %arg0, %add3A : i32
    %c0_i32 = arith.constant 0 : i32
    %c0_i32_1 = arith.constant 0 : i32
    return %add3A_0, %c0_i32 : i32, i32
  }
  func.func @transform_2(%arg0: i32) -> (i32, i32, i32) {
    %add3A = arith.constant 100 : i32
    %add3A_0 = arith.addi %arg0, %add3A : i32
    %c0_i32 = arith.constant 0 : i32
    %c0_i32_1 = arith.constant 0 : i32
    %c0_i32_2 = arith.constant 0 : i32
    return %add3A_0, %c0_i32, %c0_i32_1 : i32, i32, i32
  }
  func.func @transform_3(%arg0: i32) -> (i32, i32) {
    %add3A = arith.constant 100 : i32
    %add3A_0 = arith.addi %arg0, %add3A : i32
    %c0_i32 = arith.constant 0 : i32
    %c0_i32_1 = arith.constant 0 : i32
    return %add3A_0, %c0_i32 : i32, i32
  }
  func.func @transform_4(%arg0: i32) -> (i32, i32, i32) {
    %add3A = arith.constant 100 : i32
    %add3A_0 = arith.addi %arg0, %add3A : i32
    %c0_i32 = arith.constant 0 : i32
    %c0_i32_1 = arith.constant 0 : i32
    %c0_i32_2 = arith.constant 0 : i32
    return %add3A_0, %c0_i32, %c0_i32_1 : i32, i32, i32
  }
  func.func @transform_5(%arg0: i32) -> (i32, i32, i32) {
    %add3A = arith.constant 100 : i32
    %add3A_0 = arith.addi %arg0, %add3A : i32
    %c0_i32 = arith.constant 0 : i32
    %c0_i32_1 = arith.constant 0 : i32
    %c0_i32_2 = arith.constant 0 : i32
    return %add3A_0, %c0_i32, %c0_i32_1 : i32, i32, i32
  }
  func.func @transform_6(%arg0: i32) -> (i32, i32, i32) {
    %add3A = arith.constant 100 : i32
    %add3A_0 = arith.addi %arg0, %add3A : i32
    %c0_i32 = arith.constant 0 : i32
    %c0_i32_1 = arith.constant 0 : i32
    %c0_i32_2 = arith.constant 0 : i32
    return %add3A_0, %c0_i32, %c0_i32_1 : i32, i32, i32
  }
  func.func @transform_7(%arg0: i32) -> (i32, i32) {
    %c0_i32 = arith.constant 0 : i32
    %c0_i32_0 = arith.constant 0 : i32
    %c0_i32_1 = arith.constant 0 : i32
    return %c0_i32, %c0_i32_0 : i32, i32
  }
  func.func @transform_8(%arg0: i32) -> (i32, i32) {
    %c0_i32 = arith.constant 0 : i32
    %c0_i32_0 = arith.constant 0 : i32
    %c0_i32_1 = arith.constant 0 : i32
    return %c0_i32, %c0_i32_0 : i32, i32
  }
  func.func @transform_9(%arg0: i32) -> (i32, i32) {
    %c0_i32 = arith.constant 0 : i32
    %c0_i32_0 = arith.constant 0 : i32
    %c0_i32_1 = arith.constant 0 : i32
    return %c0_i32, %c0_i32_0 : i32, i32
  }
  func.func @transform_10(%arg0: i32) -> (i32, i32) {
    %c0_i32 = arith.constant 0 : i32
    %c0_i32_0 = arith.constant 0 : i32
    %c0_i32_1 = arith.constant 0 : i32
    return %c0_i32, %c0_i32_0 : i32, i32
  }
  func.func @transform_11(%arg0: i32) -> (i32, i32) {
    %c0_i32 = arith.constant 0 : i32
    %c0_i32_0 = arith.constant 0 : i32
    %c0_i32_1 = arith.constant 0 : i32
    return %c0_i32, %c0_i32_0 : i32, i32
  }
  func.func @transform_12(%arg0: i32) -> (i32, i32) {
    %c0_i32 = arith.constant 0 : i32
    %c0_i32_0 = arith.constant 0 : i32
    %c0_i32_1 = arith.constant 0 : i32
    return %c0_i32, %c0_i32_0 : i32, i32
  }
  func.func @transform_13(%arg0: i32) -> (i32, i32) {
    %c0_i32 = arith.constant 0 : i32
    %c0_i32_0 = arith.constant 0 : i32
    return %arg0, %c0_i32 : i32, i32
  }
}

module attributes {stable_mosaic.version = 14 : i64} {
  func.func @_msg_body(%arg0: i32, %arg1: memref<800x384xi32, #tpu.memory_space<vmem>>, %arg2: memref<800x128xf32, #tpu.memory_space<vmem>>, %arg3: memref<1x8x800xf32, #tpu.memory_space<vmem>>, %arg4: memref<800x128xf32, #tpu.memory_space<vmem>>, %arg5: memref<1x1x800xf32, #tpu.memory_space<vmem>>, %arg6: memref<1x1x800xf32, #tpu.memory_space<vmem>>, %arg7: memref<1x1x800xf32, #tpu.memory_space<vmem>>, %arg8: memref<128x384xf32, #tpu.memory_space<vmem>>, %arg9: memref<1x384xf32, #tpu.memory_space<vmem>>, %arg10: memref<8x384xf32, #tpu.memory_space<vmem>>, %arg11: memref<128x8xf32, #tpu.memory_space<vmem>>, %arg12: memref<1x1xf32, #tpu.memory_space<vmem>>, %arg13: memref<8x8xf32, #tpu.memory_space<vmem>>, %arg14: memref<800x512xf32, #tpu.memory_space<vmem>>) attributes {dimension_semantics = [#tpu.dimension_semantics<arbitrary>], iteration_bounds = array<i64: 100>, scalar_prefetch = 0 : i64, scratch_operands = 0 : i64, tpu.core_type = #tpu.core_type<tc>, window_params = [{transform_indices = @transform_0, window_bounds = array<i64: 800, 384>}, {transform_indices = @transform_1, window_bounds = array<i64: 800, 128>}, {transform_indices = @transform_2, window_bounds = array<i64: 1, 8, 800>}, {transform_indices = @transform_3, window_bounds = array<i64: 800, 128>}, {transform_indices = @transform_4, window_bounds = array<i64: 1, 1, 800>}, {transform_indices = @transform_5, window_bounds = array<i64: 1, 1, 800>}, {transform_indices = @transform_6, window_bounds = array<i64: 1, 1, 800>}, {pipeline_mode = #tpu.pipeline_mode<synchronous>, transform_indices = @transform_7, window_bounds = array<i64: 128, 384>}, {pipeline_mode = #tpu.pipeline_mode<synchronous>, transform_indices = @transform_8, window_bounds = array<i64: 1, 384>}, {pipeline_mode = #tpu.pipeline_mode<synchronous>, transform_indices = @transform_9, window_bounds = array<i64: 8, 384>}, {pipeline_mode = #tpu.pipeline_mode<synchronous>, transform_indices = @transform_10, window_bounds = array<i64: 128, 8>}, {pipeline_mode = #tpu.pipeline_mode<synchronous>, transform_indices = @transform_11, window_bounds = array<i64: 1, 1>}, {pipeline_mode = #tpu.pipeline_mode<synchronous>, transform_indices = @transform_12, window_bounds = array<i64: 8, 8>}, {transform_indices = @transform_13, window_bounds = array<i64: 800, 512>}]} {
    %get3A = arith.constant 0 : index
    %get3A_0 = arith.constant 0 : index
    %get3A_1 = vector.load %arg2[%get3A, %get3A_0] : memref<800x128xf32, #tpu.memory_space<vmem>>, vector<800x128xf32>
    %get3A_2 = arith.constant 0 : index
    %get3A_3 = arith.constant 0 : index
    %get3A_4 = vector.load %arg8[%get3A_2, %get3A_3] : memref<128x384xf32, #tpu.memory_space<vmem>>, vector<128x384xf32>
    %dot_general3A = arith.constant dense<0.000000e+00> : vector<800x384xf32>
    %dot_general3A_5 = tpu.matmul %get3A_1, %get3A_4, %dot_general3A {dimension_numbers = #tpu.dot_dimension_numbers<[1], [0], [0], [1], [0, 0, 1, 1], [], []>, transpose_lhs_hint = false} : vector<800x128xf32>, vector<128x384xf32>, vector<800x384xf32> -> vector<800x384xf32>
    %get3A_6 = arith.constant 0 : index
    %get3A_7 = arith.constant 0 : index
    %get3A_8 = vector.load %arg9[%get3A_6, %get3A_7] : memref<1x384xf32, #tpu.memory_space<vmem>>, vector<1x384xf32>
    %add3A = vector.broadcast %get3A_8 : vector<1x384xf32> to vector<800x384xf32>
    %add3A_9 = arith.addf %dot_general3A_5, %add3A : vector<800x384xf32>
    %get3A_10 = arith.constant 0 : index
    %get3A_11 = arith.constant 0 : index
    %get3A_12 = arith.constant 0 : index
    %get3A_13 = vector.load %arg3[%get3A_10, %get3A_11, %get3A_12] : memref<1x8x800xf32, #tpu.memory_space<vmem>>, vector<1x8x800xf32>
    %get3A_14 = vector.shape_cast %get3A_13 : vector<1x8x800xf32> to vector<8x800xf32>
    %get3A_15 = arith.constant 0 : index
    %get3A_16 = arith.constant 0 : index
    %get3A_17 = vector.load %arg13[%get3A_15, %get3A_16] : memref<8x8xf32, #tpu.memory_space<vmem>>, vector<8x8xf32>
    %dot_general3A_18 = arith.constant dense<0.000000e+00> : vector<800x8xf32>
    %dot_general3A_19 = tpu.matmul %get3A_14, %get3A_17, %dot_general3A_18 {dimension_numbers = #tpu.dot_dimension_numbers<[0], [0], [1], [1], [0, 1, 1, 1], [], []>, transpose_lhs_hint = false} : vector<8x800xf32>, vector<8x8xf32>, vector<800x8xf32> -> vector<800x8xf32>
    %get3A_20 = arith.constant 0 : index
    %get3A_21 = arith.constant 0 : index
    %get3A_22 = vector.load %arg4[%get3A_20, %get3A_21] : memref<800x128xf32, #tpu.memory_space<vmem>>, vector<800x128xf32>
    %add3A_23 = arith.constant 1.000000e-16 : f32
    %add3A_24 = vector.broadcast %add3A_23 : f32 to vector<800x128xf32>
    %add3A_25 = arith.addf %get3A_22, %add3A_24 : vector<800x128xf32>
    %div3A = arith.constant 1.000000e+00 : f32
    %div3A_26 = vector.broadcast %div3A : f32 to vector<800x128xf32>
    %div3A_27 = arith.divf %div3A_26, %add3A_25 : vector<800x128xf32>
    %get3A_28 = arith.constant 0 : index
    %get3A_29 = arith.constant 0 : index
    %get3A_30 = vector.load %arg11[%get3A_28, %get3A_29] : memref<128x8xf32, #tpu.memory_space<vmem>>, vector<128x8xf32>
    %dot_general3A_31 = arith.constant dense<0.000000e+00> : vector<800x8xf32>
    %dot_general3A_32 = tpu.matmul %div3A_27, %get3A_30, %dot_general3A_31 {dimension_numbers = #tpu.dot_dimension_numbers<[1], [0], [0], [1], [0, 0, 1, 1], [], []>, transpose_lhs_hint = false} : vector<800x128xf32>, vector<128x8xf32>, vector<800x8xf32> -> vector<800x8xf32>
    %mul3A = arith.mulf %dot_general3A_19, %dot_general3A_32 : vector<800x8xf32>
    %get3A_33 = arith.constant 0 : index
    %get3A_34 = arith.constant 0 : index
    %get3A_35 = vector.load %arg1[%get3A_33, %get3A_34] : memref<800x384xi32, #tpu.memory_space<vmem>>, vector<800x384xi32>
    %shift_left3A = arith.constant 16 : i32
    %shift_left3A_36 = vector.broadcast %shift_left3A : i32 to vector<800x384xi32>
    %shift_left3A_37 = arith.shli %get3A_35, %shift_left3A_36 : vector<800x384xi32>
    %bitcast_convert_type3A = tpu.bitcast %shift_left3A_37 : vector<800x384xi32> -> vector<800x384xf32>
    %and3A = arith.constant -65536 : i32
    %and3A_38 = vector.broadcast %and3A : i32 to vector<800x384xi32>
    %and3A_39 = arith.andi %get3A_35, %and3A_38 : vector<800x384xi32>
    %bitcast_convert_type3A_40 = tpu.bitcast %and3A_39 : vector<800x384xi32> -> vector<800x384xf32>
    %mul3A_41 = arith.mulf %bitcast_convert_type3A, %add3A_9 : vector<800x384xf32>
    %get3A_42 = arith.constant 0 : index
    %get3A_43 = arith.constant 0 : index
    %get3A_44 = vector.load %arg10[%get3A_42, %get3A_43] : memref<8x384xf32, #tpu.memory_space<vmem>>, vector<8x384xf32>
    %dot_general3A_45 = arith.constant dense<0.000000e+00> : vector<800x384xf32>
    %dot_general3A_46 = tpu.matmul %mul3A, %get3A_44, %dot_general3A_45 {dimension_numbers = #tpu.dot_dimension_numbers<[1], [0], [0], [1], [0, 0, 1, 1], [], []>, transpose_lhs_hint = false} : vector<800x8xf32>, vector<8x384xf32>, vector<800x384xf32> -> vector<800x384xf32>
    %mul3A_47 = arith.mulf %mul3A_41, %dot_general3A_46 : vector<800x384xf32>
    %slice3A = vector.extract_strided_slice %mul3A_47 {offsets = [0, 128], sizes = [800, 128], strides = [1, 1]} : vector<800x384xf32> to vector<800x128xf32>
    %slice3A_48 = vector.extract_strided_slice %mul3A_47 {offsets = [0, 256], sizes = [800, 128], strides = [1, 1]} : vector<800x384xf32> to vector<800x128xf32>
    %slice3A_49 = vector.extract_strided_slice %mul3A_47 {offsets = [0, 0], sizes = [800, 128], strides = [1, 1]} : vector<800x384xf32> to vector<800x128xf32>
    %get3A_50 = arith.constant 0 : index
    %get3A_51 = arith.constant 0 : index
    %get3A_52 = arith.constant 0 : index
    %get3A_53 = vector.load %arg5[%get3A_50, %get3A_51, %get3A_52] : memref<1x1x800xf32, #tpu.memory_space<vmem>>, vector<1x1x800xf32>
    %get3A_54 = vector.shape_cast %get3A_53 : vector<1x1x800xf32> to vector<1x800xf32>
    %get3A_55 = arith.constant 0 : index
    %get3A_56 = arith.constant 0 : index
    %get3A_57 = vector.load %arg12[%get3A_55, %get3A_56] : memref<1x1xf32, #tpu.memory_space<vmem>>, vector<1x1xf32>
    %dot_general3A_58 = arith.constant dense<0.000000e+00> : vector<800x1xf32>
    %dot_general3A_59 = tpu.matmul %get3A_54, %get3A_57, %dot_general3A_58 {dimension_numbers = #tpu.dot_dimension_numbers<[0], [0], [1], [1], [0, 1, 1, 1], [], []>, transpose_lhs_hint = false} : vector<1x800xf32>, vector<1x1xf32>, vector<800x1xf32> -> vector<800x1xf32>
    %mul3A_60 = vector.broadcast %dot_general3A_59 : vector<800x1xf32> to vector<800x128xf32>
    %mul3A_61 = arith.mulf %slice3A, %mul3A_60 : vector<800x128xf32>
    %slice3A_62 = vector.extract_strided_slice %bitcast_convert_type3A_40 {offsets = [0, 0], sizes = [800, 128], strides = [1, 1]} : vector<800x384xf32> to vector<800x128xf32>
    %mul3A_63 = arith.mulf %slice3A_48, %slice3A_62 : vector<800x128xf32>
    %add3A_64 = arith.addf %mul3A_61, %mul3A_63 : vector<800x128xf32>
    %get3A_65 = arith.constant 0 : index
    %get3A_66 = arith.constant 0 : index
    %get3A_67 = arith.constant 0 : index
    %get3A_68 = vector.load %arg6[%get3A_65, %get3A_66, %get3A_67] : memref<1x1x800xf32, #tpu.memory_space<vmem>>, vector<1x1x800xf32>
    %get3A_69 = vector.shape_cast %get3A_68 : vector<1x1x800xf32> to vector<1x800xf32>
    %get3A_70 = arith.constant 0 : index
    %get3A_71 = arith.constant 0 : index
    %get3A_72 = vector.load %arg12[%get3A_70, %get3A_71] : memref<1x1xf32, #tpu.memory_space<vmem>>, vector<1x1xf32>
    %dot_general3A_73 = arith.constant dense<0.000000e+00> : vector<800x1xf32>
    %dot_general3A_74 = tpu.matmul %get3A_69, %get3A_72, %dot_general3A_73 {dimension_numbers = #tpu.dot_dimension_numbers<[0], [0], [1], [1], [0, 1, 1, 1], [], []>, transpose_lhs_hint = false} : vector<1x800xf32>, vector<1x1xf32>, vector<800x1xf32> -> vector<800x1xf32>
    %mul3A_75 = vector.broadcast %dot_general3A_74 : vector<800x1xf32> to vector<800x128xf32>
    %mul3A_76 = arith.mulf %slice3A, %mul3A_75 : vector<800x128xf32>
    %slice3A_77 = vector.extract_strided_slice %bitcast_convert_type3A_40 {offsets = [0, 128], sizes = [800, 128], strides = [1, 1]} : vector<800x384xf32> to vector<800x128xf32>
    %mul3A_78 = arith.mulf %slice3A_48, %slice3A_77 : vector<800x128xf32>
    %add3A_79 = arith.addf %mul3A_76, %mul3A_78 : vector<800x128xf32>
    %get3A_80 = arith.constant 0 : index
    %get3A_81 = arith.constant 0 : index
    %get3A_82 = arith.constant 0 : index
    %get3A_83 = vector.load %arg7[%get3A_80, %get3A_81, %get3A_82] : memref<1x1x800xf32, #tpu.memory_space<vmem>>, vector<1x1x800xf32>
    %get3A_84 = vector.shape_cast %get3A_83 : vector<1x1x800xf32> to vector<1x800xf32>
    %get3A_85 = arith.constant 0 : index
    %get3A_86 = arith.constant 0 : index
    %get3A_87 = vector.load %arg12[%get3A_85, %get3A_86] : memref<1x1xf32, #tpu.memory_space<vmem>>, vector<1x1xf32>
    %dot_general3A_88 = arith.constant dense<0.000000e+00> : vector<800x1xf32>
    %dot_general3A_89 = tpu.matmul %get3A_84, %get3A_87, %dot_general3A_88 {dimension_numbers = #tpu.dot_dimension_numbers<[0], [0], [1], [1], [0, 1, 1, 1], [], []>, transpose_lhs_hint = false} : vector<1x800xf32>, vector<1x1xf32>, vector<800x1xf32> -> vector<800x1xf32>
    %mul3A_90 = vector.broadcast %dot_general3A_89 : vector<800x1xf32> to vector<800x128xf32>
    %mul3A_91 = arith.mulf %slice3A, %mul3A_90 : vector<800x128xf32>
    %slice3A_92 = vector.extract_strided_slice %bitcast_convert_type3A_40 {offsets = [0, 256], sizes = [800, 128], strides = [1, 1]} : vector<800x384xf32> to vector<800x128xf32>
    %mul3A_93 = arith.mulf %slice3A_48, %slice3A_92 : vector<800x128xf32>
    %add3A_94 = arith.addf %mul3A_91, %mul3A_93 : vector<800x128xf32>
    %concatenate3A = tpu.concatenate %slice3A_49, %add3A_64, %add3A_79, %add3A_94 in 1 : vector<800x128xf32>, vector<800x128xf32>, vector<800x128xf32>, vector<800x128xf32> -> vector<800x512xf32>
    %swap3A = arith.constant 0 : index
    %swap3A_95 = arith.constant 0 : index
    %swap3A_96 = vector.load %arg14[%swap3A, %swap3A_95] : memref<800x512xf32, #tpu.memory_space<vmem>>, vector<800x512xf32>
    tpu.vector_store %arg14[%swap3A, %swap3A_95], %concatenate3A {strides = array<i32>} : memref<800x512xf32, #tpu.memory_space<vmem>>, vector<800x512xf32>,
    return
  }
  func.func @transform_0(%arg0: i32) -> (i32, i32) {
    %add3A = arith.constant 0 : i32
    %add3A_0 = arith.addi %arg0, %add3A : i32
    %c0_i32 = arith.constant 0 : i32
    %c0_i32_1 = arith.constant 0 : i32
    return %add3A_0, %c0_i32 : i32, i32
  }
  func.func @transform_1(%arg0: i32) -> (i32, i32) {
    %add3A = arith.constant 0 : i32
    %add3A_0 = arith.addi %arg0, %add3A : i32
    %c0_i32 = arith.constant 0 : i32
    %c0_i32_1 = arith.constant 0 : i32
    return %add3A_0, %c0_i32 : i32, i32
  }
  func.func @transform_2(%arg0: i32) -> (i32, i32, i32) {
    %add3A = arith.constant 0 : i32
    %add3A_0 = arith.addi %arg0, %add3A : i32
    %c0_i32 = arith.constant 0 : i32
    %c0_i32_1 = arith.constant 0 : i32
    %c0_i32_2 = arith.constant 0 : i32
    return %add3A_0, %c0_i32, %c0_i32_1 : i32, i32, i32
  }
  func.func @transform_3(%arg0: i32) -> (i32, i32) {
    %add3A = arith.constant 0 : i32
    %add3A_0 = arith.addi %arg0, %add3A : i32
    %c0_i32 = arith.constant 0 : i32
    %c0_i32_1 = arith.constant 0 : i32
    return %add3A_0, %c0_i32 : i32, i32
  }
  func.func @transform_4(%arg0: i32) -> (i32, i32, i32) {
    %add3A = arith.constant 0 : i32
    %add3A_0 = arith.addi %arg0, %add3A : i32
    %c0_i32 = arith.constant 0 : i32
    %c0_i32_1 = arith.constant 0 : i32
    %c0_i32_2 = arith.constant 0 : i32
    return %add3A_0, %c0_i32, %c0_i32_1 : i32, i32, i32
  }
  func.func @transform_5(%arg0: i32) -> (i32, i32, i32) {
    %add3A = arith.constant 0 : i32
    %add3A_0 = arith.addi %arg0, %add3A : i32
    %c0_i32 = arith.constant 0 : i32
    %c0_i32_1 = arith.constant 0 : i32
    %c0_i32_2 = arith.constant 0 : i32
    return %add3A_0, %c0_i32, %c0_i32_1 : i32, i32, i32
  }
  func.func @transform_6(%arg0: i32) -> (i32, i32, i32) {
    %add3A = arith.constant 0 : i32
    %add3A_0 = arith.addi %arg0, %add3A : i32
    %c0_i32 = arith.constant 0 : i32
    %c0_i32_1 = arith.constant 0 : i32
    %c0_i32_2 = arith.constant 0 : i32
    return %add3A_0, %c0_i32, %c0_i32_1 : i32, i32, i32
  }
  func.func @transform_7(%arg0: i32) -> (i32, i32) {
    %c0_i32 = arith.constant 0 : i32
    %c0_i32_0 = arith.constant 0 : i32
    %c0_i32_1 = arith.constant 0 : i32
    return %c0_i32, %c0_i32_0 : i32, i32
  }
  func.func @transform_8(%arg0: i32) -> (i32, i32) {
    %c0_i32 = arith.constant 0 : i32
    %c0_i32_0 = arith.constant 0 : i32
    %c0_i32_1 = arith.constant 0 : i32
    return %c0_i32, %c0_i32_0 : i32, i32
  }
  func.func @transform_9(%arg0: i32) -> (i32, i32) {
    %c0_i32 = arith.constant 0 : i32
    %c0_i32_0 = arith.constant 0 : i32
    %c0_i32_1 = arith.constant 0 : i32
    return %c0_i32, %c0_i32_0 : i32, i32
  }
  func.func @transform_10(%arg0: i32) -> (i32, i32) {
    %c0_i32 = arith.constant 0 : i32
    %c0_i32_0 = arith.constant 0 : i32
    %c0_i32_1 = arith.constant 0 : i32
    return %c0_i32, %c0_i32_0 : i32, i32
  }
  func.func @transform_11(%arg0: i32) -> (i32, i32) {
    %c0_i32 = arith.constant 0 : i32
    %c0_i32_0 = arith.constant 0 : i32
    %c0_i32_1 = arith.constant 0 : i32
    return %c0_i32, %c0_i32_0 : i32, i32
  }
  func.func @transform_12(%arg0: i32) -> (i32, i32) {
    %c0_i32 = arith.constant 0 : i32
    %c0_i32_0 = arith.constant 0 : i32
    %c0_i32_1 = arith.constant 0 : i32
    return %c0_i32, %c0_i32_0 : i32, i32
  }
  func.func @transform_13(%arg0: i32) -> (i32, i32) {
    %c0_i32 = arith.constant 0 : i32
    %c0_i32_0 = arith.constant 0 : i32
    return %arg0, %c0_i32 : i32, i32
  }
}

module attributes {stable_mosaic.version = 14 : i64} {
  func.func @_final_body(%arg0: i32, %arg1: memref<400x128xf32, #tpu.memory_space<vmem>>, %arg2: memref<400x384xf32, #tpu.memory_space<vmem>>, %arg3: memref<4x400x128xf32, #tpu.memory_space<vmem>>, %arg4: memref<4x400x128xf32, #tpu.memory_space<vmem>>, %arg5: memref<400x128xf32, #tpu.memory_space<vmem>>, %arg6: memref<400x384xf32, #tpu.memory_space<vmem>>) attributes {dimension_semantics = [#tpu.dimension_semantics<arbitrary>], iteration_bounds = array<i64: 25>, scalar_prefetch = 0 : i64, scratch_operands = 0 : i64, tpu.core_type = #tpu.core_type<tc>, window_params = [{transform_indices = @transform_0, window_bounds = array<i64: 400, 128>}, {transform_indices = @transform_1, window_bounds = array<i64: 400, 384>}, {transform_indices = @transform_2, window_bounds = array<i64: 4, 400, 128>}, {transform_indices = @transform_3, window_bounds = array<i64: 4, 400, 128>}, {transform_indices = @transform_4, window_bounds = array<i64: 400, 128>}, {transform_indices = @transform_5, window_bounds = array<i64: 400, 384>}]} {
    %get3A = arith.constant 0 : index
    %get3A_0 = arith.constant 0 : index
    %get3A_1 = vector.load %arg1[%get3A, %get3A_0] : memref<400x128xf32, #tpu.memory_space<vmem>>, vector<400x128xf32>
    %get3A_2 = arith.constant 0 : index
    %get3A_3 = arith.constant 0 : index
    %get3A_4 = arith.constant 0 : index
    %get3A_5 = vector.load %arg3[%get3A_2, %get3A_3, %get3A_4] : memref<4x400x128xf32, #tpu.memory_space<vmem>>, vector<1x400x128xf32>
    %get3A_6 = vector.shape_cast %get3A_5 : vector<1x400x128xf32> to vector<400x128xf32>
    %get3A_7 = arith.constant 0 : index
    %get3A_8 = arith.constant 0 : index
    %get3A_9 = arith.constant 0 : index
    %get3A_10 = vector.load %arg4[%get3A_7, %get3A_8, %get3A_9] : memref<4x400x128xf32, #tpu.memory_space<vmem>>, vector<1x400x128xf32>
    %get3A_11 = vector.shape_cast %get3A_10 : vector<1x400x128xf32> to vector<400x128xf32>
    %add3A = arith.addf %get3A_6, %get3A_11 : vector<400x128xf32>
    %add3A_12 = arith.addf %get3A_1, %add3A : vector<400x128xf32>
    %swap3A = arith.constant 0 : index
    %swap3A_13 = arith.constant 0 : index
    %swap3A_14 = vector.load %arg5[%swap3A, %swap3A_13] : memref<400x128xf32, #tpu.memory_space<vmem>>, vector<400x128xf32>
    tpu.vector_store %arg5[%swap3A, %swap3A_13], %add3A_12 {strides = array<i32>} : memref<400x128xf32, #tpu.memory_space<vmem>>, vector<400x128xf32>,
    %get3A_15 = arith.constant 0 : index
    %get3A_16 = arith.constant 0 : index
    %get3A_17 = vector.load %arg2[%get3A_15, %get3A_16] : memref<400x384xf32, #tpu.memory_space<vmem>>, vector<400x384xf32>
    %get3A_18 = arith.constant 1 : index
    %get3A_19 = arith.constant 0 : index
    %get3A_20 = arith.constant 0 : index
    %get3A_21 = vector.load %arg3[%get3A_18, %get3A_19, %get3A_20] : memref<4x400x128xf32, #tpu.memory_space<vmem>>, vector<1x400x128xf32>
    %get3A_22 = vector.shape_cast %get3A_21 : vector<1x400x128xf32> to vector<400x128xf32>
    %get3A_23 = arith.constant 1 : index
    %get3A_24 = arith.constant 0 : index
    %get3A_25 = arith.constant 0 : index
    %get3A_26 = vector.load %arg4[%get3A_23, %get3A_24, %get3A_25] : memref<4x400x128xf32, #tpu.memory_space<vmem>>, vector<1x400x128xf32>
    %get3A_27 = vector.shape_cast %get3A_26 : vector<1x400x128xf32> to vector<400x128xf32>
    %add3A_28 = arith.addf %get3A_22, %get3A_27 : vector<400x128xf32>
    %get3A_29 = arith.constant 2 : index
    %get3A_30 = arith.constant 0 : index
    %get3A_31 = arith.constant 0 : index
    %get3A_32 = vector.load %arg3[%get3A_29, %get3A_30, %get3A_31] : memref<4x400x128xf32, #tpu.memory_space<vmem>>, vector<1x400x128xf32>
    %get3A_33 = vector.shape_cast %get3A_32 : vector<1x400x128xf32> to vector<400x128xf32>
    %get3A_34 = arith.constant 2 : index
    %get3A_35 = arith.constant 0 : index
    %get3A_36 = arith.constant 0 : index
    %get3A_37 = vector.load %arg4[%get3A_34, %get3A_35, %get3A_36] : memref<4x400x128xf32, #tpu.memory_space<vmem>>, vector<1x400x128xf32>
    %get3A_38 = vector.shape_cast %get3A_37 : vector<1x400x128xf32> to vector<400x128xf32>
    %add3A_39 = arith.addf %get3A_33, %get3A_38 : vector<400x128xf32>
    %get3A_40 = arith.constant 3 : index
    %get3A_41 = arith.constant 0 : index
    %get3A_42 = arith.constant 0 : index
    %get3A_43 = vector.load %arg3[%get3A_40, %get3A_41, %get3A_42] : memref<4x400x128xf32, #tpu.memory_space<vmem>>, vector<1x400x128xf32>
    %get3A_44 = vector.shape_cast %get3A_43 : vector<1x400x128xf32> to vector<400x128xf32>
    %get3A_45 = arith.constant 3 : index
    %get3A_46 = arith.constant 0 : index
    %get3A_47 = arith.constant 0 : index
    %get3A_48 = vector.load %arg4[%get3A_45, %get3A_46, %get3A_47] : memref<4x400x128xf32, #tpu.memory_space<vmem>>, vector<1x400x128xf32>
    %get3A_49 = vector.shape_cast %get3A_48 : vector<1x400x128xf32> to vector<400x128xf32>
    %add3A_50 = arith.addf %get3A_44, %get3A_49 : vector<400x128xf32>
    %concatenate3A = tpu.concatenate %add3A_28, %add3A_39, %add3A_50 in 1 : vector<400x128xf32>, vector<400x128xf32>, vector<400x128xf32> -> vector<400x384xf32>
    %add3A_51 = arith.addf %get3A_17, %concatenate3A : vector<400x384xf32>
    %swap3A_52 = arith.constant 0 : index
    %swap3A_53 = arith.constant 0 : index
    %swap3A_54 = vector.load %arg6[%swap3A_52, %swap3A_53] : memref<400x384xf32, #tpu.memory_space<vmem>>, vector<400x384xf32>
    tpu.vector_store %arg6[%swap3A_52, %swap3A_53], %add3A_51 {strides = array<i32>} : memref<400x384xf32, #tpu.memory_space<vmem>>, vector<400x384xf32>,
    return
  }
  func.func @transform_0(%arg0: i32) -> (i32, i32) {
    %c0_i32 = arith.constant 0 : i32
    %c0_i32_0 = arith.constant 0 : i32
    return %arg0, %c0_i32 : i32, i32
  }
  func.func @transform_1(%arg0: i32) -> (i32, i32) {
    %c0_i32 = arith.constant 0 : i32
    %c0_i32_0 = arith.constant 0 : i32
    return %arg0, %c0_i32 : i32, i32
  }
  func.func @transform_2(%arg0: i32) -> (i32, i32, i32) {
    %c0_i32 = arith.constant 0 : i32
    %c0_i32_0 = arith.constant 0 : i32
    %c0_i32_1 = arith.constant 0 : i32
    return %c0_i32, %arg0, %c0_i32_0 : i32, i32, i32
  }
  func.func @transform_3(%arg0: i32) -> (i32, i32, i32) {
    %c0_i32 = arith.constant 0 : i32
    %c0_i32_0 = arith.constant 0 : i32
    %c0_i32_1 = arith.constant 0 : i32
    return %c0_i32, %arg0, %c0_i32_0 : i32, i32, i32
  }
  func.func @transform_4(%arg0: i32) -> (i32, i32) {
    %c0_i32 = arith.constant 0 : i32
    %c0_i32_0 = arith.constant 0 : i32
    return %arg0, %c0_i32 : i32, i32
  }
  func.func @transform_5(%arg0: i32) -> (i32, i32) {
    %c0_i32 = arith.constant 0 : i32
    %c0_i32_0 = arith.constant 0 : i32
    return %arg0, %c0_i32 : i32, i32
  }
}

</mosaic_0001>

<sc_bundles>
// kernel: kernel.15.cloned.1.call-start
scs
__scs_entry_jumppad:
0x0: {  	(pc) =	sbr.rel $0x88, $3  }
0x1: {  	(tag) =	ssettag $0x0;
	lr =	simm.s32 $0x1  }
0x2: {  	[smem:$0x3F8A] =	sst lr;
	_ =	strace $0xD0000000  }
0x3: {  	_ = 	snop  }
0x4: {  	_ = 	snop  }
0x5: {  	_ = 	snop  }
0x6: {  	_ = 	snop  }
0x7: {  	_ = 	snop  }
__scs_overlays_trampoline_lowered:
0x8: {  	[smem:$0x3F99] =	sst s0  }
0x9: {  	[smem:$0x3F9A] =	sst s1  }
0xa: {  	[smem:$0x3F9B] =	sst s2  }
0xb: {  	[smem:$0x3F9C] =	sst s3  }
0xc: {  	[smem:$0x3F9D] =	sst s4  }
0xd: {  	[smem:$0x3F9E] =	sst s5  }
0xe: {  	[smem:$0x3F9F] =	sst s6  }
0xf: {  	[smem:$0x3FA0] =	sst s7  }
0x10: {  	[smem:$0x3FA1] =	sst s8  }
0x11: {  	[smem:$0x3FA2] =	sst s9;
	s0 =	simm.s32 @!p0 $0x0  }
0x12: {  	s1 =	sld [smem:$0x3F88];
	s0 =	simm.s32 @p0 $0x1  }
0x13: {  	[smem:$0x3FA3] =	sst s0;
	s0 =	simm.s32 @!p1 $0x0  }
0x14: {  	s2 =	sld [smem:$0x3F87];
	s0 =	simm.s32 @p1 $0x1  }
0x15: {  	[smem:$0x3FA4] =	sst s0;
	s0 =	simm.s32 @!p2 $0x0  }
0x16: {  	s3 =	sld [smem:$0x3FDB];
	s0 =	simm.s32 @p2 $0x1  }
0x17: {  	s4 =	simm.s32 $0x1BF5;
	[smem:$0x3FA6] =	sst s0  }
0x18: {  	s0 =	sld [smem:$0x3F89];
	_ =	swait.ge [sflag:s4], $0x0  }
0x19: {  	s7 =	sld [smem:$0x3F8A]  }
0x1a: {  	s8 =	sadd.s32 $0xFFFFE003, lr  }
0x1b: {  	s9 =	sadd.s32 $0xFFFFFEF7, lr;
	s5 =	simm.s32 $0xFFFFFFFF;
	p2 =	slt.u32 s8, $0xFFFFF086  }
0x1c: {  	p1 =	slt.u32 s9, $0xF7A;
	s5 =	simm.s32 @!p2 $0x0  }
0x1d: {  	s5 =	simm.s32 @p1 $0x1;
	p0 =	seq.s32 s7, s2  }
0x1e: {  	s7 =	smul.u32 @!p0 $0xF7A, s2;
	p2 =	seq.s32 @!p0 s5, $0x0  }
0x1f: {  	s9 =	smul.u32 $0xF7A, s1;
	s8 =	simm.s32 @!p0 $0x1BF5;
	p2 =	por !p2, p0  }
0x20: {  	[sflag:s8] =	ssyncset.s32 @!p0 $0xFFFFF086;
	s6 =	sadd.s32 @!p0 s3, s7;
	s7 =	simm.s32 @!p0 $0x108  }
0x21: {  	s3 =	sadd.s32 s3, s9;
	s6 =	sadd.s32 @!p0 $0x88, s6;
	s7 =	simm.s32 @p2 $0x1082  }
0x22: {  	[simem:s7], [sflag:s8] =	dma.local @!p0 [hbm:s6], $0xF7A  }
0x23: {  	s9 =	sor.u32 $0xD0000000, s2;
	s6 =	simm.s32 $0x108;
	_ =	swait.ge @!p0 [sflag:s8], $0x0  }
0x24: {  	s3 =	sadd.s32 $0x88, s3;
	s6 =	simm.s32 @!p1 $0x1082;
	[sflag:s4] =	ssyncset.s32 $0xFFFFF086  }
0x25: {  	[simem:s6], [sflag:s4] =	dma.local [hbm:s3], $0xF7A  }
0x26: {  	[smem:$0x3F8A] =	sst s1;
	(tag) =	ssettag s2;
	_ =	strace s9  }
0x27: {  	s1 =	sld [smem:$0x3F9A]  }
0x28: {  	s2 =	sld [smem:$0x3F9B]  }
0x29: {  	s4 =	sld [smem:$0x3F9D]  }
0x2a: {  	p0 =	seq.s32 s5, $0x0;
	s5 =	sld [smem:$0x3F9E]  }
0x2b: {  	s6 =	sld [smem:$0x3F9F]  }
0x2c: {  	s7 =	sld [smem:$0x3FA0]  }
0x2d: {  	s3 =	simm.s32 $0x108;
	s8 =	sld [smem:$0x3FA1]  }
0x2e: {  	s3 =	simm.s32 @!p0 $0x1082;
	s9 =	sld [smem:$0x3FA2]  }
0x2f: {  	lr =	sadd.s32 s0, s3;
	s0 =	sld [smem:$0x3F99]  }
0x30: {  	s3 =	sld [smem:$0x3F9C]  }
0x31: {  	[smem:$0x3FA5] =	sst s10  }
0x32: {  	s10 =	sld [smem:$0x3FA3];
	_ =	sdelay $0x3  }
0x33: {  	p0 =	seq.s32 s10, $0x1;
	s10 =	sld [smem:$0x3FA5];
	_ =	sdelay $0x3  }
0x34: {  	[smem:$0x3FA5] =	sst s10  }
0x35: {  	s10 =	sld [smem:$0x3FA4];
	_ =	sdelay $0x3  }
0x36: {  	p1 =	seq.s32 s10, $0x1;
	s10 =	sld [smem:$0x3FA5];
	_ =	sdelay $0x3  }
0x37: {  	[smem:$0x3FA5] =	sst s10  }
0x38: {  	s10 =	sld [smem:$0x3FA6]  }
0x39: {  	_ = 	snop;
	(pc) =	sbr.ind lr, $3  }
0x3a: {  	_ = 	snop  }
0x3b: {  	_ = 	snop  }
0x3c: {  	p2 =	seq.s32 s10, $0x1;
	s10 =	sld [smem:$0x3FA5]  }
0x3d: {  	_ =	shalt  }
0x3e: {  	_ =	shalt  }
0x3f: {  	_ =	shalt  }
0x40: {  	_ =	shalt  }
0x41: {  	_ =	shalt  }
0x42: {  	_ =	shalt  }
0x43: {  	_ =	shalt  }
0x44: {  	_ =	shalt  }
0x45: {  	_ =	shalt  }
0x46: {  	_ =	shalt  }
0x47: {  	_ =	shalt  }
0x48: {  	_ =	shalt  }
0x49: {  	_ =	shalt  }
0x4a: {  	_ =	shalt  }
0x4b: {  	_ =	shalt  }
0x4c: {  	_ =	shalt  }
0x4d: {  	_ =	shalt  }
0x4e: {  	_ =	shalt  }
0x4f: {  	_ =	shalt  }
0x50: {  	_ =	shalt  }
0x51: {  	_ =	shalt  }
0x52: {  	_ =	shalt  }
0x53: {  	_ =	shalt  }
0x54: {  	_ =	shalt  }
0x55: {  	_ =	shalt  }
0x56: {  	_ =	shalt  }
0x57: {  	_ =	shalt  }
0x58: {  	_ =	shalt  }
0x59: {  	_ =	shalt  }
0x5a: {  	_ =	shalt  }
0x5b: {  	_ =	shalt  }
0x5c: {  	_ =	shalt  }
0x5d: {  	_ =	shalt  }
0x5e: {  	_ =	shalt  }
0x5f: {  	_ =	shalt  }
0x60: {  	_ =	shalt  }
0x61: {  	_ =	shalt  }
0x62: {  	_ =	shalt  }
0x63: {  	_ =	shalt  }
0x64: {  	_ =	shalt  }
0x65: {  	_ =	shalt  }
0x66: {  	_ =	shalt  }
0x67: {  	_ =	shalt  }
0x68: {  	_ =	shalt  }
0x69: {  	_ =	shalt  }
0x6a: {  	_ =	shalt  }
0x6b: {  	_ =	shalt  }
0x6c: {  	_ =	shalt  }
0x6d: {  	_ =	shalt  }
0x6e: {  	_ =	shalt  }
0x6f: {  	_ =	shalt  }
0x70: {  	_ =	shalt  }
0x71: {  	_ =	shalt  }
0x72: {  	_ =	shalt  }
0x73: {  	_ =	shalt  }
0x74: {  	_ =	shalt  }
0x75: {  	_ =	shalt  }
0x76: {  	_ =	shalt  }
0x77: {  	_ =	shalt  }
0x78: {  	_ =	shalt  }
0x79: {  	_ =	shalt  }
0x7a: {  	_ =	shalt  }
0x7b: {  	_ =	shalt  }
0x7c: {  	_ =	shalt  }
0x7d: {  	_ =	shalt  }
0x7e: {  	_ =	shalt  }
0x7f: {  	_ =	shalt  }
0x80: {  	_ =	shalt  }
0x81: {  	_ =	shalt  }
0x82: {  	_ =	shalt  }
0x83: {  	_ =	shalt  }
0x84: {  	_ =	shalt  }
0x85: {  	_ =	shalt  }
0x86: {  	_ =	shalt  }
0x87: {  	_ =	shalt  }
.Lfunc_end0:
.L_simem_size_0:
called_computation_lowered:
.L_overlay_start_0:
0x88: {  	s2 =	sld [smem:$0x3FD9]  }
0x89: {  	s3 =	sld [smem:$0x3FFE];
	_ =	sdelay $0x1  }
0x8a: {  	s1 =	srdreg.scid  }
0x8b: {  	s0 =	sand.u32 $0x1, s1  }
0x8c: {  	s14 =	sshll.u32 s0, $0xA;
	s2 =	sadd.s32 s3, s2  }
0x8d: {  	s2 =	sadd.s32 s2, s14  }
0x8e: {  	[smem:$0x3FB1] =	sst s2  }
0x8f: {  	_ = 	snop  }
0x90: {  	s2 =	sld [smem:$0x3FD0];
	_ =	sdelay $0x2  }
0x91: {  	s15 =	simm.s32 $0xB;
	s4 =	simm.s32 $0x10  }
0x92: {  	[smem:s4], [sflag:s15] =	dma.local [hbm:s2], $0x1  }
0x93: {  	_ =	swait.eq [sflag:s15], $0x1  }
0x94: {  	[sflag:s15] =	ssyncset.done $0x0  }
0x95: {  	[sflag:s15] =	ssyncadd.s32 $0xFFFFFFFF  }
0x96: {  	s16 =	sld [smem:$0x10];
	(tm) =	ssettm $0x1  }
0x97: {  	s17 =	sld [smem:$0x3FFB];
	_ =	sdelay $0x3  }
0x98: {  	_ =	strace s17  }
0x99: {  	s3 =	sld [smem:$0x3FFC];
	_ =	sdelay $0x3  }
0x9a: {  	_ =	strace s3  }
0x9b: {  	s3 =	sld [smem:$0x3FFD];
	_ =	sdelay $0x3  }
0x9c: {  	_ =	strace s3  }
0x9d: {  	_ =	strace $0x8FFFFFFF  }
0x9e: {  	s18 =	sld [smem:$0x3FDB];
	_ =	sdelay $0x1  }
0x9f: {  	s19 =	simm.s32 $_scs_section_size  }
0xa0: {  	s5 =	simm.s32 $_size__tile_overlayer_lowered;
	s6 =	simm.s32 $_tile_overlayer_lowered  }
0xa1: {  	s22 =	simm.s32 $0x1BFF;
	s21 =	sshll.u32 s6, $0x1;
	s3 =	sadd.s32 s19, s18  }
0xa2: {  	s7 =	simm.s32 $0x0;
	s20 =	sshll.u32 s5, $0x1;
	s5 =	sadd.s32 s21, s3  }
0xa3: {  	[timem:s7], [sflag:s22] =	dma.local [hbm:s5], s20  }
0xa4: {  	_ =	swait.ge [sflag:s22], s20  }
0xa5: {  	s4 =	ssub.s32 $0x0, s20;
	[sflag:s22] =	ssyncset.done $0x0  }
0xa6: {  	[sflag:s22] =	ssyncadd.s32 s4;
	_ =	sdelay $0x1  }
0xa7: {  	s23 =	simm.s32 $0x1B8B  }
0xa8: {  	_ =	swait.ge [sflag:s23], $0x1  }
0xa9: {  	[sflag:s23] =	ssyncset.done $0x0  }
0xaa: {  	s25 =	simm.s32 $0x1B8E;
	s24 =	sld [smem:$0x3FFE];
	[sflag:s23] =	ssyncadd.s32 $0xFFFFFFFF  }
0xab: {  	s26 =	simm.s32 $execute0_lowered;
	[smem:$0x3FD2] =	sst s25  }
0xac: {  	s5 =	sshll.u32 s26, $0x1;
	_ =	strace $0x80000046;
	[dreg:$0x1] =	wrdreg $0xFFFFFFFF  }
0xad: {  	s28 =	simm.s32 $_size_execute0_lowered;
	s3 =	sadd.s32 s3, s5;
	[dreg:$0x0] =	wrdreg $0x0  }
0xae: {  	s5 =	sshll.u32 s28, $0x1;
	[dreg:$0x2] =	wrdreg s3  }
0xaf: {  	[dreg:$0x3] =	wrdreg s5  }
0xb0: {  	[dreg:$0x4] =	wrdreg $0xC0  }
0xb1: {  	_ =	task [dreg:s7], $0x5FFFF  }
0xb2: {  	[dreg:$0x1] =	wrdreg $0xFFFFFFFF  }
0xb3: {  	[dreg:$0x0] =	wrdreg $0x60  }
0xb4: {  	[dreg:$0x2] =	wrdreg s16  }
0xb5: {  	[dreg:$0x3] =	wrdreg s24  }
0xb6: {  	[dreg:$0x4] =	wrdreg $0x9  }
0xb7: {  	_ =	task.clear_ibuf [dreg:s7], $0x5FFFF;
	_ =	strace $0x90000046  }
0xb8: {  	s29 =	simm.s32 $0x9;
	_ =	strace $0x80000048  }
0xb9: {  	_ =	swait.ge [sflag:s29], $0x1  }
0xba: {  	[sflag:s29] =	ssyncadd.s32 $0xFFFFFFFF  }
0xbb: {  	_ =	strace $0x90000048  }
0xbc: {  	_ =	sfence  }
0xbd: {  	s30 =	sld [smem:$0x0];
	_ =	sdelay $0x2  }
0xbe: {  	s31 =	sshll.u32 s1, $0xD;
	s1 =	sshrl.u32 s1, $0x2  }
0xbf: {  	s3 =	sand.u32 $0x4000, s31;
	s1 =	sadd.s32 s1, s30  }
0xc0: {  	s0 =	sor.u32 s3, s0;
	s1 =	sshll.u32 s1, $0x11  }
0xc1: {  	s0 =	sor.u32 s1, s0  }
0xc2: {  	s0 =	sadd.s32 $0x8F2B, s0  }
0xc3: {  	[sflag:s0] =	ssyncadd.remote.s32 $0x1  }
0xc4: {  	_ =	sfence.sel $0xFFFF  }
0xc5: {  	[dreg:$0x0] =	wrdreg $0xFFFFFFFF;
	(pc) =	sbr.abs _section_cstart, $3  }
0xc6: {  	[dreg:$0x1] =	wrdreg $0xFFFFFFFF  }
0xc7: {  	_ =	task.clear_ibuf [dreg:s7], $0x2FFFF;
	_ =	strace $0x9FFFFFFF  }
0xc8: {  	(tm) =	ssettm $0x7FFFFFFF  }
0xc9: {  	_ =	shalt  }
tec
execute0_lowered:
.L_overlay_start_1:
0x0: {  	(tag) =	ssettag $0x1  }
0x1: {  	s1 =	rddreg [dreg:$0x0]  }
0x2: {  	s0 =	rddreg [dreg:$0x1]  }
0x3: {  	s3 =	simm.s32 $0x0;
	s2 =	srdreg.scid;
	s11 =	stileid.u32  }
0x4: {  	s15 =	simm.s32 $0x100;
	s16 =	simm.s32 $0x200;
	s17 =	simm.s32 $0x300  }
0x5: {  	s18 =	simm.s32 $0xC8;
	s28 =	simm.s32 $0x5;
	s29 =	simm.s32 $0x6  }
0x6: {  	s30 =	simm.s32 $0x7;
	s31 =	simm.s32 $0x8;
	[smem:$0x7FF] =	sst s3  }
0x7: {  	s2 =	sand.u32 $0x1, s2;
	s5 =	sshll.u32 s11, $0x1;
	s4 =	sadd.s32 $0x85E00, s0  }
0x8: {  	s19 =	sadd.s32 $0xBA00, s0;
	s8 =	sadd.s32 $0x6A00, s0;
	s12 =	smul.u32 $0x27100, s11  }
0x9: {  	s7 =	sadd.s32 $0xAD000, s0;
	s0 =	sadd.s32 $0x31E000, s0;
	s14 =	smul.u32 $0x2710, s11  }
0xa: {  	_ =	strace $0x80000047;
	s6 =	sor.u32 s2, s5;
	s13 =	smul.u32 $0x13880, s2  }
0xb: {  	s9 =	ssub.s32 $0x2, s2;
	[dreg:$0x5] =	wrdreg s19;
	s2 =	smul.u32 $0x1388, s2  }
0xc: {  	s6 =	smul.u32 $0x1388, s6;
	s10 =	sshrl.u32 s9, $0x1;
	s25 =	sadd.s32 s12, s7  }
0xd: {  	s9 =	ssub.s32 s9, s10;
	s2 =	sadd.s32 s2, s14;
	s14 =	simm.s32 $0x9  }
0xe: {  	s6 =	sadd.s32 $0x12C0, s6;
	s24 =	smax.u32 s9, $0x1;
	s26 =	sadd.s32 $0xC8, s2  }
0xf: {  	s20 =	sshrl.u32 s6, $0x3;
	s6 =	sshll.u32 s6, $0x4;
	[dreg:$0xa] =	wrdreg s24  }
0x10: {  	s24 =	simm.s32 $0x2;
	s5 =	sadd.s32 s19, s20;
	s21 =	sadd.s32 s8, s20  }
0x11: {  	s22 =	sadd.s32 s7, s6;
	s23 =	sadd.s32 s0, s6;
	[dreg:$0x6] =	wrdreg s5  }
0x12: {  	s6 =	sadd.s32 s13, s25;
	s0 =	sadd.s32 s12, s0;
	[dreg:$0x7] =	wrdreg s21  }
0x13: {  	s12 =	sshrl.u32 s26, $0x3;
	s19 =	simm.s32 $0x400;
	[dreg:$0x8] =	wrdreg s22  }
0x14: {  	s20 =	simm.s32 $0x6800;
	s25 =	simm.s32 $0x3;
	[dreg:$0x9] =	wrdreg s23  }
0x15: {  	s26 =	simm.s32 $0x4;
	[dreg:$0x3] =	wrdreg s6;
	s0 =	sadd.s32 s13, s0  }
0x16: {  	s13 =	sshrl.u32 s2, $0x3;
	s21 =	simm.s32 $0xCC00;
	s22 =	simm.s32 $0x13000  }
0x17: {  	s23 =	simm.s32 $0x1;
	[dreg:$0x4] =	wrdreg s0;
	s0 =	simm.s32 $0x0  }
.LBB2_1:
0x18: {  	s5 =	rddreg [dreg:$0x5]  }
0x19: {  	s2 =	sadd.s32 s5, s13  }
0x1a: {  	[tilespmem:s3], [sflag:$0x9] =	stream.linear.gather [hbm4b:s2+s3], $0xC8, $0x38;
	[tilespmem:$0x19400] =	vst v63  }
0x1b: {  	_ =	swait.ge [sflag:s14], $0xC8  }
0x1c: {  	[sflag:s14] =	ssyncset.done $0x0  }
0x1d: {  	s6 =	sadd.s32 s8, s13;
	[sflag:s14] =	ssyncadd.s32 $0xFFFFFF38  }
0x1e: {  	[tilespmem:s15], [sflag:$0x9] =	stream.linear.gather [hbm4b:s6+s3], $0xC8, $0x38;
	[tilespmem:$0x19400] =	vst v63  }
0x1f: {  	_ =	swait.ge [sflag:s14], $0xC8  }
0x20: {  	[sflag:s14] =	ssyncset.done $0x0  }
0x21: {  	s7 =	sadd.s32 s5, s12;
	[sflag:s14] =	ssyncadd.s32 $0xFFFFFF38  }
0x22: {  	[tilespmem:s16], [sflag:$0x9] =	stream.linear.gather [hbm4b:s7+s3], $0xC8, $0x38;
	[tilespmem:$0x19400] =	vst v63  }
0x23: {  	_ =	swait.ge [sflag:s14], $0xC8  }
0x24: {  	[sflag:s14] =	ssyncset.done $0x0  }
0x25: {  	s9 =	sadd.s32 s8, s12;
	[sflag:s14] =	ssyncadd.s32 $0xFFFFFF38  }
0x26: {  	[tilespmem:s17], [sflag:$0x9] =	stream.linear.gather [hbm4b:s9+s3], $0xC8, $0x38;
	[tilespmem:$0x19400] =	vst v63  }
0x27: {  	_ =	swait.ge [sflag:s14], $0xC8  }
0x28: {  	[sflag:s14] =	ssyncset.done $0x0  }
0x29: {  	[sflag:s14] =	ssyncadd.s32 $0xFFFFFF38  }
0x2a: {  	[tilespmem:s19], [sflag:$0x1] =	stream.indirect.gather [hbm4b:s1+s18], $0x80, s3, s18, $0xb8;
	[tilespmem:$0x19400] =	vst v63  }
0x2b: {  	_ = 	snop  }
0x2c: {  	[tilespmem:s20], [sflag:$0x2] =	stream.indirect.gather [hbm4b:s4+s18], $0x80, s15, s18, $0xb8;
	[tilespmem:$0x19400] =	vst v63  }
0x2d: {  	_ = 	snop  }
0x2e: {  	[tilespmem:s21], [sflag:$0x3] =	stream.indirect.gather [hbm4b:s1+s18], $0x80, s16, s18, $0xb8;
	[tilespmem:$0x19400] =	vst v63  }
0x2f: {  	_ = 	snop  }
0x30: {  	[tilespmem:s22], [sflag:$0x4] =	stream.indirect.gather [hbm4b:s4+s18], $0x80, s17, s18, $0xb8;
	[tilespmem:$0x19400] =	vst v63  }
0x31: {  	_ =	swait.ge [sflag:s23], $0x6400  }
0x32: {  	s10 =	rddreg [dreg:$0x3];
	[sflag:s23] =	ssyncset.done $0x0  }
0x33: {  	[sflag:s23] =	ssyncadd.s32 $0xFFFF9C00;
	s2 =	sadd.s32 $0x0, s10  }
0x34: {  	[hbm4b:s2+s3] =	stream.linear.scatter [tilespmem:s19], [sflag:$0x5], $0x6400, $0x38;
	[tilespmem:$0x19400] =	vst v63  }
0x35: {  	_ =	swait.ge [sflag:s24], $0x6400  }
0x36: {  	s6 =	rddreg [dreg:$0x4];
	[sflag:s24] =	ssyncset.done $0x0  }
0x37: {  	[sflag:s24] =	ssyncadd.s32 $0xFFFF9C00;
	s6 =	sadd.s32 $0x0, s6  }
0x38: {  	[hbm4b:s6+s3] =	stream.linear.scatter [tilespmem:s20], [sflag:$0x6], $0x6400, $0x38;
	[tilespmem:$0x19400] =	vst v63  }
0x39: {  	_ =	swait.ge [sflag:s25], $0x6400  }
0x3a: {  	[sflag:s25] =	ssyncset.done $0x0  }
0x3b: {  	s2 =	sadd.s32 $0xC80, s2;
	[sflag:s25] =	ssyncadd.s32 $0xFFFF9C00  }
0x3c: {  	[hbm4b:s2+s3] =	stream.linear.scatter [tilespmem:s21], [sflag:$0x7], $0x6400, $0x38;
	[tilespmem:$0x19400] =	vst v63  }
0x3d: {  	_ =	swait.ge [sflag:s26], $0x6400  }
0x3e: {  	[sflag:s26] =	ssyncset.done $0x0  }
0x3f: {  	s11 =	sadd.s32 $0xC80, s6;
	[sflag:s26] =	ssyncadd.s32 $0xFFFF9C00  }
0x40: {  	[hbm4b:s11+s3] =	stream.linear.scatter [tilespmem:s22], [sflag:$0x8], $0x6400, $0x38;
	[tilespmem:$0x19400] =	vst v63  }
0x41: {  	_ =	swait.ge [sflag:s28], $0x6400  }
0x42: {  	[sflag:s28] =	ssyncset.done $0x0  }
0x43: {  	[sflag:s28] =	ssyncadd.s32 $0xFFFF9C00  }
0x44: {  	_ =	swait.ge [sflag:s29], $0x6400  }
0x45: {  	[sflag:s29] =	ssyncset.done $0x0  }
0x46: {  	[sflag:s29] =	ssyncadd.s32 $0xFFFF9C00  }
0x47: {  	_ =	swait.ge [sflag:s30], $0x6400  }
0x48: {  	[sflag:s30] =	ssyncset.done $0x0  }
0x49: {  	[sflag:s30] =	ssyncadd.s32 $0xFFFF9C00  }
0x4a: {  	s7 =	sadd.s32 $0x32, s5;
	s9 =	simm.s32 $0x3200;
	_ =	swait.ge [sflag:s31], $0x6400  }
0x4b: {  	s6 =	smov.u32 s8;
	s2 =	simm.s32 $0x1900;
	[sflag:s31] =	ssyncset.done $0x0  }
.LBB2_2:
0x4c: {  	s11 =	sadd.s32 s7, s13;
	[sflag:s31] =	ssyncadd.s32 $0xFFFF9C00  }
0x4d: {  	[tilespmem:s3], [sflag:$0x9] =	stream.linear.gather [hbm4b:s11+s3], $0xC8, $0x38;
	[tilespmem:$0x19400] =	vst v63  }
0x4e: {  	_ =	swait.ge [sflag:s14], $0xC8  }
0x4f: {  	s6 =	sadd.s32 $0x32, s6;
	[sflag:s14] =	ssyncset.done $0x0  }
0x50: {  	s5 =	sadd.s32 s6, s13;
	[sflag:s14] =	ssyncadd.s32 $0xFFFFFF38  }
0x51: {  	[tilespmem:s15], [sflag:$0x9] =	stream.linear.gather [hbm4b:s5+s3], $0xC8, $0x38;
	[tilespmem:$0x19400] =	vst v63  }
0x52: {  	_ =	swait.ge [sflag:s14], $0xC8  }
0x53: {  	[sflag:s14] =	ssyncset.done $0x0  }
0x54: {  	s5 =	sadd.s32 s7, s12;
	[sflag:s14] =	ssyncadd.s32 $0xFFFFFF38  }
0x55: {  	[tilespmem:s16], [sflag:$0x9] =	stream.linear.gather [hbm4b:s5+s3], $0xC8, $0x38;
	[tilespmem:$0x19400] =	vst v63  }
0x56: {  	_ =	swait.ge [sflag:s14], $0xC8  }
0x57: {  	[sflag:s14] =	ssyncset.done $0x0  }
0x58: {  	s5 =	sadd.s32 s6, s12;
	[sflag:s14] =	ssyncadd.s32 $0xFFFFFF38  }
0x59: {  	[tilespmem:s17], [sflag:$0x9] =	stream.linear.gather [hbm4b:s5+s3], $0xC8, $0x38;
	[tilespmem:$0x19400] =	vst v63  }
0x5a: {  	_ =	swait.ge [sflag:s14], $0xC8  }
0x5b: {  	[sflag:s14] =	ssyncset.done $0x0  }
0x5c: {  	[sflag:s14] =	ssyncadd.s32 $0xFFFFFF38  }
0x5d: {  	[tilespmem:s19], [sflag:$0x1] =	stream.indirect.gather [hbm4b:s1+s18], $0x80, s3, s18, $0xb8;
	[tilespmem:$0x19400] =	vst v63  }
0x5e: {  	_ = 	snop  }
0x5f: {  	[tilespmem:s20], [sflag:$0x2] =	stream.indirect.gather [hbm4b:s4+s18], $0x80, s15, s18, $0xb8;
	[tilespmem:$0x19400] =	vst v63  }
0x60: {  	_ = 	snop  }
0x61: {  	[tilespmem:s21], [sflag:$0x3] =	stream.indirect.gather [hbm4b:s1+s18], $0x80, s16, s18, $0xb8;
	[tilespmem:$0x19400] =	vst v63  }
0x62: {  	_ = 	snop  }
0x63: {  	[tilespmem:s22], [sflag:$0x4] =	stream.indirect.gather [hbm4b:s4+s18], $0x80, s17, s18, $0xb8;
	[tilespmem:$0x19400] =	vst v63  }
0x64: {  	_ =	swait.ge [sflag:s23], $0x6400  }
0x65: {  	s5 =	rddreg [dreg:$0x3];
	[sflag:s23] =	ssyncset.done $0x0  }
0x66: {  	[sflag:s23] =	ssyncadd.s32 $0xFFFF9C00;
	s11 =	sadd.s32 s2, s5  }
0x67: {  	[hbm4b:s11+s3] =	stream.linear.scatter [tilespmem:s19], [sflag:$0x5], $0x6400, $0x38;
	[tilespmem:$0x19400] =	vst v63  }
0x68: {  	_ =	swait.ge [sflag:s24], $0x6400  }
0x69: {  	s5 =	rddreg [dreg:$0x4];
	[sflag:s24] =	ssyncset.done $0x0  }
0x6a: {  	[sflag:s24] =	ssyncadd.s32 $0xFFFF9C00;
	s5 =	sadd.s32 s2, s5  }
0x6b: {  	[hbm4b:s5+s3] =	stream.linear.scatter [tilespmem:s20], [sflag:$0x6], $0x6400, $0x38;
	[tilespmem:$0x19400] =	vst v63  }
0x6c: {  	_ =	swait.ge [sflag:s25], $0x6400  }
0x6d: {  	[sflag:s25] =	ssyncset.done $0x0  }
0x6e: {  	s11 =	sadd.s32 $0xC80, s11;
	[sflag:s25] =	ssyncadd.s32 $0xFFFF9C00  }
0x6f: {  	[hbm4b:s11+s3] =	stream.linear.scatter [tilespmem:s21], [sflag:$0x7], $0x6400, $0x38;
	[tilespmem:$0x19400] =	vst v63  }
0x70: {  	_ =	swait.ge [sflag:s26], $0x6400  }
0x71: {  	[sflag:s26] =	ssyncset.done $0x0  }
0x72: {  	s5 =	sadd.s32 $0xC80, s5;
	[sflag:s26] =	ssyncadd.s32 $0xFFFF9C00  }
0x73: {  	[hbm4b:s5+s3] =	stream.linear.scatter [tilespmem:s22], [sflag:$0x8], $0x6400, $0x38;
	[tilespmem:$0x19400] =	vst v63  }
0x74: {  	_ =	swait.ge [sflag:s28], $0x6400  }
0x75: {  	[sflag:s28] =	ssyncset.done $0x0  }
0x76: {  	[sflag:s28] =	ssyncadd.s32 $0xFFFF9C00  }
0x77: {  	_ =	swait.ge [sflag:s29], $0x6400  }
0x78: {  	[sflag:s29] =	ssyncset.done $0x0  }
0x79: {  	p0 =	sne.s32 s9, $0x11300;
	[sflag:s29] =	ssyncadd.s32 $0xFFFF9C00  }
.Ltmp0:
0x7a: {  	_ =	swait.ge [sflag:s30], $0x6400;
	(pc) =	sbr.rel @p0 .LBB2_2-.Ltmp0, $4  }
0x7b: {  	[sflag:s30] =	ssyncset.done $0x0  }
0x7c: {  	[sflag:s30] =	ssyncadd.s32 $0xFFFF9C00  }
0x7d: {  	s10 =	smov.u32 s9;
	s9 =	sadd.s32 $0x1900, s9;
	_ =	swait.ge [sflag:s31], $0x6400  }
0x7e: {  	s7 =	sadd.s32 $0x32, s7;
	s2 =	smov.u32 s10;
	[sflag:s31] =	ssyncset.done $0x0  }
0x7f: {  	s5 =	sadd.s32 s7, s13;
	[sflag:s31] =	ssyncadd.s32 $0xFFFF9C00  }
0x80: {  	[tilespmem:s3], [sflag:$0x9] =	stream.linear.gather [hbm4b:s5+s3], $0xC8, $0x38;
	[tilespmem:$0x19400] =	vst v63  }
0x81: {  	_ =	swait.ge [sflag:s14], $0xC8  }
0x82: {  	s11 =	sadd.s32 $0x32, s6;
	[sflag:s14] =	ssyncset.done $0x0  }
0x83: {  	s6 =	sadd.s32 s11, s13;
	[sflag:s14] =	ssyncadd.s32 $0xFFFFFF38  }
0x84: {  	[tilespmem:s15], [sflag:$0x9] =	stream.linear.gather [hbm4b:s6+s3], $0xC8, $0x38;
	[tilespmem:$0x19400] =	vst v63  }
0x85: {  	_ =	swait.ge [sflag:s14], $0xC8  }
0x86: {  	[sflag:s14] =	ssyncset.done $0x0  }
0x87: {  	s7 =	sadd.s32 s7, s12;
	[sflag:s14] =	ssyncadd.s32 $0xFFFFFF38  }
0x88: {  	[tilespmem:s16], [sflag:$0x9] =	stream.linear.gather [hbm4b:s7+s3], $0xC8, $0x38;
	[tilespmem:$0x19400] =	vst v63  }
0x89: {  	_ =	swait.ge [sflag:s14], $0xC8  }
0x8a: {  	[sflag:s14] =	ssyncset.done $0x0  }
0x8b: {  	s5 =	sadd.s32 s11, s12;
	[sflag:s14] =	ssyncadd.s32 $0xFFFFFF38  }
0x8c: {  	[tilespmem:s17], [sflag:$0x9] =	stream.linear.gather [hbm4b:s5+s3], $0xC8, $0x38;
	[tilespmem:$0x19400] =	vst v63  }
0x8d: {  	_ =	swait.ge [sflag:s14], $0xC8  }
0x8e: {  	[sflag:s14] =	ssyncset.done $0x0  }
0x8f: {  	[sflag:s14] =	ssyncadd.s32 $0xFFFFFF38  }
0x90: {  	[tilespmem:s19], [sflag:$0x1] =	stream.indirect.gather [hbm4b:s1+s18], $0x80, s3, s18, $0xb8;
	[tilespmem:$0x19400] =	vst v63  }
0x91: {  	_ = 	snop  }
0x92: {  	[tilespmem:s20], [sflag:$0x2] =	stream.indirect.gather [hbm4b:s4+s18], $0x80, s15, s18, $0xb8;
	[tilespmem:$0x19400] =	vst v63  }
0x93: {  	_ = 	snop  }
0x94: {  	[tilespmem:s21], [sflag:$0x3] =	stream.indirect.gather [hbm4b:s1+s18], $0x80, s16, s18, $0xb8;
	[tilespmem:$0x19400] =	vst v63  }
0x95: {  	_ = 	snop  }
0x96: {  	[tilespmem:s22], [sflag:$0x4] =	stream.indirect.gather [hbm4b:s4+s18], $0x80, s17, s18, $0xb8;
	[tilespmem:$0x19400] =	vst v63  }
0x97: {  	_ =	swait.ge [sflag:s23], $0x6400  }
0x98: {  	s9 =	rddreg [dreg:$0x3];
	[sflag:s23] =	ssyncset.done $0x0  }
0x99: {  	[sflag:s23] =	ssyncadd.s32 $0xFFFF9C00;
	s5 =	sadd.s32 s2, s9  }
0x9a: {  	[hbm4b:s5+s3] =	stream.linear.scatter [tilespmem:s19], [sflag:$0x5], $0x6400, $0x38;
	[tilespmem:$0x19400] =	vst v63  }
0x9b: {  	_ =	swait.ge [sflag:s24], $0x6400  }
0x9c: {  	s10 =	rddreg [dreg:$0x4];
	[sflag:s24] =	ssyncset.done $0x0  }
0x9d: {  	s11 =	sadd.s32 s2, s10;
	[sflag:s24] =	ssyncadd.s32 $0xFFFF9C00  }
0x9e: {  	[hbm4b:s11+s3] =	stream.linear.scatter [tilespmem:s20], [sflag:$0x6], $0x6400, $0x38;
	[tilespmem:$0x19400] =	vst v63  }
0x9f: {  	_ =	swait.ge [sflag:s25], $0x6400  }
0xa0: {  	[sflag:s25] =	ssyncset.done $0x0  }
0xa1: {  	s5 =	sadd.s32 $0xC80, s5;
	[sflag:s25] =	ssyncadd.s32 $0xFFFF9C00  }
0xa2: {  	[hbm4b:s5+s3] =	stream.linear.scatter [tilespmem:s21], [sflag:$0x7], $0x6400, $0x38;
	[tilespmem:$0x19400] =	vst v63  }
0xa3: {  	_ =	swait.ge [sflag:s26], $0x6400  }
0xa4: {  	[sflag:s26] =	ssyncset.done $0x0  }
0xa5: {  	s2 =	sadd.s32 $0xC80, s11;
	[sflag:s26] =	ssyncadd.s32 $0xFFFF9C00  }
0xa6: {  	[hbm4b:s2+s3] =	stream.linear.scatter [tilespmem:s22], [sflag:$0x8], $0x6400, $0x38;
	[tilespmem:$0x19400] =	vst v63  }
0xa7: {  	_ =	swait.ge [sflag:s28], $0x6400  }
0xa8: {  	[sflag:s28] =	ssyncset.done $0x0  }
0xa9: {  	[sflag:s28] =	ssyncadd.s32 $0xFFFF9C00  }
0xaa: {  	_ =	swait.ge [sflag:s29], $0x6400  }
0xab: {  	[sflag:s29] =	ssyncset.done $0x0  }
0xac: {  	[sflag:s29] =	ssyncadd.s32 $0xFFFF9C00  }
0xad: {  	_ =	swait.ge [sflag:s30], $0x6400  }
0xae: {  	[sflag:s30] =	ssyncset.done $0x0  }
0xaf: {  	[sflag:s30] =	ssyncadd.s32 $0xFFFF9C00  }
0xb0: {  	_ =	swait.ge [sflag:s31], $0x6400  }
0xb1: {  	[sflag:s31] =	ssyncset.done $0x0  }
0xb2: {  	s6 =	rddreg [dreg:$0x6];
	[sflag:s31] =	ssyncadd.s32 $0xFFFF9C00  }
0xb3: {  	[tilespmem:s3], [sflag:$0x9] =	stream.linear.gather [hbm4b:s6+s3], $0xC8, $0x38;
	[tilespmem:$0x19400] =	vst v63  }
0xb4: {  	_ =	swait.ge [sflag:s14], $0xC8  }
0xb5: {  	[sflag:s14] =	ssyncset.done $0x0  }
0xb6: {  	s7 =	rddreg [dreg:$0x7];
	[sflag:s14] =	ssyncadd.s32 $0xFFFFFF38  }
0xb7: {  	[tilespmem:s15], [sflag:$0x9] =	stream.linear.gather [hbm4b:s7+s3], $0xC8, $0x38;
	[tilespmem:$0x19400] =	vst v63  }
0xb8: {  	_ =	swait.ge [sflag:s14], $0xC8  }
0xb9: {  	[sflag:s14] =	ssyncset.done $0x0  }
0xba: {  	[sflag:s14] =	ssyncadd.s32 $0xFFFFFF38  }
0xbb: {  	[tilespmem:s19], [sflag:$0x1] =	stream.indirect.gather [hbm4b:s1+s18], $0x80, s3, s18, $0xb8;
	[tilespmem:$0x19400] =	vst v63  }
0xbc: {  	_ = 	snop  }
0xbd: {  	[tilespmem:s20], [sflag:$0x2] =	stream.indirect.gather [hbm4b:s4+s18], $0x80, s15, s18, $0xb8;
	[tilespmem:$0x19400] =	vst v63  }
0xbe: {  	_ =	swait.ge [sflag:s23], $0x6400  }
0xbf: {  	[sflag:s23] =	ssyncset.done $0x0  }
0xc0: {  	[sflag:s23] =	ssyncadd.s32 $0xFFFF9C00  }
0xc1: {  	_ =	swait.ge [sflag:s24], $0x6400  }
0xc2: {  	[sflag:s24] =	ssyncset.done $0x0  }
0xc3: {  	s9 =	rddreg [dreg:$0x8];
	[sflag:s24] =	ssyncadd.s32 $0xFFFF9C00  }
0xc4: {  	[hbm4b:s9+s3] =	stream.linear.scatter [tilespmem:s19], [sflag:$0x9], $0x6400, $0x38;
	[tilespmem:$0x19400] =	vst v63  }
0xc5: {  	_ =	swait.ge [sflag:s14], $0x6400  }
0xc6: {  	[sflag:s14] =	ssyncset.done $0x0  }
0xc7: {  	s10 =	rddreg [dreg:$0x9];
	[sflag:s14] =	ssyncadd.s32 $0xFFFF9C00  }
0xc8: {  	[hbm4b:s10+s3] =	stream.linear.scatter [tilespmem:s20], [sflag:$0x9], $0x6400, $0x38;
	[tilespmem:$0x19400] =	vst v63  }
0xc9: {  	_ =	swait.ge [sflag:s14], $0x6400  }
0xca: {  	s0 =	sadd.s32 $0x1, s0;
	s11 =	rddreg [dreg:$0xa]  }
0xcb: {  	p0 =	sne.s32 s0, s11  }
.Ltmp1:
0xcc: {  	_ = 	snop;
	(pc) =	sbr.rel @p0 .LBB2_1-.Ltmp1, $3  }
0xcd: {  	_ =	sdelay $0x1  }
0xce: {  	[sflag:s14] =	ssyncset.done $0x0  }
0xcf: {  	[sflag:s14] =	ssyncadd.s32 $0xFFFF9C00  }
0xd0: {  	_ =	sfence.sel $0x180000  }
0xd1: {  	[bflag:$0x0] =	sbarrier.arrive $0xFFFF  }
0xd2: {  	_ =	strace $0x90000047  }
0xd3: {  	s0 =	stileid.u32;
	[bflag:$0x2] =	sbarrier.arrive $0xFFFF  }
0xd4: {  	p0 =	sne.s32 s0, $0x0;
	s0 =	rddreg [dreg:$0x2]  }
0xd5: {  	s0 =	sadd.s32 @!p0 $0x100000, s0  }
0xd6: {  	[sflag:s0] =	ssyncadd.tile.s32 @!p0 $0x1;
	_ =	shalt  }
.Lfunc_end2:
_tile_overlayer_lowered:
.L_overlay_start_2:
0xd7: {  	(tag) =	ssettag $0x2  }
0xd8: {  	s0 =	rddreg [dreg:$0x0];
	s2 =	stileid.u32  }
0xd9: {  	s1 =	rddreg [dreg:$0x1];
	p0 =	sne.s32 s2, $0x0  }
0xda: {  	s3 =	rddreg [dreg:$0x2];
	[bflag:$0x3] =	sbarrier.arrive $0xFFFF;
	s2 =	simm.s32 @!p0 $0x1C09  }
0xdb: {  	[timem:s3], [sflag:s2] =	dma.local @!p0 [hbm:s0], s1  }
0xdc: {  	s0 =	simm.s32 @!p0 $0x9  }
0xdd: {  	_ =	swait.ge @!p0 [sflag:s0], s1  }
0xde: {  	s1 =	ssub.s32 @!p0 $0x0, s1;
	[sflag:s0] =	ssyncset.done @!p0 $0x0  }
0xdf: {  	[sflag:s0] =	ssyncadd.s32 @!p0 s1  }
0xe0: {  	[bflag:$0x3] =	sbarrier.arrive $0xFFFF  }
0xe1: {  	_ =	shalt  }

// kernel: kernel.18.cloned.1.call-start
scs
__scs_entry_jumppad:
0x0: {  	(pc) =	sbr.rel $0x88, $3  }
0x1: {  	(tag) =	ssettag $0x0;
	lr =	simm.s32 $0x1  }
0x2: {  	[smem:$0x3F8A] =	sst lr;
	_ =	strace $0xD0000000  }
0x3: {  	_ = 	snop  }
0x4: {  	_ = 	snop  }
0x5: {  	_ = 	snop  }
0x6: {  	_ = 	snop  }
0x7: {  	_ = 	snop  }
__scs_overlays_trampoline_lowered:
0x8: {  	[smem:$0x3F99] =	sst s0  }
0x9: {  	[smem:$0x3F9A] =	sst s1  }
0xa: {  	[smem:$0x3F9B] =	sst s2  }
0xb: {  	[smem:$0x3F9C] =	sst s3  }
0xc: {  	[smem:$0x3F9D] =	sst s4  }
0xd: {  	[smem:$0x3F9E] =	sst s5  }
0xe: {  	[smem:$0x3F9F] =	sst s6  }
0xf: {  	[smem:$0x3FA0] =	sst s7  }
0x10: {  	[smem:$0x3FA1] =	sst s8  }
0x11: {  	[smem:$0x3FA2] =	sst s9;
	s0 =	simm.s32 @!p0 $0x0  }
0x12: {  	s1 =	sld [smem:$0x3F88];
	s0 =	simm.s32 @p0 $0x1  }
0x13: {  	[smem:$0x3FA3] =	sst s0;
	s0 =	simm.s32 @!p1 $0x0  }
0x14: {  	s2 =	sld [smem:$0x3F87];
	s0 =	simm.s32 @p1 $0x1  }
0x15: {  	[smem:$0x3FA4] =	sst s0;
	s0 =	simm.s32 @!p2 $0x0  }
0x16: {  	s3 =	sld [smem:$0x3FDB];
	s0 =	simm.s32 @p2 $0x1  }
0x17: {  	s4 =	simm.s32 $0x1BF5;
	[smem:$0x3FA6] =	sst s0  }
0x18: {  	s0 =	sld [smem:$0x3F89];
	_ =	swait.ge [sflag:s4], $0x0  }
0x19: {  	s7 =	sld [smem:$0x3F8A]  }
0x1a: {  	s8 =	sadd.s32 $0xFFFFE003, lr  }
0x1b: {  	s9 =	sadd.s32 $0xFFFFFEF7, lr;
	s5 =	simm.s32 $0xFFFFFFFF;
	p2 =	slt.u32 s8, $0xFFFFF086  }
0x1c: {  	p1 =	slt.u32 s9, $0xF7A;
	s5 =	simm.s32 @!p2 $0x0  }
0x1d: {  	s5 =	simm.s32 @p1 $0x1;
	p0 =	seq.s32 s7, s2  }
0x1e: {  	s7 =	smul.u32 @!p0 $0xF7A, s2;
	p2 =	seq.s32 @!p0 s5, $0x0  }
0x1f: {  	s9 =	smul.u32 $0xF7A, s1;
	s8 =	simm.s32 @!p0 $0x1BF5;
	p2 =	por !p2, p0  }
0x20: {  	[sflag:s8] =	ssyncset.s32 @!p0 $0xFFFFF086;
	s6 =	sadd.s32 @!p0 s3, s7;
	s7 =	simm.s32 @!p0 $0x108  }
0x21: {  	s3 =	sadd.s32 s3, s9;
	s6 =	sadd.s32 @!p0 $0x88, s6;
	s7 =	simm.s32 @p2 $0x1082  }
0x22: {  	[simem:s7], [sflag:s8] =	dma.local @!p0 [hbm:s6], $0xF7A  }
0x23: {  	s9 =	sor.u32 $0xD0000000, s2;
	s6 =	simm.s32 $0x108;
	_ =	swait.ge @!p0 [sflag:s8], $0x0  }
0x24: {  	s3 =	sadd.s32 $0x88, s3;
	s6 =	simm.s32 @!p1 $0x1082;
	[sflag:s4] =	ssyncset.s32 $0xFFFFF086  }
0x25: {  	[simem:s6], [sflag:s4] =	dma.local [hbm:s3], $0xF7A  }
0x26: {  	[smem:$0x3F8A] =	sst s1;
	(tag) =	ssettag s2;
	_ =	strace s9  }
0x27: {  	s1 =	sld [smem:$0x3F9A]  }
0x28: {  	s2 =	sld [smem:$0x3F9B]  }
0x29: {  	s4 =	sld [smem:$0x3F9D]  }
0x2a: {  	p0 =	seq.s32 s5, $0x0;
	s5 =	sld [smem:$0x3F9E]  }
0x2b: {  	s6 =	sld [smem:$0x3F9F]  }
0x2c: {  	s7 =	sld [smem:$0x3FA0]  }
0x2d: {  	s3 =	simm.s32 $0x108;
	s8 =	sld [smem:$0x3FA1]  }
0x2e: {  	s3 =	simm.s32 @!p0 $0x1082;
	s9 =	sld [smem:$0x3FA2]  }
0x2f: {  	lr =	sadd.s32 s0, s3;
	s0 =	sld [smem:$0x3F99]  }
0x30: {  	s3 =	sld [smem:$0x3F9C]  }
0x31: {  	[smem:$0x3FA5] =	sst s10  }
0x32: {  	s10 =	sld [smem:$0x3FA3];
	_ =	sdelay $0x3  }
0x33: {  	p0 =	seq.s32 s10, $0x1;
	s10 =	sld [smem:$0x3FA5];
	_ =	sdelay $0x3  }
0x34: {  	[smem:$0x3FA5] =	sst s10  }
0x35: {  	s10 =	sld [smem:$0x3FA4];
	_ =	sdelay $0x3  }
0x36: {  	p1 =	seq.s32 s10, $0x1;
	s10 =	sld [smem:$0x3FA5];
	_ =	sdelay $0x3  }
0x37: {  	[smem:$0x3FA5] =	sst s10  }
0x38: {  	s10 =	sld [smem:$0x3FA6]  }
0x39: {  	_ = 	snop;
	(pc) =	sbr.ind lr, $3  }
0x3a: {  	_ = 	snop  }
0x3b: {  	_ = 	snop  }
0x3c: {  	p2 =	seq.s32 s10, $0x1;
	s10 =	sld [smem:$0x3FA5]  }
0x3d: {  	_ =	shalt  }
0x3e: {  	_ =	shalt  }
0x3f: {  	_ =	shalt  }
0x40: {  	_ =	shalt  }
0x41: {  	_ =	shalt  }
0x42: {  	_ =	shalt  }
0x43: {  	_ =	shalt  }
0x44: {  	_ =	shalt  }
0x45: {  	_ =	shalt  }
0x46: {  	_ =	shalt  }
0x47: {  	_ =	shalt  }
0x48: {  	_ =	shalt  }
0x49: {  	_ =	shalt  }
0x4a: {  	_ =	shalt  }
0x4b: {  	_ =	shalt  }
0x4c: {  	_ =	shalt  }
0x4d: {  	_ =	shalt  }
0x4e: {  	_ =	shalt  }
0x4f: {  	_ =	shalt  }
0x50: {  	_ =	shalt  }
0x51: {  	_ =	shalt  }
0x52: {  	_ =	shalt  }
0x53: {  	_ =	shalt  }
0x54: {  	_ =	shalt  }
0x55: {  	_ =	shalt  }
0x56: {  	_ =	shalt  }
0x57: {  	_ =	shalt  }
0x58: {  	_ =	shalt  }
0x59: {  	_ =	shalt  }
0x5a: {  	_ =	shalt  }
0x5b: {  	_ =	shalt  }
0x5c: {  	_ =	shalt  }
0x5d: {  	_ =	shalt  }
0x5e: {  	_ =	shalt  }
0x5f: {  	_ =	shalt  }
0x60: {  	_ =	shalt  }
0x61: {  	_ =	shalt  }
0x62: {  	_ =	shalt  }
0x63: {  	_ =	shalt  }
0x64: {  	_ =	shalt  }
0x65: {  	_ =	shalt  }
0x66: {  	_ =	shalt  }
0x67: {  	_ =	shalt  }
0x68: {  	_ =	shalt  }
0x69: {  	_ =	shalt  }
0x6a: {  	_ =	shalt  }
0x6b: {  	_ =	shalt  }
0x6c: {  	_ =	shalt  }
0x6d: {  	_ =	shalt  }
0x6e: {  	_ =	shalt  }
0x6f: {  	_ =	shalt  }
0x70: {  	_ =	shalt  }
0x71: {  	_ =	shalt  }
0x72: {  	_ =	shalt  }
0x73: {  	_ =	shalt  }
0x74: {  	_ =	shalt  }
0x75: {  	_ =	shalt  }
0x76: {  	_ =	shalt  }
0x77: {  	_ =	shalt  }
0x78: {  	_ =	shalt  }
0x79: {  	_ =	shalt  }
0x7a: {  	_ =	shalt  }
0x7b: {  	_ =	shalt  }
0x7c: {  	_ =	shalt  }
0x7d: {  	_ =	shalt  }
0x7e: {  	_ =	shalt  }
0x7f: {  	_ =	shalt  }
0x80: {  	_ =	shalt  }
0x81: {  	_ =	shalt  }
0x82: {  	_ =	shalt  }
0x83: {  	_ =	shalt  }
0x84: {  	_ =	shalt  }
0x85: {  	_ =	shalt  }
0x86: {  	_ =	shalt  }
0x87: {  	_ =	shalt  }
.Lfunc_end0:
.L_simem_size_0:
called_computation.1_lowered:
.L_overlay_start_0:
0x88: {  	s2 =	sld [smem:$0x3FD9]  }
0x89: {  	s3 =	sld [smem:$0x3FFE];
	_ =	sdelay $0x1  }
0x8a: {  	s1 =	srdreg.scid  }
0x8b: {  	s0 =	sand.u32 $0x1, s1  }
0x8c: {  	s17 =	sshll.u32 s0, $0xA;
	s2 =	sadd.s32 s3, s2  }
0x8d: {  	s2 =	sadd.s32 s2, s17  }
0x8e: {  	[smem:$0x3FB1] =	sst s2  }
0x8f: {  	_ = 	snop  }
0x90: {  	(tm) =	ssettm $0x1  }
0x91: {  	s18 =	sld [smem:$0x3FFB];
	_ =	sdelay $0x3  }
0x92: {  	_ =	strace s18  }
0x93: {  	s2 =	sld [smem:$0x3FFC];
	_ =	sdelay $0x3  }
0x94: {  	_ =	strace s2  }
0x95: {  	s2 =	sld [smem:$0x3FFD];
	_ =	sdelay $0x3  }
0x96: {  	_ =	strace s2  }
0x97: {  	_ =	strace $0x8FFFFFFF  }
0x98: {  	s19 =	sld [smem:$0x3FDB];
	_ =	sdelay $0x1  }
0x99: {  	s20 =	simm.s32 $_scs_section_size  }
0x9a: {  	s4 =	simm.s32 $_size__tile_overlayer_lowered;
	s5 =	simm.s32 $_tile_overlayer_lowered  }
0x9b: {  	s6 =	simm.s32 $0x1BFF;
	s21 =	sshll.u32 s5, $0x1;
	s3 =	sadd.s32 s20, s19  }
0x9c: {  	s22 =	simm.s32 $0x0;
	s4 =	sshll.u32 s4, $0x1;
	s5 =	sadd.s32 s21, s3  }
0x9d: {  	[timem:s22], [sflag:s6] =	dma.local [hbm:s5], s4  }
0x9e: {  	_ =	swait.ge [sflag:s6], s4  }
0x9f: {  	s4 =	ssub.s32 $0x0, s4;
	[sflag:s6] =	ssyncset.done $0x0  }
0xa0: {  	[sflag:s6] =	ssyncadd.s32 s4;
	_ =	sdelay $0x1  }
0xa1: {  	s23 =	simm.s32 $0x1B8B  }
0xa2: {  	_ =	swait.ge [sflag:s23], $0x1  }
0xa3: {  	[sflag:s23] =	ssyncset.done $0x0  }
0xa4: {  	[sflag:s23] =	ssyncadd.s32 $0xFFFFFFFF  }
0xa5: {  	s4 =	sld [smem:$0x0]  }
0xa6: {  	s5 =	sand.u32 $0xFFFFFFFE, s1  }
0xa7: {  	p0 =	sne.s32 s1, s5  }
0xa8: {  	s5 =	sshll.u32 @p0 s5, $0xE  }
0xa9: {  	s5 =	sadd.s32 @p0 $0x11B8D, s5;
	s6 =	sshll.u32 @p0 s4, $0x11  }
0xaa: {  	s5 =	sor.u32 @p0 s6, s5  }
0xab: {  	[sflag:s5] =	ssyncadd.remote.s32 @p0 $0x1;
	_ =	sdelay $0x1  }
0xac: {  	s5 =	simm.s32 @p0 $0x1B8D  }
0xad: {  	_ =	swait.eq @p0 [sflag:s5], $0x1  }
0xae: {  	[sflag:s5] =	ssyncadd.s32 @p0 $0xFFFFFFFF  }
0xaf: {  	s6 =	sshll.u32 @!p0 s1, $0xE  }
0xb0: {  	s6 =	sor.u32 @!p0 $0x4000, s6;
	s5 =	simm.s32 @!p0 $0x1B8D  }
0xb1: {  	s4 =	sshll.u32 @!p0 s4, $0x11;
	s6 =	sadd.s32 @!p0 $0x11B8D, s6;
	_ =	swait.eq @!p0 [sflag:s5], $0x1  }
0xb2: {  	s4 =	sor.u32 @!p0 s4, s6;
	[sflag:s5] =	ssyncadd.s32 @!p0 $0xFFFFFFFF  }
0xb3: {  	s25 =	simm.s32 $0x1B8E;
	s24 =	sld [smem:$0x3FFE];
	[sflag:s4] =	ssyncadd.remote.s32 @!p0 $0x1  }
0xb4: {  	s26 =	simm.s32 $execute0_lowered;
	[smem:$0x3FD2] =	sst s25  }
0xb5: {  	s5 =	sshll.u32 s26, $0x1;
	_ =	strace $0x8000004C;
	[dreg:$0x1] =	wrdreg $0xFFFFFFFF  }
0xb6: {  	s28 =	simm.s32 $_size_execute0_lowered;
	s3 =	sadd.s32 s3, s5;
	[dreg:$0x0] =	wrdreg $0x0  }
0xb7: {  	s5 =	sshll.u32 s28, $0x1;
	[dreg:$0x2] =	wrdreg s3  }
0xb8: {  	[dreg:$0x3] =	wrdreg s5  }
0xb9: {  	[dreg:$0x4] =	wrdreg $0xC0  }
0xba: {  	_ =	task [dreg:s22], $0x5FFFF  }
0xbb: {  	[dreg:$0x1] =	wrdreg $0xFFFFFFFF  }
0xbc: {  	[dreg:$0x0] =	wrdreg $0x60  }
0xbd: {  	[dreg:$0x2] =	wrdreg s24  }
0xbe: {  	[dreg:$0x3] =	wrdreg $0x9  }
0xbf: {  	_ =	task.clear_ibuf [dreg:s22], $0x4FFFF;
	_ =	strace $0x9000004C  }
0xc0: {  	s29 =	simm.s32 $0x9;
	_ =	strace $0x8000004E  }
0xc1: {  	_ =	swait.ge [sflag:s29], $0x1  }
0xc2: {  	[sflag:s29] =	ssyncadd.s32 $0xFFFFFFFF  }
0xc3: {  	_ =	strace $0x9000004E  }
0xc4: {  	_ =	sfence  }
0xc5: {  	s30 =	sld [smem:$0x0];
	_ =	sdelay $0x2  }
0xc6: {  	s31 =	sshll.u32 s1, $0xD;
	s1 =	sshrl.u32 s1, $0x2  }
0xc7: {  	s4 =	sand.u32 $0x4000, s31;
	s1 =	sadd.s32 s1, s30  }
0xc8: {  	s0 =	sor.u32 s4, s0;
	s1 =	sshll.u32 s1, $0x11  }
0xc9: {  	s0 =	sor.u32 s1, s0  }
0xca: {  	s0 =	sadd.s32 $0x8F2B, s0  }
0xcb: {  	[sflag:s0] =	ssyncadd.remote.s32 $0x1  }
0xcc: {  	_ =	sfence.sel $0xFFFF  }
0xcd: {  	[dreg:$0x0] =	wrdreg $0xFFFFFFFF;
	(pc) =	sbr.abs _section_cstart, $3  }
0xce: {  	[dreg:$0x1] =	wrdreg $0xFFFFFFFF  }
0xcf: {  	_ =	task.clear_ibuf [dreg:s22], $0x2FFFF;
	_ =	strace $0x9FFFFFFF  }
0xd0: {  	(tm) =	ssettm $0x7FFFFFFF  }
0xd1: {  	_ =	shalt  }
tec
execute0_lowered:
.L_overlay_start_1:
0x0: {  	(tag) =	ssettag $0x1  }
0x1: {  	s0 =	srdreg.scid  }
0x2: {  	s13 =	stileid.u32;
	s4 =	rddreg [dreg:$0x0];
	s2 =	simm.s32 $0x0  }
0x3: {  	s24 =	simm.s32 $0x80;
	s25 =	simm.s32 $0x100;
	s26 =	simm.s32 $0x180  }
0x4: {  	s14 =	simm.s32 $0x4A00;
	s15 =	simm.s32 $0x5200;
	[smem:$0x7FF] =	sst s2  }
0x5: {  	s16 =	simm.s32 $0x5600;
	_ =	strace $0x8000004D;
	[dreg:$0x6] =	wrdreg s24  }
0x6: {  	s28 =	simm.s32 $0x2;
	s29 =	simm.s32 $0x3;
	[dreg:$0x7] =	wrdreg s25  }
0x7: {  	s30 =	simm.s32 $0x4;
	s31 =	simm.s32 $0x5;
	[dreg:$0x8] =	wrdreg s26  }
0x8: {  	s0 =	sand.u32 $0x1, s0;
	s1 =	smul.u32 $0x2710, s13;
	[dreg:$0xa] =	wrdreg s14  }
0x9: {  	s8 =	sadd.s32 $0xA71200, s4;
	s13 =	sshll.u32 s13, $0x1;
	[dreg:$0xb] =	wrdreg s15  }
0xa: {  	s3 =	smul.u32 $0x1388, s0;
	[dreg:$0xc] =	wrdreg s16;
	s24 =	simm.s32 $0x8200  }
0xb: {  	s11 =	ssub.s32 $0x2, s0;
	s26 =	simm.s32 $0x8600;
	[dreg:$0x12] =	wrdreg s24  }
0xc: {  	s0 =	sor.u32 s0, s13;
	s13 =	simm.s32 $0x9A00;
	[dreg:$0x13] =	wrdreg s26  }
0xd: {  	s14 =	simm.s32 $0x9E00;
	s15 =	simm.s32 $0xA600;
	[dreg:$0x16] =	wrdreg s13  }
0xe: {  	s16 =	simm.s32 $0xAA00;
	s12 =	sshrl.u32 s11, $0x1;
	[dreg:$0x17] =	wrdreg s14  }
0xf: {  	s0 =	smul.u32 $0x1388, s0;
	s13 =	simm.s32 $0x200;
	[dreg:$0x18] =	wrdreg s15  }
0x10: {  	s14 =	simm.s32 $0xA00;
	[dreg:$0x19] =	wrdreg s16;
	s15 =	simm.s32 $0xE00  }
0x11: {  	s16 =	simm.s32 $0x1600;
	s24 =	simm.s32 $0xE200;
	s26 =	simm.s32 $0xEE00  }
0x12: {  	s1 =	sadd.s32 s3, s1;
	s11 =	ssub.s32 s11, s12;
	[smem:$0x7FB] =	sst s24  }
0x13: {  	s12 =	simm.s32 $0x4600;
	s24 =	simm.s32 $0x7A00;
	[smem:$0x7FD] =	sst s26  }
0x14: {  	s26 =	simm.s32 $0x1;
	s3 =	sadd.s32 $0x78, s1;
	s17 =	sadd.s32 $0x50, s1  }
0x15: {  	s18 =	sadd.s32 $0x28, s1;
	[dreg:$0x9] =	wrdreg s12;
	s25 =	smax.u32 s11, $0x1  }
0x16: {  	s1 =	sshrl.u32 s1, $0x3;
	s11 =	simm.s32 $0x9200;
	[smem:$0x7F5] =	sst s25  }
0x17: {  	s7 =	sshrl.u32 s17, $0x3;
	s17 =	simm.s32 $0x5E00;
	[dreg:$0x15] =	wrdreg s11  }
0x18: {  	s10 =	sshrl.u32 s18, $0x3;
	s18 =	simm.s32 $0x6200;
	[dreg:$0xd] =	wrdreg s17  }
0x19: {  	s0 =	sshrl.u32 s0, $0x3;
	s25 =	simm.s32 $0xE600;
	[dreg:$0xe] =	wrdreg s18  }
0x1a: {  	s22 =	smul.u32 $0x180, s1;
	s17 =	simm.s32 $0xB200;
	[smem:$0x7FC] =	sst s25  }
0x1b: {  	s5 =	sshrl.u32 s3, $0x3;
	s18 =	simm.s32 $0xBE00;
	[dreg:$0x1a] =	wrdreg s17  }
0x1c: {  	s6 =	smul.u32 $0x180, s5;
	s23 =	sadd.s32 s22, s8;
	[dreg:$0x1b] =	wrdreg s18  }
0x1d: {  	s9 =	smul.u32 $0x180, s7;
	s22 =	simm.s32 $0x7600;
	[dreg:$0x5] =	wrdreg s23  }
0x1e: {  	s20 =	smul.u32 $0x180, s10;
	s19 =	sadd.s32 s6, s8;
	[dreg:$0x11] =	wrdreg s22  }
0x1f: {  	s3 =	sadd.s32 $0x10A00, s4;
	s21 =	sadd.s32 s9, s8;
	[dreg:$0x2] =	wrdreg s19  }
0x20: {  	s0 =	sadd.s32 $0x26C, s0;
	s6 =	sadd.s32 s20, s8;
	[dreg:$0x3] =	wrdreg s21  }
0x21: {  	s25 =	simm.s32 $0xB600;
	s22 =	simm.s32 $0xD600;
	[dreg:$0x4] =	wrdreg s6  }
0x22: {  	s9 =	sadd.s32 $0x6A00, s4;
	s19 =	simm.s32 $0x6A00;
	[dreg:$0x1f] =	wrdreg s22  }
0x23: {  	s20 =	smul.u32 $0x180, s0;
	s0 =	sadd.s32 s9, s0;
	[dreg:$0xf] =	wrdreg s19  }
0x24: {  	s17 =	simm.s32 $0x1A00;
	s21 =	simm.s32 $0x6E00;
	[smem:$0x7F3] =	sst s0  }
0x25: {  	s18 =	simm.s32 $0x2200;
	s5 =	sadd.s32 s5, s9;
	[dreg:$0x10] =	wrdreg s21  }
0x26: {  	s4 =	sadd.s32 $0x10B00, s4;
	s6 =	simm.s32 $0x8E00;
	[smem:$0x7F6] =	sst s5  }
0x27: {  	s12 =	sadd.s32 s10, s9;
	s1 =	sadd.s32 s1, s9;
	[dreg:$0x14] =	wrdreg s6  }
0x28: {  	s22 =	simm.s32 $0x3A00;
	s23 =	sadd.s32 s8, s20;
	[smem:$0x7F8] =	sst s12  }
0x29: {  	s8 =	sadd.s32 s7, s9;
	[smem:$0x7F9] =	sst s1;
	s12 =	simm.s32 $0x9  }
0x2a: {  	s19 =	simm.s32 $0xC200;
	s20 =	simm.s32 $0xCA00;
	[smem:$0x7F4] =	sst s23  }
0x2b: {  	s21 =	simm.s32 $0xCE00;
	s1 =	simm.s32 $0x6;
	[smem:$0x7F7] =	sst s8  }
0x2c: {  	s0 =	simm.s32 $0x7;
	s5 =	simm.s32 $0x8;
	[dreg:$0x1c] =	wrdreg s19  }
0x2d: {  	v2 =	vlaneseq.u32;
	s7 =	simm.s32 $0x0;
	[dreg:$0x1d] =	wrdreg s20;
	s19 =	simm.s32 $0x2600  }
0x2e: {  	vm0 =	vmmov $0xffff;
	vm1 =	vmmov $0xff;
	v1 =	vshrl.u32 v2, $0x3;
	[dreg:$0x1e] =	wrdreg s21;
	s20 =	simm.s32 $0x2E00;
	s23 =	simm.s32 $0xDA00  }
0x2f: {  	v0 =	vand.u32 $0x7, v2;
	v2 =	vor.u32 $0x8, v2;
	v1 =	vmul.u32 $0x8, v1;
	s21 =	simm.s32 $0x3200;
	[smem:$0x7FA] =	sst s23;
	s23 =	simm.s32 $0x3E00  }
.LBB2_1:
0x30: {  	[smem:$0x7F2] =	sst s7  }
0x31: {  	s11 =	sld [smem:$0x7F9]  }
0x32: {  	s10 =	sld [smem:$0x7F8]  }
0x33: {  	s9 =	sld [smem:$0x7F7]  }
0x34: {  	s8 =	sld [smem:$0x7F6];
	s7 =	simm.s32 $0x0  }
.LBB2_2:
0x35: {  	[tilespmem:s2], [sflag:$0x9] =	stream.linear.gather [hbm4b:s11+s2], $0x28, $0x38;
	[tilespmem:$0xF200] =	vst v63  }
0x36: {  	_ =	swait.ge [sflag:s12], $0x28  }
0x37: {  	[sflag:s12] =	ssyncset.done $0x0  }
0x38: {  	s6 =	rddreg [dreg:$0x6];
	[sflag:s12] =	ssyncadd.s32 $0xFFFFFFD8  }
0x39: {  	[tilespmem:s6], [sflag:$0x9] =	stream.linear.gather [hbm4b:s10+s2], $0x28, $0x38;
	[tilespmem:$0xF200] =	vst v63  }
0x3a: {  	_ =	swait.ge [sflag:s12], $0x28  }
0x3b: {  	[sflag:s12] =	ssyncset.done $0x0  }
0x3c: {  	s6 =	rddreg [dreg:$0x7];
	[sflag:s12] =	ssyncadd.s32 $0xFFFFFFD8  }
0x3d: {  	[tilespmem:s6], [sflag:$0x9] =	stream.linear.gather [hbm4b:s9+s2], $0x28, $0x38;
	[tilespmem:$0xF200] =	vst v63  }
0x3e: {  	_ =	swait.ge [sflag:s12], $0x28  }
0x3f: {  	[sflag:s12] =	ssyncset.done $0x0  }
0x40: {  	s6 =	rddreg [dreg:$0x8];
	[sflag:s12] =	ssyncadd.s32 $0xFFFFFFD8  }
0x41: {  	[tilespmem:s6], [sflag:$0x9] =	stream.linear.gather [hbm4b:s8+s2], $0x28, $0x38;
	[tilespmem:$0xF200] =	vst v63  }
0x42: {  	_ =	swait.ge [sflag:s12], $0x28  }
0x43: {  	[sflag:s12] =	ssyncset.done $0x0  }
0x44: {  	[sflag:s12] =	ssyncadd.s32 $0xFFFFFFD8  }
0x45: {  	v3 =	vld [tilespmem:$0x0];
	_ =	sdelay $0x4  }
0x46: {  	v4 =	vshrl.u32 v3, $0x3  }
0x47: {  	v4 =	vmul.u32 $0x18, v4  }
0x48: {  	v3 =	vand.u32 $0x7, v3  }
0x49: {  	v3 =	vor.u32 v3, v4  }
0x4a: {  	v4 =	vperm.xlane v3, v0;
	_ =	sdelay $0x1  }
0x4b: {  	v4 =	vadd.s32 v1, v4;
	_ =	sdelay $0x1  }
0x4c: {  	v3 =	vperm.xlane v3, v2;
	_ =	sdelay $0x1  }
0x4d: {  	v3 =	vadd.s32 v1, v3  }
0x4e: {  	[tilespmem:s13], [sflag:$0x1] =	stream.indirect_vreg.gather [hbm4b:s3+s2], $0x80, v4, vm0, $0xb8;
	[tilespmem:$0xF200] =	vst v63  }
0x4f: {  	_ = 	snop  }
0x50: {  	[tilespmem:s14], [sflag:$0x1] =	stream.indirect_vreg.gather [hbm4b:s4+s2], $0x80, v4, vm1, $0xb8;
	[tilespmem:$0xF200] =	vst v63  }
0x51: {  	_ = 	snop  }
0x52: {  	[tilespmem:s15], [sflag:$0x1] =	stream.indirect_vreg.gather [hbm4b:s3+s2], $0x80, v3, vm0, $0xb8;
	[tilespmem:$0xF200] =	vst v63  }
0x53: {  	_ = 	snop  }
0x54: {  	[tilespmem:s16], [sflag:$0x1] =	stream.indirect_vreg.gather [hbm4b:s4+s2], $0x80, v3, vm1, $0xb8;
	[tilespmem:$0xF200] =	vst v63  }
0x55: {  	v3 =	vld [tilespmem:$0x10];
	_ =	sdelay $0x4  }
0x56: {  	v53 =	vshrl.u32 v3, $0x3  }
0x57: {  	v4 =	vmul.u32 $0x18, v53  }
0x58: {  	v3 =	vand.u32 $0x7, v3  }
0x59: {  	v3 =	vor.u32 v3, v4  }
0x5a: {  	v4 =	vperm.xlane v3, v0;
	_ =	sdelay $0x1  }
0x5b: {  	v4 =	vadd.s32 v1, v4;
	_ =	sdelay $0x1  }
0x5c: {  	v3 =	vperm.xlane v3, v2;
	_ =	sdelay $0x1  }
0x5d: {  	v3 =	vadd.s32 v1, v3  }
0x5e: {  	[tilespmem:s17], [sflag:$0x1] =	stream.indirect_vreg.gather [hbm4b:s3+s2], $0x80, v4, vm0, $0xb8;
	[tilespmem:$0xF200] =	vst v63  }
0x5f: {  	_ = 	snop  }
0x60: {  	[tilespmem:s18], [sflag:$0x1] =	stream.indirect_vreg.gather [hbm4b:s4+s2], $0x80, v4, vm1, $0xb8;
	[tilespmem:$0xF200] =	vst v63  }
0x61: {  	_ = 	snop  }
0x62: {  	[tilespmem:s19], [sflag:$0x1] =	stream.indirect_vreg.gather [hbm4b:s3+s2], $0x80, v3, vm0, $0xb8;
	[tilespmem:$0xF200] =	vst v63  }
0x63: {  	_ = 	snop  }
0x64: {  	[tilespmem:s20], [sflag:$0x1] =	stream.indirect_vreg.gather [hbm4b:s4+s2], $0x80, v3, vm1, $0xb8;
	[tilespmem:$0xF200] =	vst v63  }
0x65: {  	v3 =	vld.msk [tilespmem:$0x20], $0xff;
	_ =	sdelay $0x4  }
0x66: {  	v54 =	vshrl.u32 v3, $0x3  }
0x67: {  	v4 =	vmul.u32 $0x18, v54  }
0x68: {  	v3 =	vand.u32 $0x7, v3  }
0x69: {  	v3 =	vor.u32 v3, v4  }
0x6a: {  	v3 =	vperm.xlane v3, v0;
	_ =	sdelay $0x1  }
0x6b: {  	v3 =	vadd.s32 v1, v3;
	_ =	sdelay $0x4  }
0x6c: {  	[tilespmem:s21], [sflag:$0x1] =	stream.indirect_vreg.gather [hbm4b:s3+s2], $0x80, v3, vm0, $0xb8;
	[tilespmem:$0xF200] =	vst v63  }
0x6d: {  	_ = 	snop  }
0x6e: {  	[tilespmem:s22], [sflag:$0x1] =	stream.indirect_vreg.gather [hbm4b:s4+s2], $0x80, v3, vm1, $0xb8;
	[tilespmem:$0xF200] =	vst v63  }
0x6f: {  	v3 =	vld [tilespmem:$0x80];
	_ =	sdelay $0x4  }
0x70: {  	v55 =	vshrl.u32 v3, $0x3  }
0x71: {  	v4 =	vmul.u32 $0x18, v55  }
0x72: {  	v3 =	vand.u32 $0x7, v3  }
0x73: {  	v3 =	vor.u32 v3, v4  }
0x74: {  	v4 =	vperm.xlane v3, v0;
	_ =	sdelay $0x1  }
0x75: {  	v4 =	vadd.s32 v1, v4;
	_ =	sdelay $0x1  }
0x76: {  	v3 =	vperm.xlane v3, v2;
	_ =	sdelay $0x1  }
0x77: {  	v3 =	vadd.s32 v1, v3  }
0x78: {  	[tilespmem:s23], [sflag:$0x2] =	stream.indirect_vreg.gather [hbm4b:s3+s2], $0x80, v4, vm0, $0xb8;
	[tilespmem:$0xF200] =	vst v63  }
0x79: {  	s6 =	rddreg [dreg:$0x9]  }
0x7a: {  	[tilespmem:s6], [sflag:$0x2] =	stream.indirect_vreg.gather [hbm4b:s4+s2], $0x80, v4, vm1, $0xb8;
	[tilespmem:$0xF200] =	vst v63  }
0x7b: {  	s14 =	rddreg [dreg:$0xa]  }
0x7c: {  	[tilespmem:s14], [sflag:$0x2] =	stream.indirect_vreg.gather [hbm4b:s3+s2], $0x80, v3, vm0, $0xb8;
	[tilespmem:$0xF200] =	vst v63  }
0x7d: {  	s6 =	rddreg [dreg:$0xb]  }
0x7e: {  	[tilespmem:s6], [sflag:$0x2] =	stream.indirect_vreg.gather [hbm4b:s4+s2], $0x80, v3, vm1, $0xb8;
	[tilespmem:$0xF200] =	vst v63  }
0x7f: {  	v3 =	vld [tilespmem:$0x90];
	_ =	sdelay $0x4  }
0x80: {  	v56 =	vshrl.u32 v3, $0x3  }
0x81: {  	v4 =	vmul.u32 $0x18, v56  }
0x82: {  	v3 =	vand.u32 $0x7, v3  }
0x83: {  	v3 =	vor.u32 v3, v4  }
0x84: {  	v4 =	vperm.xlane v3, v0;
	_ =	sdelay $0x1  }
0x85: {  	v4 =	vadd.s32 v1, v4;
	_ =	sdelay $0x1  }
0x86: {  	v3 =	vperm.xlane v3, v2;
	_ =	sdelay $0x1  }
0x87: {  	s6 =	rddreg [dreg:$0xc];
	v3 =	vadd.s32 v1, v3  }
0x88: {  	[tilespmem:s6], [sflag:$0x2] =	stream.indirect_vreg.gather [hbm4b:s3+s2], $0x80, v4, vm0, $0xb8;
	[tilespmem:$0xF200] =	vst v63  }
0x89: {  	s14 =	rddreg [dreg:$0xd]  }
0x8a: {  	[tilespmem:s14], [sflag:$0x2] =	stream.indirect_vreg.gather [hbm4b:s4+s2], $0x80, v4, vm1, $0xb8;
	[tilespmem:$0xF200] =	vst v63  }
0x8b: {  	s6 =	rddreg [dreg:$0xe]  }
0x8c: {  	[tilespmem:s6], [sflag:$0x2] =	stream.indirect_vreg.gather [hbm4b:s3+s2], $0x80, v3, vm0, $0xb8;
	[tilespmem:$0xF200] =	vst v63  }
0x8d: {  	s14 =	rddreg [dreg:$0xf]  }
0x8e: {  	[tilespmem:s14], [sflag:$0x2] =	stream.indirect_vreg.gather [hbm4b:s4+s2], $0x80, v3, vm1, $0xb8;
	[tilespmem:$0xF200] =	vst v63  }
0x8f: {  	v3 =	vld.msk [tilespmem:$0xA0], $0xff;
	_ =	sdelay $0x4  }
0x90: {  	v57 =	vshrl.u32 v3, $0x3  }
0x91: {  	v4 =	vmul.u32 $0x18, v57  }
0x92: {  	v3 =	vand.u32 $0x7, v3  }
0x93: {  	v3 =	vor.u32 v3, v4  }
0x94: {  	v3 =	vperm.xlane v3, v0;
	_ =	sdelay $0x1  }
0x95: {  	v3 =	vadd.s32 v1, v3;
	_ =	sdelay $0x3  }
0x96: {  	s6 =	rddreg [dreg:$0x10]  }
0x97: {  	[tilespmem:s6], [sflag:$0x2] =	stream.indirect_vreg.gather [hbm4b:s3+s2], $0x80, v3, vm0, $0xb8;
	[tilespmem:$0xF200] =	vst v63  }
0x98: {  	s14 =	rddreg [dreg:$0x11]  }
0x99: {  	[tilespmem:s14], [sflag:$0x2] =	stream.indirect_vreg.gather [hbm4b:s4+s2], $0x80, v3, vm1, $0xb8;
	[tilespmem:$0xF200] =	vst v63  }
0x9a: {  	v3 =	vld [tilespmem:$0x100];
	_ =	sdelay $0x4  }
0x9b: {  	v58 =	vshrl.u32 v3, $0x3  }
0x9c: {  	v4 =	vmul.u32 $0x18, v58  }
0x9d: {  	v3 =	vand.u32 $0x7, v3  }
0x9e: {  	v3 =	vor.u32 v3, v4  }
0x9f: {  	v4 =	vperm.xlane v3, v0;
	_ =	sdelay $0x1  }
0xa0: {  	v4 =	vadd.s32 v1, v4;
	_ =	sdelay $0x1  }
0xa1: {  	v3 =	vperm.xlane v3, v2;
	_ =	sdelay $0x1  }
0xa2: {  	v3 =	vadd.s32 v1, v3  }
0xa3: {  	[tilespmem:s24], [sflag:$0x3] =	stream.indirect_vreg.gather [hbm4b:s3+s2], $0x80, v4, vm0, $0xb8;
	[tilespmem:$0xF200] =	vst v63  }
0xa4: {  	s6 =	rddreg [dreg:$0x12]  }
0xa5: {  	[tilespmem:s6], [sflag:$0x3] =	stream.indirect_vreg.gather [hbm4b:s4+s2], $0x80, v4, vm1, $0xb8;
	[tilespmem:$0xF200] =	vst v63  }
0xa6: {  	s14 =	rddreg [dreg:$0x13]  }
0xa7: {  	[tilespmem:s14], [sflag:$0x3] =	stream.indirect_vreg.gather [hbm4b:s3+s2], $0x80, v3, vm0, $0xb8;
	[tilespmem:$0xF200] =	vst v63  }
0xa8: {  	s6 =	rddreg [dreg:$0x14]  }
0xa9: {  	[tilespmem:s6], [sflag:$0x3] =	stream.indirect_vreg.gather [hbm4b:s4+s2], $0x80, v3, vm1, $0xb8;
	[tilespmem:$0xF200] =	vst v63  }
0xaa: {  	v3 =	vld [tilespmem:$0x110];
	_ =	sdelay $0x4  }
0xab: {  	v59 =	vshrl.u32 v3, $0x3  }
0xac: {  	v4 =	vmul.u32 $0x18, v59  }
0xad: {  	v3 =	vand.u32 $0x7, v3  }
0xae: {  	v3 =	vor.u32 v3, v4  }
0xaf: {  	v4 =	vperm.xlane v3, v0;
	_ =	sdelay $0x1  }
0xb0: {  	v4 =	vadd.s32 v1, v4;
	_ =	sdelay $0x1  }
0xb1: {  	v3 =	vperm.xlane v3, v2;
	_ =	sdelay $0x1  }
0xb2: {  	s6 =	rddreg [dreg:$0x15];
	v3 =	vadd.s32 v1, v3  }
0xb3: {  	[tilespmem:s6], [sflag:$0x3] =	stream.indirect_vreg.gather [hbm4b:s3+s2], $0x80, v4, vm0, $0xb8;
	[tilespmem:$0xF200] =	vst v63  }
0xb4: {  	s14 =	rddreg [dreg:$0x16]  }
0xb5: {  	[tilespmem:s14], [sflag:$0x3] =	stream.indirect_vreg.gather [hbm4b:s4+s2], $0x80, v4, vm1, $0xb8;
	[tilespmem:$0xF200] =	vst v63  }
0xb6: {  	s6 =	rddreg [dreg:$0x17]  }
0xb7: {  	[tilespmem:s6], [sflag:$0x3] =	stream.indirect_vreg.gather [hbm4b:s3+s2], $0x80, v3, vm0, $0xb8;
	[tilespmem:$0xF200] =	vst v63  }
0xb8: {  	s14 =	rddreg [dreg:$0x18]  }
0xb9: {  	[tilespmem:s14], [sflag:$0x3] =	stream.indirect_vreg.gather [hbm4b:s4+s2], $0x80, v3, vm1, $0xb8;
	[tilespmem:$0xF200] =	vst v63  }
0xba: {  	v3 =	vld.msk [tilespmem:$0x120], $0xff;
	_ =	sdelay $0x4  }
0xbb: {  	v60 =	vshrl.u32 v3, $0x3  }
0xbc: {  	v4 =	vmul.u32 $0x18, v60  }
0xbd: {  	v3 =	vand.u32 $0x7, v3  }
0xbe: {  	v3 =	vor.u32 v3, v4  }
0xbf: {  	v3 =	vperm.xlane v3, v0;
	_ =	sdelay $0x1  }
0xc0: {  	v3 =	vadd.s32 v1, v3;
	_ =	sdelay $0x3  }
0xc1: {  	s6 =	rddreg [dreg:$0x19]  }
0xc2: {  	[tilespmem:s6], [sflag:$0x3] =	stream.indirect_vreg.gather [hbm4b:s3+s2], $0x80, v3, vm0, $0xb8;
	[tilespmem:$0xF200] =	vst v63  }
0xc3: {  	s14 =	rddreg [dreg:$0x1a]  }
0xc4: {  	[tilespmem:s14], [sflag:$0x3] =	stream.indirect_vreg.gather [hbm4b:s4+s2], $0x80, v3, vm1, $0xb8;
	[tilespmem:$0xF200] =	vst v63  }
0xc5: {  	v3 =	vld [tilespmem:$0x180];
	_ =	sdelay $0x4  }
0xc6: {  	v61 =	vshrl.u32 v3, $0x3  }
0xc7: {  	v4 =	vmul.u32 $0x18, v61  }
0xc8: {  	v3 =	vand.u32 $0x7, v3  }
0xc9: {  	v3 =	vor.u32 v3, v4  }
0xca: {  	v4 =	vperm.xlane v3, v0;
	_ =	sdelay $0x1  }
0xcb: {  	v4 =	vadd.s32 v1, v4;
	_ =	sdelay $0x1  }
0xcc: {  	v3 =	vperm.xlane v3, v2;
	_ =	sdelay $0x1  }
0xcd: {  	v3 =	vadd.s32 v1, v3  }
0xce: {  	[tilespmem:s25], [sflag:$0x4] =	stream.indirect_vreg.gather [hbm4b:s3+s2], $0x80, v4, vm0, $0xb8;
	[tilespmem:$0xF200] =	vst v63  }
0xcf: {  	s6 =	rddreg [dreg:$0x1b]  }
0xd0: {  	[tilespmem:s6], [sflag:$0x4] =	stream.indirect_vreg.gather [hbm4b:s4+s2], $0x80, v4, vm1, $0xb8;
	[tilespmem:$0xF200] =	vst v63  }
0xd1: {  	s14 =	rddreg [dreg:$0x1c]  }
0xd2: {  	[tilespmem:s14], [sflag:$0x4] =	stream.indirect_vreg.gather [hbm4b:s3+s2], $0x80, v3, vm0, $0xb8;
	[tilespmem:$0xF200] =	vst v63  }
0xd3: {  	s6 =	rddreg [dreg:$0x1d]  }
0xd4: {  	[tilespmem:s6], [sflag:$0x4] =	stream.indirect_vreg.gather [hbm4b:s4+s2], $0x80, v3, vm1, $0xb8;
	[tilespmem:$0xF200] =	vst v63  }
0xd5: {  	v3 =	vld [tilespmem:$0x190];
	_ =	sdelay $0x4  }
0xd6: {  	v62 =	vshrl.u32 v3, $0x3  }
0xd7: {  	v4 =	vmul.u32 $0x18, v62  }
0xd8: {  	v3 =	vand.u32 $0x7, v3  }
0xd9: {  	v3 =	vor.u32 v3, v4  }
0xda: {  	v4 =	vperm.xlane v3, v0;
	_ =	sdelay $0x1  }
0xdb: {  	v4 =	vadd.s32 v1, v4;
	_ =	sdelay $0x1  }
0xdc: {  	v3 =	vperm.xlane v3, v2  }
0xdd: {  	s14 =	rddreg [dreg:$0x1f]  }
0xde: {  	s6 =	rddreg [dreg:$0x1e];
	v3 =	vadd.s32 v1, v3  }
0xdf: {  	[tilespmem:s6], [sflag:$0x4] =	stream.indirect_vreg.gather [hbm4b:s3+s2], $0x80, v4, vm0, $0xb8;
	[tilespmem:$0xF200] =	vst v63  }
0xe0: {  	s6 =	sld [smem:$0x7FA]  }
0xe1: {  	[tilespmem:s14], [sflag:$0x4] =	stream.indirect_vreg.gather [hbm4b:s4+s2], $0x80, v4, vm1, $0xb8;
	[tilespmem:$0xF200] =	vst v63  }
0xe2: {  	s14 =	sld [smem:$0x7FB]  }
0xe3: {  	[tilespmem:s6], [sflag:$0x4] =	stream.indirect_vreg.gather [hbm4b:s3+s2], $0x80, v3, vm0, $0xb8;
	[tilespmem:$0xF200] =	vst v63  }
0xe4: {  	_ = 	snop  }
0xe5: {  	[tilespmem:s14], [sflag:$0x4] =	stream.indirect_vreg.gather [hbm4b:s4+s2], $0x80, v3, vm1, $0xb8;
	[tilespmem:$0xF200] =	vst v63  }
0xe6: {  	v3 =	vld.msk [tilespmem:$0x1A0], $0xff;
	_ =	sdelay $0x4  }
0xe7: {  	v63 =	vshrl.u32 v3, $0x3  }
0xe8: {  	v4 =	vmul.u32 $0x18, v63  }
0xe9: {  	v3 =	vand.u32 $0x7, v3  }
0xea: {  	v3 =	vor.u32 v3, v4  }
0xeb: {  	v3 =	vperm.xlane v3, v0;
	_ =	sdelay $0x1  }
0xec: {  	v3 =	vadd.s32 v1, v3;
	_ =	sdelay $0x1  }
0xed: {  	s6 =	sld [smem:$0x7FC];
	_ =	sdelay $0x1  }
0xee: {  	s14 =	sld [smem:$0x7FD]  }
0xef: {  	[tilespmem:s6], [sflag:$0x4] =	stream.indirect_vreg.gather [hbm4b:s3+s2], $0x80, v3, vm0, $0xb8;
	[tilespmem:$0xF200] =	vst v63  }
0xf0: {  	_ = 	snop  }
0xf1: {  	[tilespmem:s14], [sflag:$0x4] =	stream.indirect_vreg.gather [hbm4b:s4+s2], $0x80, v3, vm1, $0xb8;
	[tilespmem:$0xF200] =	vst v63  }
0xf2: {  	_ =	swait.ge [sflag:s26], $0x3C00  }
0xf3: {  	s6 =	rddreg [dreg:$0x5];
	[sflag:s26] =	ssyncset.done $0x0  }
0xf4: {  	[sflag:s26] =	ssyncadd.s32 $0xFFFFC400;
	s6 =	sadd.s32 s7, s6  }
0xf5: {  	[hbm4b:s6+s2] =	stream.linear.scatter [tilespmem:s13], [sflag:$0x5], $0x3C00, $0x38;
	[tilespmem:$0xF200] =	vst v63  }
0xf6: {  	_ =	swait.ge [sflag:s28], $0x3C00  }
0xf7: {  	s6 =	rddreg [dreg:$0x4];
	[sflag:s28] =	ssyncset.done $0x0  }
0xf8: {  	[sflag:s28] =	ssyncadd.s32 $0xFFFFC400;
	s6 =	sadd.s32 s7, s6  }
0xf9: {  	[hbm4b:s6+s2] =	stream.linear.scatter [tilespmem:s23], [sflag:$0x6], $0x3C00, $0x38;
	[tilespmem:$0xF200] =	vst v63  }
0xfa: {  	_ =	swait.ge [sflag:s29], $0x3C00  }
0xfb: {  	s6 =	rddreg [dreg:$0x3];
	[sflag:s29] =	ssyncset.done $0x0  }
0xfc: {  	[sflag:s29] =	ssyncadd.s32 $0xFFFFC400;
	s6 =	sadd.s32 s7, s6  }
0xfd: {  	[hbm4b:s6+s2] =	stream.linear.scatter [tilespmem:s24], [sflag:$0x7], $0x3C00, $0x38;
	[tilespmem:$0xF200] =	vst v63  }
0xfe: {  	_ =	swait.ge [sflag:s30], $0x3C00  }
0xff: {  	s6 =	rddreg [dreg:$0x2];
	[sflag:s30] =	ssyncset.done $0x0  }
0x100: {  	[sflag:s30] =	ssyncadd.s32 $0xFFFFC400;
	s6 =	sadd.s32 s7, s6  }
0x101: {  	[hbm4b:s6+s2] =	stream.linear.scatter [tilespmem:s25], [sflag:$0x8], $0x3C00, $0x38;
	[tilespmem:$0xF200] =	vst v63  }
0x102: {  	_ =	swait.ge [sflag:s31], $0x3C00  }
0x103: {  	[sflag:s31] =	ssyncset.done $0x0  }
0x104: {  	[sflag:s31] =	ssyncadd.s32 $0xFFFFC400  }
0x105: {  	_ =	swait.ge [sflag:s1], $0x3C00  }
0x106: {  	[sflag:s1] =	ssyncset.done $0x0  }
0x107: {  	[sflag:s1] =	ssyncadd.s32 $0xFFFFC400  }
0x108: {  	p0 =	sne.s32 s7, $0x38400;
	_ =	swait.ge [sflag:s0], $0x3C00  }
.Ltmp0:
0x109: {  	[sflag:s0] =	ssyncset.done $0x0;
	(pc) =	sbr.rel @p0 .LBB2_2-.Ltmp0, $4  }
0x10a: {  	[sflag:s0] =	ssyncadd.s32 $0xFFFFC400  }
0x10b: {  	s11 =	sadd.s32 $0x14, s11;
	s10 =	sadd.s32 $0x14, s10;
	_ =	swait.ge [sflag:s5], $0x3C00  }
0x10c: {  	s9 =	sadd.s32 $0x14, s9;
	s8 =	sadd.s32 $0x14, s8;
	[sflag:s5] =	ssyncset.done $0x0  }
0x10d: {  	s14 =	simm.s32 $0xA00;
	s7 =	sadd.s32 $0x1E00, s7;
	[sflag:s5] =	ssyncadd.s32 $0xFFFFC400  }
0x10e: {  	s6 =	sld [smem:$0x7F3];
	_ =	sdelay $0x2  }
0x10f: {  	[tilespmem:s2], [sflag:$0x9] =	stream.linear.gather [hbm4b:s6+s2], $0x28, $0x38;
	[tilespmem:$0xF200] =	vst v63  }
0x110: {  	_ =	swait.ge [sflag:s12], $0x28  }
0x111: {  	[sflag:s12] =	ssyncset.done $0x0  }
0x112: {  	[sflag:s12] =	ssyncadd.s32 $0xFFFFFFD8  }
0x113: {  	v3 =	vld [tilespmem:$0x0];
	_ =	sdelay $0x4  }
0x114: {  	v4 =	vshrl.u32 v3, $0x3  }
0x115: {  	v4 =	vmul.u32 $0x18, v4  }
0x116: {  	v3 =	vand.u32 $0x7, v3  }
0x117: {  	v3 =	vor.u32 v3, v4  }
0x118: {  	v4 =	vperm.xlane v3, v0;
	_ =	sdelay $0x1  }
0x119: {  	v4 =	vadd.s32 v1, v4;
	_ =	sdelay $0x1  }
0x11a: {  	v3 =	vperm.xlane v3, v2;
	_ =	sdelay $0x1  }
0x11b: {  	v3 =	vadd.s32 v1, v3  }
0x11c: {  	[tilespmem:s13], [sflag:$0x9] =	stream.indirect_vreg.gather [hbm4b:s3+s2], $0x80, v4, vm0, $0xb8;
	[tilespmem:$0xF200] =	vst v63  }
0x11d: {  	_ = 	snop  }
0x11e: {  	[tilespmem:s14], [sflag:$0x9] =	stream.indirect_vreg.gather [hbm4b:s4+s2], $0x80, v4, vm1, $0xb8;
	[tilespmem:$0xF200] =	vst v63  }
0x11f: {  	_ = 	snop  }
0x120: {  	[tilespmem:s15], [sflag:$0x9] =	stream.indirect_vreg.gather [hbm4b:s3+s2], $0x80, v3, vm0, $0xb8;
	[tilespmem:$0xF200] =	vst v63  }
0x121: {  	_ = 	snop  }
0x122: {  	[tilespmem:s16], [sflag:$0x9] =	stream.indirect_vreg.gather [hbm4b:s4+s2], $0x80, v3, vm1, $0xb8;
	[tilespmem:$0xF200] =	vst v63  }
0x123: {  	v3 =	vld [tilespmem:$0x10];
	_ =	sdelay $0x4  }
0x124: {  	v62 =	vshrl.u32 v3, $0x3  }
0x125: {  	v4 =	vmul.u32 $0x18, v62  }
0x126: {  	v3 =	vand.u32 $0x7, v3  }
0x127: {  	v3 =	vor.u32 v3, v4  }
0x128: {  	v4 =	vperm.xlane v3, v0;
	_ =	sdelay $0x1  }
0x129: {  	v4 =	vadd.s32 v1, v4;
	_ =	sdelay $0x1  }
0x12a: {  	v3 =	vperm.xlane v3, v2;
	_ =	sdelay $0x1  }
0x12b: {  	v3 =	vadd.s32 v1, v3  }
0x12c: {  	[tilespmem:s17], [sflag:$0x9] =	stream.indirect_vreg.gather [hbm4b:s3+s2], $0x80, v4, vm0, $0xb8;
	[tilespmem:$0xF200] =	vst v63  }
0x12d: {  	_ = 	snop  }
0x12e: {  	[tilespmem:s18], [sflag:$0x9] =	stream.indirect_vreg.gather [hbm4b:s4+s2], $0x80, v4, vm1, $0xb8;
	[tilespmem:$0xF200] =	vst v63  }
0x12f: {  	_ = 	snop  }
0x130: {  	[tilespmem:s19], [sflag:$0x9] =	stream.indirect_vreg.gather [hbm4b:s3+s2], $0x80, v3, vm0, $0xb8;
	[tilespmem:$0xF200] =	vst v63  }
0x131: {  	_ = 	snop  }
0x132: {  	[tilespmem:s20], [sflag:$0x9] =	stream.indirect_vreg.gather [hbm4b:s4+s2], $0x80, v3, vm1, $0xb8;
	[tilespmem:$0xF200] =	vst v63  }
0x133: {  	v3 =	vld.msk [tilespmem:$0x20], $0xff;
	_ =	sdelay $0x4  }
0x134: {  	v63 =	vshrl.u32 v3, $0x3  }
0x135: {  	v4 =	vmul.u32 $0x18, v63  }
0x136: {  	v3 =	vand.u32 $0x7, v3  }
0x137: {  	v3 =	vor.u32 v3, v4  }
0x138: {  	v3 =	vperm.xlane v3, v0;
	_ =	sdelay $0x1  }
0x139: {  	v3 =	vadd.s32 v1, v3;
	_ =	sdelay $0x4  }
0x13a: {  	[tilespmem:s21], [sflag:$0x9] =	stream.indirect_vreg.gather [hbm4b:s3+s2], $0x80, v3, vm0, $0xb8;
	[tilespmem:$0xF200] =	vst v63  }
0x13b: {  	_ = 	snop  }
0x13c: {  	[tilespmem:s22], [sflag:$0x9] =	stream.indirect_vreg.gather [hbm4b:s4+s2], $0x80, v3, vm1, $0xb8;
	[tilespmem:$0xF200] =	vst v63  }
0x13d: {  	_ =	swait.ge [sflag:s12], $0x3C00  }
0x13e: {  	s10 =	sld [smem:$0x7F4]  }
0x13f: {  	[sflag:s12] =	ssyncset.done $0x0  }
0x140: {  	[sflag:s12] =	ssyncadd.s32 $0xFFFFC400  }
0x141: {  	[hbm4b:s10+s2] =	stream.linear.scatter [tilespmem:s13], [sflag:$0x9], $0x3C00, $0x38;
	[tilespmem:$0xF200] =	vst v63  }
0x142: {  	_ =	swait.ge [sflag:s12], $0x3C00  }
0x143: {  	s7 =	sld [smem:$0x7F2]  }
0x144: {  	s11 =	sld [smem:$0x7F5];
	_ =	sdelay $0x1  }
0x145: {  	s7 =	sadd.s32 $0x1, s7  }
0x146: {  	p0 =	sne.s32 s7, s11  }
.Ltmp1:
0x147: {  	_ = 	snop;
	(pc) =	sbr.rel @p0 .LBB2_1-.Ltmp1, $3  }
0x148: {  	_ =	sdelay $0x1  }
0x149: {  	[sflag:s12] =	ssyncset.done $0x0  }
0x14a: {  	[sflag:s12] =	ssyncadd.s32 $0xFFFFC400  }
0x14b: {  	_ =	sfence.sel $0x180000  }
0x14c: {  	[bflag:$0x0] =	sbarrier.arrive $0xFFFF  }
0x14d: {  	_ =	strace $0x9000004D  }
0x14e: {  	s0 =	stileid.u32;
	[bflag:$0x2] =	sbarrier.arrive $0xFFFF  }
0x14f: {  	p0 =	sne.s32 s0, $0x0;
	s0 =	rddreg [dreg:$0x1]  }
0x150: {  	s0 =	sadd.s32 @!p0 $0x100000, s0  }
0x151: {  	[sflag:s0] =	ssyncadd.tile.s32 @!p0 $0x1;
	_ =	shalt  }
.Lfunc_end2:
_tile_overlayer_lowered:
.L_overlay_start_2:
0x152: {  	(tag) =	ssettag $0x2  }
0x153: {  	s0 =	rddreg [dreg:$0x0];
	s2 =	stileid.u32  }
0x154: {  	s1 =	rddreg [dreg:$0x1];
	p0 =	sne.s32 s2, $0x0  }
0x155: {  	s3 =	rddreg [dreg:$0x2];
	[bflag:$0x3] =	sbarrier.arrive $0xFFFF;
	s2 =	simm.s32 @!p0 $0x1C09  }
0x156: {  	[timem:s3], [sflag:s2] =	dma.local @!p0 [hbm:s0], s1  }
0x157: {  	s0 =	simm.s32 @!p0 $0x9  }
0x158: {  	_ =	swait.ge @!p0 [sflag:s0], s1  }
0x159: {  	s1 =	ssub.s32 @!p0 $0x0, s1;
	[sflag:s0] =	ssyncset.done @!p0 $0x0  }
0x15a: {  	[sflag:s0] =	ssyncadd.s32 @!p0 s1  }
0x15b: {  	[bflag:$0x3] =	sbarrier.arrive $0xFFFF  }
0x15c: {  	_ =	shalt  }

// kernel: kernel.21.cloned.1.call-start
scs
__scs_entry_jumppad:
0x0: {  	(pc) =	sbr.rel $0x88, $3  }
0x1: {  	(tag) =	ssettag $0x0;
	lr =	simm.s32 $0x1  }
0x2: {  	[smem:$0x3F8A] =	sst lr;
	_ =	strace $0xD0000000  }
0x3: {  	_ = 	snop  }
0x4: {  	_ = 	snop  }
0x5: {  	_ = 	snop  }
0x6: {  	_ = 	snop  }
0x7: {  	_ = 	snop  }
__scs_overlays_trampoline_lowered:
0x8: {  	[smem:$0x3F99] =	sst s0  }
0x9: {  	[smem:$0x3F9A] =	sst s1  }
0xa: {  	[smem:$0x3F9B] =	sst s2  }
0xb: {  	[smem:$0x3F9C] =	sst s3  }
0xc: {  	[smem:$0x3F9D] =	sst s4  }
0xd: {  	[smem:$0x3F9E] =	sst s5  }
0xe: {  	[smem:$0x3F9F] =	sst s6  }
0xf: {  	[smem:$0x3FA0] =	sst s7  }
0x10: {  	[smem:$0x3FA1] =	sst s8  }
0x11: {  	[smem:$0x3FA2] =	sst s9;
	s0 =	simm.s32 @!p0 $0x0  }
0x12: {  	s1 =	sld [smem:$0x3F88];
	s0 =	simm.s32 @p0 $0x1  }
0x13: {  	[smem:$0x3FA3] =	sst s0;
	s0 =	simm.s32 @!p1 $0x0  }
0x14: {  	s2 =	sld [smem:$0x3F87];
	s0 =	simm.s32 @p1 $0x1  }
0x15: {  	[smem:$0x3FA4] =	sst s0;
	s0 =	simm.s32 @!p2 $0x0  }
0x16: {  	s3 =	sld [smem:$0x3FDB];
	s0 =	simm.s32 @p2 $0x1  }
0x17: {  	s4 =	simm.s32 $0x1BF5;
	[smem:$0x3FA6] =	sst s0  }
0x18: {  	s0 =	sld [smem:$0x3F89];
	_ =	swait.ge [sflag:s4], $0x0  }
0x19: {  	s7 =	sld [smem:$0x3F8A]  }
0x1a: {  	s8 =	sadd.s32 $0xFFFFE003, lr  }
0x1b: {  	s9 =	sadd.s32 $0xFFFFFEF7, lr;
	s5 =	simm.s32 $0xFFFFFFFF;
	p2 =	slt.u32 s8, $0xFFFFF086  }
0x1c: {  	p1 =	slt.u32 s9, $0xF7A;
	s5 =	simm.s32 @!p2 $0x0  }
0x1d: {  	s5 =	simm.s32 @p1 $0x1;
	p0 =	seq.s32 s7, s2  }
0x1e: {  	s7 =	smul.u32 @!p0 $0xF7A, s2;
	p2 =	seq.s32 @!p0 s5, $0x0  }
0x1f: {  	s9 =	smul.u32 $0xF7A, s1;
	s8 =	simm.s32 @!p0 $0x1BF5;
	p2 =	por !p2, p0  }
0x20: {  	[sflag:s8] =	ssyncset.s32 @!p0 $0xFFFFF086;
	s6 =	sadd.s32 @!p0 s3, s7;
	s7 =	simm.s32 @!p0 $0x108  }
0x21: {  	s3 =	sadd.s32 s3, s9;
	s6 =	sadd.s32 @!p0 $0x88, s6;
	s7 =	simm.s32 @p2 $0x1082  }
0x22: {  	[simem:s7], [sflag:s8] =	dma.local @!p0 [hbm:s6], $0xF7A  }
0x23: {  	s9 =	sor.u32 $0xD0000000, s2;
	s6 =	simm.s32 $0x108;
	_ =	swait.ge @!p0 [sflag:s8], $0x0  }
0x24: {  	s3 =	sadd.s32 $0x88, s3;
	s6 =	simm.s32 @!p1 $0x1082;
	[sflag:s4] =	ssyncset.s32 $0xFFFFF086  }
0x25: {  	[simem:s6], [sflag:s4] =	dma.local [hbm:s3], $0xF7A  }
0x26: {  	[smem:$0x3F8A] =	sst s1;
	(tag) =	ssettag s2;
	_ =	strace s9  }
0x27: {  	s1 =	sld [smem:$0x3F9A]  }
0x28: {  	s2 =	sld [smem:$0x3F9B]  }
0x29: {  	s4 =	sld [smem:$0x3F9D]  }
0x2a: {  	p0 =	seq.s32 s5, $0x0;
	s5 =	sld [smem:$0x3F9E]  }
0x2b: {  	s6 =	sld [smem:$0x3F9F]  }
0x2c: {  	s7 =	sld [smem:$0x3FA0]  }
0x2d: {  	s3 =	simm.s32 $0x108;
	s8 =	sld [smem:$0x3FA1]  }
0x2e: {  	s3 =	simm.s32 @!p0 $0x1082;
	s9 =	sld [smem:$0x3FA2]  }
0x2f: {  	lr =	sadd.s32 s0, s3;
	s0 =	sld [smem:$0x3F99]  }
0x30: {  	s3 =	sld [smem:$0x3F9C]  }
0x31: {  	[smem:$0x3FA5] =	sst s10  }
0x32: {  	s10 =	sld [smem:$0x3FA3];
	_ =	sdelay $0x3  }
0x33: {  	p0 =	seq.s32 s10, $0x1;
	s10 =	sld [smem:$0x3FA5];
	_ =	sdelay $0x3  }
0x34: {  	[smem:$0x3FA5] =	sst s10  }
0x35: {  	s10 =	sld [smem:$0x3FA4];
	_ =	sdelay $0x3  }
0x36: {  	p1 =	seq.s32 s10, $0x1;
	s10 =	sld [smem:$0x3FA5];
	_ =	sdelay $0x3  }
0x37: {  	[smem:$0x3FA5] =	sst s10  }
0x38: {  	s10 =	sld [smem:$0x3FA6]  }
0x39: {  	_ = 	snop;
	(pc) =	sbr.ind lr, $3  }
0x3a: {  	_ = 	snop  }
0x3b: {  	_ = 	snop  }
0x3c: {  	p2 =	seq.s32 s10, $0x1;
	s10 =	sld [smem:$0x3FA5]  }
0x3d: {  	_ =	shalt  }
0x3e: {  	_ =	shalt  }
0x3f: {  	_ =	shalt  }
0x40: {  	_ =	shalt  }
0x41: {  	_ =	shalt  }
0x42: {  	_ =	shalt  }
0x43: {  	_ =	shalt  }
0x44: {  	_ =	shalt  }
0x45: {  	_ =	shalt  }
0x46: {  	_ =	shalt  }
0x47: {  	_ =	shalt  }
0x48: {  	_ =	shalt  }
0x49: {  	_ =	shalt  }
0x4a: {  	_ =	shalt  }
0x4b: {  	_ =	shalt  }
0x4c: {  	_ =	shalt  }
0x4d: {  	_ =	shalt  }
0x4e: {  	_ =	shalt  }
0x4f: {  	_ =	shalt  }
0x50: {  	_ =	shalt  }
0x51: {  	_ =	shalt  }
0x52: {  	_ =	shalt  }
0x53: {  	_ =	shalt  }
0x54: {  	_ =	shalt  }
0x55: {  	_ =	shalt  }
0x56: {  	_ =	shalt  }
0x57: {  	_ =	shalt  }
0x58: {  	_ =	shalt  }
0x59: {  	_ =	shalt  }
0x5a: {  	_ =	shalt  }
0x5b: {  	_ =	shalt  }
0x5c: {  	_ =	shalt  }
0x5d: {  	_ =	shalt  }
0x5e: {  	_ =	shalt  }
0x5f: {  	_ =	shalt  }
0x60: {  	_ =	shalt  }
0x61: {  	_ =	shalt  }
0x62: {  	_ =	shalt  }
0x63: {  	_ =	shalt  }
0x64: {  	_ =	shalt  }
0x65: {  	_ =	shalt  }
0x66: {  	_ =	shalt  }
0x67: {  	_ =	shalt  }
0x68: {  	_ =	shalt  }
0x69: {  	_ =	shalt  }
0x6a: {  	_ =	shalt  }
0x6b: {  	_ =	shalt  }
0x6c: {  	_ =	shalt  }
0x6d: {  	_ =	shalt  }
0x6e: {  	_ =	shalt  }
0x6f: {  	_ =	shalt  }
0x70: {  	_ =	shalt  }
0x71: {  	_ =	shalt  }
0x72: {  	_ =	shalt  }
0x73: {  	_ =	shalt  }
0x74: {  	_ =	shalt  }
0x75: {  	_ =	shalt  }
0x76: {  	_ =	shalt  }
0x77: {  	_ =	shalt  }
0x78: {  	_ =	shalt  }
0x79: {  	_ =	shalt  }
0x7a: {  	_ =	shalt  }
0x7b: {  	_ =	shalt  }
0x7c: {  	_ =	shalt  }
0x7d: {  	_ =	shalt  }
0x7e: {  	_ =	shalt  }
0x7f: {  	_ =	shalt  }
0x80: {  	_ =	shalt  }
0x81: {  	_ =	shalt  }
0x82: {  	_ =	shalt  }
0x83: {  	_ =	shalt  }
0x84: {  	_ =	shalt  }
0x85: {  	_ =	shalt  }
0x86: {  	_ =	shalt  }
0x87: {  	_ =	shalt  }
.Lfunc_end0:
.L_simem_size_0:
called_computation.2_lowered:
.L_overlay_start_0:
0x88: {  	s2 =	sld [smem:$0x3FD9]  }
0x89: {  	s3 =	sld [smem:$0x3FFE];
	_ =	sdelay $0x1  }
0x8a: {  	s1 =	srdreg.scid  }
0x8b: {  	s0 =	sand.u32 $0x1, s1  }
0x8c: {  	s16 =	sshll.u32 s0, $0xA;
	s2 =	sadd.s32 s3, s2  }
0x8d: {  	s2 =	sadd.s32 s2, s16  }
0x8e: {  	[smem:$0x3FB1] =	sst s2  }
0x8f: {  	_ = 	snop  }
0x90: {  	(tm) =	ssettm $0x1  }
0x91: {  	s17 =	sld [smem:$0x3FFB];
	_ =	sdelay $0x3  }
0x92: {  	_ =	strace s17  }
0x93: {  	s2 =	sld [smem:$0x3FFC];
	_ =	sdelay $0x3  }
0x94: {  	_ =	strace s2  }
0x95: {  	s2 =	sld [smem:$0x3FFD];
	_ =	sdelay $0x3  }
0x96: {  	_ =	strace s2  }
0x97: {  	_ =	strace $0x8FFFFFFF  }
0x98: {  	s18 =	sld [smem:$0x3FDB];
	_ =	sdelay $0x1  }
0x99: {  	s19 =	simm.s32 $_scs_section_size  }
0x9a: {  	s4 =	simm.s32 $_size__tile_overlayer_lowered;
	s5 =	simm.s32 $_tile_overlayer_lowered  }
0x9b: {  	s22 =	simm.s32 $0x1BFF;
	s21 =	sshll.u32 s5, $0x1;
	s2 =	sadd.s32 s19, s18  }
0x9c: {  	s6 =	simm.s32 $0x0;
	s20 =	sshll.u32 s4, $0x1;
	s4 =	sadd.s32 s21, s2  }
0x9d: {  	[timem:s6], [sflag:s22] =	dma.local [hbm:s4], s20  }
0x9e: {  	_ =	swait.ge [sflag:s22], s20  }
0x9f: {  	s3 =	ssub.s32 $0x0, s20;
	[sflag:s22] =	ssyncset.done $0x0  }
0xa0: {  	[sflag:s22] =	ssyncadd.s32 s3;
	_ =	sdelay $0x1  }
0xa1: {  	s23 =	simm.s32 $0x1B8B  }
0xa2: {  	_ =	swait.ge [sflag:s23], $0x1  }
0xa3: {  	[sflag:s23] =	ssyncset.done $0x0  }
0xa4: {  	s25 =	simm.s32 $0x1B8E;
	s24 =	sld [smem:$0x3FFE];
	[sflag:s23] =	ssyncadd.s32 $0xFFFFFFFF  }
0xa5: {  	s26 =	simm.s32 $execute0_lowered;
	[smem:$0x3FD2] =	sst s25  }
0xa6: {  	s4 =	sshll.u32 s26, $0x1;
	_ =	strace $0x80000049;
	[dreg:$0x1] =	wrdreg $0xFFFFFFFF  }
0xa7: {  	s28 =	simm.s32 $_size_execute0_lowered;
	s2 =	sadd.s32 s2, s4;
	[dreg:$0x0] =	wrdreg $0x0  }
0xa8: {  	s4 =	sshll.u32 s28, $0x1;
	[dreg:$0x2] =	wrdreg s2  }
0xa9: {  	[dreg:$0x3] =	wrdreg s4  }
0xaa: {  	[dreg:$0x4] =	wrdreg $0xC0  }
0xab: {  	_ =	task [dreg:s6], $0x5FFFF  }
0xac: {  	[dreg:$0x1] =	wrdreg $0xFFFFFFFF  }
0xad: {  	[dreg:$0x0] =	wrdreg $0x60  }
0xae: {  	[dreg:$0x2] =	wrdreg s24  }
0xaf: {  	[dreg:$0x3] =	wrdreg $0x65000  }
0xb0: {  	[dreg:$0x4] =	wrdreg $0xA  }
0xb1: {  	_ =	task.clear_ibuf [dreg:s6], $0x5FFFF;
	_ =	strace $0x90000049  }
0xb2: {  	s29 =	simm.s32 $0xA;
	_ =	strace $0x8000004B  }
0xb3: {  	_ =	swait.ge [sflag:s29], $0x1  }
0xb4: {  	[sflag:s29] =	ssyncadd.s32 $0xFFFFFFFF  }
0xb5: {  	_ =	strace $0x9000004B  }
0xb6: {  	_ =	sfence  }
0xb7: {  	s30 =	sld [smem:$0x0];
	_ =	sdelay $0x2  }
0xb8: {  	s31 =	sshll.u32 s1, $0xD;
	s1 =	sshrl.u32 s1, $0x2  }
0xb9: {  	s3 =	sand.u32 $0x4000, s31;
	s1 =	sadd.s32 s1, s30  }
0xba: {  	s0 =	sor.u32 s3, s0;
	s1 =	sshll.u32 s1, $0x11  }
0xbb: {  	s0 =	sor.u32 s1, s0  }
0xbc: {  	s0 =	sadd.s32 $0x8F2B, s0  }
0xbd: {  	[sflag:s0] =	ssyncadd.remote.s32 $0x1  }
0xbe: {  	_ =	sfence.sel $0xFFFF  }
0xbf: {  	[dreg:$0x0] =	wrdreg $0xFFFFFFFF;
	(pc) =	sbr.abs _section_cstart, $3  }
0xc0: {  	[dreg:$0x1] =	wrdreg $0xFFFFFFFF  }
0xc1: {  	_ =	task.clear_ibuf [dreg:s6], $0x2FFFF;
	_ =	strace $0x9FFFFFFF  }
0xc2: {  	(tm) =	ssettm $0x7FFFFFFF  }
0xc3: {  	_ =	shalt  }
tec
execute0_lowered:
.L_overlay_start_1:
0x0: {  	(tag) =	ssettag $0x1  }
0x1: {  	s0 =	stileid.u32  }
0x2: {  	s1 =	srdreg.scid;
	s4 =	smul.u32 $0x27100, s0  }
0x3: {  	s5 =	rddreg [dreg:$0x0];
	s7 =	smul.u32 $0x2710, s0  }
0x4: {  	s2 =	rddreg [dreg:$0x1];
	s9 =	smul.u32 $0x14000, s0  }
0x5: {  	s3 =	simm.s32 $0x0;
	s6 =	sand.u32 $0x1, s1;
	s25 =	smul.u32 $0x50000, s0  }
0x6: {  	s14 =	simm.s32 $0x0;
	s1 =	rddreg [dreg:$0x2];
	s8 =	smul.u32 $0x1388, s6  }
0x7: {  	[smem:$0x7FF] =	sst s3;
	s30 =	sshll.u32 s0, $0x6;
	s22 =	smul.u32 $0x140000, s6  }
0x8: {  	_ =	strace $0x8000004A;
	s28 =	ssub.s32 $0x2, s6;
	s6 =	smul.u32 $0x13880, s6  }
0x9: {  	s10 =	sadd.s32 s4, s5;
	s24 =	sshrl.u32 s9, $0x3;
	s29 =	sshrl.u32 s28, $0x1  }
0xa: {  	s7 =	sadd.s32 s8, s7;
	s23 =	sadd.s32 s9, s22;
	s8 =	sshrl.u32 s25, $0x2  }
0xb: {  	s12 =	ssub.s32 s28, s29;
	s31 =	sadd.s32 s6, s10;
	s7 =	sshrl.u32 s7, $0x3  }
0xc: {  	s4 =	sshrl.u32 s23, $0x3;
	s13 =	sadd.s32 s8, s2;
	s8 =	sadd.s32 $0x800200, s31  }
0xd: {  	s11 =	sadd.s32 s7, s5;
	s7 =	sadd.s32 s24, s5;
	s26 =	sadd.s32 s4, s5  }
0xe: {  	s5 =	sor.u32 $0x1C01, s30;
	s10 =	sshrl.u32 s13, $0x3;
	s13 =	simm.s32 $0xC8  }
0xf: {  	s4 =	sadd.s32 $0xB1A00, s7;
	s6 =	sadd.s32 $0xD9A00, s26;
	s7 =	smax.u32 s12, $0x1  }
0x10: {  	s9 =	sadd.s32 $0xBA00, s11;
	s11 =	simm.s32 $0x1;
	s12 =	simm.s32 $0x100  }
.LBB2_1:
0x11: {  	[spmem:s10], [sflag:s5] =	dma.local [hbm:s4], $0x2800  }
0x12: {  	_ =	swait.ge [sflag:s11], $0x2800  }
0x13: {  	[sflag:s11] =	ssyncset.done $0x0  }
0x14: {  	[sflag:s11] =	ssyncadd.s32 $0xFFFFD800  }
0x15: {  	s15 =	sadd.s32 $0x0, s9;
	[bflag:$0x0] =	sbarrier.arrive $0xFFFF  }
0x16: {  	[tilespmem:s3], [sflag:$0x1] =	stream.linear.gather [hbm4b:s15+s3], $0xC8, $0x38;
	[tilespmem:$0x1A500] =	vst v63  }
0x17: {  	_ =	swait.ge [sflag:s11], $0xC8  }
0x18: {  	[sflag:s11] =	ssyncset.done $0x0  }
0x19: {  	[sflag:s11] =	ssyncadd.s32 $0xFFFFFF38  }
0x1a: {  	[tilespmem:s12], [sflag:$0x1] =	stream.linear.gather [hbm4b:s8+s3], $0x6400, $0x38;
	[tilespmem:$0x1A500] =	vst v63  }
0x1b: {  	_ =	swait.ge [sflag:s11], $0x6400  }
0x1c: {  	[sflag:s11] =	ssyncset.done $0x0  }
0x1d: {  	[sflag:s11] =	ssyncadd.s32 $0xFFFF9C00  }
0x1e: {  	[spmem:s2] =	stream.indirect.scatter.add.f32 [tilespmem:s12], [sflag:$0x1], $0x80, s3, s13, $0xb8;
	[tilespmem:$0x1A500] =	vst v63  }
0x1f: {  	s16 =	simm.s32 $0x19;
	_ =	swait.ge [sflag:s11], $0x6400  }
0x20: {  	s17 =	simm.s32 $0x32;
	s15 =	sadd.s32 $0xC80, s8;
	[sflag:s11] =	ssyncset.done $0x0  }
.LBB2_2:
0x21: {  	s18 =	sadd.s32 s16, s9  }
0x22: {  	[sflag:s11] =	ssyncadd.s32 $0xFFFF9C00;
	s16 =	smov.u32 s17;
	s19 =	sadd.s32 $0x19, s17  }
0x23: {  	[tilespmem:s3], [sflag:$0x1] =	stream.linear.gather [hbm4b:s18+s3], $0xC8, $0x38;
	[tilespmem:$0x1A500] =	vst v63  }
0x24: {  	p0 =	sne.s32 s17, $0x258;
	_ =	swait.ge [sflag:s11], $0xC8  }
0x25: {  	[sflag:s11] =	ssyncset.done $0x0  }
0x26: {  	[sflag:s11] =	ssyncadd.s32 $0xFFFFFF38  }
0x27: {  	[tilespmem:s12], [sflag:$0x1] =	stream.linear.gather [hbm4b:s15+s3], $0x6400, $0x38;
	[tilespmem:$0x1A500] =	vst v63  }
0x28: {  	_ =	swait.ge [sflag:s11], $0x6400  }
.Ltmp0:
0x29: {  	[sflag:s11] =	ssyncset.done $0x0;
	(pc) =	sbr.rel @p0 .LBB2_2-.Ltmp0, $4  }
0x2a: {  	[sflag:s11] =	ssyncadd.s32 $0xFFFF9C00  }
0x2b: {  	[spmem:s2] =	stream.indirect.scatter.add.f32 [tilespmem:s12], [sflag:$0x1], $0x80, s3, s13, $0xb8;
	[tilespmem:$0x1A500] =	vst v63  }
0x2c: {  	_ =	swait.ge [sflag:s11], $0x6400  }
0x2d: {  	s17 =	smov.u32 s19;
	s15 =	sadd.s32 $0xC80, s15;
	[sflag:s11] =	ssyncset.done $0x0  }
0x2e: {  	s16 =	sadd.s32 s16, s9;
	[sflag:s11] =	ssyncadd.s32 $0xFFFF9C00  }
0x2f: {  	[tilespmem:s3], [sflag:$0x1] =	stream.linear.gather [hbm4b:s16+s3], $0xC8, $0x38;
	[tilespmem:$0x1A500] =	vst v63  }
0x30: {  	_ =	swait.ge [sflag:s11], $0xC8  }
0x31: {  	[sflag:s11] =	ssyncset.done $0x0  }
0x32: {  	[sflag:s11] =	ssyncadd.s32 $0xFFFFFF38  }
0x33: {  	[tilespmem:s12], [sflag:$0x1] =	stream.linear.gather [hbm4b:s15+s3], $0x6400, $0x38;
	[tilespmem:$0x1A500] =	vst v63  }
0x34: {  	_ =	swait.ge [sflag:s11], $0x6400  }
0x35: {  	[sflag:s11] =	ssyncset.done $0x0  }
0x36: {  	[sflag:s11] =	ssyncadd.s32 $0xFFFF9C00  }
0x37: {  	[spmem:s2] =	stream.indirect.scatter.add.f32 [tilespmem:s12], [sflag:$0x1], $0x80, s3, s13, $0xb8;
	[tilespmem:$0x1A500] =	vst v63  }
0x38: {  	_ =	swait.ge [sflag:s11], $0x6400  }
0x39: {  	s14 =	sadd.s32 $0x1, s14;
	[sflag:s11] =	ssyncset.done $0x0  }
0x3a: {  	p0 =	sne.s32 s14, s7;
	[sflag:s11] =	ssyncadd.s32 $0xFFFF9C00  }
.Ltmp1:
0x3b: {  	[bflag:$0x0] =	sbarrier.arrive $0xFFFF;
	(pc) =	sbr.rel @p0 .LBB2_1-.Ltmp1, $4  }
0x3c: {  	[hbm:s6], [sflag:s5] =	dma.local [spmem:s10], $0x2800  }
0x3d: {  	_ =	swait.ge [sflag:s11], $0x2800  }
0x3e: {  	[sflag:s11] =	ssyncset.done $0x0  }
0x3f: {  	[sflag:s11] =	ssyncadd.s32 $0xFFFFD800  }
0x40: {  	_ =	sfence.sel $0x180000  }
0x41: {  	[bflag:$0x0] =	sbarrier.arrive $0xFFFF  }
0x42: {  	p0 =	sne.s32 s0, $0x0;
	_ =	strace $0x9000004A  }
0x43: {  	s0 =	sadd.s32 @!p0 $0x100000, s1;
	[bflag:$0x2] =	sbarrier.arrive $0xFFFF  }
0x44: {  	[sflag:s0] =	ssyncadd.tile.s32 @!p0 $0x1;
	_ =	shalt  }
.Lfunc_end2:
_tile_overlayer_lowered:
.L_overlay_start_2:
0x45: {  	(tag) =	ssettag $0x2  }
0x46: {  	s0 =	rddreg [dreg:$0x0];
	s2 =	stileid.u32  }
0x47: {  	s1 =	rddreg [dreg:$0x1];
	p0 =	sne.s32 s2, $0x0  }
0x48: {  	s3 =	rddreg [dreg:$0x2];
	[bflag:$0x3] =	sbarrier.arrive $0xFFFF;
	s2 =	simm.s32 @!p0 $0x1C01  }
0x49: {  	[timem:s3], [sflag:s2] =	dma.local @!p0 [hbm:s0], s1  }
0x4a: {  	s0 =	simm.s32 @!p0 $0x1  }
0x4b: {  	_ =	swait.ge @!p0 [sflag:s0], s1  }
0x4c: {  	s1 =	ssub.s32 @!p0 $0x0, s1;
	[sflag:s0] =	ssyncset.done @!p0 $0x0  }
0x4d: {  	[sflag:s0] =	ssyncadd.s32 @!p0 s1  }
0x4e: {  	[bflag:$0x3] =	sbarrier.arrive $0xFFFF  }
0x4f: {  	_ =	shalt  }

// kernel: kernel.24.cloned.1.call-start
scs
__scs_entry_jumppad:
0x0: {  	(pc) =	sbr.rel $0x88, $3  }
0x1: {  	(tag) =	ssettag $0x0;
	lr =	simm.s32 $0x1  }
0x2: {  	[smem:$0x3F8A] =	sst lr;
	_ =	strace $0xD0000000  }
0x3: {  	_ = 	snop  }
0x4: {  	_ = 	snop  }
0x5: {  	_ = 	snop  }
0x6: {  	_ = 	snop  }
0x7: {  	_ = 	snop  }
__scs_overlays_trampoline_lowered:
0x8: {  	[smem:$0x3F99] =	sst s0  }
0x9: {  	[smem:$0x3F9A] =	sst s1  }
0xa: {  	[smem:$0x3F9B] =	sst s2  }
0xb: {  	[smem:$0x3F9C] =	sst s3  }
0xc: {  	[smem:$0x3F9D] =	sst s4  }
0xd: {  	[smem:$0x3F9E] =	sst s5  }
0xe: {  	[smem:$0x3F9F] =	sst s6  }
0xf: {  	[smem:$0x3FA0] =	sst s7  }
0x10: {  	[smem:$0x3FA1] =	sst s8  }
0x11: {  	[smem:$0x3FA2] =	sst s9;
	s0 =	simm.s32 @!p0 $0x0  }
0x12: {  	s1 =	sld [smem:$0x3F88];
	s0 =	simm.s32 @p0 $0x1  }
0x13: {  	[smem:$0x3FA3] =	sst s0;
	s0 =	simm.s32 @!p1 $0x0  }
0x14: {  	s2 =	sld [smem:$0x3F87];
	s0 =	simm.s32 @p1 $0x1  }
0x15: {  	[smem:$0x3FA4] =	sst s0;
	s0 =	simm.s32 @!p2 $0x0  }
0x16: {  	s3 =	sld [smem:$0x3FDB];
	s0 =	simm.s32 @p2 $0x1  }
0x17: {  	s4 =	simm.s32 $0x1BF5;
	[smem:$0x3FA6] =	sst s0  }
0x18: {  	s0 =	sld [smem:$0x3F89];
	_ =	swait.ge [sflag:s4], $0x0  }
0x19: {  	s7 =	sld [smem:$0x3F8A]  }
0x1a: {  	s8 =	sadd.s32 $0xFFFFE003, lr  }
0x1b: {  	s9 =	sadd.s32 $0xFFFFFEF7, lr;
	s5 =	simm.s32 $0xFFFFFFFF;
	p2 =	slt.u32 s8, $0xFFFFF086  }
0x1c: {  	p1 =	slt.u32 s9, $0xF7A;
	s5 =	simm.s32 @!p2 $0x0  }
0x1d: {  	s5 =	simm.s32 @p1 $0x1;
	p0 =	seq.s32 s7, s2  }
0x1e: {  	s7 =	smul.u32 @!p0 $0xF7A, s2;
	p2 =	seq.s32 @!p0 s5, $0x0  }
0x1f: {  	s9 =	smul.u32 $0xF7A, s1;
	s8 =	simm.s32 @!p0 $0x1BF5;
	p2 =	por !p2, p0  }
0x20: {  	[sflag:s8] =	ssyncset.s32 @!p0 $0xFFFFF086;
	s6 =	sadd.s32 @!p0 s3, s7;
	s7 =	simm.s32 @!p0 $0x108  }
0x21: {  	s3 =	sadd.s32 s3, s9;
	s6 =	sadd.s32 @!p0 $0x88, s6;
	s7 =	simm.s32 @p2 $0x1082  }
0x22: {  	[simem:s7], [sflag:s8] =	dma.local @!p0 [hbm:s6], $0xF7A  }
0x23: {  	s9 =	sor.u32 $0xD0000000, s2;
	s6 =	simm.s32 $0x108;
	_ =	swait.ge @!p0 [sflag:s8], $0x0  }
0x24: {  	s3 =	sadd.s32 $0x88, s3;
	s6 =	simm.s32 @!p1 $0x1082;
	[sflag:s4] =	ssyncset.s32 $0xFFFFF086  }
0x25: {  	[simem:s6], [sflag:s4] =	dma.local [hbm:s3], $0xF7A  }
0x26: {  	[smem:$0x3F8A] =	sst s1;
	(tag) =	ssettag s2;
	_ =	strace s9  }
0x27: {  	s1 =	sld [smem:$0x3F9A]  }
0x28: {  	s2 =	sld [smem:$0x3F9B]  }
0x29: {  	s4 =	sld [smem:$0x3F9D]  }
0x2a: {  	p0 =	seq.s32 s5, $0x0;
	s5 =	sld [smem:$0x3F9E]  }
0x2b: {  	s6 =	sld [smem:$0x3F9F]  }
0x2c: {  	s7 =	sld [smem:$0x3FA0]  }
0x2d: {  	s3 =	simm.s32 $0x108;
	s8 =	sld [smem:$0x3FA1]  }
0x2e: {  	s3 =	simm.s32 @!p0 $0x1082;
	s9 =	sld [smem:$0x3FA2]  }
0x2f: {  	lr =	sadd.s32 s0, s3;
	s0 =	sld [smem:$0x3F99]  }
0x30: {  	s3 =	sld [smem:$0x3F9C]  }
0x31: {  	[smem:$0x3FA5] =	sst s10  }
0x32: {  	s10 =	sld [smem:$0x3FA3];
	_ =	sdelay $0x3  }
0x33: {  	p0 =	seq.s32 s10, $0x1;
	s10 =	sld [smem:$0x3FA5];
	_ =	sdelay $0x3  }
0x34: {  	[smem:$0x3FA5] =	sst s10  }
0x35: {  	s10 =	sld [smem:$0x3FA4];
	_ =	sdelay $0x3  }
0x36: {  	p1 =	seq.s32 s10, $0x1;
	s10 =	sld [smem:$0x3FA5];
	_ =	sdelay $0x3  }
0x37: {  	[smem:$0x3FA5] =	sst s10  }
0x38: {  	s10 =	sld [smem:$0x3FA6]  }
0x39: {  	_ = 	snop;
	(pc) =	sbr.ind lr, $3  }
0x3a: {  	_ = 	snop  }
0x3b: {  	_ = 	snop  }
0x3c: {  	p2 =	seq.s32 s10, $0x1;
	s10 =	sld [smem:$0x3FA5]  }
0x3d: {  	_ =	shalt  }
0x3e: {  	_ =	shalt  }
0x3f: {  	_ =	shalt  }
0x40: {  	_ =	shalt  }
0x41: {  	_ =	shalt  }
0x42: {  	_ =	shalt  }
0x43: {  	_ =	shalt  }
0x44: {  	_ =	shalt  }
0x45: {  	_ =	shalt  }
0x46: {  	_ =	shalt  }
0x47: {  	_ =	shalt  }
0x48: {  	_ =	shalt  }
0x49: {  	_ =	shalt  }
0x4a: {  	_ =	shalt  }
0x4b: {  	_ =	shalt  }
0x4c: {  	_ =	shalt  }
0x4d: {  	_ =	shalt  }
0x4e: {  	_ =	shalt  }
0x4f: {  	_ =	shalt  }
0x50: {  	_ =	shalt  }
0x51: {  	_ =	shalt  }
0x52: {  	_ =	shalt  }
0x53: {  	_ =	shalt  }
0x54: {  	_ =	shalt  }
0x55: {  	_ =	shalt  }
0x56: {  	_ =	shalt  }
0x57: {  	_ =	shalt  }
0x58: {  	_ =	shalt  }
0x59: {  	_ =	shalt  }
0x5a: {  	_ =	shalt  }
0x5b: {  	_ =	shalt  }
0x5c: {  	_ =	shalt  }
0x5d: {  	_ =	shalt  }
0x5e: {  	_ =	shalt  }
0x5f: {  	_ =	shalt  }
0x60: {  	_ =	shalt  }
0x61: {  	_ =	shalt  }
0x62: {  	_ =	shalt  }
0x63: {  	_ =	shalt  }
0x64: {  	_ =	shalt  }
0x65: {  	_ =	shalt  }
0x66: {  	_ =	shalt  }
0x67: {  	_ =	shalt  }
0x68: {  	_ =	shalt  }
0x69: {  	_ =	shalt  }
0x6a: {  	_ =	shalt  }
0x6b: {  	_ =	shalt  }
0x6c: {  	_ =	shalt  }
0x6d: {  	_ =	shalt  }
0x6e: {  	_ =	shalt  }
0x6f: {  	_ =	shalt  }
0x70: {  	_ =	shalt  }
0x71: {  	_ =	shalt  }
0x72: {  	_ =	shalt  }
0x73: {  	_ =	shalt  }
0x74: {  	_ =	shalt  }
0x75: {  	_ =	shalt  }
0x76: {  	_ =	shalt  }
0x77: {  	_ =	shalt  }
0x78: {  	_ =	shalt  }
0x79: {  	_ =	shalt  }
0x7a: {  	_ =	shalt  }
0x7b: {  	_ =	shalt  }
0x7c: {  	_ =	shalt  }
0x7d: {  	_ =	shalt  }
0x7e: {  	_ =	shalt  }
0x7f: {  	_ =	shalt  }
0x80: {  	_ =	shalt  }
0x81: {  	_ =	shalt  }
0x82: {  	_ =	shalt  }
0x83: {  	_ =	shalt  }
0x84: {  	_ =	shalt  }
0x85: {  	_ =	shalt  }
0x86: {  	_ =	shalt  }
0x87: {  	_ =	shalt  }
.Lfunc_end0:
.L_simem_size_0:
called_computation.3_lowered:
.L_overlay_start_0:
0x88: {  	s2 =	sld [smem:$0x3FD9]  }
0x89: {  	s3 =	sld [smem:$0x3FFE];
	_ =	sdelay $0x1  }
0x8a: {  	s1 =	srdreg.scid  }
0x8b: {  	s0 =	sand.u32 $0x1, s1  }
0x8c: {  	s17 =	sshll.u32 s0, $0xA;
	s2 =	sadd.s32 s3, s2  }
0x8d: {  	s2 =	sadd.s32 s2, s17  }
0x8e: {  	[smem:$0x3FB1] =	sst s2  }
0x8f: {  	_ = 	snop  }
0x90: {  	(tm) =	ssettm $0x1  }
0x91: {  	s18 =	sld [smem:$0x3FFB];
	_ =	sdelay $0x3  }
0x92: {  	_ =	strace s18  }
0x93: {  	s2 =	sld [smem:$0x3FFC];
	_ =	sdelay $0x3  }
0x94: {  	_ =	strace s2  }
0x95: {  	s2 =	sld [smem:$0x3FFD];
	_ =	sdelay $0x3  }
0x96: {  	_ =	strace s2  }
0x97: {  	_ =	strace $0x8FFFFFFF  }
0x98: {  	s19 =	sld [smem:$0x3FDB];
	_ =	sdelay $0x1  }
0x99: {  	s20 =	simm.s32 $_scs_section_size  }
0x9a: {  	s4 =	simm.s32 $_size__tile_overlayer_lowered;
	s5 =	simm.s32 $_tile_overlayer_lowered  }
0x9b: {  	s6 =	simm.s32 $0x1BFF;
	s21 =	sshll.u32 s5, $0x1;
	s3 =	sadd.s32 s20, s19  }
0x9c: {  	s22 =	simm.s32 $0x0;
	s4 =	sshll.u32 s4, $0x1;
	s5 =	sadd.s32 s21, s3  }
0x9d: {  	[timem:s22], [sflag:s6] =	dma.local [hbm:s5], s4  }
0x9e: {  	_ =	swait.ge [sflag:s6], s4  }
0x9f: {  	s4 =	ssub.s32 $0x0, s4;
	[sflag:s6] =	ssyncset.done $0x0  }
0xa0: {  	[sflag:s6] =	ssyncadd.s32 s4;
	_ =	sdelay $0x1  }
0xa1: {  	s23 =	simm.s32 $0x1B8B  }
0xa2: {  	_ =	swait.ge [sflag:s23], $0x1  }
0xa3: {  	[sflag:s23] =	ssyncset.done $0x0  }
0xa4: {  	[sflag:s23] =	ssyncadd.s32 $0xFFFFFFFF  }
0xa5: {  	s4 =	sld [smem:$0x0]  }
0xa6: {  	s5 =	sand.u32 $0xFFFFFFFE, s1  }
0xa7: {  	p0 =	sne.s32 s1, s5  }
0xa8: {  	s5 =	sshll.u32 @p0 s5, $0xE  }
0xa9: {  	s5 =	sadd.s32 @p0 $0x11B8D, s5;
	s6 =	sshll.u32 @p0 s4, $0x11  }
0xaa: {  	s5 =	sor.u32 @p0 s6, s5  }
0xab: {  	[sflag:s5] =	ssyncadd.remote.s32 @p0 $0x1;
	_ =	sdelay $0x1  }
0xac: {  	s5 =	simm.s32 @p0 $0x1B8D  }
0xad: {  	_ =	swait.eq @p0 [sflag:s5], $0x1  }
0xae: {  	[sflag:s5] =	ssyncadd.s32 @p0 $0xFFFFFFFF  }
0xaf: {  	s6 =	sshll.u32 @!p0 s1, $0xE  }
0xb0: {  	s6 =	sor.u32 @!p0 $0x4000, s6;
	s5 =	simm.s32 @!p0 $0x1B8D  }
0xb1: {  	s4 =	sshll.u32 @!p0 s4, $0x11;
	s6 =	sadd.s32 @!p0 $0x11B8D, s6;
	_ =	swait.eq @!p0 [sflag:s5], $0x1  }
0xb2: {  	s4 =	sor.u32 @!p0 s4, s6;
	[sflag:s5] =	ssyncadd.s32 @!p0 $0xFFFFFFFF  }
0xb3: {  	s25 =	simm.s32 $0x1B8E;
	s24 =	sld [smem:$0x3FFE];
	[sflag:s4] =	ssyncadd.remote.s32 @!p0 $0x1  }
0xb4: {  	s26 =	simm.s32 $execute0_lowered;
	[smem:$0x3FD2] =	sst s25  }
0xb5: {  	s5 =	sshll.u32 s26, $0x1;
	_ =	strace $0x8000004F;
	[dreg:$0x1] =	wrdreg $0xFFFFFFFF  }
0xb6: {  	s28 =	simm.s32 $_size_execute0_lowered;
	s3 =	sadd.s32 s3, s5;
	[dreg:$0x0] =	wrdreg $0x0  }
0xb7: {  	s5 =	sshll.u32 s28, $0x1;
	[dreg:$0x2] =	wrdreg s3  }
0xb8: {  	[dreg:$0x3] =	wrdreg s5  }
0xb9: {  	[dreg:$0x4] =	wrdreg $0xC0  }
0xba: {  	_ =	task [dreg:s22], $0x5FFFF  }
0xbb: {  	[dreg:$0x1] =	wrdreg $0xFFFFFFFF  }
0xbc: {  	[dreg:$0x0] =	wrdreg $0x60  }
0xbd: {  	[dreg:$0x2] =	wrdreg s24  }
0xbe: {  	[dreg:$0x3] =	wrdreg $0xA  }
0xbf: {  	_ =	task.clear_ibuf [dreg:s22], $0x4FFFF;
	_ =	strace $0x9000004F  }
0xc0: {  	s29 =	simm.s32 $0xA;
	_ =	strace $0x80000051  }
0xc1: {  	_ =	swait.ge [sflag:s29], $0x1  }
0xc2: {  	[sflag:s29] =	ssyncadd.s32 $0xFFFFFFFF  }
0xc3: {  	_ =	strace $0x90000051  }
0xc4: {  	_ =	sfence  }
0xc5: {  	s30 =	sld [smem:$0x0];
	_ =	sdelay $0x2  }
0xc6: {  	s31 =	sshll.u32 s1, $0xD;
	s1 =	sshrl.u32 s1, $0x2  }
0xc7: {  	s4 =	sand.u32 $0x4000, s31;
	s1 =	sadd.s32 s1, s30  }
0xc8: {  	s0 =	sor.u32 s4, s0;
	s1 =	sshll.u32 s1, $0x11  }
0xc9: {  	s0 =	sor.u32 s1, s0  }
0xca: {  	s0 =	sadd.s32 $0x8F2B, s0  }
0xcb: {  	[sflag:s0] =	ssyncadd.remote.s32 $0x1  }
0xcc: {  	_ =	sfence.sel $0xFFFF  }
0xcd: {  	[dreg:$0x0] =	wrdreg $0xFFFFFFFF;
	(pc) =	sbr.abs _section_cstart, $3  }
0xce: {  	[dreg:$0x1] =	wrdreg $0xFFFFFFFF  }
0xcf: {  	_ =	task.clear_ibuf [dreg:s22], $0x2FFFF;
	_ =	strace $0x9FFFFFFF  }
0xd0: {  	(tm) =	ssettm $0x7FFFFFFF  }
0xd1: {  	_ =	shalt  }
tec
execute0_lowered:
.L_overlay_start_1:
0x0: {  	(tag) =	ssettag $0x1  }
0x1: {  	s4 =	rddreg [dreg:$0x0]  }
0x2: {  	s0 =	rddreg [dreg:$0x1];
	s2 =	simm.s32 $0x0;
	s3 =	srdreg.scid  }
0x3: {  	s1 =	stileid.u32;
	s14 =	simm.s32 $0x6600;
	s15 =	simm.s32 $0x1  }
0x4: {  	s16 =	simm.s32 $0x2;
	s17 =	simm.s32 $0x3;
	s18 =	simm.s32 $0x4  }
0x5: {  	s19 =	simm.s32 $0x0;
	[smem:$0x7FF] =	sst s2;
	s5 =	sand.u32 $0x1, s3  }
0x6: {  	s26 =	sshll.u32 s1, $0x1;
	s3 =	sadd.s32 $0x800200, s4;
	s8 =	smul.u32 $0x27100, s1  }
0x7: {  	s9 =	sadd.s32 $0xBA00, s4;
	s7 =	sadd.s32 $0xD9A00, s4;
	s11 =	smul.u32 $0x2710, s1  }
0x8: {  	s6 =	sor.u32 s5, s26;
	s28 =	ssub.s32 $0x2, s5;
	s12 =	smul.u32 $0x1388, s5  }
0x9: {  	_ =	strace $0x80000050;
	s6 =	smul.u32 $0x1388, s6;
	s10 =	sshrl.u32 s28, $0x1  }
0xa: {  	s13 =	smul.u32 $0x13880, s5;
	s10 =	ssub.s32 s28, s10;
	s30 =	sadd.s32 s12, s11  }
0xb: {  	s12 =	simm.s32 $0xC8;
	s6 =	sadd.s32 $0x12C0, s6;
	s31 =	sadd.s32 $0xC8, s30  }
0xc: {  	s11 =	sshrl.u32 s30, $0x3;
	s29 =	sshrl.u32 s6, $0x3;
	s6 =	sshll.u32 s6, $0x4  }
0xd: {  	s4 =	sadd.s32 s9, s29;
	s5 =	sadd.s32 s7, s6;
	s7 =	sadd.s32 s8, s7  }
0xe: {  	s6 =	smax.u32 s10, $0x1;
	s10 =	sshrl.u32 s31, $0x3;
	s7 =	sadd.s32 s13, s7  }
0xf: {  	s8 =	sadd.s32 s10, s9;
	s9 =	sadd.s32 s11, s9;
	s10 =	simm.s32 $0x5  }
0x10: {  	s11 =	simm.s32 $0x100;
	s13 =	simm.s32 $0x200;
	s7 =	sadd.s32 $0xC80, s7  }
.LBB2_1:
0x11: {  	s20 =	sadd.s32 $0x0, s9  }
0x12: {  	[tilespmem:s2], [sflag:$0x5] =	stream.linear.gather [hbm4b:s20+s2], $0xC8, $0x38;
	[tilespmem:$0xCA00] =	vst v63  }
0x13: {  	_ =	swait.ge [sflag:s10], $0xC8  }
0x14: {  	[sflag:s10] =	ssyncset.done $0x0  }
0x15: {  	s30 =	sadd.s32 $0x0, s8;
	[sflag:s10] =	ssyncadd.s32 $0xFFFFFF38  }
0x16: {  	[tilespmem:s11], [sflag:$0x5] =	stream.linear.gather [hbm4b:s30+s2], $0xC8, $0x38;
	[tilespmem:$0xCA00] =	vst v63  }
0x17: {  	_ =	swait.ge [sflag:s10], $0xC8  }
0x18: {  	[sflag:s10] =	ssyncset.done $0x0  }
0x19: {  	[sflag:s10] =	ssyncadd.s32 $0xFFFFFF38  }
0x1a: {  	[tilespmem:s13], [sflag:$0x1] =	stream.indirect.gather [hbm4b:s3+s12], $0x80, s2, s12, $0xb8;
	[tilespmem:$0xCA00] =	vst v63  }
0x1b: {  	_ = 	snop  }
0x1c: {  	[tilespmem:s14], [sflag:$0x2] =	stream.indirect.gather [hbm4b:s3+s12], $0x80, s11, s12, $0xb8;
	[tilespmem:$0xCA00] =	vst v63  }
0x1d: {  	_ =	swait.ge [sflag:s15], $0x6400  }
0x1e: {  	[sflag:s15] =	ssyncset.done $0x0  }
0x1f: {  	s31 =	sadd.s32 $0xFFFFF380, s7;
	[sflag:s15] =	ssyncadd.s32 $0xFFFF9C00  }
0x20: {  	[hbm4b:s31+s2] =	stream.linear.scatter [tilespmem:s13], [sflag:$0x3], $0x6400, $0x38;
	[tilespmem:$0xCA00] =	vst v63  }
0x21: {  	_ =	swait.ge [sflag:s16], $0x6400  }
0x22: {  	[sflag:s16] =	ssyncset.done $0x0  }
0x23: {  	[sflag:s16] =	ssyncadd.s32 $0xFFFF9C00  }
0x24: {  	[hbm4b:s7+s2] =	stream.linear.scatter [tilespmem:s14], [sflag:$0x4], $0x6400, $0x38;
	[tilespmem:$0xCA00] =	vst v63  }
0x25: {  	_ =	swait.ge [sflag:s17], $0x6400  }
0x26: {  	[sflag:s17] =	ssyncset.done $0x0  }
0x27: {  	[sflag:s17] =	ssyncadd.s32 $0xFFFF9C00  }
0x28: {  	s21 =	simm.s32 $0x32;
	_ =	swait.ge [sflag:s18], $0x6400  }
0x29: {  	s22 =	simm.s32 $0x64;
	s20 =	sadd.s32 $0x1900, s7;
	[sflag:s18] =	ssyncset.done $0x0  }
.LBB2_2:
0x2a: {  	s23 =	sadd.s32 s21, s9  }
0x2b: {  	[sflag:s18] =	ssyncadd.s32 $0xFFFF9C00;
	s24 =	smov.u32 s22;
	s25 =	sadd.s32 $0x32, s22  }
0x2c: {  	[tilespmem:s2], [sflag:$0x5] =	stream.linear.gather [hbm4b:s23+s2], $0xC8, $0x38;
	[tilespmem:$0xCA00] =	vst v63  }
0x2d: {  	p0 =	sne.s32 s22, $0x226;
	_ =	swait.ge [sflag:s10], $0xC8  }
0x2e: {  	[sflag:s10] =	ssyncset.done $0x0  }
0x2f: {  	s22 =	sadd.s32 s21, s8;
	s21 =	smov.u32 s24;
	[sflag:s10] =	ssyncadd.s32 $0xFFFFFF38  }
0x30: {  	[tilespmem:s11], [sflag:$0x5] =	stream.linear.gather [hbm4b:s22+s2], $0xC8, $0x38;
	[tilespmem:$0xCA00] =	vst v63  }
0x31: {  	_ =	swait.ge [sflag:s10], $0xC8  }
0x32: {  	[sflag:s10] =	ssyncset.done $0x0  }
0x33: {  	[sflag:s10] =	ssyncadd.s32 $0xFFFFFF38  }
0x34: {  	[tilespmem:s13], [sflag:$0x1] =	stream.indirect.gather [hbm4b:s3+s12], $0x80, s2, s12, $0xb8;
	[tilespmem:$0xCA00] =	vst v63  }
0x35: {  	_ = 	snop  }
0x36: {  	[tilespmem:s14], [sflag:$0x2] =	stream.indirect.gather [hbm4b:s3+s12], $0x80, s11, s12, $0xb8;
	[tilespmem:$0xCA00] =	vst v63  }
0x37: {  	_ =	swait.ge [sflag:s15], $0x6400  }
0x38: {  	[sflag:s15] =	ssyncset.done $0x0  }
0x39: {  	s22 =	sadd.s32 $0xFFFFF380, s20;
	[sflag:s15] =	ssyncadd.s32 $0xFFFF9C00  }
0x3a: {  	[hbm4b:s22+s2] =	stream.linear.scatter [tilespmem:s13], [sflag:$0x3], $0x6400, $0x38;
	[tilespmem:$0xCA00] =	vst v63  }
0x3b: {  	_ =	swait.ge [sflag:s16], $0x6400  }
0x3c: {  	[sflag:s16] =	ssyncset.done $0x0  }
0x3d: {  	[sflag:s16] =	ssyncadd.s32 $0xFFFF9C00  }
0x3e: {  	[hbm4b:s20+s2] =	stream.linear.scatter [tilespmem:s14], [sflag:$0x4], $0x6400, $0x38;
	[tilespmem:$0xCA00] =	vst v63  }
.Ltmp0:
0x3f: {  	_ =	swait.ge [sflag:s17], $0x6400;
	(pc) =	sbr.rel @p0 .LBB2_2-.Ltmp0, $4  }
0x40: {  	[sflag:s17] =	ssyncset.done $0x0  }
0x41: {  	[sflag:s17] =	ssyncadd.s32 $0xFFFF9C00  }
0x42: {  	_ =	swait.ge [sflag:s18], $0x6400  }
0x43: {  	s22 =	smov.u32 s25;
	s20 =	sadd.s32 $0x1900, s20;
	[sflag:s18] =	ssyncset.done $0x0  }
0x44: {  	s22 =	sadd.s32 s21, s9;
	[sflag:s18] =	ssyncadd.s32 $0xFFFF9C00  }
0x45: {  	[tilespmem:s2], [sflag:$0x5] =	stream.linear.gather [hbm4b:s22+s2], $0xC8, $0x38;
	[tilespmem:$0xCA00] =	vst v63  }
0x46: {  	_ =	swait.ge [sflag:s10], $0xC8  }
0x47: {  	[sflag:s10] =	ssyncset.done $0x0  }
0x48: {  	s30 =	sadd.s32 s21, s8;
	[sflag:s10] =	ssyncadd.s32 $0xFFFFFF38  }
0x49: {  	[tilespmem:s11], [sflag:$0x5] =	stream.linear.gather [hbm4b:s30+s2], $0xC8, $0x38;
	[tilespmem:$0xCA00] =	vst v63  }
0x4a: {  	_ =	swait.ge [sflag:s10], $0xC8  }
0x4b: {  	[sflag:s10] =	ssyncset.done $0x0  }
0x4c: {  	[sflag:s10] =	ssyncadd.s32 $0xFFFFFF38  }
0x4d: {  	[tilespmem:s13], [sflag:$0x1] =	stream.indirect.gather [hbm4b:s3+s12], $0x80, s2, s12, $0xb8;
	[tilespmem:$0xCA00] =	vst v63  }
0x4e: {  	_ = 	snop  }
0x4f: {  	[tilespmem:s14], [sflag:$0x2] =	stream.indirect.gather [hbm4b:s3+s12], $0x80, s11, s12, $0xb8;
	[tilespmem:$0xCA00] =	vst v63  }
0x50: {  	_ =	swait.ge [sflag:s15], $0x6400  }
0x51: {  	[sflag:s15] =	ssyncset.done $0x0  }
0x52: {  	s31 =	sadd.s32 $0xFFFFF380, s20;
	[sflag:s15] =	ssyncadd.s32 $0xFFFF9C00  }
0x53: {  	[hbm4b:s31+s2] =	stream.linear.scatter [tilespmem:s13], [sflag:$0x3], $0x6400, $0x38;
	[tilespmem:$0xCA00] =	vst v63  }
0x54: {  	_ =	swait.ge [sflag:s16], $0x6400  }
0x55: {  	[sflag:s16] =	ssyncset.done $0x0  }
0x56: {  	[sflag:s16] =	ssyncadd.s32 $0xFFFF9C00  }
0x57: {  	[hbm4b:s20+s2] =	stream.linear.scatter [tilespmem:s14], [sflag:$0x4], $0x6400, $0x38;
	[tilespmem:$0xCA00] =	vst v63  }
0x58: {  	_ =	swait.ge [sflag:s17], $0x6400  }
0x59: {  	[sflag:s17] =	ssyncset.done $0x0  }
0x5a: {  	[sflag:s17] =	ssyncadd.s32 $0xFFFF9C00  }
0x5b: {  	_ =	swait.ge [sflag:s18], $0x6400  }
0x5c: {  	[sflag:s18] =	ssyncset.done $0x0  }
0x5d: {  	[sflag:s18] =	ssyncadd.s32 $0xFFFF9C00  }
0x5e: {  	[tilespmem:s2], [sflag:$0x5] =	stream.linear.gather [hbm4b:s4+s2], $0xC8, $0x38;
	[tilespmem:$0xCA00] =	vst v63  }
0x5f: {  	_ =	swait.ge [sflag:s10], $0xC8  }
0x60: {  	[sflag:s10] =	ssyncset.done $0x0  }
0x61: {  	[sflag:s10] =	ssyncadd.s32 $0xFFFFFF38  }
0x62: {  	[tilespmem:s13], [sflag:$0x5] =	stream.indirect.gather [hbm4b:s3+s12], $0x80, s2, s12, $0xb8;
	[tilespmem:$0xCA00] =	vst v63  }
0x63: {  	s19 =	sadd.s32 $0x1, s19;
	_ =	swait.ge [sflag:s10], $0x6400  }
0x64: {  	p0 =	sne.s32 s19, s6;
	[sflag:s10] =	ssyncset.done $0x0  }
.Ltmp1:
0x65: {  	[sflag:s10] =	ssyncadd.s32 $0xFFFF9C00;
	(pc) =	sbr.rel @p0 .LBB2_1-.Ltmp1, $4  }
0x66: {  	[hbm4b:s5+s2] =	stream.linear.scatter [tilespmem:s13], [sflag:$0x5], $0x6400, $0x38;
	[tilespmem:$0xCA00] =	vst v63  }
0x67: {  	_ =	swait.ge [sflag:s10], $0x6400  }
0x68: {  	[sflag:s10] =	ssyncset.done $0x0  }
0x69: {  	[sflag:s10] =	ssyncadd.s32 $0xFFFF9C00  }
0x6a: {  	_ =	sfence.sel $0x180000  }
0x6b: {  	[bflag:$0x0] =	sbarrier.arrive $0xFFFF  }
0x6c: {  	p0 =	sne.s32 s1, $0x0;
	_ =	strace $0x90000050  }
0x6d: {  	s0 =	sadd.s32 @!p0 $0x100000, s0;
	[bflag:$0x2] =	sbarrier.arrive $0xFFFF  }
0x6e: {  	[sflag:s0] =	ssyncadd.tile.s32 @!p0 $0x1;
	_ =	shalt  }
.Lfunc_end2:
_tile_overlayer_lowered:
.L_overlay_start_2:
0x6f: {  	(tag) =	ssettag $0x2  }
0x70: {  	s0 =	rddreg [dreg:$0x0];
	s2 =	stileid.u32  }
0x71: {  	s1 =	rddreg [dreg:$0x1];
	p0 =	sne.s32 s2, $0x0  }
0x72: {  	s3 =	rddreg [dreg:$0x2];
	[bflag:$0x3] =	sbarrier.arrive $0xFFFF;
	s2 =	simm.s32 @!p0 $0x1C05  }
0x73: {  	[timem:s3], [sflag:s2] =	dma.local @!p0 [hbm:s0], s1  }
0x74: {  	s0 =	simm.s32 @!p0 $0x5  }
0x75: {  	_ =	swait.ge @!p0 [sflag:s0], s1  }
0x76: {  	s1 =	ssub.s32 @!p0 $0x0, s1;
	[sflag:s0] =	ssyncset.done @!p0 $0x0  }
0x77: {  	[sflag:s0] =	ssyncadd.s32 @!p0 s1  }
0x78: {  	[bflag:$0x3] =	sbarrier.arrive $0xFFFF  }
0x79: {  	_ =	shalt  }

// kernel: kernel.27.cloned.1.call-start
scs
__scs_entry_jumppad:
0x0: {  	(pc) =	sbr.rel $0x88, $3  }
0x1: {  	(tag) =	ssettag $0x0;
	lr =	simm.s32 $0x1  }
0x2: {  	[smem:$0x3F8A] =	sst lr;
	_ =	strace $0xD0000000  }
0x3: {  	_ = 	snop  }
0x4: {  	_ = 	snop  }
0x5: {  	_ = 	snop  }
0x6: {  	_ = 	snop  }
0x7: {  	_ = 	snop  }
__scs_overlays_trampoline_lowered:
0x8: {  	[smem:$0x3F99] =	sst s0  }
0x9: {  	[smem:$0x3F9A] =	sst s1  }
0xa: {  	[smem:$0x3F9B] =	sst s2  }
0xb: {  	[smem:$0x3F9C] =	sst s3  }
0xc: {  	[smem:$0x3F9D] =	sst s4  }
0xd: {  	[smem:$0x3F9E] =	sst s5  }
0xe: {  	[smem:$0x3F9F] =	sst s6  }
0xf: {  	[smem:$0x3FA0] =	sst s7  }
0x10: {  	[smem:$0x3FA1] =	sst s8  }
0x11: {  	[smem:$0x3FA2] =	sst s9;
	s0 =	simm.s32 @!p0 $0x0  }
0x12: {  	s1 =	sld [smem:$0x3F88];
	s0 =	simm.s32 @p0 $0x1  }
0x13: {  	[smem:$0x3FA3] =	sst s0;
	s0 =	simm.s32 @!p1 $0x0  }
0x14: {  	s2 =	sld [smem:$0x3F87];
	s0 =	simm.s32 @p1 $0x1  }
0x15: {  	[smem:$0x3FA4] =	sst s0;
	s0 =	simm.s32 @!p2 $0x0  }
0x16: {  	s3 =	sld [smem:$0x3FDB];
	s0 =	simm.s32 @p2 $0x1  }
0x17: {  	s4 =	simm.s32 $0x1BF5;
	[smem:$0x3FA6] =	sst s0  }
0x18: {  	s0 =	sld [smem:$0x3F89];
	_ =	swait.ge [sflag:s4], $0x0  }
0x19: {  	s7 =	sld [smem:$0x3F8A]  }
0x1a: {  	s8 =	sadd.s32 $0xFFFFE003, lr  }
0x1b: {  	s9 =	sadd.s32 $0xFFFFFEF7, lr;
	s5 =	simm.s32 $0xFFFFFFFF;
	p2 =	slt.u32 s8, $0xFFFFF086  }
0x1c: {  	p1 =	slt.u32 s9, $0xF7A;
	s5 =	simm.s32 @!p2 $0x0  }
0x1d: {  	s5 =	simm.s32 @p1 $0x1;
	p0 =	seq.s32 s7, s2  }
0x1e: {  	s7 =	smul.u32 @!p0 $0xF7A, s2;
	p2 =	seq.s32 @!p0 s5, $0x0  }
0x1f: {  	s9 =	smul.u32 $0xF7A, s1;
	s8 =	simm.s32 @!p0 $0x1BF5;
	p2 =	por !p2, p0  }
0x20: {  	[sflag:s8] =	ssyncset.s32 @!p0 $0xFFFFF086;
	s6 =	sadd.s32 @!p0 s3, s7;
	s7 =	simm.s32 @!p0 $0x108  }
0x21: {  	s3 =	sadd.s32 s3, s9;
	s6 =	sadd.s32 @!p0 $0x88, s6;
	s7 =	simm.s32 @p2 $0x1082  }
0x22: {  	[simem:s7], [sflag:s8] =	dma.local @!p0 [hbm:s6], $0xF7A  }
0x23: {  	s9 =	sor.u32 $0xD0000000, s2;
	s6 =	simm.s32 $0x108;
	_ =	swait.ge @!p0 [sflag:s8], $0x0  }
0x24: {  	s3 =	sadd.s32 $0x88, s3;
	s6 =	simm.s32 @!p1 $0x1082;
	[sflag:s4] =	ssyncset.s32 $0xFFFFF086  }
0x25: {  	[simem:s6], [sflag:s4] =	dma.local [hbm:s3], $0xF7A  }
0x26: {  	[smem:$0x3F8A] =	sst s1;
	(tag) =	ssettag s2;
	_ =	strace s9  }
0x27: {  	s1 =	sld [smem:$0x3F9A]  }
0x28: {  	s2 =	sld [smem:$0x3F9B]  }
0x29: {  	s4 =	sld [smem:$0x3F9D]  }
0x2a: {  	p0 =	seq.s32 s5, $0x0;
	s5 =	sld [smem:$0x3F9E]  }
0x2b: {  	s6 =	sld [smem:$0x3F9F]  }
0x2c: {  	s7 =	sld [smem:$0x3FA0]  }
0x2d: {  	s3 =	simm.s32 $0x108;
	s8 =	sld [smem:$0x3FA1]  }
0x2e: {  	s3 =	simm.s32 @!p0 $0x1082;
	s9 =	sld [smem:$0x3FA2]  }
0x2f: {  	lr =	sadd.s32 s0, s3;
	s0 =	sld [smem:$0x3F99]  }
0x30: {  	s3 =	sld [smem:$0x3F9C]  }
0x31: {  	[smem:$0x3FA5] =	sst s10  }
0x32: {  	s10 =	sld [smem:$0x3FA3];
	_ =	sdelay $0x3  }
0x33: {  	p0 =	seq.s32 s10, $0x1;
	s10 =	sld [smem:$0x3FA5];
	_ =	sdelay $0x3  }
0x34: {  	[smem:$0x3FA5] =	sst s10  }
0x35: {  	s10 =	sld [smem:$0x3FA4];
	_ =	sdelay $0x3  }
0x36: {  	p1 =	seq.s32 s10, $0x1;
	s10 =	sld [smem:$0x3FA5];
	_ =	sdelay $0x3  }
0x37: {  	[smem:$0x3FA5] =	sst s10  }
0x38: {  	s10 =	sld [smem:$0x3FA6]  }
0x39: {  	_ = 	snop;
	(pc) =	sbr.ind lr, $3  }
0x3a: {  	_ = 	snop  }
0x3b: {  	_ = 	snop  }
0x3c: {  	p2 =	seq.s32 s10, $0x1;
	s10 =	sld [smem:$0x3FA5]  }
0x3d: {  	_ =	shalt  }
0x3e: {  	_ =	shalt  }
0x3f: {  	_ =	shalt  }
0x40: {  	_ =	shalt  }
0x41: {  	_ =	shalt  }
0x42: {  	_ =	shalt  }
0x43: {  	_ =	shalt  }
0x44: {  	_ =	shalt  }
0x45: {  	_ =	shalt  }
0x46: {  	_ =	shalt  }
0x47: {  	_ =	shalt  }
0x48: {  	_ =	shalt  }
0x49: {  	_ =	shalt  }
0x4a: {  	_ =	shalt  }
0x4b: {  	_ =	shalt  }
0x4c: {  	_ =	shalt  }
0x4d: {  	_ =	shalt  }
0x4e: {  	_ =	shalt  }
0x4f: {  	_ =	shalt  }
0x50: {  	_ =	shalt  }
0x51: {  	_ =	shalt  }
0x52: {  	_ =	shalt  }
0x53: {  	_ =	shalt  }
0x54: {  	_ =	shalt  }
0x55: {  	_ =	shalt  }
0x56: {  	_ =	shalt  }
0x57: {  	_ =	shalt  }
0x58: {  	_ =	shalt  }
0x59: {  	_ =	shalt  }
0x5a: {  	_ =	shalt  }
0x5b: {  	_ =	shalt  }
0x5c: {  	_ =	shalt  }
0x5d: {  	_ =	shalt  }
0x5e: {  	_ =	shalt  }
0x5f: {  	_ =	shalt  }
0x60: {  	_ =	shalt  }
0x61: {  	_ =	shalt  }
0x62: {  	_ =	shalt  }
0x63: {  	_ =	shalt  }
0x64: {  	_ =	shalt  }
0x65: {  	_ =	shalt  }
0x66: {  	_ =	shalt  }
0x67: {  	_ =	shalt  }
0x68: {  	_ =	shalt  }
0x69: {  	_ =	shalt  }
0x6a: {  	_ =	shalt  }
0x6b: {  	_ =	shalt  }
0x6c: {  	_ =	shalt  }
0x6d: {  	_ =	shalt  }
0x6e: {  	_ =	shalt  }
0x6f: {  	_ =	shalt  }
0x70: {  	_ =	shalt  }
0x71: {  	_ =	shalt  }
0x72: {  	_ =	shalt  }
0x73: {  	_ =	shalt  }
0x74: {  	_ =	shalt  }
0x75: {  	_ =	shalt  }
0x76: {  	_ =	shalt  }
0x77: {  	_ =	shalt  }
0x78: {  	_ =	shalt  }
0x79: {  	_ =	shalt  }
0x7a: {  	_ =	shalt  }
0x7b: {  	_ =	shalt  }
0x7c: {  	_ =	shalt  }
0x7d: {  	_ =	shalt  }
0x7e: {  	_ =	shalt  }
0x7f: {  	_ =	shalt  }
0x80: {  	_ =	shalt  }
0x81: {  	_ =	shalt  }
0x82: {  	_ =	shalt  }
0x83: {  	_ =	shalt  }
0x84: {  	_ =	shalt  }
0x85: {  	_ =	shalt  }
0x86: {  	_ =	shalt  }
0x87: {  	_ =	shalt  }
.Lfunc_end0:
.L_simem_size_0:
called_computation.4_lowered:
.L_overlay_start_0:
0x88: {  	s2 =	sld [smem:$0x3FD9]  }
0x89: {  	s3 =	sld [smem:$0x3FFE];
	_ =	sdelay $0x1  }
0x8a: {  	s1 =	srdreg.scid  }
0x8b: {  	s0 =	sand.u32 $0x1, s1  }
0x8c: {  	s17 =	sshll.u32 s0, $0xA;
	s2 =	sadd.s32 s3, s2  }
0x8d: {  	s2 =	sadd.s32 s2, s17  }
0x8e: {  	[smem:$0x3FB1] =	sst s2  }
0x8f: {  	_ = 	snop  }
0x90: {  	(tm) =	ssettm $0x1  }
0x91: {  	s18 =	sld [smem:$0x3FFB];
	_ =	sdelay $0x3  }
0x92: {  	_ =	strace s18  }
0x93: {  	s2 =	sld [smem:$0x3FFC];
	_ =	sdelay $0x3  }
0x94: {  	_ =	strace s2  }
0x95: {  	s2 =	sld [smem:$0x3FFD];
	_ =	sdelay $0x3  }
0x96: {  	_ =	strace s2  }
0x97: {  	_ =	strace $0x8FFFFFFF  }
0x98: {  	s19 =	sld [smem:$0x3FDB];
	_ =	sdelay $0x1  }
0x99: {  	s20 =	simm.s32 $_scs_section_size  }
0x9a: {  	s4 =	simm.s32 $_size__tile_overlayer_lowered;
	s5 =	simm.s32 $_tile_overlayer_lowered  }
0x9b: {  	s6 =	simm.s32 $0x1BFF;
	s21 =	sshll.u32 s5, $0x1;
	s3 =	sadd.s32 s20, s19  }
0x9c: {  	s22 =	simm.s32 $0x0;
	s4 =	sshll.u32 s4, $0x1;
	s5 =	sadd.s32 s21, s3  }
0x9d: {  	[timem:s22], [sflag:s6] =	dma.local [hbm:s5], s4  }
0x9e: {  	_ =	swait.ge [sflag:s6], s4  }
0x9f: {  	s4 =	ssub.s32 $0x0, s4;
	[sflag:s6] =	ssyncset.done $0x0  }
0xa0: {  	[sflag:s6] =	ssyncadd.s32 s4;
	_ =	sdelay $0x1  }
0xa1: {  	s23 =	simm.s32 $0x1B8B  }
0xa2: {  	_ =	swait.ge [sflag:s23], $0x1  }
0xa3: {  	[sflag:s23] =	ssyncset.done $0x0  }
0xa4: {  	[sflag:s23] =	ssyncadd.s32 $0xFFFFFFFF  }
0xa5: {  	s4 =	sld [smem:$0x0]  }
0xa6: {  	s5 =	sand.u32 $0xFFFFFFFE, s1  }
0xa7: {  	p0 =	sne.s32 s1, s5  }
0xa8: {  	s5 =	sshll.u32 @p0 s5, $0xE  }
0xa9: {  	s5 =	sadd.s32 @p0 $0x11B8D, s5;
	s6 =	sshll.u32 @p0 s4, $0x11  }
0xaa: {  	s5 =	sor.u32 @p0 s6, s5  }
0xab: {  	[sflag:s5] =	ssyncadd.remote.s32 @p0 $0x1;
	_ =	sdelay $0x1  }
0xac: {  	s5 =	simm.s32 @p0 $0x1B8D  }
0xad: {  	_ =	swait.eq @p0 [sflag:s5], $0x1  }
0xae: {  	[sflag:s5] =	ssyncadd.s32 @p0 $0xFFFFFFFF  }
0xaf: {  	s6 =	sshll.u32 @!p0 s1, $0xE  }
0xb0: {  	s6 =	sor.u32 @!p0 $0x4000, s6;
	s5 =	simm.s32 @!p0 $0x1B8D  }
0xb1: {  	s4 =	sshll.u32 @!p0 s4, $0x11;
	s6 =	sadd.s32 @!p0 $0x11B8D, s6;
	_ =	swait.eq @!p0 [sflag:s5], $0x1  }
0xb2: {  	s4 =	sor.u32 @!p0 s4, s6;
	[sflag:s5] =	ssyncadd.s32 @!p0 $0xFFFFFFFF  }
0xb3: {  	s25 =	simm.s32 $0x1B8E;
	s24 =	sld [smem:$0x3FFE];
	[sflag:s4] =	ssyncadd.remote.s32 @!p0 $0x1  }
0xb4: {  	s26 =	simm.s32 $execute0_lowered;
	[smem:$0x3FD2] =	sst s25  }
0xb5: {  	s5 =	sshll.u32 s26, $0x1;
	_ =	strace $0x80000055;
	[dreg:$0x1] =	wrdreg $0xFFFFFFFF  }
0xb6: {  	s28 =	simm.s32 $_size_execute0_lowered;
	s3 =	sadd.s32 s3, s5;
	[dreg:$0x0] =	wrdreg $0x0  }
0xb7: {  	s5 =	sshll.u32 s28, $0x1;
	[dreg:$0x2] =	wrdreg s3  }
0xb8: {  	[dreg:$0x3] =	wrdreg s5  }
0xb9: {  	[dreg:$0x4] =	wrdreg $0xC0  }
0xba: {  	_ =	task [dreg:s22], $0x5FFFF  }
0xbb: {  	[dreg:$0x1] =	wrdreg $0xFFFFFFFF  }
0xbc: {  	[dreg:$0x0] =	wrdreg $0x60  }
0xbd: {  	[dreg:$0x2] =	wrdreg s24  }
0xbe: {  	[dreg:$0x3] =	wrdreg $0x65000  }
0xbf: {  	[dreg:$0x4] =	wrdreg $0x9  }
0xc0: {  	_ =	task.clear_ibuf [dreg:s22], $0x5FFFF;
	_ =	strace $0x90000055  }
0xc1: {  	s29 =	simm.s32 $0x9;
	_ =	strace $0x80000057  }
0xc2: {  	_ =	swait.ge [sflag:s29], $0x1  }
0xc3: {  	[sflag:s29] =	ssyncadd.s32 $0xFFFFFFFF  }
0xc4: {  	_ =	strace $0x90000057  }
0xc5: {  	_ =	sfence  }
0xc6: {  	s30 =	sld [smem:$0x0];
	_ =	sdelay $0x2  }
0xc7: {  	s31 =	sshll.u32 s1, $0xD;
	s1 =	sshrl.u32 s1, $0x2  }
0xc8: {  	s4 =	sand.u32 $0x4000, s31;
	s1 =	sadd.s32 s1, s30  }
0xc9: {  	s0 =	sor.u32 s4, s0;
	s1 =	sshll.u32 s1, $0x11  }
0xca: {  	s0 =	sor.u32 s1, s0  }
0xcb: {  	s0 =	sadd.s32 $0x8F2B, s0  }
0xcc: {  	[sflag:s0] =	ssyncadd.remote.s32 $0x1  }
0xcd: {  	_ =	sfence.sel $0xFFFF  }
0xce: {  	[dreg:$0x0] =	wrdreg $0xFFFFFFFF;
	(pc) =	sbr.abs _section_cstart, $3  }
0xcf: {  	[dreg:$0x1] =	wrdreg $0xFFFFFFFF  }
0xd0: {  	_ =	task.clear_ibuf [dreg:s22], $0x2FFFF;
	_ =	strace $0x9FFFFFFF  }
0xd1: {  	(tm) =	ssettm $0x7FFFFFFF  }
tec
execute0_lowered:
.L_overlay_start_1:
0x0: {  	(tag) =	ssettag $0x1  }
0x1: {  	s4 =	rddreg [dreg:$0x0]  }
0x2: {  	s2 =	rddreg [dreg:$0x1];
	s1 =	stileid.u32  }
0x3: {  	s0 =	rddreg [dreg:$0x2];
	s3 =	simm.s32 $0x0;
	s5 =	smul.u32 $0x4E200, s1  }
0x4: {  	s7 =	srdreg.scid;
	s17 =	simm.s32 $0xC8;
	s6 =	smul.u32 $0x271, s1  }
0x5: {  	s18 =	simm.s32 $0x0;
	[smem:$0x7FF] =	sst s3;
	s8 =	smul.u32 $0x14000, s1  }
0x6: {  	s7 =	sand.u32 $0x1, s7;
	s12 =	smul.u32 $0x50000, s1;
	s13 =	sadd.s32 $0x6A00, s4  }
0x7: {  	s15 =	sshll.u32 s1, $0x6;
	_ =	strace $0x80000056;
	s24 =	ssub.s32 $0x2, s7  }
0x8: {  	s28 =	smul.u32 $0x280000, s7;
	s29 =	sshllo.u32 s7, $0x1;
	s7 =	sshll.u32 s7, $0x8  }
0x9: {  	s9 =	sadd.s32 s5, s4;
	s10 =	sadd.s32 s6, s4;
	s25 =	sshrl.u32 s8, $0x3  }
0xa: {  	s11 =	sshrl.u32 s24, $0x1;
	s26 =	sshrl.u32 s12, $0x2;
	s16 =	smul.u32 $0x140000, s29  }
0xb: {  	s5 =	sor.u32 $0x1C01, s15;
	s15 =	simm.s32 $0x1000;
	s6 =	sadd.s32 s25, s4  }
0xc: {  	s11 =	ssub.s32 s24, s11;
	s14 =	sadd.s32 s26, s2;
	s30 =	sadd.s32 s8, s28  }
0xd: {  	s31 =	sadd.s32 s7, s9;
	s10 =	sadd.s32 $0x800200, s10;
	s4 =	sadd.s32 $0xB1A00, s6  }
0xe: {  	s6 =	sshrl.u32 s30, $0x3;
	s8 =	sadd.s32 s8, s16;
	s9 =	sadd.s32 $0x16A6200, s31  }
0xf: {  	s12 =	sshrl.u32 s14, $0x3;
	s14 =	simm.s32 $0x400;
	s8 =	sshrl.u32 s8, $0x3  }
0x10: {  	s16 =	simm.s32 $0x100;
	s6 =	sadd.s32 s13, s6;
	s7 =	sadd.s32 s13, s8  }
0x11: {  	s8 =	smax.u32 s11, $0x1;
	s11 =	sadd.s32 $0x16A6280, s31;
	s13 =	simm.s32 $0x1  }
.LBB2_1:
0x12: {  	[spmem:s12], [sflag:s5] =	dma.local [hbm:s4], $0x2800  }
0x13: {  	_ =	swait.ge [sflag:s13], $0x2800  }
0x14: {  	[sflag:s13] =	ssyncset.done $0x0  }
0x15: {  	[sflag:s13] =	ssyncadd.s32 $0xFFFFD800  }
0x16: {  	s19 =	sadd.s32 $0x0, s10;
	[bflag:$0x0] =	sbarrier.arrive $0xFFFF  }
0x17: {  	[tilespmem:s3], [sflag:$0x1] =	stream.linear.gather [hbm4b:s19+s3], $0xC8, $0x38;
	[tilespmem:$0x1A500] =	vst v63  }
0x18: {  	_ =	swait.ge [sflag:s13], $0xC8  }
0x19: {  	[sflag:s13] =	ssyncset.done $0x0  }
0x1a: {  	[sflag:s13] =	ssyncadd.s32 $0xFFFFFF38  }
0x1b: {  	[tilespmem:s16], [sflag:$0x1] =	stream.strided.gather [hbm4b:s9+s14], $0x6400, s15, s14, $0x38;
	[tilespmem:$0x1A500] =	vst v63  }
0x1c: {  	_ =	swait.ge [sflag:s13], $0x6400  }
0x1d: {  	[sflag:s13] =	ssyncset.done $0x0  }
0x1e: {  	[sflag:s13] =	ssyncadd.s32 $0xFFFF9C00  }
0x1f: {  	[spmem:s2] =	stream.indirect.scatter.add.f32 [tilespmem:s16], [sflag:$0x1], $0x80, s3, s17, $0xb8;
	[tilespmem:$0x1A500] =	vst v63  }
0x20: {  	s20 =	simm.s32 $0x19;
	_ =	swait.ge [sflag:s13], $0x6400  }
0x21: {  	s21 =	simm.s32 $0x32;
	s19 =	sadd.s32 $0x3200, s9;
	[sflag:s13] =	ssyncset.done $0x0  }
.LBB2_2:
0x22: {  	s22 =	sadd.s32 s20, s10  }
0x23: {  	[sflag:s13] =	ssyncadd.s32 $0xFFFF9C00;
	s20 =	smov.u32 s21;
	s23 =	sadd.s32 $0x19, s21  }
0x24: {  	[tilespmem:s3], [sflag:$0x1] =	stream.linear.gather [hbm4b:s22+s3], $0xC8, $0x38;
	[tilespmem:$0x1A500] =	vst v63  }
0x25: {  	p0 =	sne.s32 s21, $0x258;
	_ =	swait.ge [sflag:s13], $0xC8  }
0x26: {  	[sflag:s13] =	ssyncset.done $0x0  }
0x27: {  	[sflag:s13] =	ssyncadd.s32 $0xFFFFFF38  }
0x28: {  	[tilespmem:s16], [sflag:$0x1] =	stream.strided.gather [hbm4b:s19+s14], $0x6400, s15, s14, $0x38;
	[tilespmem:$0x1A500] =	vst v63  }
0x29: {  	_ =	swait.ge [sflag:s13], $0x6400  }
.Ltmp0:
0x2a: {  	[sflag:s13] =	ssyncset.done $0x0;
	(pc) =	sbr.rel @p0 .LBB2_2-.Ltmp0, $4  }
0x2b: {  	[sflag:s13] =	ssyncadd.s32 $0xFFFF9C00  }
0x2c: {  	[spmem:s2] =	stream.indirect.scatter.add.f32 [tilespmem:s16], [sflag:$0x1], $0x80, s3, s17, $0xb8;
	[tilespmem:$0x1A500] =	vst v63  }
0x2d: {  	_ =	swait.ge [sflag:s13], $0x6400  }
0x2e: {  	s21 =	smov.u32 s23;
	s19 =	sadd.s32 $0x3200, s19;
	[sflag:s13] =	ssyncset.done $0x0  }
0x2f: {  	s20 =	sadd.s32 s20, s10;
	[sflag:s13] =	ssyncadd.s32 $0xFFFF9C00  }
0x30: {  	[tilespmem:s3], [sflag:$0x1] =	stream.linear.gather [hbm4b:s20+s3], $0xC8, $0x38;
	[tilespmem:$0x1A500] =	vst v63  }
0x31: {  	_ =	swait.ge [sflag:s13], $0xC8  }
0x32: {  	[sflag:s13] =	ssyncset.done $0x0  }
0x33: {  	[sflag:s13] =	ssyncadd.s32 $0xFFFFFF38  }
0x34: {  	[tilespmem:s16], [sflag:$0x1] =	stream.strided.gather [hbm4b:s19+s14], $0x6400, s15, s14, $0x38;
	[tilespmem:$0x1A500] =	vst v63  }
0x35: {  	_ =	swait.ge [sflag:s13], $0x6400  }
0x36: {  	[sflag:s13] =	ssyncset.done $0x0  }
0x37: {  	[sflag:s13] =	ssyncadd.s32 $0xFFFF9C00  }
0x38: {  	[spmem:s2] =	stream.indirect.scatter.add.f32 [tilespmem:s16], [sflag:$0x1], $0x80, s3, s17, $0xb8;
	[tilespmem:$0x1A500] =	vst v63  }
0x39: {  	_ =	swait.ge [sflag:s13], $0x6400  }
0x3a: {  	[sflag:s13] =	ssyncset.done $0x0  }
0x3b: {  	[sflag:s13] =	ssyncadd.s32 $0xFFFF9C00  }
0x3c: {  	[bflag:$0x0] =	sbarrier.arrive $0xFFFF  }
0x3d: {  	[hbm:s6], [sflag:s5] =	dma.local [spmem:s12], $0x2800  }
0x3e: {  	_ =	swait.ge [sflag:s13], $0x2800  }
0x3f: {  	[sflag:s13] =	ssyncset.done $0x0  }
0x40: {  	[sflag:s13] =	ssyncadd.s32 $0xFFFFD800  }
0x41: {  	[bflag:$0x0] =	sbarrier.arrive $0xFFFF  }
0x42: {  	[spmem:s12], [sflag:s5] =	dma.local [hbm:s4], $0x2800  }
0x43: {  	_ =	swait.ge [sflag:s13], $0x2800  }
0x44: {  	[sflag:s13] =	ssyncset.done $0x0  }
0x45: {  	[sflag:s13] =	ssyncadd.s32 $0xFFFFD800  }
0x46: {  	s31 =	sadd.s32 $0x0, s10;
	[bflag:$0x0] =	sbarrier.arrive $0xFFFF  }
0x47: {  	[tilespmem:s3], [sflag:$0x1] =	stream.linear.gather [hbm4b:s31+s3], $0xC8, $0x38;
	[tilespmem:$0x1A500] =	vst v63  }
0x48: {  	_ =	swait.ge [sflag:s13], $0xC8  }
0x49: {  	[sflag:s13] =	ssyncset.done $0x0  }
0x4a: {  	[sflag:s13] =	ssyncadd.s32 $0xFFFFFF38  }
0x4b: {  	[tilespmem:s16], [sflag:$0x1] =	stream.strided.gather [hbm4b:s11+s14], $0x6400, s15, s14, $0x38;
	[tilespmem:$0x1A500] =	vst v63  }
0x4c: {  	_ =	swait.ge [sflag:s13], $0x6400  }
0x4d: {  	[sflag:s13] =	ssyncset.done $0x0  }
0x4e: {  	[sflag:s13] =	ssyncadd.s32 $0xFFFF9C00  }
0x4f: {  	[spmem:s2] =	stream.indirect.scatter.add.f32 [tilespmem:s16], [sflag:$0x1], $0x80, s3, s17, $0xb8;
	[tilespmem:$0x1A500] =	vst v63  }
0x50: {  	s21 =	simm.s32 $0x32;
	_ =	swait.ge [sflag:s13], $0x6400  }
0x51: {  	s20 =	simm.s32 $0x19;
	s19 =	sadd.s32 $0x3200, s11;
	[sflag:s13] =	ssyncset.done $0x0  }
.LBB2_4:
0x52: {  	s22 =	sadd.s32 s20, s10  }
0x53: {  	[sflag:s13] =	ssyncadd.s32 $0xFFFF9C00;
	s20 =	smov.u32 s21;
	s23 =	sadd.s32 $0x19, s21  }
0x54: {  	[tilespmem:s3], [sflag:$0x1] =	stream.linear.gather [hbm4b:s22+s3], $0xC8, $0x38;
	[tilespmem:$0x1A500] =	vst v63  }
0x55: {  	p0 =	sne.s32 s21, $0x258;
	_ =	swait.ge [sflag:s13], $0xC8  }
0x56: {  	[sflag:s13] =	ssyncset.done $0x0  }
0x57: {  	[sflag:s13] =	ssyncadd.s32 $0xFFFFFF38  }
0x58: {  	[tilespmem:s16], [sflag:$0x1] =	stream.strided.gather [hbm4b:s19+s14], $0x6400, s15, s14, $0x38;
	[tilespmem:$0x1A500] =	vst v63  }
0x59: {  	_ =	swait.ge [sflag:s13], $0x6400  }
.Ltmp1:
0x5a: {  	[sflag:s13] =	ssyncset.done $0x0;
	(pc) =	sbr.rel @p0 .LBB2_4-.Ltmp1, $4  }
0x5b: {  	[sflag:s13] =	ssyncadd.s32 $0xFFFF9C00  }
0x5c: {  	[spmem:s2] =	stream.indirect.scatter.add.f32 [tilespmem:s16], [sflag:$0x1], $0x80, s3, s17, $0xb8;
	[tilespmem:$0x1A500] =	vst v63  }
0x5d: {  	_ =	swait.ge [sflag:s13], $0x6400  }
0x5e: {  	s21 =	smov.u32 s23;
	s19 =	sadd.s32 $0x3200, s19;
	[sflag:s13] =	ssyncset.done $0x0  }
0x5f: {  	s20 =	sadd.s32 s20, s10;
	[sflag:s13] =	ssyncadd.s32 $0xFFFF9C00  }
0x60: {  	[tilespmem:s3], [sflag:$0x1] =	stream.linear.gather [hbm4b:s20+s3], $0xC8, $0x38;
	[tilespmem:$0x1A500] =	vst v63  }
0x61: {  	_ =	swait.ge [sflag:s13], $0xC8  }
0x62: {  	[sflag:s13] =	ssyncset.done $0x0  }
0x63: {  	[sflag:s13] =	ssyncadd.s32 $0xFFFFFF38  }
0x64: {  	[tilespmem:s16], [sflag:$0x1] =	stream.strided.gather [hbm4b:s19+s14], $0x6400, s15, s14, $0x38;
	[tilespmem:$0x1A500] =	vst v63  }
0x65: {  	_ =	swait.ge [sflag:s13], $0x6400  }
0x66: {  	[sflag:s13] =	ssyncset.done $0x0  }
0x67: {  	[sflag:s13] =	ssyncadd.s32 $0xFFFF9C00  }
0x68: {  	[spmem:s2] =	stream.indirect.scatter.add.f32 [tilespmem:s16], [sflag:$0x1], $0x80, s3, s17, $0xb8;
	[tilespmem:$0x1A500] =	vst v63  }
0x69: {  	_ =	swait.ge [sflag:s13], $0x6400  }
0x6a: {  	[sflag:s13] =	ssyncset.done $0x0  }
0x6b: {  	s18 =	sadd.s32 $0x1, s18;
	[sflag:s13] =	ssyncadd.s32 $0xFFFF9C00  }
0x6c: {  	p0 =	sne.s32 s18, s8;
	[bflag:$0x0] =	sbarrier.arrive $0xFFFF  }
0x6d: {  	[hbm:s7], [sflag:s5] =	dma.local [spmem:s12], $0x2800  }
.Ltmp2:
0x6e: {  	_ =	swait.ge [sflag:s13], $0x2800;
	(pc) =	sbr.rel @p0 .LBB2_1-.Ltmp2, $3  }
0x6f: {  	[sflag:s13] =	ssyncset.done $0x0  }
0x70: {  	[sflag:s13] =	ssyncadd.s32 $0xFFFFD800  }
0x71: {  	[bflag:$0x0] =	sbarrier.arrive $0xFFFF;
	_ =	sdelay $0x1  }
0x72: {  	_ =	sfence.sel $0x180000  }
0x73: {  	[bflag:$0x0] =	sbarrier.arrive $0xFFFF  }
0x74: {  	p0 =	sne.s32 s1, $0x0;
	_ =	strace $0x90000056  }
0x75: {  	s0 =	sadd.s32 @!p0 $0x100000, s0;
	[bflag:$0x2] =	sbarrier.arrive $0xFFFF  }
0x76: {  	[sflag:s0] =	ssyncadd.tile.s32 @!p0 $0x1;
	_ =	shalt  }
.Lfunc_end2:
_tile_overlayer_lowered:
.L_overlay_start_2:
0x77: {  	(tag) =	ssettag $0x2  }
0x78: {  	s0 =	rddreg [dreg:$0x0];
	s2 =	stileid.u32  }
0x79: {  	s1 =	rddreg [dreg:$0x1];
	p0 =	sne.s32 s2, $0x0  }
0x7a: {  	s3 =	rddreg [dreg:$0x2];
	[bflag:$0x3] =	sbarrier.arrive $0xFFFF;
	s2 =	simm.s32 @!p0 $0x1C01  }
0x7b: {  	[timem:s3], [sflag:s2] =	dma.local @!p0 [hbm:s0], s1  }
0x7c: {  	s0 =	simm.s32 @!p0 $0x1  }
0x7d: {  	_ =	swait.ge @!p0 [sflag:s0], s1  }
0x7e: {  	s1 =	ssub.s32 @!p0 $0x0, s1;
	[sflag:s0] =	ssyncset.done @!p0 $0x0  }
0x7f: {  	[sflag:s0] =	ssyncadd.s32 @!p0 s1  }
0x80: {  	[bflag:$0x3] =	sbarrier.arrive $0xFFFF  }
0x81: {  	_ =	shalt  }

// kernel: kernel.30.cloned.1.call-start
scs
__scs_entry_jumppad:
0x0: {  	(pc) =	sbr.rel $0x88, $3  }
0x1: {  	(tag) =	ssettag $0x0;
	lr =	simm.s32 $0x1  }
0x2: {  	[smem:$0x3F8A] =	sst lr;
	_ =	strace $0xD0000000  }
0x3: {  	_ = 	snop  }
0x4: {  	_ = 	snop  }
0x5: {  	_ = 	snop  }
0x6: {  	_ = 	snop  }
0x7: {  	_ = 	snop  }
__scs_overlays_trampoline_lowered:
0x8: {  	[smem:$0x3F99] =	sst s0  }
0x9: {  	[smem:$0x3F9A] =	sst s1  }
0xa: {  	[smem:$0x3F9B] =	sst s2  }
0xb: {  	[smem:$0x3F9C] =	sst s3  }
0xc: {  	[smem:$0x3F9D] =	sst s4  }
0xd: {  	[smem:$0x3F9E] =	sst s5  }
0xe: {  	[smem:$0x3F9F] =	sst s6  }
0xf: {  	[smem:$0x3FA0] =	sst s7  }
0x10: {  	[smem:$0x3FA1] =	sst s8  }
0x11: {  	[smem:$0x3FA2] =	sst s9;
	s0 =	simm.s32 @!p0 $0x0  }
0x12: {  	s1 =	sld [smem:$0x3F88];
	s0 =	simm.s32 @p0 $0x1  }
0x13: {  	[smem:$0x3FA3] =	sst s0;
	s0 =	simm.s32 @!p1 $0x0  }
0x14: {  	s2 =	sld [smem:$0x3F87];
	s0 =	simm.s32 @p1 $0x1  }
0x15: {  	[smem:$0x3FA4] =	sst s0;
	s0 =	simm.s32 @!p2 $0x0  }
0x16: {  	s3 =	sld [smem:$0x3FDB];
	s0 =	simm.s32 @p2 $0x1  }
0x17: {  	s4 =	simm.s32 $0x1BF5;
	[smem:$0x3FA6] =	sst s0  }
0x18: {  	s0 =	sld [smem:$0x3F89];
	_ =	swait.ge [sflag:s4], $0x0  }
0x19: {  	s7 =	sld [smem:$0x3F8A]  }
0x1a: {  	s8 =	sadd.s32 $0xFFFFE003, lr  }
0x1b: {  	s9 =	sadd.s32 $0xFFFFFEF7, lr;
	s5 =	simm.s32 $0xFFFFFFFF;
	p2 =	slt.u32 s8, $0xFFFFF086  }
0x1c: {  	p1 =	slt.u32 s9, $0xF7A;
	s5 =	simm.s32 @!p2 $0x0  }
0x1d: {  	s5 =	simm.s32 @p1 $0x1;
	p0 =	seq.s32 s7, s2  }
0x1e: {  	s7 =	smul.u32 @!p0 $0xF7A, s2;
	p2 =	seq.s32 @!p0 s5, $0x0  }
0x1f: {  	s9 =	smul.u32 $0xF7A, s1;
	s8 =	simm.s32 @!p0 $0x1BF5;
	p2 =	por !p2, p0  }
0x20: {  	[sflag:s8] =	ssyncset.s32 @!p0 $0xFFFFF086;
	s6 =	sadd.s32 @!p0 s3, s7;
	s7 =	simm.s32 @!p0 $0x108  }
0x21: {  	s3 =	sadd.s32 s3, s9;
	s6 =	sadd.s32 @!p0 $0x88, s6;
	s7 =	simm.s32 @p2 $0x1082  }
0x22: {  	[simem:s7], [sflag:s8] =	dma.local @!p0 [hbm:s6], $0xF7A  }
0x23: {  	s9 =	sor.u32 $0xD0000000, s2;
	s6 =	simm.s32 $0x108;
	_ =	swait.ge @!p0 [sflag:s8], $0x0  }
0x24: {  	s3 =	sadd.s32 $0x88, s3;
	s6 =	simm.s32 @!p1 $0x1082;
	[sflag:s4] =	ssyncset.s32 $0xFFFFF086  }
0x25: {  	[simem:s6], [sflag:s4] =	dma.local [hbm:s3], $0xF7A  }
0x26: {  	[smem:$0x3F8A] =	sst s1;
	(tag) =	ssettag s2;
	_ =	strace s9  }
0x27: {  	s1 =	sld [smem:$0x3F9A]  }
0x28: {  	s2 =	sld [smem:$0x3F9B]  }
0x29: {  	s4 =	sld [smem:$0x3F9D]  }
0x2a: {  	p0 =	seq.s32 s5, $0x0;
	s5 =	sld [smem:$0x3F9E]  }
0x2b: {  	s6 =	sld [smem:$0x3F9F]  }
0x2c: {  	s7 =	sld [smem:$0x3FA0]  }
0x2d: {  	s3 =	simm.s32 $0x108;
	s8 =	sld [smem:$0x3FA1]  }
0x2e: {  	s3 =	simm.s32 @!p0 $0x1082;
	s9 =	sld [smem:$0x3FA2]  }
0x2f: {  	lr =	sadd.s32 s0, s3;
	s0 =	sld [smem:$0x3F99]  }
0x30: {  	s3 =	sld [smem:$0x3F9C]  }
0x31: {  	[smem:$0x3FA5] =	sst s10  }
0x32: {  	s10 =	sld [smem:$0x3FA3];
	_ =	sdelay $0x3  }
0x33: {  	p0 =	seq.s32 s10, $0x1;
	s10 =	sld [smem:$0x3FA5];
	_ =	sdelay $0x3  }
0x34: {  	[smem:$0x3FA5] =	sst s10  }
0x35: {  	s10 =	sld [smem:$0x3FA4];
	_ =	sdelay $0x3  }
0x36: {  	p1 =	seq.s32 s10, $0x1;
	s10 =	sld [smem:$0x3FA5];
	_ =	sdelay $0x3  }
0x37: {  	[smem:$0x3FA5] =	sst s10  }
0x38: {  	s10 =	sld [smem:$0x3FA6]  }
0x39: {  	_ = 	snop;
	(pc) =	sbr.ind lr, $3  }
0x3a: {  	_ = 	snop  }
0x3b: {  	_ = 	snop  }
0x3c: {  	p2 =	seq.s32 s10, $0x1;
	s10 =	sld [smem:$0x3FA5]  }
0x3d: {  	_ =	shalt  }
0x3e: {  	_ =	shalt  }
0x3f: {  	_ =	shalt  }
0x40: {  	_ =	shalt  }
0x41: {  	_ =	shalt  }
0x42: {  	_ =	shalt  }
0x43: {  	_ =	shalt  }
0x44: {  	_ =	shalt  }
0x45: {  	_ =	shalt  }
0x46: {  	_ =	shalt  }
0x47: {  	_ =	shalt  }
0x48: {  	_ =	shalt  }
0x49: {  	_ =	shalt  }
0x4a: {  	_ =	shalt  }
0x4b: {  	_ =	shalt  }
0x4c: {  	_ =	shalt  }
0x4d: {  	_ =	shalt  }
0x4e: {  	_ =	shalt  }
0x4f: {  	_ =	shalt  }
0x50: {  	_ =	shalt  }
0x51: {  	_ =	shalt  }
0x52: {  	_ =	shalt  }
0x53: {  	_ =	shalt  }
0x54: {  	_ =	shalt  }
0x55: {  	_ =	shalt  }
0x56: {  	_ =	shalt  }
0x57: {  	_ =	shalt  }
0x58: {  	_ =	shalt  }
0x59: {  	_ =	shalt  }
0x5a: {  	_ =	shalt  }
0x5b: {  	_ =	shalt  }
0x5c: {  	_ =	shalt  }
0x5d: {  	_ =	shalt  }
0x5e: {  	_ =	shalt  }
0x5f: {  	_ =	shalt  }
0x60: {  	_ =	shalt  }
0x61: {  	_ =	shalt  }
0x62: {  	_ =	shalt  }
0x63: {  	_ =	shalt  }
0x64: {  	_ =	shalt  }
0x65: {  	_ =	shalt  }
0x66: {  	_ =	shalt  }
0x67: {  	_ =	shalt  }
0x68: {  	_ =	shalt  }
0x69: {  	_ =	shalt  }
0x6a: {  	_ =	shalt  }
0x6b: {  	_ =	shalt  }
0x6c: {  	_ =	shalt  }
0x6d: {  	_ =	shalt  }
0x6e: {  	_ =	shalt  }
0x6f: {  	_ =	shalt  }
0x70: {  	_ =	shalt  }
0x71: {  	_ =	shalt  }
0x72: {  	_ =	shalt  }
0x73: {  	_ =	shalt  }
0x74: {  	_ =	shalt  }
0x75: {  	_ =	shalt  }
0x76: {  	_ =	shalt  }
0x77: {  	_ =	shalt  }
0x78: {  	_ =	shalt  }
0x79: {  	_ =	shalt  }
0x7a: {  	_ =	shalt  }
0x7b: {  	_ =	shalt  }
0x7c: {  	_ =	shalt  }
0x7d: {  	_ =	shalt  }
0x7e: {  	_ =	shalt  }
0x7f: {  	_ =	shalt  }
0x80: {  	_ =	shalt  }
0x81: {  	_ =	shalt  }
0x82: {  	_ =	shalt  }
0x83: {  	_ =	shalt  }
0x84: {  	_ =	shalt  }
0x85: {  	_ =	shalt  }
0x86: {  	_ =	shalt  }
0x87: {  	_ =	shalt  }
.Lfunc_end0:
.L_simem_size_0:
called_computation.5_lowered:
.L_overlay_start_0:
0x88: {  	s2 =	sld [smem:$0x3FD9]  }
0x89: {  	s3 =	sld [smem:$0x3FFE];
	_ =	sdelay $0x1  }
0x8a: {  	s1 =	srdreg.scid  }
0x8b: {  	s0 =	sand.u32 $0x1, s1  }
0x8c: {  	s16 =	sshll.u32 s0, $0xA;
	s2 =	sadd.s32 s3, s2  }
0x8d: {  	s2 =	sadd.s32 s2, s16  }
0x8e: {  	[smem:$0x3FB1] =	sst s2  }
0x8f: {  	_ = 	snop  }
0x90: {  	(tm) =	ssettm $0x1  }
0x91: {  	s17 =	sld [smem:$0x3FFB];
	_ =	sdelay $0x3  }
0x92: {  	_ =	strace s17  }
0x93: {  	s2 =	sld [smem:$0x3FFC];
	_ =	sdelay $0x3  }
0x94: {  	_ =	strace s2  }
0x95: {  	s2 =	sld [smem:$0x3FFD];
	_ =	sdelay $0x3  }
0x96: {  	_ =	strace s2  }
0x97: {  	_ =	strace $0x8FFFFFFF  }
0x98: {  	s18 =	sld [smem:$0x3FDB];
	_ =	sdelay $0x1  }
0x99: {  	s19 =	simm.s32 $_scs_section_size  }
0x9a: {  	s4 =	simm.s32 $_size__tile_overlayer_lowered;
	s5 =	simm.s32 $_tile_overlayer_lowered  }
0x9b: {  	s22 =	simm.s32 $0x1BFF;
	s21 =	sshll.u32 s5, $0x1;
	s2 =	sadd.s32 s19, s18  }
0x9c: {  	s6 =	simm.s32 $0x0;
	s20 =	sshll.u32 s4, $0x1;
	s4 =	sadd.s32 s21, s2  }
0x9d: {  	[timem:s6], [sflag:s22] =	dma.local [hbm:s4], s20  }
0x9e: {  	_ =	swait.ge [sflag:s22], s20  }
0x9f: {  	s3 =	ssub.s32 $0x0, s20;
	[sflag:s22] =	ssyncset.done $0x0  }
0xa0: {  	[sflag:s22] =	ssyncadd.s32 s3;
	_ =	sdelay $0x1  }
0xa1: {  	s23 =	simm.s32 $0x1B8B  }
0xa2: {  	_ =	swait.ge [sflag:s23], $0x1  }
0xa3: {  	[sflag:s23] =	ssyncset.done $0x0  }
0xa4: {  	s25 =	simm.s32 $0x1B8E;
	s24 =	sld [smem:$0x3FFE];
	[sflag:s23] =	ssyncadd.s32 $0xFFFFFFFF  }
0xa5: {  	s26 =	simm.s32 $execute0_lowered;
	[smem:$0x3FD2] =	sst s25  }
0xa6: {  	s4 =	sshll.u32 s26, $0x1;
	_ =	strace $0x80000052;
	[dreg:$0x1] =	wrdreg $0xFFFFFFFF  }
0xa7: {  	s28 =	simm.s32 $_size_execute0_lowered;
	s2 =	sadd.s32 s2, s4;
	[dreg:$0x0] =	wrdreg $0x0  }
0xa8: {  	s4 =	sshll.u32 s28, $0x1;
	[dreg:$0x2] =	wrdreg s2  }
0xa9: {  	[dreg:$0x3] =	wrdreg s4  }
0xaa: {  	[dreg:$0x4] =	wrdreg $0xC0  }
0xab: {  	_ =	task [dreg:s6], $0x5FFFF  }
0xac: {  	[dreg:$0x1] =	wrdreg $0xFFFFFFFF  }
0xad: {  	[dreg:$0x0] =	wrdreg $0x60  }
0xae: {  	[dreg:$0x2] =	wrdreg s24  }
0xaf: {  	[dreg:$0x3] =	wrdreg $0x65000  }
0xb0: {  	[dreg:$0x4] =	wrdreg $0xA  }
0xb1: {  	_ =	task.clear_ibuf [dreg:s6], $0x5FFFF;
	_ =	strace $0x90000052  }
0xb2: {  	s29 =	simm.s32 $0xA;
	_ =	strace $0x80000054  }
0xb3: {  	_ =	swait.ge [sflag:s29], $0x1  }
0xb4: {  	[sflag:s29] =	ssyncadd.s32 $0xFFFFFFFF  }
0xb5: {  	_ =	strace $0x90000054  }
0xb6: {  	_ =	sfence  }
0xb7: {  	s30 =	sld [smem:$0x0];
	_ =	sdelay $0x2  }
0xb8: {  	s31 =	sshll.u32 s1, $0xD;
	s1 =	sshrl.u32 s1, $0x2  }
0xb9: {  	s3 =	sand.u32 $0x4000, s31;
	s1 =	sadd.s32 s1, s30  }
0xba: {  	s0 =	sor.u32 s3, s0;
	s1 =	sshll.u32 s1, $0x11  }
0xbb: {  	s0 =	sor.u32 s1, s0  }
0xbc: {  	s0 =	sadd.s32 $0x8F2B, s0  }
0xbd: {  	[sflag:s0] =	ssyncadd.remote.s32 $0x1  }
0xbe: {  	_ =	sfence.sel $0xFFFF  }
0xbf: {  	[dreg:$0x0] =	wrdreg $0xFFFFFFFF;
	(pc) =	sbr.abs _section_cstart, $3  }
0xc0: {  	[dreg:$0x1] =	wrdreg $0xFFFFFFFF  }
0xc1: {  	_ =	task.clear_ibuf [dreg:s6], $0x2FFFF;
	_ =	strace $0x9FFFFFFF  }
0xc2: {  	(tm) =	ssettm $0x7FFFFFFF  }
0xc3: {  	_ =	shalt  }
tec
execute0_lowered:
.L_overlay_start_1:
0x0: {  	(tag) =	ssettag $0x1  }
0x1: {  	s4 =	rddreg [dreg:$0x0]  }
0x2: {  	s2 =	rddreg [dreg:$0x1];
	s1 =	stileid.u32  }
0x3: {  	s0 =	rddreg [dreg:$0x2];
	s3 =	simm.s32 $0x0;
	s5 =	smul.u32 $0x4E200, s1  }
0x4: {  	s7 =	srdreg.scid;
	s17 =	simm.s32 $0xC8;
	s6 =	smul.u32 $0x271, s1  }
0x5: {  	s18 =	simm.s32 $0x0;
	[smem:$0x7FF] =	sst s3;
	s8 =	smul.u32 $0x14000, s1  }
0x6: {  	s7 =	sand.u32 $0x1, s7;
	s12 =	smul.u32 $0x50000, s1;
	s13 =	sadd.s32 $0x836600, s4  }
0x7: {  	s15 =	sshll.u32 s1, $0x6;
	_ =	strace $0x80000053;
	s24 =	ssub.s32 $0x2, s7  }
0x8: {  	s28 =	smul.u32 $0x280000, s7;
	s29 =	sshllo.u32 s7, $0x1;
	s7 =	sshll.u32 s7, $0x8  }
0x9: {  	s9 =	sadd.s32 s5, s4;
	s10 =	sadd.s32 s6, s4;
	s25 =	sshrl.u32 s8, $0x3  }
0xa: {  	s11 =	sshrl.u32 s24, $0x1;
	s26 =	sshrl.u32 s12, $0x2;
	s16 =	smul.u32 $0x140000, s29  }
0xb: {  	s5 =	sor.u32 $0x1C01, s15;
	s15 =	simm.s32 $0x1000;
	s6 =	sadd.s32 s25, s4  }
0xc: {  	s11 =	ssub.s32 s24, s11;
	s14 =	sadd.s32 s26, s2;
	s30 =	sadd.s32 s8, s28  }
0xd: {  	s31 =	sadd.s32 s7, s9;
	s10 =	sadd.s32 $0x828200, s10;
	s4 =	sadd.s32 $0xB1A00, s6  }
0xe: {  	s6 =	sshrl.u32 s30, $0x3;
	s8 =	sadd.s32 s8, s16;
	s9 =	sadd.s32 $0x11C4200, s31  }
0xf: {  	s12 =	sshrl.u32 s14, $0x3;
	s14 =	simm.s32 $0x400;
	s8 =	sshrl.u32 s8, $0x3  }
0x10: {  	s16 =	simm.s32 $0x100;
	s6 =	sadd.s32 s13, s6;
	s7 =	sadd.s32 s13, s8  }
0x11: {  	s8 =	smax.u32 s11, $0x1;
	s11 =	sadd.s32 $0x11C4280, s31;
	s13 =	simm.s32 $0x1  }
.LBB2_1:
0x12: {  	[spmem:s12], [sflag:s5] =	dma.local [hbm:s4], $0x2800  }
0x13: {  	_ =	swait.ge [sflag:s13], $0x2800  }
0x14: {  	[sflag:s13] =	ssyncset.done $0x0  }
0x15: {  	[sflag:s13] =	ssyncadd.s32 $0xFFFFD800  }
0x16: {  	s19 =	sadd.s32 $0x0, s10;
	[bflag:$0x0] =	sbarrier.arrive $0xFFFF  }
0x17: {  	[tilespmem:s3], [sflag:$0x1] =	stream.linear.gather [hbm4b:s19+s3], $0xC8, $0x38;
	[tilespmem:$0x1A500] =	vst v63  }
0x18: {  	_ =	swait.ge [sflag:s13], $0xC8  }
0x19: {  	[sflag:s13] =	ssyncset.done $0x0  }
0x1a: {  	[sflag:s13] =	ssyncadd.s32 $0xFFFFFF38  }
0x1b: {  	[tilespmem:s16], [sflag:$0x1] =	stream.strided.gather [hbm4b:s9+s14], $0x6400, s15, s14, $0x38;
	[tilespmem:$0x1A500] =	vst v63  }
0x1c: {  	_ =	swait.ge [sflag:s13], $0x6400  }
0x1d: {  	[sflag:s13] =	ssyncset.done $0x0  }
0x1e: {  	[sflag:s13] =	ssyncadd.s32 $0xFFFF9C00  }
0x1f: {  	[spmem:s2] =	stream.indirect.scatter.add.f32 [tilespmem:s16], [sflag:$0x1], $0x80, s3, s17, $0xb8;
	[tilespmem:$0x1A500] =	vst v63  }
0x20: {  	s20 =	simm.s32 $0x19;
	_ =	swait.ge [sflag:s13], $0x6400  }
0x21: {  	s21 =	simm.s32 $0x32;
	s19 =	sadd.s32 $0x3200, s9;
	[sflag:s13] =	ssyncset.done $0x0  }
.LBB2_2:
0x22: {  	s22 =	sadd.s32 s20, s10  }
0x23: {  	[sflag:s13] =	ssyncadd.s32 $0xFFFF9C00;
	s20 =	smov.u32 s21;
	s23 =	sadd.s32 $0x19, s21  }
0x24: {  	[tilespmem:s3], [sflag:$0x1] =	stream.linear.gather [hbm4b:s22+s3], $0xC8, $0x38;
	[tilespmem:$0x1A500] =	vst v63  }
0x25: {  	p0 =	sne.s32 s21, $0x258;
	_ =	swait.ge [sflag:s13], $0xC8  }
0x26: {  	[sflag:s13] =	ssyncset.done $0x0  }
0x27: {  	[sflag:s13] =	ssyncadd.s32 $0xFFFFFF38  }
0x28: {  	[tilespmem:s16], [sflag:$0x1] =	stream.strided.gather [hbm4b:s19+s14], $0x6400, s15, s14, $0x38;
	[tilespmem:$0x1A500] =	vst v63  }
0x29: {  	_ =	swait.ge [sflag:s13], $0x6400  }
.Ltmp0:
0x2a: {  	[sflag:s13] =	ssyncset.done $0x0;
	(pc) =	sbr.rel @p0 .LBB2_2-.Ltmp0, $4  }
0x2b: {  	[sflag:s13] =	ssyncadd.s32 $0xFFFF9C00  }
0x2c: {  	[spmem:s2] =	stream.indirect.scatter.add.f32 [tilespmem:s16], [sflag:$0x1], $0x80, s3, s17, $0xb8;
	[tilespmem:$0x1A500] =	vst v63  }
0x2d: {  	_ =	swait.ge [sflag:s13], $0x6400  }
0x2e: {  	s21 =	smov.u32 s23;
	s19 =	sadd.s32 $0x3200, s19;
	[sflag:s13] =	ssyncset.done $0x0  }
0x2f: {  	s20 =	sadd.s32 s20, s10;
	[sflag:s13] =	ssyncadd.s32 $0xFFFF9C00  }
0x30: {  	[tilespmem:s3], [sflag:$0x1] =	stream.linear.gather [hbm4b:s20+s3], $0xC8, $0x38;
	[tilespmem:$0x1A500] =	vst v63  }
0x31: {  	_ =	swait.ge [sflag:s13], $0xC8  }
0x32: {  	[sflag:s13] =	ssyncset.done $0x0  }
0x33: {  	[sflag:s13] =	ssyncadd.s32 $0xFFFFFF38  }
0x34: {  	[tilespmem:s16], [sflag:$0x1] =	stream.strided.gather [hbm4b:s19+s14], $0x6400, s15, s14, $0x38;
	[tilespmem:$0x1A500] =	vst v63  }
0x35: {  	_ =	swait.ge [sflag:s13], $0x6400  }
0x36: {  	[sflag:s13] =	ssyncset.done $0x0  }
0x37: {  	[sflag:s13] =	ssyncadd.s32 $0xFFFF9C00  }
0x38: {  	[spmem:s2] =	stream.indirect.scatter.add.f32 [tilespmem:s16], [sflag:$0x1], $0x80, s3, s17, $0xb8;
	[tilespmem:$0x1A500] =	vst v63  }
0x39: {  	_ =	swait.ge [sflag:s13], $0x6400  }
0x3a: {  	[sflag:s13] =	ssyncset.done $0x0  }
0x3b: {  	[sflag:s13] =	ssyncadd.s32 $0xFFFF9C00  }
0x3c: {  	[bflag:$0x0] =	sbarrier.arrive $0xFFFF  }
0x3d: {  	[hbm:s6], [sflag:s5] =	dma.local [spmem:s12], $0x2800  }
0x3e: {  	_ =	swait.ge [sflag:s13], $0x2800  }
0x3f: {  	[sflag:s13] =	ssyncset.done $0x0  }
0x40: {  	[sflag:s13] =	ssyncadd.s32 $0xFFFFD800  }
0x41: {  	[bflag:$0x0] =	sbarrier.arrive $0xFFFF  }
0x42: {  	[spmem:s12], [sflag:s5] =	dma.local [hbm:s4], $0x2800  }
0x43: {  	_ =	swait.ge [sflag:s13], $0x2800  }
0x44: {  	[sflag:s13] =	ssyncset.done $0x0  }
0x45: {  	[sflag:s13] =	ssyncadd.s32 $0xFFFFD800  }
0x46: {  	s31 =	sadd.s32 $0x0, s10;
	[bflag:$0x0] =	sbarrier.arrive $0xFFFF  }
0x47: {  	[tilespmem:s3], [sflag:$0x1] =	stream.linear.gather [hbm4b:s31+s3], $0xC8, $0x38;
	[tilespmem:$0x1A500] =	vst v63  }
0x48: {  	_ =	swait.ge [sflag:s13], $0xC8  }
0x49: {  	[sflag:s13] =	ssyncset.done $0x0  }
0x4a: {  	[sflag:s13] =	ssyncadd.s32 $0xFFFFFF38  }
0x4b: {  	[tilespmem:s16], [sflag:$0x1] =	stream.strided.gather [hbm4b:s11+s14], $0x6400, s15, s14, $0x38;
	[tilespmem:$0x1A500] =	vst v63  }
0x4c: {  	_ =	swait.ge [sflag:s13], $0x6400  }
0x4d: {  	[sflag:s13] =	ssyncset.done $0x0  }
0x4e: {  	[sflag:s13] =	ssyncadd.s32 $0xFFFF9C00  }
0x4f: {  	[spmem:s2] =	stream.indirect.scatter.add.f32 [tilespmem:s16], [sflag:$0x1], $0x80, s3, s17, $0xb8;
	[tilespmem:$0x1A500] =	vst v63  }
0x50: {  	s21 =	simm.s32 $0x32;
	_ =	swait.ge [sflag:s13], $0x6400  }
0x51: {  	s20 =	simm.s32 $0x19;
	s19 =	sadd.s32 $0x3200, s11;
	[sflag:s13] =	ssyncset.done $0x0  }
.LBB2_4:
0x52: {  	s22 =	sadd.s32 s20, s10  }
0x53: {  	[sflag:s13] =	ssyncadd.s32 $0xFFFF9C00;
	s20 =	smov.u32 s21;
	s23 =	sadd.s32 $0x19, s21  }
0x54: {  	[tilespmem:s3], [sflag:$0x1] =	stream.linear.gather [hbm4b:s22+s3], $0xC8, $0x38;
	[tilespmem:$0x1A500] =	vst v63  }
0x55: {  	p0 =	sne.s32 s21, $0x258;
	_ =	swait.ge [sflag:s13], $0xC8  }
0x56: {  	[sflag:s13] =	ssyncset.done $0x0  }
0x57: {  	[sflag:s13] =	ssyncadd.s32 $0xFFFFFF38  }
0x58: {  	[tilespmem:s16], [sflag:$0x1] =	stream.strided.gather [hbm4b:s19+s14], $0x6400, s15, s14, $0x38;
	[tilespmem:$0x1A500] =	vst v63  }
0x59: {  	_ =	swait.ge [sflag:s13], $0x6400  }
.Ltmp1:
0x5a: {  	[sflag:s13] =	ssyncset.done $0x0;
	(pc) =	sbr.rel @p0 .LBB2_4-.Ltmp1, $4  }
0x5b: {  	[sflag:s13] =	ssyncadd.s32 $0xFFFF9C00  }
0x5c: {  	[spmem:s2] =	stream.indirect.scatter.add.f32 [tilespmem:s16], [sflag:$0x1], $0x80, s3, s17, $0xb8;
	[tilespmem:$0x1A500] =	vst v63  }
0x5d: {  	_ =	swait.ge [sflag:s13], $0x6400  }
0x5e: {  	s21 =	smov.u32 s23;
	s19 =	sadd.s32 $0x3200, s19;
	[sflag:s13] =	ssyncset.done $0x0  }
0x5f: {  	s20 =	sadd.s32 s20, s10;
	[sflag:s13] =	ssyncadd.s32 $0xFFFF9C00  }
0x60: {  	[tilespmem:s3], [sflag:$0x1] =	stream.linear.gather [hbm4b:s20+s3], $0xC8, $0x38;
	[tilespmem:$0x1A500] =	vst v63  }
0x61: {  	_ =	swait.ge [sflag:s13], $0xC8  }
0x62: {  	[sflag:s13] =	ssyncset.done $0x0  }
0x63: {  	[sflag:s13] =	ssyncadd.s32 $0xFFFFFF38  }
0x64: {  	[tilespmem:s16], [sflag:$0x1] =	stream.strided.gather [hbm4b:s19+s14], $0x6400, s15, s14, $0x38;
	[tilespmem:$0x1A500] =	vst v63  }
0x65: {  	_ =	swait.ge [sflag:s13], $0x6400  }
0x66: {  	[sflag:s13] =	ssyncset.done $0x0  }
0x67: {  	[sflag:s13] =	ssyncadd.s32 $0xFFFF9C00  }
0x68: {  	[spmem:s2] =	stream.indirect.scatter.add.f32 [tilespmem:s16], [sflag:$0x1], $0x80, s3, s17, $0xb8;
	[tilespmem:$0x1A500] =	vst v63  }
0x69: {  	_ =	swait.ge [sflag:s13], $0x6400  }
0x6a: {  	[sflag:s13] =	ssyncset.done $0x0  }
0x6b: {  	s18 =	sadd.s32 $0x1, s18;
	[sflag:s13] =	ssyncadd.s32 $0xFFFF9C00  }
0x6c: {  	p0 =	sne.s32 s18, s8;
	[bflag:$0x0] =	sbarrier.arrive $0xFFFF  }
0x6d: {  	[hbm:s7], [sflag:s5] =	dma.local [spmem:s12], $0x2800  }
.Ltmp2:
0x6e: {  	_ =	swait.ge [sflag:s13], $0x2800;
	(pc) =	sbr.rel @p0 .LBB2_1-.Ltmp2, $3  }
0x6f: {  	[sflag:s13] =	ssyncset.done $0x0  }
0x70: {  	[sflag:s13] =	ssyncadd.s32 $0xFFFFD800  }
0x71: {  	[bflag:$0x0] =	sbarrier.arrive $0xFFFF;
	_ =	sdelay $0x1  }
0x72: {  	_ =	sfence.sel $0x180000  }
0x73: {  	[bflag:$0x0] =	sbarrier.arrive $0xFFFF  }
0x74: {  	p0 =	sne.s32 s1, $0x0;
	_ =	strace $0x90000053  }
0x75: {  	s0 =	sadd.s32 @!p0 $0x100000, s0;
	[bflag:$0x2] =	sbarrier.arrive $0xFFFF  }
0x76: {  	[sflag:s0] =	ssyncadd.tile.s32 @!p0 $0x1;
	_ =	shalt  }
.Lfunc_end2:
_tile_overlayer_lowered:
.L_overlay_start_2:
0x77: {  	(tag) =	ssettag $0x2  }
0x78: {  	s0 =	rddreg [dreg:$0x0];
	s2 =	stileid.u32  }
0x79: {  	s1 =	rddreg [dreg:$0x1];
	p0 =	sne.s32 s2, $0x0  }
0x7a: {  	s3 =	rddreg [dreg:$0x2];
	[bflag:$0x3] =	sbarrier.arrive $0xFFFF;
	s2 =	simm.s32 @!p0 $0x1C01  }
0x7b: {  	[timem:s3], [sflag:s2] =	dma.local @!p0 [hbm:s0], s1  }
0x7c: {  	s0 =	simm.s32 @!p0 $0x1  }
0x7d: {  	_ =	swait.ge @!p0 [sflag:s0], s1  }
0x7e: {  	s1 =	ssub.s32 @!p0 $0x0, s1;
	[sflag:s0] =	ssyncset.done @!p0 $0x0  }
0x7f: {  	[sflag:s0] =	ssyncadd.s32 @!p0 s1  }
0x80: {  	[bflag:$0x3] =	sbarrier.arrive $0xFFFF  }
0x81: {  	_ =	shalt  }

</sc_bundles>
